<compile_context>
chip_gen: v7x
topology: tpu7x:2x2x1
jax: 0.10.2.dev20260603
libtpu: 0.0.44.dev20260713+nightly
codegen_flags: <defaults>
</compile_context>

<pallas_src>
import functools

import jax
import jax.numpy as jnp
from jax import lax
from jax.experimental import pallas as pl
from jax.experimental.pallas import tpu as pltpu
from jax.experimental.pallas import tpu_sc as plsc

N = 10000
E = 320000
DIN = 128
DE = 16
DOUT = 128

ROW_BLK = 1000

NC = 2
NS = 16
NPAD = 10240
NSL = NPAD // NS
CH = 80
DH = DOUT // 2
EPT = E // NS
RPT = EPT // CH
SB = 50
NSUP = RPT // SB
EFR = CH * DE // 128


def _z16():
    return jnp.zeros((16,), jnp.float32)



def _prep_body(nf_ref, w1_ref, a12_ref, ab_ref, m1h_ref, s1_ref, s2_ref):
    nf = nf_ref[...]
    m1 = lax.dot_general(nf, w1_ref[...], (((1,), (1,)), ((), ())),
                         preferred_element_type=jnp.float32)
    m1h_ref[0] = m1[:, :DOUT // 2]
    m1h_ref[1] = m1[:, DOUT // 2:]
    s12 = jnp.dot(nf, a12_ref[...],
                  preferred_element_type=jnp.float32) + ab_ref[...]
    s1_ref[...] = s12[:, 0:1]
    s2_ref[...] = s12[:, 1:2]


def _tc_prep(nf, w1, a12, ab):
    return pl.pallas_call(
        _prep_body,
        grid=(N // ROW_BLK,),
        in_specs=[
            pl.BlockSpec((ROW_BLK, DIN), lambda i: (i, 0)),
            pl.BlockSpec((DOUT, DIN), lambda i: (0, 0)),
            pl.BlockSpec((DIN, 2), lambda i: (0, 0)),
            pl.BlockSpec((1, 2), lambda i: (0, 0)),
        ],
        out_specs=[
            pl.BlockSpec((NC, ROW_BLK, DOUT // 2), lambda i: (0, i, 0)),
            pl.BlockSpec((ROW_BLK, 1), lambda i: (i, 0)),
            pl.BlockSpec((ROW_BLK, 1), lambda i: (i, 0)),
        ],
        out_shape=[
            jax.ShapeDtypeStruct((NC, N, DOUT // 2), jnp.float32),
            jax.ShapeDtypeStruct((NPAD, 1), jnp.float32),
            jax.ShapeDtypeStruct((NPAD, 1), jnp.float32),
        ],
    )(nf, w1, a12, ab)


def _apply_body(nf_ref, z1p_ref, qp_ref, den_ref, w2_ref, wa1_ref, wa2_ref,
                wb_ref, out_ref):
    zt = jnp.concatenate([z1p_ref[0], z1p_ref[1]], axis=-1)
    zt = zt + lax.dot_general(qp_ref[0], w2_ref[...], (((1,), (1,)), ((), ())),
                              preferred_element_type=jnp.float32)
    den = den_ref[...]
    z = zt / jnp.where(den > 0.0, den, 1.0)
    acc = lax.dot_general(nf_ref[...], wa1_ref[...], (((1,), (1,)), ((), ())),
                          preferred_element_type=jnp.float32)
    acc = acc + lax.dot_general(z, wa2_ref[...], (((1,), (1,)), ((), ())),
                                preferred_element_type=jnp.float32)
    out_ref[...] = jnp.maximum(acc + wb_ref[...], 0.0)


def _tc_apply(nf, z1p, qp, den_col, w2, wa1, wa2, wb):
    return pl.pallas_call(
        _apply_body,
        grid=(N // ROW_BLK,),
        in_specs=[
            pl.BlockSpec((ROW_BLK, DIN), lambda i: (i, 0)),
            pl.BlockSpec((NC, ROW_BLK, DH), lambda i: (0, i, 0)),
            pl.BlockSpec((NC, ROW_BLK, DE), lambda i: (0, i, 0)),
            pl.BlockSpec((ROW_BLK, 1), lambda i: (i, 0)),
            pl.BlockSpec((DOUT, DE), lambda i: (0, 0)),
            pl.BlockSpec((DOUT, DIN), lambda i: (0, 0)),
            pl.BlockSpec((DOUT, DOUT), lambda i: (0, 0)),
            pl.BlockSpec((1, DOUT), lambda i: (0, 0)),
        ],
        out_specs=pl.BlockSpec((ROW_BLK, DOUT), lambda i: (i, 0)),
        out_shape=jax.ShapeDtypeStruct((N, DOUT), jnp.float32),
    )(nf, z1p, qp, den_col, w2, wa1, wa2, wb)



def _sc_pass(srcB, dstB, s1p, s2p, m1h, ef):
    mesh = plsc.VectorSubcoreMesh(core_axis_name="c", subcore_axis_name="s")

    @functools.partial(
        pl.kernel,
        out_type=[
            jax.ShapeDtypeStruct((NC, NPAD, DH), jnp.float32),
            jax.ShapeDtypeStruct((NC, NPAD, DE), jnp.float32),
            jax.ShapeDtypeStruct((NC, 1, NPAD), jnp.float32),
        ],
        mesh=mesh,
        compiler_params=pltpu.CompilerParams(
            needs_layout_passes=False, use_tc_tiling_on_sc=False),
        scratch_types=[
            pltpu.VMEM((SB, CH), jnp.int32),
            pltpu.VMEM((SB, CH), jnp.int32),
            pltpu.VMEM((NPAD,), jnp.float32),
            pltpu.VMEM((NPAD,), jnp.float32),
            pltpu.VMEM((CH, DH), jnp.float32),
            pltpu.VMEM((CH, DH), jnp.float32),
            pltpu.VMEM((CH, DH), jnp.float32),
            pltpu.VMEM((CH, DH), jnp.float32),
            pltpu.VMEM((EFR, 128), jnp.float32),
            pltpu.VMEM((EFR, 128), jnp.float32),
            pltpu.VMEM((CH, DE), jnp.float32),
            pltpu.VMEM((CH, DE), jnp.float32),
            pltpu.VMEM((CH,), jnp.float32),
            pltpu.VMEM((CH,), jnp.float32),
            pltpu.VMEM((NSL // 8, DH), jnp.float32),
            pltpu.VMEM((NSL // 2, DE), jnp.float32),
            pltpu.VMEM((NSL,), jnp.float32),
            pltpu.VMEM_SHARED((NPAD, DH), jnp.float32),
            pltpu.VMEM_SHARED((NPAD, DE), jnp.float32),
            pltpu.VMEM_SHARED((NPAD,), jnp.float32),
            pltpu.SemaphoreType.DMA,
            pltpu.SemaphoreType.DMA,
            pltpu.SemaphoreType.DMA,
            pltpu.SemaphoreType.DMA,
        ],
    )
    def k(src_hbm, dst_hbm, s1_hbm, s2_hbm, m1h_hbm, ef_hbm,
          z1p_hbm, qp_hbm, dp_hbm,
          src_v, dst_v, s1_v, s2_v,
          rows0_v, rows1_v, srow0_v, srow1_v,
          ef0_v, ef1_v, sef0_v, sef1_v, ex0_v, ex1_v,
          cp_v, qz_v, dz_v, z1_sh, q_sh, den_sh,
          isem0, isem1, osem0, osem1):
        c = lax.axis_index("c")
        s = lax.axis_index("s")
        pltpu.sync_copy(s1_hbm, s1_v)
        pltpu.sync_copy(s2_hbm, s2_v)

        def zrow_body(r, carry):
            for j in range(DH // 16):
                cp_v[r, pl.ds(j * 16, 16)] = _z16()
            return carry
        lax.fori_loop(0, NSL // 8, zrow_body, 0)

        def zq_body(r, carry):
            qz_v[r, :] = _z16()
            return carry
        lax.fori_loop(0, NSL // 2, zq_body, 0)

        def zd_body(i, carry):
            dz_v[pl.ds(i * 16, 16)] = _z16()
            return carry
        lax.fori_loop(0, NSL // 16, zd_body, 0)

        for t in range(8):
            pltpu.sync_copy(
                cp_v, z1_sh.at[pl.ds(s * NSL + t * (NSL // 8), NSL // 8)])
        for t in range(2):
            pltpu.sync_copy(
                qz_v, q_sh.at[pl.ds(s * NSL + t * (NSL // 2), NSL // 2)])
        pltpu.sync_copy(dz_v, den_sh.at[pl.ds(s * NSL, NSL)])
        plsc.subcore_barrier()

        bufs = ((rows0_v, srow0_v, ef0_v, sef0_v, ex0_v, isem0, osem0),
                (rows1_v, srow1_v, ef1_v, sef1_v, ex1_v, isem1, osem1))

        def sup_body(m, carry0):
            pltpu.sync_copy(src_hbm.at[s, pl.ds(m * SB, SB)], src_v)
            pltpu.sync_copy(dst_hbm.at[s, pl.ds(m * SB, SB)], dst_v)

            def issue_in(kk, b):
                rows, _, efb, _, _, isem, _ = bufs[b]
                pltpu.async_copy(m1h_hbm.at[c].at[src_v.at[kk]], rows, isem)

                @pl.when(c == 0)
                def _():
                    pltpu.async_copy(
                        ef_hbm.at[pl.ds((s * EPT + (m * SB + kk) * CH)
                                        * DE // 128, EFR)],
                        efb, isem)

            def wait_in(kk, b):
                rows, _, efb, _, _, isem, _ = bufs[b]
                pltpu.make_async_copy(
                    m1h_hbm.at[c].at[src_v.at[kk]], rows, isem).wait()

                @pl.when(c == 0)
                def _():
                    pltpu.make_async_copy(
                        ef_hbm.at[pl.ds((s * EPT + (m * SB + kk) * CH)
                                        * DE // 128, EFR)],
                        efb, isem).wait()

            def issue_out(kk, b):
                _, srow, _, sefb, exb, _, osem = bufs[b]
                pltpu.async_copy(srow, z1_sh.at[dst_v.at[kk]], osem, add=True)

                @pl.when(c == 0)
                def _():
                    pltpu.async_copy(sefb, q_sh.at[dst_v.at[kk]], osem,
                                     add=True)

                @pl.when(c == 1)
                def _():
                    pltpu.async_copy(exb, den_sh.at[dst_v.at[kk]], osem,
                                     add=True)

            def drain_out(kk, b):
                _, srow, _, sefb, exb, _, osem = bufs[b]
                pltpu.make_async_copy(
                    srow, z1_sh.at[dst_v.at[kk]], osem).wait()

                @pl.when(c == 0)
                def _():
                    pltpu.make_async_copy(
                        sefb, q_sh.at[dst_v.at[kk]], osem).wait()

                @pl.when(c == 1)
                def _():
                    pltpu.make_async_copy(
                        exb, den_sh.at[dst_v.at[kk]], osem).wait()

            issue_in(0, 0)
            issue_in(1, 1)

            def pair_body(t, carry):
                for b in range(2):
                    kk = t * 2 + b
                    rows, srow, efb, sefb, exb, isem, osem = bufs[b]

                    @pl.when(t >= 1)
                    def _():
                        drain_out(kk - 2, b)

                    wait_in(kk, b)

                    for j in range(CH // 16):
                        i_s = src_v[kk, pl.ds(j * 16, 16)]
                        i_d = dst_v[kk, pl.ds(j * 16, 16)]
                        v = (plsc.load_gather(s1_v, [i_s])
                             + plsc.load_gather(s2_v, [i_d]))
                        v = jnp.where(v >= 0.0, v, v * 0.01)
                        exb[pl.ds(j * 16, 16)] = jnp.exp(v)

                    def scale_body(g, carry2):
                        av = exb[pl.ds(g * 16, 16)]
                        for l in range(16):
                            a = av[l]
                            i = g * 16 + l
                            for j in range(DH // 16):
                                sl = pl.ds(j * 16, 16)
                                srow[i, sl] = rows[i, sl] * a
                        return carry2
                    lax.fori_loop(0, CH // 16, scale_body, 0)

                    @pl.when(c == 0)
                    def _():
                        def efscale_body(g, carry2):
                            av = exb[pl.ds(g * 16, 16)]
                            for l in range(16):
                                i = g * 16 + l
                                sefb[i, :] = (
                                    efb[2 * g + l // 8,
                                        pl.ds((l % 8) * 16, 16)] * av[l])
                            return carry2
                        lax.fori_loop(0, CH // 16, efscale_body, 0)

                    @pl.when(t < SB // 2 - 1)
                    def _():
                        issue_in(kk + 2, b)

                    issue_out(kk, b)
                return carry
            lax.fori_loop(0, SB // 2, pair_body, 0)

            drain_out(SB - 2, 0)
            drain_out(SB - 1, 1)
            return carry0
        lax.fori_loop(0, NSUP, sup_body, 0)
        plsc.subcore_barrier()

        for t in range(8):
            sl = pl.ds(s * NSL + t * (NSL // 8), NSL // 8)
            pltpu.sync_copy(z1_sh.at[sl], cp_v)
            pltpu.sync_copy(cp_v, z1p_hbm.at[c, sl])
        for t in range(2):
            sl = pl.ds(s * NSL + t * (NSL // 2), NSL // 2)
            pltpu.sync_copy(q_sh.at[sl], qz_v)
            pltpu.sync_copy(qz_v, qp_hbm.at[c, sl])
        pltpu.sync_copy(den_sh.at[pl.ds(s * NSL, NSL)], dz_v)
        pltpu.sync_copy(dz_v, dp_hbm.at[c, 0, pl.ds(s * NSL, NSL)])

    return k(srcB, dstB, s1p, s2p, m1h, ef)



@jax.jit
def kernel(nfeats, efeats, edge_index, lin_w, attn_w, attn_b, Wapply_w, Wapply_b):
    nf = nfeats.reshape(N, DIN)
    ef = efeats.reshape(E * DE // 128, 128)
    srcB = edge_index[0].reshape(NS, RPT, CH)
    dstB = edge_index[1].reshape(NS, RPT, CH)

    w1 = lin_w[:, :DIN]
    w2 = lin_w[:, DIN:]
    a12 = attn_w.reshape(2, DIN).T
    ab = jnp.stack([attn_b[0], jnp.float32(0.0)]).reshape(1, 2)
    wa1 = Wapply_w[:, :DIN]
    wa2 = Wapply_w[:, DIN:]

    m1h, s1o, s2o = _tc_prep(nf, w1, a12, ab)
    s1p = s1o.reshape(NPAD)
    s2p = s2o.reshape(NPAD)

    z1p, qp, dp = _sc_pass(srcB, dstB, s1p, s2p, m1h, ef)
    den_col = dp[1, 0, :N].reshape(N, 1)

    out = _tc_apply(nf, z1p, qp, den_col, w2, wa1, wa2,
                    Wapply_b.reshape(1, DOUT))
    return out.reshape(N, 1, DOUT)

# --- scband reference (transcript-rebuilt; emitter-appended) ---
"""Pipeline reference for scband-gatlayer-5403068859082 (READ-ONLY COPY).

The authoritative reference and input builder live on the scoring server;
editing this copy changes nothing except your own understanding.
"""

import jax, jax.numpy as jnp
import numpy as np

N = 10000
E = 320000
DIN = 128
DE = 16
DOUT = 128


def setup_inputs(seed: int = 0) -> dict:
    key = jax.random.key(seed)
    ks = jax.random.split(key, 8)
    nfeats = jax.random.normal(ks[0], (N, 1, DIN), dtype=jnp.float32)
    efeats = jax.random.normal(ks[1], (E, 1, DE), dtype=jnp.float32)
    edge_index = jax.random.randint(ks[2], (2, E), 0, N, dtype=jnp.int32)
    # Parameters (xavier-style scale)
    lin_w = jax.random.normal(ks[3], (DOUT, DIN + DE), dtype=jnp.float32) * (2.0 / np.sqrt(DIN + DE + DOUT))
    attn_w = jax.random.normal(ks[4], (1, 2 * DIN), dtype=jnp.float32) * (2.0 / np.sqrt(2 * DIN + 1))
    attn_b = jnp.zeros((1,), dtype=jnp.float32)
    Wapply_w = jax.random.normal(ks[5], (DOUT, DIN + DOUT), dtype=jnp.float32) * (1.0 / np.sqrt(DIN + DOUT))
    Wapply_b = jnp.zeros((DOUT,), dtype=jnp.float32)
    return {
        "nfeats": nfeats,
        "efeats": efeats,
        "edge_index": edge_index,
        "lin_w": lin_w,
        "attn_w": attn_w,
        "attn_b": attn_b,
        "Wapply_w": Wapply_w,
        "Wapply_b": Wapply_b,
    }


def reference(nfeats, efeats, edge_index, lin_w, attn_w, attn_b, Wapply_w, Wapply_b):
    src = edge_index[0]
    dst = edge_index[1]
    h_src = jnp.take(nfeats, src, axis=0)   # [E, 1, DIN]
    h_dst = jnp.take(nfeats, dst, axis=0)   # [E, 1, DIN]
    # edge_attention: e = leaky_relu(attn_fc(cat([src.h, dst.h], dim=2)))
    z2 = jnp.concatenate([h_src, h_dst], axis=-1)          # [E, 1, 2*DIN]
    e = z2 @ attn_w.T + attn_b                              # [E, 1, 1]
    e = jax.nn.leaky_relu(e, negative_slope=0.01)
    # message: m = linear(cat([src.h, edge.h], dim=2)) (no bias)
    m = jnp.concatenate([h_src, efeats], axis=-1) @ lin_w.T  # [E, 1, DOUT]
    # reduce: per-dst softmax over incoming edge scores, weighted sum of messages
    e_flat = e.reshape(-1)
    mx = jax.ops.segment_max(e_flat, dst, num_segments=N)
    mx = jnp.where(jnp.isfinite(mx), mx, 0.0)
    ex = jnp.exp(e_flat - jnp.take(mx, dst))
    denom = jax.ops.segment_sum(ex, dst, num_segments=N)
    denom_safe = jnp.where(denom > 0, denom, 1.0)
    alpha = ex / jnp.take(denom_safe, dst)
    z = jax.ops.segment_sum(alpha[:, None, None] * m, dst, num_segments=N)  # [N, 1, DOUT]
    # apply: h' = relu(W_apply(cat([h, z], dim=2)))
    out = jnp.concatenate([nfeats, z], axis=-1) @ Wapply_w.T + Wapply_b
    return jax.nn.relu(out)

if __name__ == "__main__":
    import jax
    _d = setup_inputs()
    print(jax.jit(kernel)(*tuple(_d.values())))

</pallas_src>

<mosaic_0001>
#map = affine_map<(d0, d1) -> (0, 0, 0)>
#map1 = affine_map<(d0, d1) -> (0)>
#map2 = affine_map<(d0, d1) -> (0, 0)>
module attributes {stable_mosaic.version = 14 : i64} {
  func.func @k(%arg0: i32, %arg1: i32, %arg2: memref<16x250x80xi32, #tpu.memory_space<hbm>>, %arg3: memref<16x250x80xi32, #tpu.memory_space<hbm>>, %arg4: memref<10240xf32, #tpu.memory_space<hbm>>, %arg5: memref<10240xf32, #tpu.memory_space<hbm>>, %arg6: memref<2x10000x64xf32, #tpu.memory_space<hbm>>, %arg7: memref<40000x128xf32, #tpu.memory_space<hbm>>, %arg8: memref<2x10240x64xf32, #tpu.memory_space<hbm>>, %arg9: memref<2x10240x16xf32, #tpu.memory_space<hbm>>, %arg10: memref<2x1x10240xf32, #tpu.memory_space<hbm>>, %arg11: memref<50x80xi32, #tpu.memory_space<vmem>>, %arg12: memref<50x80xi32, #tpu.memory_space<vmem>>, %arg13: memref<10240xf32, #tpu.memory_space<vmem>>, %arg14: memref<10240xf32, #tpu.memory_space<vmem>>, %arg15: memref<80x64xf32, #tpu.memory_space<vmem>>, %arg16: memref<80x64xf32, #tpu.memory_space<vmem>>, %arg17: memref<80x64xf32, #tpu.memory_space<vmem>>, %arg18: memref<80x64xf32, #tpu.memory_space<vmem>>, %arg19: memref<10x128xf32, #tpu.memory_space<vmem>>, %arg20: memref<10x128xf32, #tpu.memory_space<vmem>>, %arg21: memref<80x16xf32, #tpu.memory_space<vmem>>, %arg22: memref<80x16xf32, #tpu.memory_space<vmem>>, %arg23: memref<80xf32, #tpu.memory_space<vmem>>, %arg24: memref<80xf32, #tpu.memory_space<vmem>>, %arg25: memref<80x64xf32, #tpu.memory_space<vmem>>, %arg26: memref<320x16xf32, #tpu.memory_space<vmem>>, %arg27: memref<640xf32, #tpu.memory_space<vmem>>, %arg28: memref<10240x64xf32, #tpu.memory_space<vmem_shared>>, %arg29: memref<10240x16xf32, #tpu.memory_space<vmem_shared>>, %arg30: memref<10240xf32, #tpu.memory_space<vmem_shared>>, %arg31: memref<!tpu.dma_semaphore, #tpu.memory_space<semaphore_mem>>, %arg32: memref<!tpu.dma_semaphore, #tpu.memory_space<semaphore_mem>>, %arg33: memref<!tpu.dma_semaphore, #tpu.memory_space<semaphore_mem>>, %arg34: memref<!tpu.dma_semaphore, #tpu.memory_space<semaphore_mem>>) attributes {dimension_semantics = [#tpu.dimension_semantics<core_parallel>, #tpu.dimension_semantics<subcore_parallel>], iteration_bounds = array<i64: 2, 16>, scalar_prefetch = 0 : i64, scratch_operands = 24 : i64, tpu.core_type = #tpu.core_type<sc_vector_subcore>, window_params = [{transform_indices = #map}, {transform_indices = #map}, {transform_indices = #map1}, {transform_indices = #map1}, {transform_indices = #map}, {transform_indices = #map2}, {transform_indices = #map}, {transform_indices = #map}, {transform_indices = #map}]} {
    "tpu.region"() ({
      %run_scoped3A_108 = tpu.sem_alloc : memref<!tpu.dma_semaphore, #tpu.memory_space<semaphore_mem>>
      tpu.enqueue_dma source(%arg4 : memref<10240xf32, #tpu.memory_space<hbm>>) target(%arg13 : memref<10240xf32, #tpu.memory_space<vmem>>) target_semaphore(%run_scoped3A_108 : memref<!tpu.dma_semaphore, #tpu.memory_space<semaphore_mem>>)
      tpu.wait_dma2 semaphore(%run_scoped3A_108 : memref<!tpu.dma_semaphore, #tpu.memory_space<semaphore_mem>>) src(%arg4 : memref<10240xf32, #tpu.memory_space<hbm>>) dst(%arg13 : memref<10240xf32, #tpu.memory_space<vmem>>)
      tpu.yield
    }) : () -> ()
    "tpu.region"() ({
      %run_scoped3A_108 = tpu.sem_alloc : memref<!tpu.dma_semaphore, #tpu.memory_space<semaphore_mem>>
      tpu.enqueue_dma source(%arg5 : memref<10240xf32, #tpu.memory_space<hbm>>) target(%arg14 : memref<10240xf32, #tpu.memory_space<vmem>>) target_semaphore(%run_scoped3A_108 : memref<!tpu.dma_semaphore, #tpu.memory_space<semaphore_mem>>)
      tpu.wait_dma2 semaphore(%run_scoped3A_108 : memref<!tpu.dma_semaphore, #tpu.memory_space<semaphore_mem>>) src(%arg5 : memref<10240xf32, #tpu.memory_space<hbm>>) dst(%arg14 : memref<10240xf32, #tpu.memory_space<vmem>>)
      tpu.yield
    }) : () -> ()
    %scan3A = arith.constant 0 : i32
    %scan3A_0 = arith.constant 0 : i32
    %scan3A_1 = arith.constant 80 : i32
    %scan3A_2 = arith.addi %scan3A_0, %scan3A_1 : i32
    %scan3A_3 = arith.constant 1 : i32
    scf.for %scan3A_108 = %scan3A_0 to %scan3A_2 step %scan3A_3  : i32 {
      %broadcast_in_dim3A = arith.constant 0.000000e+00 : f32
      %broadcast_in_dim3A_109 = vector.broadcast %broadcast_in_dim3A : f32 to vector<16xf32>
      %swap3A = arith.index_cast %scan3A_108 : i32 to index
      %swap3A_110 = arith.constant 0 : index
      %swap3A_111 = tpu.vector_load %arg25[%swap3A, %swap3A_110] {strides = array<i32>} : memref<80x64xf32, #tpu.memory_space<vmem>>, vector<16xf32>,
      tpu.vector_store %arg25[%swap3A, %swap3A_110], %broadcast_in_dim3A_109 {strides = array<i32>} : memref<80x64xf32, #tpu.memory_space<vmem>>, vector<16xf32>,
      %broadcast_in_dim3A_112 = arith.constant 0.000000e+00 : f32
      %broadcast_in_dim3A_113 = vector.broadcast %broadcast_in_dim3A_112 : f32 to vector<16xf32>
      %swap3A_114 = arith.index_cast %scan3A_108 : i32 to index
      %swap3A_115 = arith.constant 16 : index
      %swap3A_116 = tpu.vector_load %arg25[%swap3A_114, %swap3A_115] {strides = array<i32>} : memref<80x64xf32, #tpu.memory_space<vmem>>, vector<16xf32>,
      tpu.vector_store %arg25[%swap3A_114, %swap3A_115], %broadcast_in_dim3A_113 {strides = array<i32>} : memref<80x64xf32, #tpu.memory_space<vmem>>, vector<16xf32>,
      %broadcast_in_dim3A_117 = arith.constant 0.000000e+00 : f32
      %broadcast_in_dim3A_118 = vector.broadcast %broadcast_in_dim3A_117 : f32 to vector<16xf32>
      %swap3A_119 = arith.index_cast %scan3A_108 : i32 to index
      %swap3A_120 = arith.constant 32 : index
      %swap3A_121 = tpu.vector_load %arg25[%swap3A_119, %swap3A_120] {strides = array<i32>} : memref<80x64xf32, #tpu.memory_space<vmem>>, vector<16xf32>,
      tpu.vector_store %arg25[%swap3A_119, %swap3A_120], %broadcast_in_dim3A_118 {strides = array<i32>} : memref<80x64xf32, #tpu.memory_space<vmem>>, vector<16xf32>,
      %broadcast_in_dim3A_122 = arith.constant 0.000000e+00 : f32
      %broadcast_in_dim3A_123 = vector.broadcast %broadcast_in_dim3A_122 : f32 to vector<16xf32>
      %swap3A_124 = arith.index_cast %scan3A_108 : i32 to index
      %swap3A_125 = arith.constant 48 : index
      %swap3A_126 = tpu.vector_load %arg25[%swap3A_124, %swap3A_125] {strides = array<i32>} : memref<80x64xf32, #tpu.memory_space<vmem>>, vector<16xf32>,
      tpu.vector_store %arg25[%swap3A_124, %swap3A_125], %broadcast_in_dim3A_123 {strides = array<i32>} : memref<80x64xf32, #tpu.memory_space<vmem>>, vector<16xf32>,
    }
    %scan3A_4 = arith.constant 80 : i32
    %scan3A_5 = arith.constant 0 : i32
    %scan3A_6 = arith.constant 0 : i32
    %scan3A_7 = arith.constant 320 : i32
    %scan3A_8 = arith.addi %scan3A_6, %scan3A_7 : i32
    %scan3A_9 = arith.constant 1 : i32
    scf.for %scan3A_108 = %scan3A_6 to %scan3A_8 step %scan3A_9  : i32 {
      %broadcast_in_dim3A = arith.constant 0.000000e+00 : f32
      %broadcast_in_dim3A_109 = vector.broadcast %broadcast_in_dim3A : f32 to vector<16xf32>
      %swap3A = arith.index_cast %scan3A_108 : i32 to index
      %swap3A_110 = arith.constant 0 : index
      %swap3A_111 = tpu.vector_load %arg26[%swap3A, %swap3A_110] {strides = array<i32>} : memref<320x16xf32, #tpu.memory_space<vmem>>, vector<16xf32>,
      tpu.vector_store %arg26[%swap3A, %swap3A_110], %broadcast_in_dim3A_109 {strides = array<i32>} : memref<320x16xf32, #tpu.memory_space<vmem>>, vector<16xf32>,
    }
    %scan3A_10 = arith.constant 320 : i32
    %scan3A_11 = arith.constant 0 : i32
    %scan3A_12 = arith.constant 0 : i32
    %scan3A_13 = arith.constant 40 : i32
    %scan3A_14 = arith.addi %scan3A_12, %scan3A_13 : i32
    %scan3A_15 = arith.constant 1 : i32
    scf.for %scan3A_108 = %scan3A_12 to %scan3A_14 step %scan3A_15  : i32 {
      %broadcast_in_dim3A = arith.constant 0.000000e+00 : f32
      %broadcast_in_dim3A_109 = vector.broadcast %broadcast_in_dim3A : f32 to vector<16xf32>
      %mul3A_110 = arith.constant 16 : i32
      %mul3A_111 = arith.muli %scan3A_108, %mul3A_110 : i32
      %swap3A = arith.index_cast %mul3A_111 : i32 to index
      %swap3A_112 = tpu.vector_load %arg27[%swap3A] {strides = array<i32>} : memref<640xf32, #tpu.memory_space<vmem>>, vector<16xf32>,
      tpu.vector_store %arg27[%swap3A], %broadcast_in_dim3A_109 {strides = array<i32>} : memref<640xf32, #tpu.memory_space<vmem>>, vector<16xf32>,
    }
    %scan3A_16 = arith.constant 40 : i32
    %mul3A = arith.constant 640 : i32
    %mul3A_17 = arith.muli %arg1, %mul3A : i32
    %add3A = arith.constant 0 : i32
    %add3A_18 = arith.addi %mul3A_17, %add3A : i32
    "tpu.region"() ({
      %run_scoped3A_108 = tpu.sem_alloc : memref<!tpu.dma_semaphore, #tpu.memory_space<semaphore_mem>>
      %dma_start3A = arith.constant 0 : i32
      %dma_start3A_109 = tpu.memref_slice %arg28[%add3A_18, %dma_start3A] : memref<10240x64xf32, #tpu.memory_space<vmem_shared>> -> memref<80x64xf32, #tpu.memory_space<vmem_shared>>
      %dma_start3A_110 = arith.constant 0 : i32
      %dma_start3A_111 = tpu.memref_slice %arg28[%add3A_18, %dma_start3A_110] : memref<10240x64xf32, #tpu.memory_space<vmem_shared>> -> memref<80x64xf32, #tpu.memory_space<vmem_shared>>
      tpu.enqueue_dma source(%arg25 : memref<80x64xf32, #tpu.memory_space<vmem>>) target(%dma_start3A_111 : memref<80x64xf32, #tpu.memory_space<vmem_shared>>) target_semaphore(%run_scoped3A_108 : memref<!tpu.dma_semaphore, #tpu.memory_space<semaphore_mem>>)
      %dma_wait3A = arith.constant 0 : i32
      %dma_wait3A_112 = tpu.memref_slice %arg28[%add3A_18, %dma_wait3A] : memref<10240x64xf32, #tpu.memory_space<vmem_shared>> -> memref<80x64xf32, #tpu.memory_space<vmem_shared>>
      %dma_wait3A_113 = arith.constant 0 : i32
      %dma_wait3A_114 = tpu.memref_slice %arg28[%add3A_18, %dma_wait3A_113] : memref<10240x64xf32, #tpu.memory_space<vmem_shared>> -> memref<80x64xf32, #tpu.memory_space<vmem_shared>>
      tpu.wait_dma2 semaphore(%run_scoped3A_108 : memref<!tpu.dma_semaphore, #tpu.memory_space<semaphore_mem>>) src(%arg25 : memref<80x64xf32, #tpu.memory_space<vmem>>) dst(%dma_wait3A_114 : memref<80x64xf32, #tpu.memory_space<vmem_shared>>)
      tpu.yield
    }) : () -> ()
    %mul3A_19 = arith.constant 640 : i32
    %mul3A_20 = arith.muli %arg1, %mul3A_19 : i32
    %add3A_21 = arith.constant 80 : i32
    %add3A_22 = arith.addi %mul3A_20, %add3A_21 : i32
    "tpu.region"() ({
      %run_scoped3A_108 = tpu.sem_alloc : memref<!tpu.dma_semaphore, #tpu.memory_space<semaphore_mem>>
      %dma_start3A = arith.constant 0 : i32
      %dma_start3A_109 = tpu.memref_slice %arg28[%add3A_22, %dma_start3A] : memref<10240x64xf32, #tpu.memory_space<vmem_shared>> -> memref<80x64xf32, #tpu.memory_space<vmem_shared>>
      %dma_start3A_110 = arith.constant 0 : i32
      %dma_start3A_111 = tpu.memref_slice %arg28[%add3A_22, %dma_start3A_110] : memref<10240x64xf32, #tpu.memory_space<vmem_shared>> -> memref<80x64xf32, #tpu.memory_space<vmem_shared>>
      tpu.enqueue_dma source(%arg25 : memref<80x64xf32, #tpu.memory_space<vmem>>) target(%dma_start3A_111 : memref<80x64xf32, #tpu.memory_space<vmem_shared>>) target_semaphore(%run_scoped3A_108 : memref<!tpu.dma_semaphore, #tpu.memory_space<semaphore_mem>>)
      %dma_wait3A = arith.constant 0 : i32
      %dma_wait3A_112 = tpu.memref_slice %arg28[%add3A_22, %dma_wait3A] : memref<10240x64xf32, #tpu.memory_space<vmem_shared>> -> memref<80x64xf32, #tpu.memory_space<vmem_shared>>
      %dma_wait3A_113 = arith.constant 0 : i32
      %dma_wait3A_114 = tpu.memref_slice %arg28[%add3A_22, %dma_wait3A_113] : memref<10240x64xf32, #tpu.memory_space<vmem_shared>> -> memref<80x64xf32, #tpu.memory_space<vmem_shared>>
      tpu.wait_dma2 semaphore(%run_scoped3A_108 : memref<!tpu.dma_semaphore, #tpu.memory_space<semaphore_mem>>) src(%arg25 : memref<80x64xf32, #tpu.memory_space<vmem>>) dst(%dma_wait3A_114 : memref<80x64xf32, #tpu.memory_space<vmem_shared>>)
      tpu.yield
    }) : () -> ()
    %mul3A_23 = arith.constant 640 : i32
    %mul3A_24 = arith.muli %arg1, %mul3A_23 : i32
    %add3A_25 = arith.constant 160 : i32
    %add3A_26 = arith.addi %mul3A_24, %add3A_25 : i32
    "tpu.region"() ({
      %run_scoped3A_108 = tpu.sem_alloc : memref<!tpu.dma_semaphore, #tpu.memory_space<semaphore_mem>>
      %dma_start3A = arith.constant 0 : i32
      %dma_start3A_109 = tpu.memref_slice %arg28[%add3A_26, %dma_start3A] : memref<10240x64xf32, #tpu.memory_space<vmem_shared>> -> memref<80x64xf32, #tpu.memory_space<vmem_shared>>
      %dma_start3A_110 = arith.constant 0 : i32
      %dma_start3A_111 = tpu.memref_slice %arg28[%add3A_26, %dma_start3A_110] : memref<10240x64xf32, #tpu.memory_space<vmem_shared>> -> memref<80x64xf32, #tpu.memory_space<vmem_shared>>
      tpu.enqueue_dma source(%arg25 : memref<80x64xf32, #tpu.memory_space<vmem>>) target(%dma_start3A_111 : memref<80x64xf32, #tpu.memory_space<vmem_shared>>) target_semaphore(%run_scoped3A_108 : memref<!tpu.dma_semaphore, #tpu.memory_space<semaphore_mem>>)
      %dma_wait3A = arith.constant 0 : i32
      %dma_wait3A_112 = tpu.memref_slice %arg28[%add3A_26, %dma_wait3A] : memref<10240x64xf32, #tpu.memory_space<vmem_shared>> -> memref<80x64xf32, #tpu.memory_space<vmem_shared>>
      %dma_wait3A_113 = arith.constant 0 : i32
      %dma_wait3A_114 = tpu.memref_slice %arg28[%add3A_26, %dma_wait3A_113] : memref<10240x64xf32, #tpu.memory_space<vmem_shared>> -> memref<80x64xf32, #tpu.memory_space<vmem_shared>>
      tpu.wait_dma2 semaphore(%run_scoped3A_108 : memref<!tpu.dma_semaphore, #tpu.memory_space<semaphore_mem>>) src(%arg25 : memref<80x64xf32, #tpu.memory_space<vmem>>) dst(%dma_wait3A_114 : memref<80x64xf32, #tpu.memory_space<vmem_shared>>)
      tpu.yield
    }) : () -> ()
    %mul3A_27 = arith.constant 640 : i32
    %mul3A_28 = arith.muli %arg1, %mul3A_27 : i32
    %add3A_29 = arith.constant 240 : i32
    %add3A_30 = arith.addi %mul3A_28, %add3A_29 : i32
    "tpu.region"() ({
      %run_scoped3A_108 = tpu.sem_alloc : memref<!tpu.dma_semaphore, #tpu.memory_space<semaphore_mem>>
      %dma_start3A = arith.constant 0 : i32
      %dma_start3A_109 = tpu.memref_slice %arg28[%add3A_30, %dma_start3A] : memref<10240x64xf32, #tpu.memory_space<vmem_shared>> -> memref<80x64xf32, #tpu.memory_space<vmem_shared>>
      %dma_start3A_110 = arith.constant 0 : i32
      %dma_start3A_111 = tpu.memref_slice %arg28[%add3A_30, %dma_start3A_110] : memref<10240x64xf32, #tpu.memory_space<vmem_shared>> -> memref<80x64xf32, #tpu.memory_space<vmem_shared>>
      tpu.enqueue_dma source(%arg25 : memref<80x64xf32, #tpu.memory_space<vmem>>) target(%dma_start3A_111 : memref<80x64xf32, #tpu.memory_space<vmem_shared>>) target_semaphore(%run_scoped3A_108 : memref<!tpu.dma_semaphore, #tpu.memory_space<semaphore_mem>>)
      %dma_wait3A = arith.constant 0 : i32
      %dma_wait3A_112 = tpu.memref_slice %arg28[%add3A_30, %dma_wait3A] : memref<10240x64xf32, #tpu.memory_space<vmem_shared>> -> memref<80x64xf32, #tpu.memory_space<vmem_shared>>
      %dma_wait3A_113 = arith.constant 0 : i32
      %dma_wait3A_114 = tpu.memref_slice %arg28[%add3A_30, %dma_wait3A_113] : memref<10240x64xf32, #tpu.memory_space<vmem_shared>> -> memref<80x64xf32, #tpu.memory_space<vmem_shared>>
      tpu.wait_dma2 semaphore(%run_scoped3A_108 : memref<!tpu.dma_semaphore, #tpu.memory_space<semaphore_mem>>) src(%arg25 : memref<80x64xf32, #tpu.memory_space<vmem>>) dst(%dma_wait3A_114 : memref<80x64xf32, #tpu.memory_space<vmem_shared>>)
      tpu.yield
    }) : () -> ()
    %mul3A_31 = arith.constant 640 : i32
    %mul3A_32 = arith.muli %arg1, %mul3A_31 : i32
    %add3A_33 = arith.constant 320 : i32
    %add3A_34 = arith.addi %mul3A_32, %add3A_33 : i32
    "tpu.region"() ({
      %run_scoped3A_108 = tpu.sem_alloc : memref<!tpu.dma_semaphore, #tpu.memory_space<semaphore_mem>>
      %dma_start3A = arith.constant 0 : i32
      %dma_start3A_109 = tpu.memref_slice %arg28[%add3A_34, %dma_start3A] : memref<10240x64xf32, #tpu.memory_space<vmem_shared>> -> memref<80x64xf32, #tpu.memory_space<vmem_shared>>
      %dma_start3A_110 = arith.constant 0 : i32
      %dma_start3A_111 = tpu.memref_slice %arg28[%add3A_34, %dma_start3A_110] : memref<10240x64xf32, #tpu.memory_space<vmem_shared>> -> memref<80x64xf32, #tpu.memory_space<vmem_shared>>
      tpu.enqueue_dma source(%arg25 : memref<80x64xf32, #tpu.memory_space<vmem>>) target(%dma_start3A_111 : memref<80x64xf32, #tpu.memory_space<vmem_shared>>) target_semaphore(%run_scoped3A_108 : memref<!tpu.dma_semaphore, #tpu.memory_space<semaphore_mem>>)
      %dma_wait3A = arith.constant 0 : i32
      %dma_wait3A_112 = tpu.memref_slice %arg28[%add3A_34, %dma_wait3A] : memref<10240x64xf32, #tpu.memory_space<vmem_shared>> -> memref<80x64xf32, #tpu.memory_space<vmem_shared>>
      %dma_wait3A_113 = arith.constant 0 : i32
      %dma_wait3A_114 = tpu.memref_slice %arg28[%add3A_34, %dma_wait3A_113] : memref<10240x64xf32, #tpu.memory_space<vmem_shared>> -> memref<80x64xf32, #tpu.memory_space<vmem_shared>>
      tpu.wait_dma2 semaphore(%run_scoped3A_108 : memref<!tpu.dma_semaphore, #tpu.memory_space<semaphore_mem>>) src(%arg25 : memref<80x64xf32, #tpu.memory_space<vmem>>) dst(%dma_wait3A_114 : memref<80x64xf32, #tpu.memory_space<vmem_shared>>)
      tpu.yield
    }) : () -> ()
    %mul3A_35 = arith.constant 640 : i32
    %mul3A_36 = arith.muli %arg1, %mul3A_35 : i32
    %add3A_37 = arith.constant 400 : i32
    %add3A_38 = arith.addi %mul3A_36, %add3A_37 : i32
    "tpu.region"() ({
      %run_scoped3A_108 = tpu.sem_alloc : memref<!tpu.dma_semaphore, #tpu.memory_space<semaphore_mem>>
      %dma_start3A = arith.constant 0 : i32
      %dma_start3A_109 = tpu.memref_slice %arg28[%add3A_38, %dma_start3A] : memref<10240x64xf32, #tpu.memory_space<vmem_shared>> -> memref<80x64xf32, #tpu.memory_space<vmem_shared>>
      %dma_start3A_110 = arith.constant 0 : i32
      %dma_start3A_111 = tpu.memref_slice %arg28[%add3A_38, %dma_start3A_110] : memref<10240x64xf32, #tpu.memory_space<vmem_shared>> -> memref<80x64xf32, #tpu.memory_space<vmem_shared>>
      tpu.enqueue_dma source(%arg25 : memref<80x64xf32, #tpu.memory_space<vmem>>) target(%dma_start3A_111 : memref<80x64xf32, #tpu.memory_space<vmem_shared>>) target_semaphore(%run_scoped3A_108 : memref<!tpu.dma_semaphore, #tpu.memory_space<semaphore_mem>>)
      %dma_wait3A = arith.constant 0 : i32
      %dma_wait3A_112 = tpu.memref_slice %arg28[%add3A_38, %dma_wait3A] : memref<10240x64xf32, #tpu.memory_space<vmem_shared>> -> memref<80x64xf32, #tpu.memory_space<vmem_shared>>
      %dma_wait3A_113 = arith.constant 0 : i32
      %dma_wait3A_114 = tpu.memref_slice %arg28[%add3A_38, %dma_wait3A_113] : memref<10240x64xf32, #tpu.memory_space<vmem_shared>> -> memref<80x64xf32, #tpu.memory_space<vmem_shared>>
      tpu.wait_dma2 semaphore(%run_scoped3A_108 : memref<!tpu.dma_semaphore, #tpu.memory_space<semaphore_mem>>) src(%arg25 : memref<80x64xf32, #tpu.memory_space<vmem>>) dst(%dma_wait3A_114 : memref<80x64xf32, #tpu.memory_space<vmem_shared>>)
      tpu.yield
    }) : () -> ()
    %mul3A_39 = arith.constant 640 : i32
    %mul3A_40 = arith.muli %arg1, %mul3A_39 : i32
    %add3A_41 = arith.constant 480 : i32
    %add3A_42 = arith.addi %mul3A_40, %add3A_41 : i32
    "tpu.region"() ({
      %run_scoped3A_108 = tpu.sem_alloc : memref<!tpu.dma_semaphore, #tpu.memory_space<semaphore_mem>>
      %dma_start3A = arith.constant 0 : i32
      %dma_start3A_109 = tpu.memref_slice %arg28[%add3A_42, %dma_start3A] : memref<10240x64xf32, #tpu.memory_space<vmem_shared>> -> memref<80x64xf32, #tpu.memory_space<vmem_shared>>
      %dma_start3A_110 = arith.constant 0 : i32
      %dma_start3A_111 = tpu.memref_slice %arg28[%add3A_42, %dma_start3A_110] : memref<10240x64xf32, #tpu.memory_space<vmem_shared>> -> memref<80x64xf32, #tpu.memory_space<vmem_shared>>
      tpu.enqueue_dma source(%arg25 : memref<80x64xf32, #tpu.memory_space<vmem>>) target(%dma_start3A_111 : memref<80x64xf32, #tpu.memory_space<vmem_shared>>) target_semaphore(%run_scoped3A_108 : memref<!tpu.dma_semaphore, #tpu.memory_space<semaphore_mem>>)
      %dma_wait3A = arith.constant 0 : i32
      %dma_wait3A_112 = tpu.memref_slice %arg28[%add3A_42, %dma_wait3A] : memref<10240x64xf32, #tpu.memory_space<vmem_shared>> -> memref<80x64xf32, #tpu.memory_space<vmem_shared>>
      %dma_wait3A_113 = arith.constant 0 : i32
      %dma_wait3A_114 = tpu.memref_slice %arg28[%add3A_42, %dma_wait3A_113] : memref<10240x64xf32, #tpu.memory_space<vmem_shared>> -> memref<80x64xf32, #tpu.memory_space<vmem_shared>>
      tpu.wait_dma2 semaphore(%run_scoped3A_108 : memref<!tpu.dma_semaphore, #tpu.memory_space<semaphore_mem>>) src(%arg25 : memref<80x64xf32, #tpu.memory_space<vmem>>) dst(%dma_wait3A_114 : memref<80x64xf32, #tpu.memory_space<vmem_shared>>)
      tpu.yield
    }) : () -> ()
    %mul3A_43 = arith.constant 640 : i32
    %mul3A_44 = arith.muli %arg1, %mul3A_43 : i32
    %add3A_45 = arith.constant 560 : i32
    %add3A_46 = arith.addi %mul3A_44, %add3A_45 : i32
    "tpu.region"() ({
      %run_scoped3A_108 = tpu.sem_alloc : memref<!tpu.dma_semaphore, #tpu.memory_space<semaphore_mem>>
      %dma_start3A = arith.constant 0 : i32
      %dma_start3A_109 = tpu.memref_slice %arg28[%add3A_46, %dma_start3A] : memref<10240x64xf32, #tpu.memory_space<vmem_shared>> -> memref<80x64xf32, #tpu.memory_space<vmem_shared>>
      %dma_start3A_110 = arith.constant 0 : i32
      %dma_start3A_111 = tpu.memref_slice %arg28[%add3A_46, %dma_start3A_110] : memref<10240x64xf32, #tpu.memory_space<vmem_shared>> -> memref<80x64xf32, #tpu.memory_space<vmem_shared>>
      tpu.enqueue_dma source(%arg25 : memref<80x64xf32, #tpu.memory_space<vmem>>) target(%dma_start3A_111 : memref<80x64xf32, #tpu.memory_space<vmem_shared>>) target_semaphore(%run_scoped3A_108 : memref<!tpu.dma_semaphore, #tpu.memory_space<semaphore_mem>>)
      %dma_wait3A = arith.constant 0 : i32
      %dma_wait3A_112 = tpu.memref_slice %arg28[%add3A_46, %dma_wait3A] : memref<10240x64xf32, #tpu.memory_space<vmem_shared>> -> memref<80x64xf32, #tpu.memory_space<vmem_shared>>
      %dma_wait3A_113 = arith.constant 0 : i32
      %dma_wait3A_114 = tpu.memref_slice %arg28[%add3A_46, %dma_wait3A_113] : memref<10240x64xf32, #tpu.memory_space<vmem_shared>> -> memref<80x64xf32, #tpu.memory_space<vmem_shared>>
      tpu.wait_dma2 semaphore(%run_scoped3A_108 : memref<!tpu.dma_semaphore, #tpu.memory_space<semaphore_mem>>) src(%arg25 : memref<80x64xf32, #tpu.memory_space<vmem>>) dst(%dma_wait3A_114 : memref<80x64xf32, #tpu.memory_space<vmem_shared>>)
      tpu.yield
    }) : () -> ()
    %mul3A_47 = arith.constant 640 : i32
    %mul3A_48 = arith.muli %arg1, %mul3A_47 : i32
    %add3A_49 = arith.constant 0 : i32
    %add3A_50 = arith.addi %mul3A_48, %add3A_49 : i32
    "tpu.region"() ({
      %run_scoped3A_108 = tpu.sem_alloc : memref<!tpu.dma_semaphore, #tpu.memory_space<semaphore_mem>>
      %dma_start3A = arith.constant 0 : i32
      %dma_start3A_109 = tpu.memref_slice %arg29[%add3A_50, %dma_start3A] : memref<10240x16xf32, #tpu.memory_space<vmem_shared>> -> memref<320x16xf32, #tpu.memory_space<vmem_shared>>
      %dma_start3A_110 = arith.constant 0 : i32
      %dma_start3A_111 = tpu.memref_slice %arg29[%add3A_50, %dma_start3A_110] : memref<10240x16xf32, #tpu.memory_space<vmem_shared>> -> memref<320x16xf32, #tpu.memory_space<vmem_shared>>
      tpu.enqueue_dma source(%arg26 : memref<320x16xf32, #tpu.memory_space<vmem>>) target(%dma_start3A_111 : memref<320x16xf32, #tpu.memory_space<vmem_shared>>) target_semaphore(%run_scoped3A_108 : memref<!tpu.dma_semaphore, #tpu.memory_space<semaphore_mem>>)
      %dma_wait3A = arith.constant 0 : i32
      %dma_wait3A_112 = tpu.memref_slice %arg29[%add3A_50, %dma_wait3A] : memref<10240x16xf32, #tpu.memory_space<vmem_shared>> -> memref<320x16xf32, #tpu.memory_space<vmem_shared>>
      %dma_wait3A_113 = arith.constant 0 : i32
      %dma_wait3A_114 = tpu.memref_slice %arg29[%add3A_50, %dma_wait3A_113] : memref<10240x16xf32, #tpu.memory_space<vmem_shared>> -> memref<320x16xf32, #tpu.memory_space<vmem_shared>>
      tpu.wait_dma2 semaphore(%run_scoped3A_108 : memref<!tpu.dma_semaphore, #tpu.memory_space<semaphore_mem>>) src(%arg26 : memref<320x16xf32, #tpu.memory_space<vmem>>) dst(%dma_wait3A_114 : memref<320x16xf32, #tpu.memory_space<vmem_shared>>)
      tpu.yield
    }) : () -> ()
    %mul3A_51 = arith.constant 640 : i32
    %mul3A_52 = arith.muli %arg1, %mul3A_51 : i32
    %add3A_53 = arith.constant 320 : i32
    %add3A_54 = arith.addi %mul3A_52, %add3A_53 : i32
    "tpu.region"() ({
      %run_scoped3A_108 = tpu.sem_alloc : memref<!tpu.dma_semaphore, #tpu.memory_space<semaphore_mem>>
      %dma_start3A = arith.constant 0 : i32
      %dma_start3A_109 = tpu.memref_slice %arg29[%add3A_54, %dma_start3A] : memref<10240x16xf32, #tpu.memory_space<vmem_shared>> -> memref<320x16xf32, #tpu.memory_space<vmem_shared>>
      %dma_start3A_110 = arith.constant 0 : i32
      %dma_start3A_111 = tpu.memref_slice %arg29[%add3A_54, %dma_start3A_110] : memref<10240x16xf32, #tpu.memory_space<vmem_shared>> -> memref<320x16xf32, #tpu.memory_space<vmem_shared>>
      tpu.enqueue_dma source(%arg26 : memref<320x16xf32, #tpu.memory_space<vmem>>) target(%dma_start3A_111 : memref<320x16xf32, #tpu.memory_space<vmem_shared>>) target_semaphore(%run_scoped3A_108 : memref<!tpu.dma_semaphore, #tpu.memory_space<semaphore_mem>>)
      %dma_wait3A = arith.constant 0 : i32
      %dma_wait3A_112 = tpu.memref_slice %arg29[%add3A_54, %dma_wait3A] : memref<10240x16xf32, #tpu.memory_space<vmem_shared>> -> memref<320x16xf32, #tpu.memory_space<vmem_shared>>
      %dma_wait3A_113 = arith.constant 0 : i32
      %dma_wait3A_114 = tpu.memref_slice %arg29[%add3A_54, %dma_wait3A_113] : memref<10240x16xf32, #tpu.memory_space<vmem_shared>> -> memref<320x16xf32, #tpu.memory_space<vmem_shared>>
      tpu.wait_dma2 semaphore(%run_scoped3A_108 : memref<!tpu.dma_semaphore, #tpu.memory_space<semaphore_mem>>) src(%arg26 : memref<320x16xf32, #tpu.memory_space<vmem>>) dst(%dma_wait3A_114 : memref<320x16xf32, #tpu.memory_space<vmem_shared>>)
      tpu.yield
    }) : () -> ()
    %mul3A_55 = arith.constant 640 : i32
    %mul3A_56 = arith.muli %arg1, %mul3A_55 : i32
    "tpu.region"() ({
      %run_scoped3A_108 = tpu.sem_alloc : memref<!tpu.dma_semaphore, #tpu.memory_space<semaphore_mem>>
      %dma_start3A = tpu.memref_slice %arg30[%mul3A_56] : memref<10240xf32, #tpu.memory_space<vmem_shared>> -> memref<640xf32, #tpu.memory_space<vmem_shared>>
      %dma_start3A_109 = tpu.memref_slice %arg30[%mul3A_56] : memref<10240xf32, #tpu.memory_space<vmem_shared>> -> memref<640xf32, #tpu.memory_space<vmem_shared>>
      tpu.enqueue_dma source(%arg27 : memref<640xf32, #tpu.memory_space<vmem>>) target(%dma_start3A_109 : memref<640xf32, #tpu.memory_space<vmem_shared>>) target_semaphore(%run_scoped3A_108 : memref<!tpu.dma_semaphore, #tpu.memory_space<semaphore_mem>>)
      %dma_wait3A = tpu.memref_slice %arg30[%mul3A_56] : memref<10240xf32, #tpu.memory_space<vmem_shared>> -> memref<640xf32, #tpu.memory_space<vmem_shared>>
      %dma_wait3A_110 = tpu.memref_slice %arg30[%mul3A_56] : memref<10240xf32, #tpu.memory_space<vmem_shared>> -> memref<640xf32, #tpu.memory_space<vmem_shared>>
      tpu.wait_dma2 semaphore(%run_scoped3A_108 : memref<!tpu.dma_semaphore, #tpu.memory_space<semaphore_mem>>) src(%arg27 : memref<640xf32, #tpu.memory_space<vmem>>) dst(%dma_wait3A_110 : memref<640xf32, #tpu.memory_space<vmem_shared>>)
      tpu.yield
    }) : () -> ()
    %barrier3A = arith.constant 0 : index
    tpu.barrier barrier_id(%barrier3A)
    %scan3A_57 = arith.constant 0 : i32
    %scan3A_58 = arith.constant 0 : i32
    %scan3A_59 = arith.constant 5 : i32
    %scan3A_60 = arith.addi %scan3A_58, %scan3A_59 : i32
    %scan3A_61 = arith.constant 1 : i32
    scf.for %scan3A_108 = %scan3A_58 to %scan3A_60 step %scan3A_61  : i32 {
      %mul3A_109 = arith.constant 50 : i32
      %mul3A_110 = arith.muli %scan3A_108, %mul3A_109 : i32
      "tpu.region"() ({
        %run_scoped3A_180 = tpu.sem_alloc : memref<!tpu.dma_semaphore, #tpu.memory_space<semaphore_mem>>
        %dma_start3A_181 = arith.constant 0 : i32
        %dma_start3A_182 = tpu.memref_slice %arg2[%arg1, %mul3A_110, %dma_start3A_181] : memref<16x250x80xi32, #tpu.memory_space<hbm>> -> memref<1x50x80xi32, #tpu.memory_space<hbm>>
        %dma_start3A_183 = tpu.memref_squeeze %dma_start3A_182 : memref<1x50x80xi32, #tpu.memory_space<hbm>> -> memref<50x80xi32, #tpu.memory_space<hbm>>
        %dma_start3A_184 = arith.constant 0 : i32
        %dma_start3A_185 = tpu.memref_slice %arg2[%arg1, %mul3A_110, %dma_start3A_184] : memref<16x250x80xi32, #tpu.memory_space<hbm>> -> memref<1x50x80xi32, #tpu.memory_space<hbm>>
        %dma_start3A_186 = tpu.memref_squeeze %dma_start3A_185 : memref<1x50x80xi32, #tpu.memory_space<hbm>> -> memref<50x80xi32, #tpu.memory_space<hbm>>
        tpu.enqueue_dma source(%dma_start3A_186 : memref<50x80xi32, #tpu.memory_space<hbm>>) target(%arg11 : memref<50x80xi32, #tpu.memory_space<vmem>>) target_semaphore(%run_scoped3A_180 : memref<!tpu.dma_semaphore, #tpu.memory_space<semaphore_mem>>)
        %dma_wait3A_187 = arith.constant 0 : i32
        %dma_wait3A_188 = tpu.memref_slice %arg2[%arg1, %mul3A_110, %dma_wait3A_187] : memref<16x250x80xi32, #tpu.memory_space<hbm>> -> memref<1x50x80xi32, #tpu.memory_space<hbm>>
        %dma_wait3A_189 = tpu.memref_squeeze %dma_wait3A_188 : memref<1x50x80xi32, #tpu.memory_space<hbm>> -> memref<50x80xi32, #tpu.memory_space<hbm>>
        %dma_wait3A_190 = arith.constant 0 : i32
        %dma_wait3A_191 = tpu.memref_slice %arg2[%arg1, %mul3A_110, %dma_wait3A_190] : memref<16x250x80xi32, #tpu.memory_space<hbm>> -> memref<1x50x80xi32, #tpu.memory_space<hbm>>
        %dma_wait3A_192 = tpu.memref_squeeze %dma_wait3A_191 : memref<1x50x80xi32, #tpu.memory_space<hbm>> -> memref<50x80xi32, #tpu.memory_space<hbm>>
        tpu.wait_dma2 semaphore(%run_scoped3A_180 : memref<!tpu.dma_semaphore, #tpu.memory_space<semaphore_mem>>) src(%dma_wait3A_192 : memref<50x80xi32, #tpu.memory_space<hbm>>) dst(%arg11 : memref<50x80xi32, #tpu.memory_space<vmem>>)
        tpu.yield
      }) : () -> ()
      %mul3A_111 = arith.constant 50 : i32
      %mul3A_112 = arith.muli %scan3A_108, %mul3A_111 : i32
      "tpu.region"() ({
        %run_scoped3A_180 = tpu.sem_alloc : memref<!tpu.dma_semaphore, #tpu.memory_space<semaphore_mem>>
        %dma_start3A_181 = arith.constant 0 : i32
        %dma_start3A_182 = tpu.memref_slice %arg3[%arg1, %mul3A_112, %dma_start3A_181] : memref<16x250x80xi32, #tpu.memory_space<hbm>> -> memref<1x50x80xi32, #tpu.memory_space<hbm>>
        %dma_start3A_183 = tpu.memref_squeeze %dma_start3A_182 : memref<1x50x80xi32, #tpu.memory_space<hbm>> -> memref<50x80xi32, #tpu.memory_space<hbm>>
        %dma_start3A_184 = arith.constant 0 : i32
        %dma_start3A_185 = tpu.memref_slice %arg3[%arg1, %mul3A_112, %dma_start3A_184] : memref<16x250x80xi32, #tpu.memory_space<hbm>> -> memref<1x50x80xi32, #tpu.memory_space<hbm>>
        %dma_start3A_186 = tpu.memref_squeeze %dma_start3A_185 : memref<1x50x80xi32, #tpu.memory_space<hbm>> -> memref<50x80xi32, #tpu.memory_space<hbm>>
        tpu.enqueue_dma source(%dma_start3A_186 : memref<50x80xi32, #tpu.memory_space<hbm>>) target(%arg12 : memref<50x80xi32, #tpu.memory_space<vmem>>) target_semaphore(%run_scoped3A_180 : memref<!tpu.dma_semaphore, #tpu.memory_space<semaphore_mem>>)
        %dma_wait3A_187 = arith.constant 0 : i32
        %dma_wait3A_188 = tpu.memref_slice %arg3[%arg1, %mul3A_112, %dma_wait3A_187] : memref<16x250x80xi32, #tpu.memory_space<hbm>> -> memref<1x50x80xi32, #tpu.memory_space<hbm>>
        %dma_wait3A_189 = tpu.memref_squeeze %dma_wait3A_188 : memref<1x50x80xi32, #tpu.memory_space<hbm>> -> memref<50x80xi32, #tpu.memory_space<hbm>>
        %dma_wait3A_190 = arith.constant 0 : i32
        %dma_wait3A_191 = tpu.memref_slice %arg3[%arg1, %mul3A_112, %dma_wait3A_190] : memref<16x250x80xi32, #tpu.memory_space<hbm>> -> memref<1x50x80xi32, #tpu.memory_space<hbm>>
        %dma_wait3A_192 = tpu.memref_squeeze %dma_wait3A_191 : memref<1x50x80xi32, #tpu.memory_space<hbm>> -> memref<50x80xi32, #tpu.memory_space<hbm>>
        tpu.wait_dma2 semaphore(%run_scoped3A_180 : memref<!tpu.dma_semaphore, #tpu.memory_space<semaphore_mem>>) src(%dma_wait3A_192 : memref<50x80xi32, #tpu.memory_space<hbm>>) dst(%arg12 : memref<50x80xi32, #tpu.memory_space<vmem>>)
        tpu.yield
      }) : () -> ()
      %dma_start3A = arith.constant 0 : i32
      %dma_start3A_113 = arith.constant 0 : i32
      %dma_start3A_114 = tpu.memref_slice %arg11[%dma_start3A, %dma_start3A_113] : memref<50x80xi32, #tpu.memory_space<vmem>> -> memref<1x80xi32, #tpu.memory_space<vmem>>
      %dma_start3A_115 = tpu.memref_squeeze %dma_start3A_114 : memref<1x80xi32, #tpu.memory_space<vmem>> -> memref<80xi32, #tpu.memory_space<vmem>>
      %dma_start3A_116 = arith.constant 0 : i32
      %dma_start3A_117 = arith.constant 0 : i32
      %dma_start3A_118 = tpu.memref_slice %arg6[%arg0, %dma_start3A_116, %dma_start3A_117] : memref<2x10000x64xf32, #tpu.memory_space<hbm>> -> memref<1x10000x64xf32, #tpu.memory_space<hbm>>
      %dma_start3A_119 = tpu.memref_squeeze %dma_start3A_118 : memref<1x10000x64xf32, #tpu.memory_space<hbm>> -> memref<10000x64xf32, #tpu.memory_space<hbm>>
      %dma_start3A_120 = arith.constant 0 : i32
      %dma_start3A_121 = arith.constant 0 : i32
      %dma_start3A_122 = tpu.memref_slice %dma_start3A_119[%dma_start3A_120, %dma_start3A_121] : memref<10000x64xf32, #tpu.memory_space<hbm>> -> memref<10000x64xf32, #tpu.memory_space<hbm>>
      tpu.enqueue_indirect_dma source(%dma_start3A_122 : memref<10000x64xf32, #tpu.memory_space<hbm>>) target(%arg15 : memref<80x64xf32, #tpu.memory_space<vmem>>) offsets(%dma_start3A_115 : memref<80xi32, #tpu.memory_space<vmem>>) semaphore(%arg31 : memref<!tpu.dma_semaphore, #tpu.memory_space<semaphore_mem>>)
      %eq3A = arith.constant 0 : i32
      %eq3A_123 = arith.cmpi eq, %arg0, %eq3A : i32
      %convert_element_type3A = arith.extui %eq3A_123 : i1 to i32
      %cond3A = arith.constant 0 : i32
      %cond3A_124 = arith.cmpi ne, %convert_element_type3A, %cond3A : i32
      scf.if %cond3A_124 {
        %mul3A_180 = arith.constant 20000 : i32
        %mul3A_181 = arith.muli %arg1, %mul3A_180 : i32
        %mul3A_182 = arith.constant 50 : i32
        %mul3A_183 = arith.muli %scan3A_108, %mul3A_182 : i32
        %add3A_184 = arith.constant 0 : i32
        %add3A_185 = arith.addi %mul3A_183, %add3A_184 : i32
        %mul3A_186 = arith.constant 80 : i32
        %mul3A_187 = arith.muli %add3A_185, %mul3A_186 : i32
        %add3A_188 = arith.addi %mul3A_181, %mul3A_187 : i32
        %mul3A_189 = arith.constant 16 : i32
        %mul3A_190 = arith.muli %add3A_188, %mul3A_189 : i32
        %jit3A = arith.constant 128 : i32
        %div3A = arith.divsi %mul3A_190, %jit3A : i32
        %sign3A = arith.constant 0 : i32
        %sign3A_191 = arith.cmpi sgt, %mul3A_190, %sign3A : i32
        %sign3A_192 = arith.extui %sign3A_191 : i1 to i32
        %sign3A_193 = arith.constant 0 : i32
        %sign3A_194 = arith.cmpi slt, %mul3A_190, %sign3A_193 : i32
        %sign3A_195 = arith.extui %sign3A_194 : i1 to i32
        %sign3A_196 = arith.subi %sign3A_192, %sign3A_195 : i32
        %sign3A_197 = arith.constant 0 : i32
        %sign3A_198 = arith.cmpi sgt, %jit3A, %sign3A_197 : i32
        %sign3A_199 = arith.extui %sign3A_198 : i1 to i32
        %sign3A_200 = arith.constant 0 : i32
        %sign3A_201 = arith.cmpi slt, %jit3A, %sign3A_200 : i32
        %sign3A_202 = arith.extui %sign3A_201 : i1 to i32
        %sign3A_203 = arith.subi %sign3A_199, %sign3A_202 : i32
        %ne3A = arith.cmpi ne, %sign3A_196, %sign3A_203 : i32
        %rem3A = arith.remsi %mul3A_190, %jit3A : i32
        %ne3A_204 = arith.constant 0 : i32
        %ne3A_205 = arith.cmpi ne, %rem3A, %ne3A_204 : i32
        %and3A = arith.andi %ne3A, %ne3A_205 : i1
        %sub3A = arith.constant 1 : i32
        %sub3A_206 = arith.subi %div3A, %sub3A : i32
        %select_n3A = arith.select %and3A, %sub3A_206, %div3A : i32
        %dma_start3A_207 = arith.constant 0 : i32
        %dma_start3A_208 = tpu.memref_slice %arg7[%select_n3A, %dma_start3A_207] : memref<40000x128xf32, #tpu.memory_space<hbm>> -> memref<10x128xf32, #tpu.memory_space<hbm>>
        %dma_start3A_209 = arith.constant 0 : i32
        %dma_start3A_210 = tpu.memref_slice %arg7[%select_n3A, %dma_start3A_209] : memref<40000x128xf32, #tpu.memory_space<hbm>> -> memref<10x128xf32, #tpu.memory_space<hbm>>
        tpu.enqueue_dma source(%dma_start3A_210 : memref<10x128xf32, #tpu.memory_space<hbm>>) target(%arg19 : memref<10x128xf32, #tpu.memory_space<vmem>>) target_semaphore(%arg31 : memref<!tpu.dma_semaphore, #tpu.memory_space<semaphore_mem>>)
      } else {
      }
      %dma_start3A_125 = arith.constant 1 : i32
      %dma_start3A_126 = arith.constant 0 : i32
      %dma_start3A_127 = tpu.memref_slice %arg11[%dma_start3A_125, %dma_start3A_126] : memref<50x80xi32, #tpu.memory_space<vmem>> -> memref<1x80xi32, #tpu.memory_space<vmem>>
      %dma_start3A_128 = tpu.memref_squeeze %dma_start3A_127 : memref<1x80xi32, #tpu.memory_space<vmem>> -> memref<80xi32, #tpu.memory_space<vmem>>
      %dma_start3A_129 = arith.constant 0 : i32
      %dma_start3A_130 = arith.constant 0 : i32
      %dma_start3A_131 = tpu.memref_slice %arg6[%arg0, %dma_start3A_129, %dma_start3A_130] : memref<2x10000x64xf32, #tpu.memory_space<hbm>> -> memref<1x10000x64xf32, #tpu.memory_space<hbm>>
      %dma_start3A_132 = tpu.memref_squeeze %dma_start3A_131 : memref<1x10000x64xf32, #tpu.memory_space<hbm>> -> memref<10000x64xf32, #tpu.memory_space<hbm>>
      %dma_start3A_133 = arith.constant 0 : i32
      %dma_start3A_134 = arith.constant 0 : i32
      %dma_start3A_135 = tpu.memref_slice %dma_start3A_132[%dma_start3A_133, %dma_start3A_134] : memref<10000x64xf32, #tpu.memory_space<hbm>> -> memref<10000x64xf32, #tpu.memory_space<hbm>>
      tpu.enqueue_indirect_dma source(%dma_start3A_135 : memref<10000x64xf32, #tpu.memory_space<hbm>>) target(%arg16 : memref<80x64xf32, #tpu.memory_space<vmem>>) offsets(%dma_start3A_128 : memref<80xi32, #tpu.memory_space<vmem>>) semaphore(%arg32 : memref<!tpu.dma_semaphore, #tpu.memory_space<semaphore_mem>>)
      %eq3A_136 = arith.constant 0 : i32
      %eq3A_137 = arith.cmpi eq, %arg0, %eq3A_136 : i32
      %convert_element_type3A_138 = arith.extui %eq3A_137 : i1 to i32
      %cond3A_139 = arith.constant 0 : i32
      %cond3A_140 = arith.cmpi ne, %convert_element_type3A_138, %cond3A_139 : i32
      scf.if %cond3A_140 {
        %mul3A_180 = arith.constant 20000 : i32
        %mul3A_181 = arith.muli %arg1, %mul3A_180 : i32
        %mul3A_182 = arith.constant 50 : i32
        %mul3A_183 = arith.muli %scan3A_108, %mul3A_182 : i32
        %add3A_184 = arith.constant 1 : i32
        %add3A_185 = arith.addi %mul3A_183, %add3A_184 : i32
        %mul3A_186 = arith.constant 80 : i32
        %mul3A_187 = arith.muli %add3A_185, %mul3A_186 : i32
        %add3A_188 = arith.addi %mul3A_181, %mul3A_187 : i32
        %mul3A_189 = arith.constant 16 : i32
        %mul3A_190 = arith.muli %add3A_188, %mul3A_189 : i32
        %jit3A = arith.constant 128 : i32
        %div3A = arith.divsi %mul3A_190, %jit3A : i32
        %sign3A = arith.constant 0 : i32
        %sign3A_191 = arith.cmpi sgt, %mul3A_190, %sign3A : i32
        %sign3A_192 = arith.extui %sign3A_191 : i1 to i32
        %sign3A_193 = arith.constant 0 : i32
        %sign3A_194 = arith.cmpi slt, %mul3A_190, %sign3A_193 : i32
        %sign3A_195 = arith.extui %sign3A_194 : i1 to i32
        %sign3A_196 = arith.subi %sign3A_192, %sign3A_195 : i32
        %sign3A_197 = arith.constant 0 : i32
        %sign3A_198 = arith.cmpi sgt, %jit3A, %sign3A_197 : i32
        %sign3A_199 = arith.extui %sign3A_198 : i1 to i32
        %sign3A_200 = arith.constant 0 : i32
        %sign3A_201 = arith.cmpi slt, %jit3A, %sign3A_200 : i32
        %sign3A_202 = arith.extui %sign3A_201 : i1 to i32
        %sign3A_203 = arith.subi %sign3A_199, %sign3A_202 : i32
        %ne3A = arith.cmpi ne, %sign3A_196, %sign3A_203 : i32
        %rem3A = arith.remsi %mul3A_190, %jit3A : i32
        %ne3A_204 = arith.constant 0 : i32
        %ne3A_205 = arith.cmpi ne, %rem3A, %ne3A_204 : i32
        %and3A = arith.andi %ne3A, %ne3A_205 : i1
        %sub3A = arith.constant 1 : i32
        %sub3A_206 = arith.subi %div3A, %sub3A : i32
        %select_n3A = arith.select %and3A, %sub3A_206, %div3A : i32
        %dma_start3A_207 = arith.constant 0 : i32
        %dma_start3A_208 = tpu.memref_slice %arg7[%select_n3A, %dma_start3A_207] : memref<40000x128xf32, #tpu.memory_space<hbm>> -> memref<10x128xf32, #tpu.memory_space<hbm>>
        %dma_start3A_209 = arith.constant 0 : i32
        %dma_start3A_210 = tpu.memref_slice %arg7[%select_n3A, %dma_start3A_209] : memref<40000x128xf32, #tpu.memory_space<hbm>> -> memref<10x128xf32, #tpu.memory_space<hbm>>
        tpu.enqueue_dma source(%dma_start3A_210 : memref<10x128xf32, #tpu.memory_space<hbm>>) target(%arg20 : memref<10x128xf32, #tpu.memory_space<vmem>>) target_semaphore(%arg32 : memref<!tpu.dma_semaphore, #tpu.memory_space<semaphore_mem>>)
      } else {
      }
      %scan3A_141 = arith.constant 0 : i32
      %scan3A_142 = arith.constant 0 : i32
      %scan3A_143 = arith.constant 25 : i32
      %scan3A_144 = arith.addi %scan3A_142, %scan3A_143 : i32
      %scan3A_145 = arith.constant 1 : i32
      scf.for %scan3A_180 = %scan3A_142 to %scan3A_144 step %scan3A_145  : i32 {
        %mul3A_181 = arith.constant 2 : i32
        %mul3A_182 = arith.muli %scan3A_180, %mul3A_181 : i32
        %add3A_183 = arith.constant 0 : i32
        %add3A_184 = arith.addi %mul3A_182, %add3A_183 : i32
        %ge3A = arith.constant 1 : i32
        %ge3A_185 = arith.cmpi sge, %scan3A_180, %ge3A : i32
        %convert_element_type3A_186 = arith.extui %ge3A_185 : i1 to i32
        %cond3A_187 = arith.constant 0 : i32
        %cond3A_188 = arith.cmpi ne, %convert_element_type3A_186, %cond3A_187 : i32
        scf.if %cond3A_188 {
          %sub3A = arith.constant 2 : i32
          %sub3A_476 = arith.subi %add3A_184, %sub3A : i32
          %dma_wait3A_477 = arith.constant 0 : i32
          %dma_wait3A_478 = tpu.memref_slice %arg12[%sub3A_476, %dma_wait3A_477] : memref<50x80xi32, #tpu.memory_space<vmem>> -> memref<1x80xi32, #tpu.memory_space<vmem>>
          %dma_wait3A_479 = tpu.memref_squeeze %dma_wait3A_478 : memref<1x80xi32, #tpu.memory_space<vmem>> -> memref<80xi32, #tpu.memory_space<vmem>>
          %dma_wait3A_480 = arith.constant 0 : i32
          %dma_wait3A_481 = arith.constant 0 : i32
          %dma_wait3A_482 = tpu.memref_slice %arg28[%dma_wait3A_480, %dma_wait3A_481] : memref<10240x64xf32, #tpu.memory_space<vmem_shared>> -> memref<10240x64xf32, #tpu.memory_space<vmem_shared>>
          tpu.wait_indirect_dma semaphore(%arg33 : memref<!tpu.dma_semaphore, #tpu.memory_space<semaphore_mem>>) src(%arg17 : memref<80x64xf32, #tpu.memory_space<vmem>>) dst(%dma_wait3A_482 : memref<10240x64xf32, #tpu.memory_space<vmem_shared>>)
          %eq3A_483 = arith.constant 0 : i32
          %eq3A_484 = arith.cmpi eq, %arg0, %eq3A_483 : i32
          %convert_element_type3A_485 = arith.extui %eq3A_484 : i1 to i32
          %cond3A_486 = arith.constant 0 : i32
          %cond3A_487 = arith.cmpi ne, %convert_element_type3A_485, %cond3A_486 : i32
          scf.if %cond3A_487 {
            %dma_wait3A_493 = arith.constant 0 : i32
            %dma_wait3A_494 = tpu.memref_slice %arg12[%sub3A_476, %dma_wait3A_493] : memref<50x80xi32, #tpu.memory_space<vmem>> -> memref<1x80xi32, #tpu.memory_space<vmem>>
            %dma_wait3A_495 = tpu.memref_squeeze %dma_wait3A_494 : memref<1x80xi32, #tpu.memory_space<vmem>> -> memref<80xi32, #tpu.memory_space<vmem>>
            %dma_wait3A_496 = arith.constant 0 : i32
            %dma_wait3A_497 = arith.constant 0 : i32
            %dma_wait3A_498 = tpu.memref_slice %arg29[%dma_wait3A_496, %dma_wait3A_497] : memref<10240x16xf32, #tpu.memory_space<vmem_shared>> -> memref<10240x16xf32, #tpu.memory_space<vmem_shared>>
            tpu.wait_indirect_dma semaphore(%arg33 : memref<!tpu.dma_semaphore, #tpu.memory_space<semaphore_mem>>) src(%arg21 : memref<80x16xf32, #tpu.memory_space<vmem>>) dst(%dma_wait3A_498 : memref<10240x16xf32, #tpu.memory_space<vmem_shared>>)
          } else {
          }
          %eq3A_488 = arith.constant 1 : i32
          %eq3A_489 = arith.cmpi eq, %arg0, %eq3A_488 : i32
          %convert_element_type3A_490 = arith.extui %eq3A_489 : i1 to i32
          %cond3A_491 = arith.constant 0 : i32
          %cond3A_492 = arith.cmpi ne, %convert_element_type3A_490, %cond3A_491 : i32
          scf.if %cond3A_492 {
            %dma_wait3A_493 = arith.constant 0 : i32
            %dma_wait3A_494 = tpu.memref_slice %arg12[%sub3A_476, %dma_wait3A_493] : memref<50x80xi32, #tpu.memory_space<vmem>> -> memref<1x80xi32, #tpu.memory_space<vmem>>
            %dma_wait3A_495 = tpu.memref_squeeze %dma_wait3A_494 : memref<1x80xi32, #tpu.memory_space<vmem>> -> memref<80xi32, #tpu.memory_space<vmem>>
            %dma_wait3A_496 = arith.constant 0 : i32
            %dma_wait3A_497 = tpu.memref_slice %arg30[%dma_wait3A_496] : memref<10240xf32, #tpu.memory_space<vmem_shared>> -> memref<10240xf32, #tpu.memory_space<vmem_shared>>
            tpu.wait_indirect_dma semaphore(%arg33 : memref<!tpu.dma_semaphore, #tpu.memory_space<semaphore_mem>>) src(%arg23 : memref<80xf32, #tpu.memory_space<vmem>>) dst(%dma_wait3A_497 : memref<10240xf32, #tpu.memory_space<vmem_shared>>)
          } else {
          }
        } else {
        }
        %dma_wait3A_189 = arith.constant 0 : i32
        %dma_wait3A_190 = tpu.memref_slice %arg11[%add3A_184, %dma_wait3A_189] : memref<50x80xi32, #tpu.memory_space<vmem>> -> memref<1x80xi32, #tpu.memory_space<vmem>>
        %dma_wait3A_191 = tpu.memref_squeeze %dma_wait3A_190 : memref<1x80xi32, #tpu.memory_space<vmem>> -> memref<80xi32, #tpu.memory_space<vmem>>
        %dma_wait3A_192 = arith.constant 0 : i32
        %dma_wait3A_193 = arith.constant 0 : i32
        %dma_wait3A_194 = tpu.memref_slice %arg6[%arg0, %dma_wait3A_192, %dma_wait3A_193] : memref<2x10000x64xf32, #tpu.memory_space<hbm>> -> memref<1x10000x64xf32, #tpu.memory_space<hbm>>
        %dma_wait3A_195 = tpu.memref_squeeze %dma_wait3A_194 : memref<1x10000x64xf32, #tpu.memory_space<hbm>> -> memref<10000x64xf32, #tpu.memory_space<hbm>>
        %dma_wait3A_196 = arith.constant 0 : i32
        %dma_wait3A_197 = arith.constant 0 : i32
        %dma_wait3A_198 = tpu.memref_slice %dma_wait3A_195[%dma_wait3A_196, %dma_wait3A_197] : memref<10000x64xf32, #tpu.memory_space<hbm>> -> memref<10000x64xf32, #tpu.memory_space<hbm>>
        tpu.wait_indirect_dma semaphore(%arg31 : memref<!tpu.dma_semaphore, #tpu.memory_space<semaphore_mem>>) src(%dma_wait3A_198 : memref<10000x64xf32, #tpu.memory_space<hbm>>) dst(%arg15 : memref<80x64xf32, #tpu.memory_space<vmem>>)
        %eq3A_199 = arith.constant 0 : i32
        %eq3A_200 = arith.cmpi eq, %arg0, %eq3A_199 : i32
        %convert_element_type3A_201 = arith.extui %eq3A_200 : i1 to i32
        %cond3A_202 = arith.constant 0 : i32
        %cond3A_203 = arith.cmpi ne, %convert_element_type3A_201, %cond3A_202 : i32
        scf.if %cond3A_203 {
          %mul3A_476 = arith.constant 20000 : i32
          %mul3A_477 = arith.muli %arg1, %mul3A_476 : i32
          %mul3A_478 = arith.constant 50 : i32
          %mul3A_479 = arith.muli %scan3A_108, %mul3A_478 : i32
          %add3A_480 = arith.addi %mul3A_479, %add3A_184 : i32
          %mul3A_481 = arith.constant 80 : i32
          %mul3A_482 = arith.muli %add3A_480, %mul3A_481 : i32
          %add3A_483 = arith.addi %mul3A_477, %mul3A_482 : i32
          %mul3A_484 = arith.constant 16 : i32
          %mul3A_485 = arith.muli %add3A_483, %mul3A_484 : i32
          %jit3A = arith.constant 128 : i32
          %div3A = arith.divsi %mul3A_485, %jit3A : i32
          %sign3A = arith.constant 0 : i32
          %sign3A_486 = arith.cmpi sgt, %mul3A_485, %sign3A : i32
          %sign3A_487 = arith.extui %sign3A_486 : i1 to i32
          %sign3A_488 = arith.constant 0 : i32
          %sign3A_489 = arith.cmpi slt, %mul3A_485, %sign3A_488 : i32
          %sign3A_490 = arith.extui %sign3A_489 : i1 to i32
          %sign3A_491 = arith.subi %sign3A_487, %sign3A_490 : i32
          %sign3A_492 = arith.constant 0 : i32
          %sign3A_493 = arith.cmpi sgt, %jit3A, %sign3A_492 : i32
          %sign3A_494 = arith.extui %sign3A_493 : i1 to i32
          %sign3A_495 = arith.constant 0 : i32
          %sign3A_496 = arith.cmpi slt, %jit3A, %sign3A_495 : i32
          %sign3A_497 = arith.extui %sign3A_496 : i1 to i32
          %sign3A_498 = arith.subi %sign3A_494, %sign3A_497 : i32
          %ne3A = arith.cmpi ne, %sign3A_491, %sign3A_498 : i32
          %rem3A = arith.remsi %mul3A_485, %jit3A : i32
          %ne3A_499 = arith.constant 0 : i32
          %ne3A_500 = arith.cmpi ne, %rem3A, %ne3A_499 : i32
          %and3A = arith.andi %ne3A, %ne3A_500 : i1
          %sub3A = arith.constant 1 : i32
          %sub3A_501 = arith.subi %div3A, %sub3A : i32
          %select_n3A_502 = arith.select %and3A, %sub3A_501, %div3A : i32
          %dma_wait3A_503 = arith.constant 0 : i32
          %dma_wait3A_504 = tpu.memref_slice %arg7[%select_n3A_502, %dma_wait3A_503] : memref<40000x128xf32, #tpu.memory_space<hbm>> -> memref<10x128xf32, #tpu.memory_space<hbm>>
          %dma_wait3A_505 = arith.constant 0 : i32
          %dma_wait3A_506 = tpu.memref_slice %arg7[%select_n3A_502, %dma_wait3A_505] : memref<40000x128xf32, #tpu.memory_space<hbm>> -> memref<10x128xf32, #tpu.memory_space<hbm>>
          tpu.wait_dma2 semaphore(%arg31 : memref<!tpu.dma_semaphore, #tpu.memory_space<semaphore_mem>>) src(%dma_wait3A_506 : memref<10x128xf32, #tpu.memory_space<hbm>>) dst(%arg19 : memref<10x128xf32, #tpu.memory_space<vmem>>)
        } else {
        }
        %get3A = arith.index_cast %add3A_184 : i32 to index
        %get3A_204 = arith.constant 0 : index
        %get3A_205 = tpu.vector_load %arg11[%get3A, %get3A_204] {strides = array<i32>} : memref<50x80xi32, #tpu.memory_space<vmem>>, vector<16xi32>,
        %get3A_206 = arith.index_cast %add3A_184 : i32 to index
        %get3A_207 = arith.constant 0 : index
        %get3A_208 = tpu.vector_load %arg12[%get3A_206, %get3A_207] {strides = array<i32>} : memref<50x80xi32, #tpu.memory_space<vmem>>, vector<16xi32>,
        %gather3A = tpu.vector_load_idx %arg13[%get3A_205] : memref<10240xf32, #tpu.memory_space<vmem>>[vector<16xi32>], vector<16xf32>,
        %gather3A_209 = tpu.vector_load_idx %arg14[%get3A_208] : memref<10240xf32, #tpu.memory_space<vmem>>[vector<16xi32>], vector<16xf32>,
        %add3A_210 = arith.addf %gather3A, %gather3A_209 : vector<16xf32>
        %ge3A_211 = arith.constant 0.000000e+00 : f32
        %ge3A_212 = vector.broadcast %ge3A_211 : f32 to vector<16xf32>
        %ge3A_213 = arith.cmpf oge, %add3A_210, %ge3A_212 : vector<16xf32>
        %mul3A_214 = arith.constant 0.00999999977 : f32
        %mul3A_215 = vector.broadcast %mul3A_214 : f32 to vector<16xf32>
        %mul3A_216 = arith.mulf %add3A_210, %mul3A_215 : vector<16xf32>
        %select_n3A = arith.select %ge3A_213, %add3A_210, %mul3A_216 : vector<16xi1>, vector<16xf32>
        %exp3A = math.exp %select_n3A : vector<16xf32>
        %swap3A = arith.constant 0 : index
        %swap3A_217 = tpu.vector_load %arg23[%swap3A] {strides = array<i32>} : memref<80xf32, #tpu.memory_space<vmem>>, vector<16xf32>,
        tpu.vector_store %arg23[%swap3A], %exp3A {strides = array<i32>} : memref<80xf32, #tpu.memory_space<vmem>>, vector<16xf32>,
        %get3A_218 = arith.index_cast %add3A_184 : i32 to index
        %get3A_219 = arith.constant 16 : index
        %get3A_220 = tpu.vector_load %arg11[%get3A_218, %get3A_219] {strides = array<i32>} : memref<50x80xi32, #tpu.memory_space<vmem>>, vector<16xi32>,
        %get3A_221 = arith.index_cast %add3A_184 : i32 to index
        %get3A_222 = arith.constant 16 : index
        %get3A_223 = tpu.vector_load %arg12[%get3A_221, %get3A_222] {strides = array<i32>} : memref<50x80xi32, #tpu.memory_space<vmem>>, vector<16xi32>,
        %gather3A_224 = tpu.vector_load_idx %arg13[%get3A_220] : memref<10240xf32, #tpu.memory_space<vmem>>[vector<16xi32>], vector<16xf32>,
        %gather3A_225 = tpu.vector_load_idx %arg14[%get3A_223] : memref<10240xf32, #tpu.memory_space<vmem>>[vector<16xi32>], vector<16xf32>,
        %add3A_226 = arith.addf %gather3A_224, %gather3A_225 : vector<16xf32>
        %ge3A_227 = arith.constant 0.000000e+00 : f32
        %ge3A_228 = vector.broadcast %ge3A_227 : f32 to vector<16xf32>
        %ge3A_229 = arith.cmpf oge, %add3A_226, %ge3A_228 : vector<16xf32>
        %mul3A_230 = arith.constant 0.00999999977 : f32
        %mul3A_231 = vector.broadcast %mul3A_230 : f32 to vector<16xf32>
        %mul3A_232 = arith.mulf %add3A_226, %mul3A_231 : vector<16xf32>
        %select_n3A_233 = arith.select %ge3A_229, %add3A_226, %mul3A_232 : vector<16xi1>, vector<16xf32>
        %exp3A_234 = math.exp %select_n3A_233 : vector<16xf32>
        %swap3A_235 = arith.constant 16 : index
        %swap3A_236 = tpu.vector_load %arg23[%swap3A_235] {strides = array<i32>} : memref<80xf32, #tpu.memory_space<vmem>>, vector<16xf32>,
        tpu.vector_store %arg23[%swap3A_235], %exp3A_234 {strides = array<i32>} : memref<80xf32, #tpu.memory_space<vmem>>, vector<16xf32>,
        %get3A_237 = arith.index_cast %add3A_184 : i32 to index
        %get3A_238 = arith.constant 32 : index
        %get3A_239 = tpu.vector_load %arg11[%get3A_237, %get3A_238] {strides = array<i32>} : memref<50x80xi32, #tpu.memory_space<vmem>>, vector<16xi32>,
        %get3A_240 = arith.index_cast %add3A_184 : i32 to index
        %get3A_241 = arith.constant 32 : index
        %get3A_242 = tpu.vector_load %arg12[%get3A_240, %get3A_241] {strides = array<i32>} : memref<50x80xi32, #tpu.memory_space<vmem>>, vector<16xi32>,
        %gather3A_243 = tpu.vector_load_idx %arg13[%get3A_239] : memref<10240xf32, #tpu.memory_space<vmem>>[vector<16xi32>], vector<16xf32>,
        %gather3A_244 = tpu.vector_load_idx %arg14[%get3A_242] : memref<10240xf32, #tpu.memory_space<vmem>>[vector<16xi32>], vector<16xf32>,
        %add3A_245 = arith.addf %gather3A_243, %gather3A_244 : vector<16xf32>
        %ge3A_246 = arith.constant 0.000000e+00 : f32
        %ge3A_247 = vector.broadcast %ge3A_246 : f32 to vector<16xf32>
        %ge3A_248 = arith.cmpf oge, %add3A_245, %ge3A_247 : vector<16xf32>
        %mul3A_249 = arith.constant 0.00999999977 : f32
        %mul3A_250 = vector.broadcast %mul3A_249 : f32 to vector<16xf32>
        %mul3A_251 = arith.mulf %add3A_245, %mul3A_250 : vector<16xf32>
        %select_n3A_252 = arith.select %ge3A_248, %add3A_245, %mul3A_251 : vector<16xi1>, vector<16xf32>
        %exp3A_253 = math.exp %select_n3A_252 : vector<16xf32>
        %swap3A_254 = arith.constant 32 : index
        %swap3A_255 = tpu.vector_load %arg23[%swap3A_254] {strides = array<i32>} : memref<80xf32, #tpu.memory_space<vmem>>, vector<16xf32>,
        tpu.vector_store %arg23[%swap3A_254], %exp3A_253 {strides = array<i32>} : memref<80xf32, #tpu.memory_space<vmem>>, vector<16xf32>,
        %get3A_256 = arith.index_cast %add3A_184 : i32 to index
        %get3A_257 = arith.constant 48 : index
        %get3A_258 = tpu.vector_load %arg11[%get3A_256, %get3A_257] {strides = array<i32>} : memref<50x80xi32, #tpu.memory_space<vmem>>, vector<16xi32>,
        %get3A_259 = arith.index_cast %add3A_184 : i32 to index
        %get3A_260 = arith.constant 48 : index
        %get3A_261 = tpu.vector_load %arg12[%get3A_259, %get3A_260] {strides = array<i32>} : memref<50x80xi32, #tpu.memory_space<vmem>>, vector<16xi32>,
        %gather3A_262 = tpu.vector_load_idx %arg13[%get3A_258] : memref<10240xf32, #tpu.memory_space<vmem>>[vector<16xi32>], vector<16xf32>,
        %gather3A_263 = tpu.vector_load_idx %arg14[%get3A_261] : memref<10240xf32, #tpu.memory_space<vmem>>[vector<16xi32>], vector<16xf32>,
        %add3A_264 = arith.addf %gather3A_262, %gather3A_263 : vector<16xf32>
        %ge3A_265 = arith.constant 0.000000e+00 : f32
        %ge3A_266 = vector.broadcast %ge3A_265 : f32 to vector<16xf32>
        %ge3A_267 = arith.cmpf oge, %add3A_264, %ge3A_266 : vector<16xf32>
        %mul3A_268 = arith.constant 0.00999999977 : f32
        %mul3A_269 = vector.broadcast %mul3A_268 : f32 to vector<16xf32>
        %mul3A_270 = arith.mulf %add3A_264, %mul3A_269 : vector<16xf32>
        %select_n3A_271 = arith.select %ge3A_267, %add3A_264, %mul3A_270 : vector<16xi1>, vector<16xf32>
        %exp3A_272 = math.exp %select_n3A_271 : vector<16xf32>
        %swap3A_273 = arith.constant 48 : index
        %swap3A_274 = tpu.vector_load %arg23[%swap3A_273] {strides = array<i32>} : memref<80xf32, #tpu.memory_space<vmem>>, vector<16xf32>,
        tpu.vector_store %arg23[%swap3A_273], %exp3A_272 {strides = array<i32>} : memref<80xf32, #tpu.memory_space<vmem>>, vector<16xf32>,
        %get3A_275 = arith.index_cast %add3A_184 : i32 to index
        %get3A_276 = arith.constant 64 : index
        %get3A_277 = tpu.vector_load %arg11[%get3A_275, %get3A_276] {strides = array<i32>} : memref<50x80xi32, #tpu.memory_space<vmem>>, vector<16xi32>,
        %get3A_278 = arith.index_cast %add3A_184 : i32 to index
        %get3A_279 = arith.constant 64 : index
        %get3A_280 = tpu.vector_load %arg12[%get3A_278, %get3A_279] {strides = array<i32>} : memref<50x80xi32, #tpu.memory_space<vmem>>, vector<16xi32>,
        %gather3A_281 = tpu.vector_load_idx %arg13[%get3A_277] : memref<10240xf32, #tpu.memory_space<vmem>>[vector<16xi32>], vector<16xf32>,
        %gather3A_282 = tpu.vector_load_idx %arg14[%get3A_280] : memref<10240xf32, #tpu.memory_space<vmem>>[vector<16xi32>], vector<16xf32>,
        %add3A_283 = arith.addf %gather3A_281, %gather3A_282 : vector<16xf32>
        %ge3A_284 = arith.constant 0.000000e+00 : f32
        %ge3A_285 = vector.broadcast %ge3A_284 : f32 to vector<16xf32>
        %ge3A_286 = arith.cmpf oge, %add3A_283, %ge3A_285 : vector<16xf32>
        %mul3A_287 = arith.constant 0.00999999977 : f32
        %mul3A_288 = vector.broadcast %mul3A_287 : f32 to vector<16xf32>
        %mul3A_289 = arith.mulf %add3A_283, %mul3A_288 : vector<16xf32>
        %select_n3A_290 = arith.select %ge3A_286, %add3A_283, %mul3A_289 : vector<16xi1>, vector<16xf32>
        %exp3A_291 = math.exp %select_n3A_290 : vector<16xf32>
        %swap3A_292 = arith.constant 64 : index
        %swap3A_293 = tpu.vector_load %arg23[%swap3A_292] {strides = array<i32>} : memref<80xf32, #tpu.memory_space<vmem>>, vector<16xf32>,
        tpu.vector_store %arg23[%swap3A_292], %exp3A_291 {strides = array<i32>} : memref<80xf32, #tpu.memory_space<vmem>>, vector<16xf32>,
        %scan3A_294 = arith.constant 0 : i32
        %scan3A_295 = arith.constant 0 : i32
        %scan3A_296 = arith.constant 5 : i32
        %scan3A_297 = arith.addi %scan3A_295, %scan3A_296 : i32
        %scan3A_298 = arith.constant 1 : i32
        scf.for %scan3A_476 = %scan3A_295 to %scan3A_297 step %scan3A_298  : i32 {
          %mul3A_477 = arith.constant 16 : i32
          %mul3A_478 = arith.muli %scan3A_476, %mul3A_477 : i32
          %get3A_479 = arith.index_cast %mul3A_478 : i32 to index
          %get3A_480 = tpu.vector_load %arg23[%get3A_479] {strides = array<i32>} : memref<80xf32, #tpu.memory_space<vmem>>, vector<16xf32>,
          %slice3A = vector.extract_strided_slice %get3A_480 {offsets = [0], sizes = [1], strides = [1]} : vector<16xf32> to vector<1xf32>
          %squeeze3A = vector.extract %slice3A[0] : f32 from vector<1xf32>
          %mul3A_481 = arith.constant 16 : i32
          %mul3A_482 = arith.muli %scan3A_476, %mul3A_481 : i32
          %add3A_483 = arith.constant 0 : i32
          %add3A_484 = arith.addi %mul3A_482, %add3A_483 : i32
          %get3A_485 = arith.index_cast %add3A_484 : i32 to index
          %get3A_486 = arith.constant 0 : index
          %get3A_487 = tpu.vector_load %arg15[%get3A_485, %get3A_486] {strides = array<i32>} : memref<80x64xf32, #tpu.memory_space<vmem>>, vector<16xf32>,
          %mul3A_488 = vector.broadcast %squeeze3A : f32 to vector<16xf32>
          %mul3A_489 = arith.mulf %get3A_487, %mul3A_488 : vector<16xf32>
          %swap3A_490 = arith.index_cast %add3A_484 : i32 to index
          %swap3A_491 = arith.constant 0 : index
          %swap3A_492 = tpu.vector_load %arg17[%swap3A_490, %swap3A_491] {strides = array<i32>} : memref<80x64xf32, #tpu.memory_space<vmem>>, vector<16xf32>,
          tpu.vector_store %arg17[%swap3A_490, %swap3A_491], %mul3A_489 {strides = array<i32>} : memref<80x64xf32, #tpu.memory_space<vmem>>, vector<16xf32>,
          %get3A_493 = arith.index_cast %add3A_484 : i32 to index
          %get3A_494 = arith.constant 16 : index
          %get3A_495 = tpu.vector_load %arg15[%get3A_493, %get3A_494] {strides = array<i32>} : memref<80x64xf32, #tpu.memory_space<vmem>>, vector<16xf32>,
          %mul3A_496 = vector.broadcast %squeeze3A : f32 to vector<16xf32>
          %mul3A_497 = arith.mulf %get3A_495, %mul3A_496 : vector<16xf32>
          %swap3A_498 = arith.index_cast %add3A_484 : i32 to index
          %swap3A_499 = arith.constant 16 : index
          %swap3A_500 = tpu.vector_load %arg17[%swap3A_498, %swap3A_499] {strides = array<i32>} : memref<80x64xf32, #tpu.memory_space<vmem>>, vector<16xf32>,
          tpu.vector_store %arg17[%swap3A_498, %swap3A_499], %mul3A_497 {strides = array<i32>} : memref<80x64xf32, #tpu.memory_space<vmem>>, vector<16xf32>,
          %get3A_501 = arith.index_cast %add3A_484 : i32 to index
          %get3A_502 = arith.constant 32 : index
          %get3A_503 = tpu.vector_load %arg15[%get3A_501, %get3A_502] {strides = array<i32>} : memref<80x64xf32, #tpu.memory_space<vmem>>, vector<16xf32>,
          %mul3A_504 = vector.broadcast %squeeze3A : f32 to vector<16xf32>
          %mul3A_505 = arith.mulf %get3A_503, %mul3A_504 : vector<16xf32>
          %swap3A_506 = arith.index_cast %add3A_484 : i32 to index
          %swap3A_507 = arith.constant 32 : index
          %swap3A_508 = tpu.vector_load %arg17[%swap3A_506, %swap3A_507] {strides = array<i32>} : memref<80x64xf32, #tpu.memory_space<vmem>>, vector<16xf32>,
          tpu.vector_store %arg17[%swap3A_506, %swap3A_507], %mul3A_505 {strides = array<i32>} : memref<80x64xf32, #tpu.memory_space<vmem>>, vector<16xf32>,
          %get3A_509 = arith.index_cast %add3A_484 : i32 to index
          %get3A_510 = arith.constant 48 : index
          %get3A_511 = tpu.vector_load %arg15[%get3A_509, %get3A_510] {strides = array<i32>} : memref<80x64xf32, #tpu.memory_space<vmem>>, vector<16xf32>,
          %mul3A_512 = vector.broadcast %squeeze3A : f32 to vector<16xf32>
          %mul3A_513 = arith.mulf %get3A_511, %mul3A_512 : vector<16xf32>
          %swap3A_514 = arith.index_cast %add3A_484 : i32 to index
          %swap3A_515 = arith.constant 48 : index
          %swap3A_516 = tpu.vector_load %arg17[%swap3A_514, %swap3A_515] {strides = array<i32>} : memref<80x64xf32, #tpu.memory_space<vmem>>, vector<16xf32>,
          tpu.vector_store %arg17[%swap3A_514, %swap3A_515], %mul3A_513 {strides = array<i32>} : memref<80x64xf32, #tpu.memory_space<vmem>>, vector<16xf32>,
          %slice3A_517 = vector.extract_strided_slice %get3A_480 {offsets = [1], sizes = [1], strides = [1]} : vector<16xf32> to vector<1xf32>
          %squeeze3A_518 = vector.extract %slice3A_517[0] : f32 from vector<1xf32>
          %mul3A_519 = arith.constant 16 : i32
          %mul3A_520 = arith.muli %scan3A_476, %mul3A_519 : i32
          %add3A_521 = arith.constant 1 : i32
          %add3A_522 = arith.addi %mul3A_520, %add3A_521 : i32
          %get3A_523 = arith.index_cast %add3A_522 : i32 to index
          %get3A_524 = arith.constant 0 : index
          %get3A_525 = tpu.vector_load %arg15[%get3A_523, %get3A_524] {strides = array<i32>} : memref<80x64xf32, #tpu.memory_space<vmem>>, vector<16xf32>,
          %mul3A_526 = vector.broadcast %squeeze3A_518 : f32 to vector<16xf32>
          %mul3A_527 = arith.mulf %get3A_525, %mul3A_526 : vector<16xf32>
          %swap3A_528 = arith.index_cast %add3A_522 : i32 to index
          %swap3A_529 = arith.constant 0 : index
          %swap3A_530 = tpu.vector_load %arg17[%swap3A_528, %swap3A_529] {strides = array<i32>} : memref<80x64xf32, #tpu.memory_space<vmem>>, vector<16xf32>,
          tpu.vector_store %arg17[%swap3A_528, %swap3A_529], %mul3A_527 {strides = array<i32>} : memref<80x64xf32, #tpu.memory_space<vmem>>, vector<16xf32>,
          %get3A_531 = arith.index_cast %add3A_522 : i32 to index
          %get3A_532 = arith.constant 16 : index
          %get3A_533 = tpu.vector_load %arg15[%get3A_531, %get3A_532] {strides = array<i32>} : memref<80x64xf32, #tpu.memory_space<vmem>>, vector<16xf32>,
          %mul3A_534 = vector.broadcast %squeeze3A_518 : f32 to vector<16xf32>
          %mul3A_535 = arith.mulf %get3A_533, %mul3A_534 : vector<16xf32>
          %swap3A_536 = arith.index_cast %add3A_522 : i32 to index
          %swap3A_537 = arith.constant 16 : index
          %swap3A_538 = tpu.vector_load %arg17[%swap3A_536, %swap3A_537] {strides = array<i32>} : memref<80x64xf32, #tpu.memory_space<vmem>>, vector<16xf32>,
          tpu.vector_store %arg17[%swap3A_536, %swap3A_537], %mul3A_535 {strides = array<i32>} : memref<80x64xf32, #tpu.memory_space<vmem>>, vector<16xf32>,
          %get3A_539 = arith.index_cast %add3A_522 : i32 to index
          %get3A_540 = arith.constant 32 : index
          %get3A_541 = tpu.vector_load %arg15[%get3A_539, %get3A_540] {strides = array<i32>} : memref<80x64xf32, #tpu.memory_space<vmem>>, vector<16xf32>,
          %mul3A_542 = vector.broadcast %squeeze3A_518 : f32 to vector<16xf32>
          %mul3A_543 = arith.mulf %get3A_541, %mul3A_542 : vector<16xf32>
          %swap3A_544 = arith.index_cast %add3A_522 : i32 to index
          %swap3A_545 = arith.constant 32 : index
          %swap3A_546 = tpu.vector_load %arg17[%swap3A_544, %swap3A_545] {strides = array<i32>} : memref<80x64xf32, #tpu.memory_space<vmem>>, vector<16xf32>,
          tpu.vector_store %arg17[%swap3A_544, %swap3A_545], %mul3A_543 {strides = array<i32>} : memref<80x64xf32, #tpu.memory_space<vmem>>, vector<16xf32>,
          %get3A_547 = arith.index_cast %add3A_522 : i32 to index
          %get3A_548 = arith.constant 48 : index
          %get3A_549 = tpu.vector_load %arg15[%get3A_547, %get3A_548] {strides = array<i32>} : memref<80x64xf32, #tpu.memory_space<vmem>>, vector<16xf32>,
          %mul3A_550 = vector.broadcast %squeeze3A_518 : f32 to vector<16xf32>
          %mul3A_551 = arith.mulf %get3A_549, %mul3A_550 : vector<16xf32>
          %swap3A_552 = arith.index_cast %add3A_522 : i32 to index
          %swap3A_553 = arith.constant 48 : index
          %swap3A_554 = tpu.vector_load %arg17[%swap3A_552, %swap3A_553] {strides = array<i32>} : memref<80x64xf32, #tpu.memory_space<vmem>>, vector<16xf32>,
          tpu.vector_store %arg17[%swap3A_552, %swap3A_553], %mul3A_551 {strides = array<i32>} : memref<80x64xf32, #tpu.memory_space<vmem>>, vector<16xf32>,
          %slice3A_555 = vector.extract_strided_slice %get3A_480 {offsets = [2], sizes = [1], strides = [1]} : vector<16xf32> to vector<1xf32>
          %squeeze3A_556 = vector.extract %slice3A_555[0] : f32 from vector<1xf32>
          %mul3A_557 = arith.constant 16 : i32
          %mul3A_558 = arith.muli %scan3A_476, %mul3A_557 : i32
          %add3A_559 = arith.constant 2 : i32
          %add3A_560 = arith.addi %mul3A_558, %add3A_559 : i32
          %get3A_561 = arith.index_cast %add3A_560 : i32 to index
          %get3A_562 = arith.constant 0 : index
          %get3A_563 = tpu.vector_load %arg15[%get3A_561, %get3A_562] {strides = array<i32>} : memref<80x64xf32, #tpu.memory_space<vmem>>, vector<16xf32>,
          %mul3A_564 = vector.broadcast %squeeze3A_556 : f32 to vector<16xf32>
          %mul3A_565 = arith.mulf %get3A_563, %mul3A_564 : vector<16xf32>
          %swap3A_566 = arith.index_cast %add3A_560 : i32 to index
          %swap3A_567 = arith.constant 0 : index
          %swap3A_568 = tpu.vector_load %arg17[%swap3A_566, %swap3A_567] {strides = array<i32>} : memref<80x64xf32, #tpu.memory_space<vmem>>, vector<16xf32>,
          tpu.vector_store %arg17[%swap3A_566, %swap3A_567], %mul3A_565 {strides = array<i32>} : memref<80x64xf32, #tpu.memory_space<vmem>>, vector<16xf32>,
          %get3A_569 = arith.index_cast %add3A_560 : i32 to index
          %get3A_570 = arith.constant 16 : index
          %get3A_571 = tpu.vector_load %arg15[%get3A_569, %get3A_570] {strides = array<i32>} : memref<80x64xf32, #tpu.memory_space<vmem>>, vector<16xf32>,
          %mul3A_572 = vector.broadcast %squeeze3A_556 : f32 to vector<16xf32>
          %mul3A_573 = arith.mulf %get3A_571, %mul3A_572 : vector<16xf32>
          %swap3A_574 = arith.index_cast %add3A_560 : i32 to index
          %swap3A_575 = arith.constant 16 : index
          %swap3A_576 = tpu.vector_load %arg17[%swap3A_574, %swap3A_575] {strides = array<i32>} : memref<80x64xf32, #tpu.memory_space<vmem>>, vector<16xf32>,
          tpu.vector_store %arg17[%swap3A_574, %swap3A_575], %mul3A_573 {strides = array<i32>} : memref<80x64xf32, #tpu.memory_space<vmem>>, vector<16xf32>,
          %get3A_577 = arith.index_cast %add3A_560 : i32 to index
          %get3A_578 = arith.constant 32 : index
          %get3A_579 = tpu.vector_load %arg15[%get3A_577, %get3A_578] {strides = array<i32>} : memref<80x64xf32, #tpu.memory_space<vmem>>, vector<16xf32>,
          %mul3A_580 = vector.broadcast %squeeze3A_556 : f32 to vector<16xf32>
          %mul3A_581 = arith.mulf %get3A_579, %mul3A_580 : vector<16xf32>
          %swap3A_582 = arith.index_cast %add3A_560 : i32 to index
          %swap3A_583 = arith.constant 32 : index
          %swap3A_584 = tpu.vector_load %arg17[%swap3A_582, %swap3A_583] {strides = array<i32>} : memref<80x64xf32, #tpu.memory_space<vmem>>, vector<16xf32>,
          tpu.vector_store %arg17[%swap3A_582, %swap3A_583], %mul3A_581 {strides = array<i32>} : memref<80x64xf32, #tpu.memory_space<vmem>>, vector<16xf32>,
          %get3A_585 = arith.index_cast %add3A_560 : i32 to index
          %get3A_586 = arith.constant 48 : index
          %get3A_587 = tpu.vector_load %arg15[%get3A_585, %get3A_586] {strides = array<i32>} : memref<80x64xf32, #tpu.memory_space<vmem>>, vector<16xf32>,
          %mul3A_588 = vector.broadcast %squeeze3A_556 : f32 to vector<16xf32>
          %mul3A_589 = arith.mulf %get3A_587, %mul3A_588 : vector<16xf32>
          %swap3A_590 = arith.index_cast %add3A_560 : i32 to index
          %swap3A_591 = arith.constant 48 : index
          %swap3A_592 = tpu.vector_load %arg17[%swap3A_590, %swap3A_591] {strides = array<i32>} : memref<80x64xf32, #tpu.memory_space<vmem>>, vector<16xf32>,
          tpu.vector_store %arg17[%swap3A_590, %swap3A_591], %mul3A_589 {strides = array<i32>} : memref<80x64xf32, #tpu.memory_space<vmem>>, vector<16xf32>,
          %slice3A_593 = vector.extract_strided_slice %get3A_480 {offsets = [3], sizes = [1], strides = [1]} : vector<16xf32> to vector<1xf32>
          %squeeze3A_594 = vector.extract %slice3A_593[0] : f32 from vector<1xf32>
          %mul3A_595 = arith.constant 16 : i32
          %mul3A_596 = arith.muli %scan3A_476, %mul3A_595 : i32
          %add3A_597 = arith.constant 3 : i32
          %add3A_598 = arith.addi %mul3A_596, %add3A_597 : i32
          %get3A_599 = arith.index_cast %add3A_598 : i32 to index
          %get3A_600 = arith.constant 0 : index
          %get3A_601 = tpu.vector_load %arg15[%get3A_599, %get3A_600] {strides = array<i32>} : memref<80x64xf32, #tpu.memory_space<vmem>>, vector<16xf32>,
          %mul3A_602 = vector.broadcast %squeeze3A_594 : f32 to vector<16xf32>
          %mul3A_603 = arith.mulf %get3A_601, %mul3A_602 : vector<16xf32>
          %swap3A_604 = arith.index_cast %add3A_598 : i32 to index
          %swap3A_605 = arith.constant 0 : index
          %swap3A_606 = tpu.vector_load %arg17[%swap3A_604, %swap3A_605] {strides = array<i32>} : memref<80x64xf32, #tpu.memory_space<vmem>>, vector<16xf32>,
          tpu.vector_store %arg17[%swap3A_604, %swap3A_605], %mul3A_603 {strides = array<i32>} : memref<80x64xf32, #tpu.memory_space<vmem>>, vector<16xf32>,
          %get3A_607 = arith.index_cast %add3A_598 : i32 to index
          %get3A_608 = arith.constant 16 : index
          %get3A_609 = tpu.vector_load %arg15[%get3A_607, %get3A_608] {strides = array<i32>} : memref<80x64xf32, #tpu.memory_space<vmem>>, vector<16xf32>,
          %mul3A_610 = vector.broadcast %squeeze3A_594 : f32 to vector<16xf32>
          %mul3A_611 = arith.mulf %get3A_609, %mul3A_610 : vector<16xf32>
          %swap3A_612 = arith.index_cast %add3A_598 : i32 to index
          %swap3A_613 = arith.constant 16 : index
          %swap3A_614 = tpu.vector_load %arg17[%swap3A_612, %swap3A_613] {strides = array<i32>} : memref<80x64xf32, #tpu.memory_space<vmem>>, vector<16xf32>,
          tpu.vector_store %arg17[%swap3A_612, %swap3A_613], %mul3A_611 {strides = array<i32>} : memref<80x64xf32, #tpu.memory_space<vmem>>, vector<16xf32>,
          %get3A_615 = arith.index_cast %add3A_598 : i32 to index
          %get3A_616 = arith.constant 32 : index
          %get3A_617 = tpu.vector_load %arg15[%get3A_615, %get3A_616] {strides = array<i32>} : memref<80x64xf32, #tpu.memory_space<vmem>>, vector<16xf32>,
          %mul3A_618 = vector.broadcast %squeeze3A_594 : f32 to vector<16xf32>
          %mul3A_619 = arith.mulf %get3A_617, %mul3A_618 : vector<16xf32>
          %swap3A_620 = arith.index_cast %add3A_598 : i32 to index
          %swap3A_621 = arith.constant 32 : index
          %swap3A_622 = tpu.vector_load %arg17[%swap3A_620, %swap3A_621] {strides = array<i32>} : memref<80x64xf32, #tpu.memory_space<vmem>>, vector<16xf32>,
          tpu.vector_store %arg17[%swap3A_620, %swap3A_621], %mul3A_619 {strides = array<i32>} : memref<80x64xf32, #tpu.memory_space<vmem>>, vector<16xf32>,
          %get3A_623 = arith.index_cast %add3A_598 : i32 to index
          %get3A_624 = arith.constant 48 : index
          %get3A_625 = tpu.vector_load %arg15[%get3A_623, %get3A_624] {strides = array<i32>} : memref<80x64xf32, #tpu.memory_space<vmem>>, vector<16xf32>,
          %mul3A_626 = vector.broadcast %squeeze3A_594 : f32 to vector<16xf32>
          %mul3A_627 = arith.mulf %get3A_625, %mul3A_626 : vector<16xf32>
          %swap3A_628 = arith.index_cast %add3A_598 : i32 to index
          %swap3A_629 = arith.constant 48 : index
          %swap3A_630 = tpu.vector_load %arg17[%swap3A_628, %swap3A_629] {strides = array<i32>} : memref<80x64xf32, #tpu.memory_space<vmem>>, vector<16xf32>,
          tpu.vector_store %arg17[%swap3A_628, %swap3A_629], %mul3A_627 {strides = array<i32>} : memref<80x64xf32, #tpu.memory_space<vmem>>, vector<16xf32>,
          %slice3A_631 = vector.extract_strided_slice %get3A_480 {offsets = [4], sizes = [1], strides = [1]} : vector<16xf32> to vector<1xf32>
          %squeeze3A_632 = vector.extract %slice3A_631[0] : f32 from vector<1xf32>
          %mul3A_633 = arith.constant 16 : i32
          %mul3A_634 = arith.muli %scan3A_476, %mul3A_633 : i32
          %add3A_635 = arith.constant 4 : i32
          %add3A_636 = arith.addi %mul3A_634, %add3A_635 : i32
          %get3A_637 = arith.index_cast %add3A_636 : i32 to index
          %get3A_638 = arith.constant 0 : index
          %get3A_639 = tpu.vector_load %arg15[%get3A_637, %get3A_638] {strides = array<i32>} : memref<80x64xf32, #tpu.memory_space<vmem>>, vector<16xf32>,
          %mul3A_640 = vector.broadcast %squeeze3A_632 : f32 to vector<16xf32>
          %mul3A_641 = arith.mulf %get3A_639, %mul3A_640 : vector<16xf32>
          %swap3A_642 = arith.index_cast %add3A_636 : i32 to index
          %swap3A_643 = arith.constant 0 : index
          %swap3A_644 = tpu.vector_load %arg17[%swap3A_642, %swap3A_643] {strides = array<i32>} : memref<80x64xf32, #tpu.memory_space<vmem>>, vector<16xf32>,
          tpu.vector_store %arg17[%swap3A_642, %swap3A_643], %mul3A_641 {strides = array<i32>} : memref<80x64xf32, #tpu.memory_space<vmem>>, vector<16xf32>,
          %get3A_645 = arith.index_cast %add3A_636 : i32 to index
          %get3A_646 = arith.constant 16 : index
          %get3A_647 = tpu.vector_load %arg15[%get3A_645, %get3A_646] {strides = array<i32>} : memref<80x64xf32, #tpu.memory_space<vmem>>, vector<16xf32>,
          %mul3A_648 = vector.broadcast %squeeze3A_632 : f32 to vector<16xf32>
          %mul3A_649 = arith.mulf %get3A_647, %mul3A_648 : vector<16xf32>
          %swap3A_650 = arith.index_cast %add3A_636 : i32 to index
          %swap3A_651 = arith.constant 16 : index
          %swap3A_652 = tpu.vector_load %arg17[%swap3A_650, %swap3A_651] {strides = array<i32>} : memref<80x64xf32, #tpu.memory_space<vmem>>, vector<16xf32>,
          tpu.vector_store %arg17[%swap3A_650, %swap3A_651], %mul3A_649 {strides = array<i32>} : memref<80x64xf32, #tpu.memory_space<vmem>>, vector<16xf32>,
          %get3A_653 = arith.index_cast %add3A_636 : i32 to index
          %get3A_654 = arith.constant 32 : index
          %get3A_655 = tpu.vector_load %arg15[%get3A_653, %get3A_654] {strides = array<i32>} : memref<80x64xf32, #tpu.memory_space<vmem>>, vector<16xf32>,
          %mul3A_656 = vector.broadcast %squeeze3A_632 : f32 to vector<16xf32>
          %mul3A_657 = arith.mulf %get3A_655, %mul3A_656 : vector<16xf32>
          %swap3A_658 = arith.index_cast %add3A_636 : i32 to index
          %swap3A_659 = arith.constant 32 : index
          %swap3A_660 = tpu.vector_load %arg17[%swap3A_658, %swap3A_659] {strides = array<i32>} : memref<80x64xf32, #tpu.memory_space<vmem>>, vector<16xf32>,
          tpu.vector_store %arg17[%swap3A_658, %swap3A_659], %mul3A_657 {strides = array<i32>} : memref<80x64xf32, #tpu.memory_space<vmem>>, vector<16xf32>,
          %get3A_661 = arith.index_cast %add3A_636 : i32 to index
          %get3A_662 = arith.constant 48 : index
          %get3A_663 = tpu.vector_load %arg15[%get3A_661, %get3A_662] {strides = array<i32>} : memref<80x64xf32, #tpu.memory_space<vmem>>, vector<16xf32>,
          %mul3A_664 = vector.broadcast %squeeze3A_632 : f32 to vector<16xf32>
          %mul3A_665 = arith.mulf %get3A_663, %mul3A_664 : vector<16xf32>
          %swap3A_666 = arith.index_cast %add3A_636 : i32 to index
          %swap3A_667 = arith.constant 48 : index
          %swap3A_668 = tpu.vector_load %arg17[%swap3A_666, %swap3A_667] {strides = array<i32>} : memref<80x64xf32, #tpu.memory_space<vmem>>, vector<16xf32>,
          tpu.vector_store %arg17[%swap3A_666, %swap3A_667], %mul3A_665 {strides = array<i32>} : memref<80x64xf32, #tpu.memory_space<vmem>>, vector<16xf32>,
          %slice3A_669 = vector.extract_strided_slice %get3A_480 {offsets = [5], sizes = [1], strides = [1]} : vector<16xf32> to vector<1xf32>
          %squeeze3A_670 = vector.extract %slice3A_669[0] : f32 from vector<1xf32>
          %mul3A_671 = arith.constant 16 : i32
          %mul3A_672 = arith.muli %scan3A_476, %mul3A_671 : i32
          %add3A_673 = arith.constant 5 : i32
          %add3A_674 = arith.addi %mul3A_672, %add3A_673 : i32
          %get3A_675 = arith.index_cast %add3A_674 : i32 to index
          %get3A_676 = arith.constant 0 : index
          %get3A_677 = tpu.vector_load %arg15[%get3A_675, %get3A_676] {strides = array<i32>} : memref<80x64xf32, #tpu.memory_space<vmem>>, vector<16xf32>,
          %mul3A_678 = vector.broadcast %squeeze3A_670 : f32 to vector<16xf32>
          %mul3A_679 = arith.mulf %get3A_677, %mul3A_678 : vector<16xf32>
          %swap3A_680 = arith.index_cast %add3A_674 : i32 to index
          %swap3A_681 = arith.constant 0 : index
          %swap3A_682 = tpu.vector_load %arg17[%swap3A_680, %swap3A_681] {strides = array<i32>} : memref<80x64xf32, #tpu.memory_space<vmem>>, vector<16xf32>,
          tpu.vector_store %arg17[%swap3A_680, %swap3A_681], %mul3A_679 {strides = array<i32>} : memref<80x64xf32, #tpu.memory_space<vmem>>, vector<16xf32>,
          %get3A_683 = arith.index_cast %add3A_674 : i32 to index
          %get3A_684 = arith.constant 16 : index
          %get3A_685 = tpu.vector_load %arg15[%get3A_683, %get3A_684] {strides = array<i32>} : memref<80x64xf32, #tpu.memory_space<vmem>>, vector<16xf32>,
          %mul3A_686 = vector.broadcast %squeeze3A_670 : f32 to vector<16xf32>
          %mul3A_687 = arith.mulf %get3A_685, %mul3A_686 : vector<16xf32>
          %swap3A_688 = arith.index_cast %add3A_674 : i32 to index
          %swap3A_689 = arith.constant 16 : index
          %swap3A_690 = tpu.vector_load %arg17[%swap3A_688, %swap3A_689] {strides = array<i32>} : memref<80x64xf32, #tpu.memory_space<vmem>>, vector<16xf32>,
          tpu.vector_store %arg17[%swap3A_688, %swap3A_689], %mul3A_687 {strides = array<i32>} : memref<80x64xf32, #tpu.memory_space<vmem>>, vector<16xf32>,
          %get3A_691 = arith.index_cast %add3A_674 : i32 to index
          %get3A_692 = arith.constant 32 : index
          %get3A_693 = tpu.vector_load %arg15[%get3A_691, %get3A_692] {strides = array<i32>} : memref<80x64xf32, #tpu.memory_space<vmem>>, vector<16xf32>,
          %mul3A_694 = vector.broadcast %squeeze3A_670 : f32 to vector<16xf32>
          %mul3A_695 = arith.mulf %get3A_693, %mul3A_694 : vector<16xf32>
          %swap3A_696 = arith.index_cast %add3A_674 : i32 to index
          %swap3A_697 = arith.constant 32 : index
          %swap3A_698 = tpu.vector_load %arg17[%swap3A_696, %swap3A_697] {strides = array<i32>} : memref<80x64xf32, #tpu.memory_space<vmem>>, vector<16xf32>,
          tpu.vector_store %arg17[%swap3A_696, %swap3A_697], %mul3A_695 {strides = array<i32>} : memref<80x64xf32, #tpu.memory_space<vmem>>, vector<16xf32>,
          %get3A_699 = arith.index_cast %add3A_674 : i32 to index
          %get3A_700 = arith.constant 48 : index
          %get3A_701 = tpu.vector_load %arg15[%get3A_699, %get3A_700] {strides = array<i32>} : memref<80x64xf32, #tpu.memory_space<vmem>>, vector<16xf32>,
          %mul3A_702 = vector.broadcast %squeeze3A_670 : f32 to vector<16xf32>
          %mul3A_703 = arith.mulf %get3A_701, %mul3A_702 : vector<16xf32>
          %swap3A_704 = arith.index_cast %add3A_674 : i32 to index
          %swap3A_705 = arith.constant 48 : index
          %swap3A_706 = tpu.vector_load %arg17[%swap3A_704, %swap3A_705] {strides = array<i32>} : memref<80x64xf32, #tpu.memory_space<vmem>>, vector<16xf32>,
          tpu.vector_store %arg17[%swap3A_704, %swap3A_705], %mul3A_703 {strides = array<i32>} : memref<80x64xf32, #tpu.memory_space<vmem>>, vector<16xf32>,
          %slice3A_707 = vector.extract_strided_slice %get3A_480 {offsets = [6], sizes = [1], strides = [1]} : vector<16xf32> to vector<1xf32>
          %squeeze3A_708 = vector.extract %slice3A_707[0] : f32 from vector<1xf32>
          %mul3A_709 = arith.constant 16 : i32
          %mul3A_710 = arith.muli %scan3A_476, %mul3A_709 : i32
          %add3A_711 = arith.constant 6 : i32
          %add3A_712 = arith.addi %mul3A_710, %add3A_711 : i32
          %get3A_713 = arith.index_cast %add3A_712 : i32 to index
          %get3A_714 = arith.constant 0 : index
          %get3A_715 = tpu.vector_load %arg15[%get3A_713, %get3A_714] {strides = array<i32>} : memref<80x64xf32, #tpu.memory_space<vmem>>, vector<16xf32>,
          %mul3A_716 = vector.broadcast %squeeze3A_708 : f32 to vector<16xf32>
          %mul3A_717 = arith.mulf %get3A_715, %mul3A_716 : vector<16xf32>
          %swap3A_718 = arith.index_cast %add3A_712 : i32 to index
          %swap3A_719 = arith.constant 0 : index
          %swap3A_720 = tpu.vector_load %arg17[%swap3A_718, %swap3A_719] {strides = array<i32>} : memref<80x64xf32, #tpu.memory_space<vmem>>, vector<16xf32>,
          tpu.vector_store %arg17[%swap3A_718, %swap3A_719], %mul3A_717 {strides = array<i32>} : memref<80x64xf32, #tpu.memory_space<vmem>>, vector<16xf32>,
          %get3A_721 = arith.index_cast %add3A_712 : i32 to index
          %get3A_722 = arith.constant 16 : index
          %get3A_723 = tpu.vector_load %arg15[%get3A_721, %get3A_722] {strides = array<i32>} : memref<80x64xf32, #tpu.memory_space<vmem>>, vector<16xf32>,
          %mul3A_724 = vector.broadcast %squeeze3A_708 : f32 to vector<16xf32>
          %mul3A_725 = arith.mulf %get3A_723, %mul3A_724 : vector<16xf32>
          %swap3A_726 = arith.index_cast %add3A_712 : i32 to index
          %swap3A_727 = arith.constant 16 : index
          %swap3A_728 = tpu.vector_load %arg17[%swap3A_726, %swap3A_727] {strides = array<i32>} : memref<80x64xf32, #tpu.memory_space<vmem>>, vector<16xf32>,
          tpu.vector_store %arg17[%swap3A_726, %swap3A_727], %mul3A_725 {strides = array<i32>} : memref<80x64xf32, #tpu.memory_space<vmem>>, vector<16xf32>,
          %get3A_729 = arith.index_cast %add3A_712 : i32 to index
          %get3A_730 = arith.constant 32 : index
          %get3A_731 = tpu.vector_load %arg15[%get3A_729, %get3A_730] {strides = array<i32>} : memref<80x64xf32, #tpu.memory_space<vmem>>, vector<16xf32>,
          %mul3A_732 = vector.broadcast %squeeze3A_708 : f32 to vector<16xf32>
          %mul3A_733 = arith.mulf %get3A_731, %mul3A_732 : vector<16xf32>
          %swap3A_734 = arith.index_cast %add3A_712 : i32 to index
          %swap3A_735 = arith.constant 32 : index
          %swap3A_736 = tpu.vector_load %arg17[%swap3A_734, %swap3A_735] {strides = array<i32>} : memref<80x64xf32, #tpu.memory_space<vmem>>, vector<16xf32>,
          tpu.vector_store %arg17[%swap3A_734, %swap3A_735], %mul3A_733 {strides = array<i32>} : memref<80x64xf32, #tpu.memory_space<vmem>>, vector<16xf32>,
          %get3A_737 = arith.index_cast %add3A_712 : i32 to index
          %get3A_738 = arith.constant 48 : index
          %get3A_739 = tpu.vector_load %arg15[%get3A_737, %get3A_738] {strides = array<i32>} : memref<80x64xf32, #tpu.memory_space<vmem>>, vector<16xf32>,
          %mul3A_740 = vector.broadcast %squeeze3A_708 : f32 to vector<16xf32>
          %mul3A_741 = arith.mulf %get3A_739, %mul3A_740 : vector<16xf32>
          %swap3A_742 = arith.index_cast %add3A_712 : i32 to index
          %swap3A_743 = arith.constant 48 : index
          %swap3A_744 = tpu.vector_load %arg17[%swap3A_742, %swap3A_743] {strides = array<i32>} : memref<80x64xf32, #tpu.memory_space<vmem>>, vector<16xf32>,
          tpu.vector_store %arg17[%swap3A_742, %swap3A_743], %mul3A_741 {strides = array<i32>} : memref<80x64xf32, #tpu.memory_space<vmem>>, vector<16xf32>,
          %slice3A_745 = vector.extract_strided_slice %get3A_480 {offsets = [7], sizes = [1], strides = [1]} : vector<16xf32> to vector<1xf32>
          %squeeze3A_746 = vector.extract %slice3A_745[0] : f32 from vector<1xf32>
          %mul3A_747 = arith.constant 16 : i32
          %mul3A_748 = arith.muli %scan3A_476, %mul3A_747 : i32
          %add3A_749 = arith.constant 7 : i32
          %add3A_750 = arith.addi %mul3A_748, %add3A_749 : i32
          %get3A_751 = arith.index_cast %add3A_750 : i32 to index
          %get3A_752 = arith.constant 0 : index
          %get3A_753 = tpu.vector_load %arg15[%get3A_751, %get3A_752] {strides = array<i32>} : memref<80x64xf32, #tpu.memory_space<vmem>>, vector<16xf32>,
          %mul3A_754 = vector.broadcast %squeeze3A_746 : f32 to vector<16xf32>
          %mul3A_755 = arith.mulf %get3A_753, %mul3A_754 : vector<16xf32>
          %swap3A_756 = arith.index_cast %add3A_750 : i32 to index
          %swap3A_757 = arith.constant 0 : index
          %swap3A_758 = tpu.vector_load %arg17[%swap3A_756, %swap3A_757] {strides = array<i32>} : memref<80x64xf32, #tpu.memory_space<vmem>>, vector<16xf32>,
          tpu.vector_store %arg17[%swap3A_756, %swap3A_757], %mul3A_755 {strides = array<i32>} : memref<80x64xf32, #tpu.memory_space<vmem>>, vector<16xf32>,
          %get3A_759 = arith.index_cast %add3A_750 : i32 to index
          %get3A_760 = arith.constant 16 : index
          %get3A_761 = tpu.vector_load %arg15[%get3A_759, %get3A_760] {strides = array<i32>} : memref<80x64xf32, #tpu.memory_space<vmem>>, vector<16xf32>,
          %mul3A_762 = vector.broadcast %squeeze3A_746 : f32 to vector<16xf32>
          %mul3A_763 = arith.mulf %get3A_761, %mul3A_762 : vector<16xf32>
          %swap3A_764 = arith.index_cast %add3A_750 : i32 to index
          %swap3A_765 = arith.constant 16 : index
          %swap3A_766 = tpu.vector_load %arg17[%swap3A_764, %swap3A_765] {strides = array<i32>} : memref<80x64xf32, #tpu.memory_space<vmem>>, vector<16xf32>,
          tpu.vector_store %arg17[%swap3A_764, %swap3A_765], %mul3A_763 {strides = array<i32>} : memref<80x64xf32, #tpu.memory_space<vmem>>, vector<16xf32>,
          %get3A_767 = arith.index_cast %add3A_750 : i32 to index
          %get3A_768 = arith.constant 32 : index
          %get3A_769 = tpu.vector_load %arg15[%get3A_767, %get3A_768] {strides = array<i32>} : memref<80x64xf32, #tpu.memory_space<vmem>>, vector<16xf32>,
          %mul3A_770 = vector.broadcast %squeeze3A_746 : f32 to vector<16xf32>
          %mul3A_771 = arith.mulf %get3A_769, %mul3A_770 : vector<16xf32>
          %swap3A_772 = arith.index_cast %add3A_750 : i32 to index
          %swap3A_773 = arith.constant 32 : index
          %swap3A_774 = tpu.vector_load %arg17[%swap3A_772, %swap3A_773] {strides = array<i32>} : memref<80x64xf32, #tpu.memory_space<vmem>>, vector<16xf32>,
          tpu.vector_store %arg17[%swap3A_772, %swap3A_773], %mul3A_771 {strides = array<i32>} : memref<80x64xf32, #tpu.memory_space<vmem>>, vector<16xf32>,
          %get3A_775 = arith.index_cast %add3A_750 : i32 to index
          %get3A_776 = arith.constant 48 : index
          %get3A_777 = tpu.vector_load %arg15[%get3A_775, %get3A_776] {strides = array<i32>} : memref<80x64xf32, #tpu.memory_space<vmem>>, vector<16xf32>,
          %mul3A_778 = vector.broadcast %squeeze3A_746 : f32 to vector<16xf32>
          %mul3A_779 = arith.mulf %get3A_777, %mul3A_778 : vector<16xf32>
          %swap3A_780 = arith.index_cast %add3A_750 : i32 to index
          %swap3A_781 = arith.constant 48 : index
          %swap3A_782 = tpu.vector_load %arg17[%swap3A_780, %swap3A_781] {strides = array<i32>} : memref<80x64xf32, #tpu.memory_space<vmem>>, vector<16xf32>,
          tpu.vector_store %arg17[%swap3A_780, %swap3A_781], %mul3A_779 {strides = array<i32>} : memref<80x64xf32, #tpu.memory_space<vmem>>, vector<16xf32>,
          %slice3A_783 = vector.extract_strided_slice %get3A_480 {offsets = [8], sizes = [1], strides = [1]} : vector<16xf32> to vector<1xf32>
          %squeeze3A_784 = vector.extract %slice3A_783[0] : f32 from vector<1xf32>
          %mul3A_785 = arith.constant 16 : i32
          %mul3A_786 = arith.muli %scan3A_476, %mul3A_785 : i32
          %add3A_787 = arith.constant 8 : i32
          %add3A_788 = arith.addi %mul3A_786, %add3A_787 : i32
          %get3A_789 = arith.index_cast %add3A_788 : i32 to index
          %get3A_790 = arith.constant 0 : index
          %get3A_791 = tpu.vector_load %arg15[%get3A_789, %get3A_790] {strides = array<i32>} : memref<80x64xf32, #tpu.memory_space<vmem>>, vector<16xf32>,
          %mul3A_792 = vector.broadcast %squeeze3A_784 : f32 to vector<16xf32>
          %mul3A_793 = arith.mulf %get3A_791, %mul3A_792 : vector<16xf32>
          %swap3A_794 = arith.index_cast %add3A_788 : i32 to index
          %swap3A_795 = arith.constant 0 : index
          %swap3A_796 = tpu.vector_load %arg17[%swap3A_794, %swap3A_795] {strides = array<i32>} : memref<80x64xf32, #tpu.memory_space<vmem>>, vector<16xf32>,
          tpu.vector_store %arg17[%swap3A_794, %swap3A_795], %mul3A_793 {strides = array<i32>} : memref<80x64xf32, #tpu.memory_space<vmem>>, vector<16xf32>,
          %get3A_797 = arith.index_cast %add3A_788 : i32 to index
          %get3A_798 = arith.constant 16 : index
          %get3A_799 = tpu.vector_load %arg15[%get3A_797, %get3A_798] {strides = array<i32>} : memref<80x64xf32, #tpu.memory_space<vmem>>, vector<16xf32>,
          %mul3A_800 = vector.broadcast %squeeze3A_784 : f32 to vector<16xf32>
          %mul3A_801 = arith.mulf %get3A_799, %mul3A_800 : vector<16xf32>
          %swap3A_802 = arith.index_cast %add3A_788 : i32 to index
          %swap3A_803 = arith.constant 16 : index
          %swap3A_804 = tpu.vector_load %arg17[%swap3A_802, %swap3A_803] {strides = array<i32>} : memref<80x64xf32, #tpu.memory_space<vmem>>, vector<16xf32>,
          tpu.vector_store %arg17[%swap3A_802, %swap3A_803], %mul3A_801 {strides = array<i32>} : memref<80x64xf32, #tpu.memory_space<vmem>>, vector<16xf32>,
          %get3A_805 = arith.index_cast %add3A_788 : i32 to index
          %get3A_806 = arith.constant 32 : index
          %get3A_807 = tpu.vector_load %arg15[%get3A_805, %get3A_806] {strides = array<i32>} : memref<80x64xf32, #tpu.memory_space<vmem>>, vector<16xf32>,
          %mul3A_808 = vector.broadcast %squeeze3A_784 : f32 to vector<16xf32>
          %mul3A_809 = arith.mulf %get3A_807, %mul3A_808 : vector<16xf32>
          %swap3A_810 = arith.index_cast %add3A_788 : i32 to index
          %swap3A_811 = arith.constant 32 : index
          %swap3A_812 = tpu.vector_load %arg17[%swap3A_810, %swap3A_811] {strides = array<i32>} : memref<80x64xf32, #tpu.memory_space<vmem>>, vector<16xf32>,
          tpu.vector_store %arg17[%swap3A_810, %swap3A_811], %mul3A_809 {strides = array<i32>} : memref<80x64xf32, #tpu.memory_space<vmem>>, vector<16xf32>,
          %get3A_813 = arith.index_cast %add3A_788 : i32 to index
          %get3A_814 = arith.constant 48 : index
          %get3A_815 = tpu.vector_load %arg15[%get3A_813, %get3A_814] {strides = array<i32>} : memref<80x64xf32, #tpu.memory_space<vmem>>, vector<16xf32>,
          %mul3A_816 = vector.broadcast %squeeze3A_784 : f32 to vector<16xf32>
          %mul3A_817 = arith.mulf %get3A_815, %mul3A_816 : vector<16xf32>
          %swap3A_818 = arith.index_cast %add3A_788 : i32 to index
          %swap3A_819 = arith.constant 48 : index
          %swap3A_820 = tpu.vector_load %arg17[%swap3A_818, %swap3A_819] {strides = array<i32>} : memref<80x64xf32, #tpu.memory_space<vmem>>, vector<16xf32>,
          tpu.vector_store %arg17[%swap3A_818, %swap3A_819], %mul3A_817 {strides = array<i32>} : memref<80x64xf32, #tpu.memory_space<vmem>>, vector<16xf32>,
          %slice3A_821 = vector.extract_strided_slice %get3A_480 {offsets = [9], sizes = [1], strides = [1]} : vector<16xf32> to vector<1xf32>
          %squeeze3A_822 = vector.extract %slice3A_821[0] : f32 from vector<1xf32>
          %mul3A_823 = arith.constant 16 : i32
          %mul3A_824 = arith.muli %scan3A_476, %mul3A_823 : i32
          %add3A_825 = arith.constant 9 : i32
          %add3A_826 = arith.addi %mul3A_824, %add3A_825 : i32
          %get3A_827 = arith.index_cast %add3A_826 : i32 to index
          %get3A_828 = arith.constant 0 : index
          %get3A_829 = tpu.vector_load %arg15[%get3A_827, %get3A_828] {strides = array<i32>} : memref<80x64xf32, #tpu.memory_space<vmem>>, vector<16xf32>,
          %mul3A_830 = vector.broadcast %squeeze3A_822 : f32 to vector<16xf32>
          %mul3A_831 = arith.mulf %get3A_829, %mul3A_830 : vector<16xf32>
          %swap3A_832 = arith.index_cast %add3A_826 : i32 to index
          %swap3A_833 = arith.constant 0 : index
          %swap3A_834 = tpu.vector_load %arg17[%swap3A_832, %swap3A_833] {strides = array<i32>} : memref<80x64xf32, #tpu.memory_space<vmem>>, vector<16xf32>,
          tpu.vector_store %arg17[%swap3A_832, %swap3A_833], %mul3A_831 {strides = array<i32>} : memref<80x64xf32, #tpu.memory_space<vmem>>, vector<16xf32>,
          %get3A_835 = arith.index_cast %add3A_826 : i32 to index
          %get3A_836 = arith.constant 16 : index
          %get3A_837 = tpu.vector_load %arg15[%get3A_835, %get3A_836] {strides = array<i32>} : memref<80x64xf32, #tpu.memory_space<vmem>>, vector<16xf32>,
          %mul3A_838 = vector.broadcast %squeeze3A_822 : f32 to vector<16xf32>
          %mul3A_839 = arith.mulf %get3A_837, %mul3A_838 : vector<16xf32>
          %swap3A_840 = arith.index_cast %add3A_826 : i32 to index
          %swap3A_841 = arith.constant 16 : index
          %swap3A_842 = tpu.vector_load %arg17[%swap3A_840, %swap3A_841] {strides = array<i32>} : memref<80x64xf32, #tpu.memory_space<vmem>>, vector<16xf32>,
          tpu.vector_store %arg17[%swap3A_840, %swap3A_841], %mul3A_839 {strides = array<i32>} : memref<80x64xf32, #tpu.memory_space<vmem>>, vector<16xf32>,
          %get3A_843 = arith.index_cast %add3A_826 : i32 to index
          %get3A_844 = arith.constant 32 : index
          %get3A_845 = tpu.vector_load %arg15[%get3A_843, %get3A_844] {strides = array<i32>} : memref<80x64xf32, #tpu.memory_space<vmem>>, vector<16xf32>,
          %mul3A_846 = vector.broadcast %squeeze3A_822 : f32 to vector<16xf32>
          %mul3A_847 = arith.mulf %get3A_845, %mul3A_846 : vector<16xf32>
          %swap3A_848 = arith.index_cast %add3A_826 : i32 to index
          %swap3A_849 = arith.constant 32 : index
          %swap3A_850 = tpu.vector_load %arg17[%swap3A_848, %swap3A_849] {strides = array<i32>} : memref<80x64xf32, #tpu.memory_space<vmem>>, vector<16xf32>,
          tpu.vector_store %arg17[%swap3A_848, %swap3A_849], %mul3A_847 {strides = array<i32>} : memref<80x64xf32, #tpu.memory_space<vmem>>, vector<16xf32>,
          %get3A_851 = arith.index_cast %add3A_826 : i32 to index
          %get3A_852 = arith.constant 48 : index
          %get3A_853 = tpu.vector_load %arg15[%get3A_851, %get3A_852] {strides = array<i32>} : memref<80x64xf32, #tpu.memory_space<vmem>>, vector<16xf32>,
          %mul3A_854 = vector.broadcast %squeeze3A_822 : f32 to vector<16xf32>
          %mul3A_855 = arith.mulf %get3A_853, %mul3A_854 : vector<16xf32>
          %swap3A_856 = arith.index_cast %add3A_826 : i32 to index
          %swap3A_857 = arith.constant 48 : index
          %swap3A_858 = tpu.vector_load %arg17[%swap3A_856, %swap3A_857] {strides = array<i32>} : memref<80x64xf32, #tpu.memory_space<vmem>>, vector<16xf32>,
          tpu.vector_store %arg17[%swap3A_856, %swap3A_857], %mul3A_855 {strides = array<i32>} : memref<80x64xf32, #tpu.memory_space<vmem>>, vector<16xf32>,
          %slice3A_859 = vector.extract_strided_slice %get3A_480 {offsets = [10], sizes = [1], strides = [1]} : vector<16xf32> to vector<1xf32>
          %squeeze3A_860 = vector.extract %slice3A_859[0] : f32 from vector<1xf32>
          %mul3A_861 = arith.constant 16 : i32
          %mul3A_862 = arith.muli %scan3A_476, %mul3A_861 : i32
          %add3A_863 = arith.constant 10 : i32
          %add3A_864 = arith.addi %mul3A_862, %add3A_863 : i32
          %get3A_865 = arith.index_cast %add3A_864 : i32 to index
          %get3A_866 = arith.constant 0 : index
          %get3A_867 = tpu.vector_load %arg15[%get3A_865, %get3A_866] {strides = array<i32>} : memref<80x64xf32, #tpu.memory_space<vmem>>, vector<16xf32>,
          %mul3A_868 = vector.broadcast %squeeze3A_860 : f32 to vector<16xf32>
          %mul3A_869 = arith.mulf %get3A_867, %mul3A_868 : vector<16xf32>
          %swap3A_870 = arith.index_cast %add3A_864 : i32 to index
          %swap3A_871 = arith.constant 0 : index
          %swap3A_872 = tpu.vector_load %arg17[%swap3A_870, %swap3A_871] {strides = array<i32>} : memref<80x64xf32, #tpu.memory_space<vmem>>, vector<16xf32>,
          tpu.vector_store %arg17[%swap3A_870, %swap3A_871], %mul3A_869 {strides = array<i32>} : memref<80x64xf32, #tpu.memory_space<vmem>>, vector<16xf32>,
          %get3A_873 = arith.index_cast %add3A_864 : i32 to index
          %get3A_874 = arith.constant 16 : index
          %get3A_875 = tpu.vector_load %arg15[%get3A_873, %get3A_874] {strides = array<i32>} : memref<80x64xf32, #tpu.memory_space<vmem>>, vector<16xf32>,
          %mul3A_876 = vector.broadcast %squeeze3A_860 : f32 to vector<16xf32>
          %mul3A_877 = arith.mulf %get3A_875, %mul3A_876 : vector<16xf32>
          %swap3A_878 = arith.index_cast %add3A_864 : i32 to index
          %swap3A_879 = arith.constant 16 : index
          %swap3A_880 = tpu.vector_load %arg17[%swap3A_878, %swap3A_879] {strides = array<i32>} : memref<80x64xf32, #tpu.memory_space<vmem>>, vector<16xf32>,
          tpu.vector_store %arg17[%swap3A_878, %swap3A_879], %mul3A_877 {strides = array<i32>} : memref<80x64xf32, #tpu.memory_space<vmem>>, vector<16xf32>,
          %get3A_881 = arith.index_cast %add3A_864 : i32 to index
          %get3A_882 = arith.constant 32 : index
          %get3A_883 = tpu.vector_load %arg15[%get3A_881, %get3A_882] {strides = array<i32>} : memref<80x64xf32, #tpu.memory_space<vmem>>, vector<16xf32>,
          %mul3A_884 = vector.broadcast %squeeze3A_860 : f32 to vector<16xf32>
          %mul3A_885 = arith.mulf %get3A_883, %mul3A_884 : vector<16xf32>
          %swap3A_886 = arith.index_cast %add3A_864 : i32 to index
          %swap3A_887 = arith.constant 32 : index
          %swap3A_888 = tpu.vector_load %arg17[%swap3A_886, %swap3A_887] {strides = array<i32>} : memref<80x64xf32, #tpu.memory_space<vmem>>, vector<16xf32>,
          tpu.vector_store %arg17[%swap3A_886, %swap3A_887], %mul3A_885 {strides = array<i32>} : memref<80x64xf32, #tpu.memory_space<vmem>>, vector<16xf32>,
          %get3A_889 = arith.index_cast %add3A_864 : i32 to index
          %get3A_890 = arith.constant 48 : index
          %get3A_891 = tpu.vector_load %arg15[%get3A_889, %get3A_890] {strides = array<i32>} : memref<80x64xf32, #tpu.memory_space<vmem>>, vector<16xf32>,
          %mul3A_892 = vector.broadcast %squeeze3A_860 : f32 to vector<16xf32>
          %mul3A_893 = arith.mulf %get3A_891, %mul3A_892 : vector<16xf32>
          %swap3A_894 = arith.index_cast %add3A_864 : i32 to index
          %swap3A_895 = arith.constant 48 : index
          %swap3A_896 = tpu.vector_load %arg17[%swap3A_894, %swap3A_895] {strides = array<i32>} : memref<80x64xf32, #tpu.memory_space<vmem>>, vector<16xf32>,
          tpu.vector_store %arg17[%swap3A_894, %swap3A_895], %mul3A_893 {strides = array<i32>} : memref<80x64xf32, #tpu.memory_space<vmem>>, vector<16xf32>,
          %slice3A_897 = vector.extract_strided_slice %get3A_480 {offsets = [11], sizes = [1], strides = [1]} : vector<16xf32> to vector<1xf32>
          %squeeze3A_898 = vector.extract %slice3A_897[0] : f32 from vector<1xf32>
          %mul3A_899 = arith.constant 16 : i32
          %mul3A_900 = arith.muli %scan3A_476, %mul3A_899 : i32
          %add3A_901 = arith.constant 11 : i32
          %add3A_902 = arith.addi %mul3A_900, %add3A_901 : i32
          %get3A_903 = arith.index_cast %add3A_902 : i32 to index
          %get3A_904 = arith.constant 0 : index
          %get3A_905 = tpu.vector_load %arg15[%get3A_903, %get3A_904] {strides = array<i32>} : memref<80x64xf32, #tpu.memory_space<vmem>>, vector<16xf32>,
          %mul3A_906 = vector.broadcast %squeeze3A_898 : f32 to vector<16xf32>
          %mul3A_907 = arith.mulf %get3A_905, %mul3A_906 : vector<16xf32>
          %swap3A_908 = arith.index_cast %add3A_902 : i32 to index
          %swap3A_909 = arith.constant 0 : index
          %swap3A_910 = tpu.vector_load %arg17[%swap3A_908, %swap3A_909] {strides = array<i32>} : memref<80x64xf32, #tpu.memory_space<vmem>>, vector<16xf32>,
          tpu.vector_store %arg17[%swap3A_908, %swap3A_909], %mul3A_907 {strides = array<i32>} : memref<80x64xf32, #tpu.memory_space<vmem>>, vector<16xf32>,
          %get3A_911 = arith.index_cast %add3A_902 : i32 to index
          %get3A_912 = arith.constant 16 : index
          %get3A_913 = tpu.vector_load %arg15[%get3A_911, %get3A_912] {strides = array<i32>} : memref<80x64xf32, #tpu.memory_space<vmem>>, vector<16xf32>,
          %mul3A_914 = vector.broadcast %squeeze3A_898 : f32 to vector<16xf32>
          %mul3A_915 = arith.mulf %get3A_913, %mul3A_914 : vector<16xf32>
          %swap3A_916 = arith.index_cast %add3A_902 : i32 to index
          %swap3A_917 = arith.constant 16 : index
          %swap3A_918 = tpu.vector_load %arg17[%swap3A_916, %swap3A_917] {strides = array<i32>} : memref<80x64xf32, #tpu.memory_space<vmem>>, vector<16xf32>,
          tpu.vector_store %arg17[%swap3A_916, %swap3A_917], %mul3A_915 {strides = array<i32>} : memref<80x64xf32, #tpu.memory_space<vmem>>, vector<16xf32>,
          %get3A_919 = arith.index_cast %add3A_902 : i32 to index
          %get3A_920 = arith.constant 32 : index
          %get3A_921 = tpu.vector_load %arg15[%get3A_919, %get3A_920] {strides = array<i32>} : memref<80x64xf32, #tpu.memory_space<vmem>>, vector<16xf32>,
          %mul3A_922 = vector.broadcast %squeeze3A_898 : f32 to vector<16xf32>
          %mul3A_923 = arith.mulf %get3A_921, %mul3A_922 : vector<16xf32>
          %swap3A_924 = arith.index_cast %add3A_902 : i32 to index
          %swap3A_925 = arith.constant 32 : index
          %swap3A_926 = tpu.vector_load %arg17[%swap3A_924, %swap3A_925] {strides = array<i32>} : memref<80x64xf32, #tpu.memory_space<vmem>>, vector<16xf32>,
          tpu.vector_store %arg17[%swap3A_924, %swap3A_925], %mul3A_923 {strides = array<i32>} : memref<80x64xf32, #tpu.memory_space<vmem>>, vector<16xf32>,
          %get3A_927 = arith.index_cast %add3A_902 : i32 to index
          %get3A_928 = arith.constant 48 : index
          %get3A_929 = tpu.vector_load %arg15[%get3A_927, %get3A_928] {strides = array<i32>} : memref<80x64xf32, #tpu.memory_space<vmem>>, vector<16xf32>,
          %mul3A_930 = vector.broadcast %squeeze3A_898 : f32 to vector<16xf32>
          %mul3A_931 = arith.mulf %get3A_929, %mul3A_930 : vector<16xf32>
          %swap3A_932 = arith.index_cast %add3A_902 : i32 to index
          %swap3A_933 = arith.constant 48 : index
          %swap3A_934 = tpu.vector_load %arg17[%swap3A_932, %swap3A_933] {strides = array<i32>} : memref<80x64xf32, #tpu.memory_space<vmem>>, vector<16xf32>,
          tpu.vector_store %arg17[%swap3A_932, %swap3A_933], %mul3A_931 {strides = array<i32>} : memref<80x64xf32, #tpu.memory_space<vmem>>, vector<16xf32>,
          %slice3A_935 = vector.extract_strided_slice %get3A_480 {offsets = [12], sizes = [1], strides = [1]} : vector<16xf32> to vector<1xf32>
          %squeeze3A_936 = vector.extract %slice3A_935[0] : f32 from vector<1xf32>
          %mul3A_937 = arith.constant 16 : i32
          %mul3A_938 = arith.muli %scan3A_476, %mul3A_937 : i32
          %add3A_939 = arith.constant 12 : i32
          %add3A_940 = arith.addi %mul3A_938, %add3A_939 : i32
          %get3A_941 = arith.index_cast %add3A_940 : i32 to index
          %get3A_942 = arith.constant 0 : index
          %get3A_943 = tpu.vector_load %arg15[%get3A_941, %get3A_942] {strides = array<i32>} : memref<80x64xf32, #tpu.memory_space<vmem>>, vector<16xf32>,
          %mul3A_944 = vector.broadcast %squeeze3A_936 : f32 to vector<16xf32>
          %mul3A_945 = arith.mulf %get3A_943, %mul3A_944 : vector<16xf32>
          %swap3A_946 = arith.index_cast %add3A_940 : i32 to index
          %swap3A_947 = arith.constant 0 : index
          %swap3A_948 = tpu.vector_load %arg17[%swap3A_946, %swap3A_947] {strides = array<i32>} : memref<80x64xf32, #tpu.memory_space<vmem>>, vector<16xf32>,
          tpu.vector_store %arg17[%swap3A_946, %swap3A_947], %mul3A_945 {strides = array<i32>} : memref<80x64xf32, #tpu.memory_space<vmem>>, vector<16xf32>,
          %get3A_949 = arith.index_cast %add3A_940 : i32 to index
          %get3A_950 = arith.constant 16 : index
          %get3A_951 = tpu.vector_load %arg15[%get3A_949, %get3A_950] {strides = array<i32>} : memref<80x64xf32, #tpu.memory_space<vmem>>, vector<16xf32>,
          %mul3A_952 = vector.broadcast %squeeze3A_936 : f32 to vector<16xf32>
          %mul3A_953 = arith.mulf %get3A_951, %mul3A_952 : vector<16xf32>
          %swap3A_954 = arith.index_cast %add3A_940 : i32 to index
          %swap3A_955 = arith.constant 16 : index
          %swap3A_956 = tpu.vector_load %arg17[%swap3A_954, %swap3A_955] {strides = array<i32>} : memref<80x64xf32, #tpu.memory_space<vmem>>, vector<16xf32>,
          tpu.vector_store %arg17[%swap3A_954, %swap3A_955], %mul3A_953 {strides = array<i32>} : memref<80x64xf32, #tpu.memory_space<vmem>>, vector<16xf32>,
          %get3A_957 = arith.index_cast %add3A_940 : i32 to index
          %get3A_958 = arith.constant 32 : index
          %get3A_959 = tpu.vector_load %arg15[%get3A_957, %get3A_958] {strides = array<i32>} : memref<80x64xf32, #tpu.memory_space<vmem>>, vector<16xf32>,
          %mul3A_960 = vector.broadcast %squeeze3A_936 : f32 to vector<16xf32>
          %mul3A_961 = arith.mulf %get3A_959, %mul3A_960 : vector<16xf32>
          %swap3A_962 = arith.index_cast %add3A_940 : i32 to index
          %swap3A_963 = arith.constant 32 : index
          %swap3A_964 = tpu.vector_load %arg17[%swap3A_962, %swap3A_963] {strides = array<i32>} : memref<80x64xf32, #tpu.memory_space<vmem>>, vector<16xf32>,
          tpu.vector_store %arg17[%swap3A_962, %swap3A_963], %mul3A_961 {strides = array<i32>} : memref<80x64xf32, #tpu.memory_space<vmem>>, vector<16xf32>,
          %get3A_965 = arith.index_cast %add3A_940 : i32 to index
          %get3A_966 = arith.constant 48 : index
          %get3A_967 = tpu.vector_load %arg15[%get3A_965, %get3A_966] {strides = array<i32>} : memref<80x64xf32, #tpu.memory_space<vmem>>, vector<16xf32>,
          %mul3A_968 = vector.broadcast %squeeze3A_936 : f32 to vector<16xf32>
          %mul3A_969 = arith.mulf %get3A_967, %mul3A_968 : vector<16xf32>
          %swap3A_970 = arith.index_cast %add3A_940 : i32 to index
          %swap3A_971 = arith.constant 48 : index
          %swap3A_972 = tpu.vector_load %arg17[%swap3A_970, %swap3A_971] {strides = array<i32>} : memref<80x64xf32, #tpu.memory_space<vmem>>, vector<16xf32>,
          tpu.vector_store %arg17[%swap3A_970, %swap3A_971], %mul3A_969 {strides = array<i32>} : memref<80x64xf32, #tpu.memory_space<vmem>>, vector<16xf32>,
          %slice3A_973 = vector.extract_strided_slice %get3A_480 {offsets = [13], sizes = [1], strides = [1]} : vector<16xf32> to vector<1xf32>
          %squeeze3A_974 = vector.extract %slice3A_973[0] : f32 from vector<1xf32>
          %mul3A_975 = arith.constant 16 : i32
          %mul3A_976 = arith.muli %scan3A_476, %mul3A_975 : i32
          %add3A_977 = arith.constant 13 : i32
          %add3A_978 = arith.addi %mul3A_976, %add3A_977 : i32
          %get3A_979 = arith.index_cast %add3A_978 : i32 to index
          %get3A_980 = arith.constant 0 : index
          %get3A_981 = tpu.vector_load %arg15[%get3A_979, %get3A_980] {strides = array<i32>} : memref<80x64xf32, #tpu.memory_space<vmem>>, vector<16xf32>,
          %mul3A_982 = vector.broadcast %squeeze3A_974 : f32 to vector<16xf32>
          %mul3A_983 = arith.mulf %get3A_981, %mul3A_982 : vector<16xf32>
          %swap3A_984 = arith.index_cast %add3A_978 : i32 to index
          %swap3A_985 = arith.constant 0 : index
          %swap3A_986 = tpu.vector_load %arg17[%swap3A_984, %swap3A_985] {strides = array<i32>} : memref<80x64xf32, #tpu.memory_space<vmem>>, vector<16xf32>,
          tpu.vector_store %arg17[%swap3A_984, %swap3A_985], %mul3A_983 {strides = array<i32>} : memref<80x64xf32, #tpu.memory_space<vmem>>, vector<16xf32>,
          %get3A_987 = arith.index_cast %add3A_978 : i32 to index
          %get3A_988 = arith.constant 16 : index
          %get3A_989 = tpu.vector_load %arg15[%get3A_987, %get3A_988] {strides = array<i32>} : memref<80x64xf32, #tpu.memory_space<vmem>>, vector<16xf32>,
          %mul3A_990 = vector.broadcast %squeeze3A_974 : f32 to vector<16xf32>
          %mul3A_991 = arith.mulf %get3A_989, %mul3A_990 : vector<16xf32>
          %swap3A_992 = arith.index_cast %add3A_978 : i32 to index
          %swap3A_993 = arith.constant 16 : index
          %swap3A_994 = tpu.vector_load %arg17[%swap3A_992, %swap3A_993] {strides = array<i32>} : memref<80x64xf32, #tpu.memory_space<vmem>>, vector<16xf32>,
          tpu.vector_store %arg17[%swap3A_992, %swap3A_993], %mul3A_991 {strides = array<i32>} : memref<80x64xf32, #tpu.memory_space<vmem>>, vector<16xf32>,
          %get3A_995 = arith.index_cast %add3A_978 : i32 to index
          %get3A_996 = arith.constant 32 : index
          %get3A_997 = tpu.vector_load %arg15[%get3A_995, %get3A_996] {strides = array<i32>} : memref<80x64xf32, #tpu.memory_space<vmem>>, vector<16xf32>,
          %mul3A_998 = vector.broadcast %squeeze3A_974 : f32 to vector<16xf32>
          %mul3A_999 = arith.mulf %get3A_997, %mul3A_998 : vector<16xf32>
          %swap3A_1000 = arith.index_cast %add3A_978 : i32 to index
          %swap3A_1001 = arith.constant 32 : index
          %swap3A_1002 = tpu.vector_load %arg17[%swap3A_1000, %swap3A_1001] {strides = array<i32>} : memref<80x64xf32, #tpu.memory_space<vmem>>, vector<16xf32>,
          tpu.vector_store %arg17[%swap3A_1000, %swap3A_1001], %mul3A_999 {strides = array<i32>} : memref<80x64xf32, #tpu.memory_space<vmem>>, vector<16xf32>,
          %get3A_1003 = arith.index_cast %add3A_978 : i32 to index
          %get3A_1004 = arith.constant 48 : index
          %get3A_1005 = tpu.vector_load %arg15[%get3A_1003, %get3A_1004] {strides = array<i32>} : memref<80x64xf32, #tpu.memory_space<vmem>>, vector<16xf32>,
          %mul3A_1006 = vector.broadcast %squeeze3A_974 : f32 to vector<16xf32>
          %mul3A_1007 = arith.mulf %get3A_1005, %mul3A_1006 : vector<16xf32>
          %swap3A_1008 = arith.index_cast %add3A_978 : i32 to index
          %swap3A_1009 = arith.constant 48 : index
          %swap3A_1010 = tpu.vector_load %arg17[%swap3A_1008, %swap3A_1009] {strides = array<i32>} : memref<80x64xf32, #tpu.memory_space<vmem>>, vector<16xf32>,
          tpu.vector_store %arg17[%swap3A_1008, %swap3A_1009], %mul3A_1007 {strides = array<i32>} : memref<80x64xf32, #tpu.memory_space<vmem>>, vector<16xf32>,
          %slice3A_1011 = vector.extract_strided_slice %get3A_480 {offsets = [14], sizes = [1], strides = [1]} : vector<16xf32> to vector<1xf32>
          %squeeze3A_1012 = vector.extract %slice3A_1011[0] : f32 from vector<1xf32>
          %mul3A_1013 = arith.constant 16 : i32
          %mul3A_1014 = arith.muli %scan3A_476, %mul3A_1013 : i32
          %add3A_1015 = arith.constant 14 : i32
          %add3A_1016 = arith.addi %mul3A_1014, %add3A_1015 : i32
          %get3A_1017 = arith.index_cast %add3A_1016 : i32 to index
          %get3A_1018 = arith.constant 0 : index
          %get3A_1019 = tpu.vector_load %arg15[%get3A_1017, %get3A_1018] {strides = array<i32>} : memref<80x64xf32, #tpu.memory_space<vmem>>, vector<16xf32>,
          %mul3A_1020 = vector.broadcast %squeeze3A_1012 : f32 to vector<16xf32>
          %mul3A_1021 = arith.mulf %get3A_1019, %mul3A_1020 : vector<16xf32>
          %swap3A_1022 = arith.index_cast %add3A_1016 : i32 to index
          %swap3A_1023 = arith.constant 0 : index
          %swap3A_1024 = tpu.vector_load %arg17[%swap3A_1022, %swap3A_1023] {strides = array<i32>} : memref<80x64xf32, #tpu.memory_space<vmem>>, vector<16xf32>,
          tpu.vector_store %arg17[%swap3A_1022, %swap3A_1023], %mul3A_1021 {strides = array<i32>} : memref<80x64xf32, #tpu.memory_space<vmem>>, vector<16xf32>,
          %get3A_1025 = arith.index_cast %add3A_1016 : i32 to index
          %get3A_1026 = arith.constant 16 : index
          %get3A_1027 = tpu.vector_load %arg15[%get3A_1025, %get3A_1026] {strides = array<i32>} : memref<80x64xf32, #tpu.memory_space<vmem>>, vector<16xf32>,
          %mul3A_1028 = vector.broadcast %squeeze3A_1012 : f32 to vector<16xf32>
          %mul3A_1029 = arith.mulf %get3A_1027, %mul3A_1028 : vector<16xf32>
          %swap3A_1030 = arith.index_cast %add3A_1016 : i32 to index
          %swap3A_1031 = arith.constant 16 : index
          %swap3A_1032 = tpu.vector_load %arg17[%swap3A_1030, %swap3A_1031] {strides = array<i32>} : memref<80x64xf32, #tpu.memory_space<vmem>>, vector<16xf32>,
          tpu.vector_store %arg17[%swap3A_1030, %swap3A_1031], %mul3A_1029 {strides = array<i32>} : memref<80x64xf32, #tpu.memory_space<vmem>>, vector<16xf32>,
          %get3A_1033 = arith.index_cast %add3A_1016 : i32 to index
          %get3A_1034 = arith.constant 32 : index
          %get3A_1035 = tpu.vector_load %arg15[%get3A_1033, %get3A_1034] {strides = array<i32>} : memref<80x64xf32, #tpu.memory_space<vmem>>, vector<16xf32>,
          %mul3A_1036 = vector.broadcast %squeeze3A_1012 : f32 to vector<16xf32>
          %mul3A_1037 = arith.mulf %get3A_1035, %mul3A_1036 : vector<16xf32>
          %swap3A_1038 = arith.index_cast %add3A_1016 : i32 to index
          %swap3A_1039 = arith.constant 32 : index
          %swap3A_1040 = tpu.vector_load %arg17[%swap3A_1038, %swap3A_1039] {strides = array<i32>} : memref<80x64xf32, #tpu.memory_space<vmem>>, vector<16xf32>,
          tpu.vector_store %arg17[%swap3A_1038, %swap3A_1039], %mul3A_1037 {strides = array<i32>} : memref<80x64xf32, #tpu.memory_space<vmem>>, vector<16xf32>,
          %get3A_1041 = arith.index_cast %add3A_1016 : i32 to index
          %get3A_1042 = arith.constant 48 : index
          %get3A_1043 = tpu.vector_load %arg15[%get3A_1041, %get3A_1042] {strides = array<i32>} : memref<80x64xf32, #tpu.memory_space<vmem>>, vector<16xf32>,
          %mul3A_1044 = vector.broadcast %squeeze3A_1012 : f32 to vector<16xf32>
          %mul3A_1045 = arith.mulf %get3A_1043, %mul3A_1044 : vector<16xf32>
          %swap3A_1046 = arith.index_cast %add3A_1016 : i32 to index
          %swap3A_1047 = arith.constant 48 : index
          %swap3A_1048 = tpu.vector_load %arg17[%swap3A_1046, %swap3A_1047] {strides = array<i32>} : memref<80x64xf32, #tpu.memory_space<vmem>>, vector<16xf32>,
          tpu.vector_store %arg17[%swap3A_1046, %swap3A_1047], %mul3A_1045 {strides = array<i32>} : memref<80x64xf32, #tpu.memory_space<vmem>>, vector<16xf32>,
          %slice3A_1049 = vector.extract_strided_slice %get3A_480 {offsets = [15], sizes = [1], strides = [1]} : vector<16xf32> to vector<1xf32>
          %squeeze3A_1050 = vector.extract %slice3A_1049[0] : f32 from vector<1xf32>
          %mul3A_1051 = arith.constant 16 : i32
          %mul3A_1052 = arith.muli %scan3A_476, %mul3A_1051 : i32
          %add3A_1053 = arith.constant 15 : i32
          %add3A_1054 = arith.addi %mul3A_1052, %add3A_1053 : i32
          %get3A_1055 = arith.index_cast %add3A_1054 : i32 to index
          %get3A_1056 = arith.constant 0 : index
          %get3A_1057 = tpu.vector_load %arg15[%get3A_1055, %get3A_1056] {strides = array<i32>} : memref<80x64xf32, #tpu.memory_space<vmem>>, vector<16xf32>,
          %mul3A_1058 = vector.broadcast %squeeze3A_1050 : f32 to vector<16xf32>
          %mul3A_1059 = arith.mulf %get3A_1057, %mul3A_1058 : vector<16xf32>
          %swap3A_1060 = arith.index_cast %add3A_1054 : i32 to index
          %swap3A_1061 = arith.constant 0 : index
          %swap3A_1062 = tpu.vector_load %arg17[%swap3A_1060, %swap3A_1061] {strides = array<i32>} : memref<80x64xf32, #tpu.memory_space<vmem>>, vector<16xf32>,
          tpu.vector_store %arg17[%swap3A_1060, %swap3A_1061], %mul3A_1059 {strides = array<i32>} : memref<80x64xf32, #tpu.memory_space<vmem>>, vector<16xf32>,
          %get3A_1063 = arith.index_cast %add3A_1054 : i32 to index
          %get3A_1064 = arith.constant 16 : index
          %get3A_1065 = tpu.vector_load %arg15[%get3A_1063, %get3A_1064] {strides = array<i32>} : memref<80x64xf32, #tpu.memory_space<vmem>>, vector<16xf32>,
          %mul3A_1066 = vector.broadcast %squeeze3A_1050 : f32 to vector<16xf32>
          %mul3A_1067 = arith.mulf %get3A_1065, %mul3A_1066 : vector<16xf32>
          %swap3A_1068 = arith.index_cast %add3A_1054 : i32 to index
          %swap3A_1069 = arith.constant 16 : index
          %swap3A_1070 = tpu.vector_load %arg17[%swap3A_1068, %swap3A_1069] {strides = array<i32>} : memref<80x64xf32, #tpu.memory_space<vmem>>, vector<16xf32>,
          tpu.vector_store %arg17[%swap3A_1068, %swap3A_1069], %mul3A_1067 {strides = array<i32>} : memref<80x64xf32, #tpu.memory_space<vmem>>, vector<16xf32>,
          %get3A_1071 = arith.index_cast %add3A_1054 : i32 to index
          %get3A_1072 = arith.constant 32 : index
          %get3A_1073 = tpu.vector_load %arg15[%get3A_1071, %get3A_1072] {strides = array<i32>} : memref<80x64xf32, #tpu.memory_space<vmem>>, vector<16xf32>,
          %mul3A_1074 = vector.broadcast %squeeze3A_1050 : f32 to vector<16xf32>
          %mul3A_1075 = arith.mulf %get3A_1073, %mul3A_1074 : vector<16xf32>
          %swap3A_1076 = arith.index_cast %add3A_1054 : i32 to index
          %swap3A_1077 = arith.constant 32 : index
          %swap3A_1078 = tpu.vector_load %arg17[%swap3A_1076, %swap3A_1077] {strides = array<i32>} : memref<80x64xf32, #tpu.memory_space<vmem>>, vector<16xf32>,
          tpu.vector_store %arg17[%swap3A_1076, %swap3A_1077], %mul3A_1075 {strides = array<i32>} : memref<80x64xf32, #tpu.memory_space<vmem>>, vector<16xf32>,
          %get3A_1079 = arith.index_cast %add3A_1054 : i32 to index
          %get3A_1080 = arith.constant 48 : index
          %get3A_1081 = tpu.vector_load %arg15[%get3A_1079, %get3A_1080] {strides = array<i32>} : memref<80x64xf32, #tpu.memory_space<vmem>>, vector<16xf32>,
          %mul3A_1082 = vector.broadcast %squeeze3A_1050 : f32 to vector<16xf32>
          %mul3A_1083 = arith.mulf %get3A_1081, %mul3A_1082 : vector<16xf32>
          %swap3A_1084 = arith.index_cast %add3A_1054 : i32 to index
          %swap3A_1085 = arith.constant 48 : index
          %swap3A_1086 = tpu.vector_load %arg17[%swap3A_1084, %swap3A_1085] {strides = array<i32>} : memref<80x64xf32, #tpu.memory_space<vmem>>, vector<16xf32>,
          tpu.vector_store %arg17[%swap3A_1084, %swap3A_1085], %mul3A_1083 {strides = array<i32>} : memref<80x64xf32, #tpu.memory_space<vmem>>, vector<16xf32>,
        }
        %scan3A_299 = arith.constant 5 : i32
        %eq3A_300 = arith.constant 0 : i32
        %eq3A_301 = arith.cmpi eq, %arg0, %eq3A_300 : i32
        %convert_element_type3A_302 = arith.extui %eq3A_301 : i1 to i32
        %cond3A_303 = arith.constant 0 : i32
        %cond3A_304 = arith.cmpi ne, %convert_element_type3A_302, %cond3A_303 : i32
        scf.if %cond3A_304 {
          %scan3A_476 = arith.constant 0 : i32
          %scan3A_477 = arith.constant 0 : i32
          %scan3A_478 = arith.constant 5 : i32
          %scan3A_479 = arith.addi %scan3A_477, %scan3A_478 : i32
          %scan3A_480 = arith.constant 1 : i32
          scf.for %scan3A_482 = %scan3A_477 to %scan3A_479 step %scan3A_480  : i32 {
            %mul3A_483 = arith.constant 16 : i32
            %mul3A_484 = arith.muli %scan3A_482, %mul3A_483 : i32
            %get3A_485 = arith.index_cast %mul3A_484 : i32 to index
            %get3A_486 = tpu.vector_load %arg23[%get3A_485] {strides = array<i32>} : memref<80xf32, #tpu.memory_space<vmem>>, vector<16xf32>,
            %mul3A_487 = arith.constant 16 : i32
            %mul3A_488 = arith.muli %scan3A_482, %mul3A_487 : i32
            %add3A_489 = arith.constant 0 : i32
            %add3A_490 = arith.addi %mul3A_488, %add3A_489 : i32
            %mul3A_491 = arith.constant 2 : i32
            %mul3A_492 = arith.muli %mul3A_491, %scan3A_482 : i32
            %add3A_493 = arith.constant 0 : i32
            %add3A_494 = arith.addi %mul3A_492, %add3A_493 : i32
            %get3A_495 = arith.index_cast %add3A_494 : i32 to index
            %get3A_496 = arith.constant 0 : index
            %get3A_497 = tpu.vector_load %arg19[%get3A_495, %get3A_496] {strides = array<i32>} : memref<10x128xf32, #tpu.memory_space<vmem>>, vector<16xf32>,
            %slice3A = vector.extract_strided_slice %get3A_486 {offsets = [0], sizes = [1], strides = [1]} : vector<16xf32> to vector<1xf32>
            %squeeze3A = vector.extract %slice3A[0] : f32 from vector<1xf32>
            %mul3A_498 = vector.broadcast %squeeze3A : f32 to vector<16xf32>
            %mul3A_499 = arith.mulf %get3A_497, %mul3A_498 : vector<16xf32>
            %swap3A_500 = arith.index_cast %add3A_490 : i32 to index
            %swap3A_501 = arith.constant 0 : index
            %swap3A_502 = tpu.vector_load %arg21[%swap3A_500, %swap3A_501] {strides = array<i32>} : memref<80x16xf32, #tpu.memory_space<vmem>>, vector<16xf32>,
            tpu.vector_store %arg21[%swap3A_500, %swap3A_501], %mul3A_499 {strides = array<i32>} : memref<80x16xf32, #tpu.memory_space<vmem>>, vector<16xf32>,
            %mul3A_503 = arith.constant 16 : i32
            %mul3A_504 = arith.muli %scan3A_482, %mul3A_503 : i32
            %add3A_505 = arith.constant 1 : i32
            %add3A_506 = arith.addi %mul3A_504, %add3A_505 : i32
            %mul3A_507 = arith.constant 2 : i32
            %mul3A_508 = arith.muli %mul3A_507, %scan3A_482 : i32
            %add3A_509 = arith.constant 0 : i32
            %add3A_510 = arith.addi %mul3A_508, %add3A_509 : i32
            %get3A_511 = arith.index_cast %add3A_510 : i32 to index
            %get3A_512 = arith.constant 16 : index
            %get3A_513 = tpu.vector_load %arg19[%get3A_511, %get3A_512] {strides = array<i32>} : memref<10x128xf32, #tpu.memory_space<vmem>>, vector<16xf32>,
            %slice3A_514 = vector.extract_strided_slice %get3A_486 {offsets = [1], sizes = [1], strides = [1]} : vector<16xf32> to vector<1xf32>
            %squeeze3A_515 = vector.extract %slice3A_514[0] : f32 from vector<1xf32>
            %mul3A_516 = vector.broadcast %squeeze3A_515 : f32 to vector<16xf32>
            %mul3A_517 = arith.mulf %get3A_513, %mul3A_516 : vector<16xf32>
            %swap3A_518 = arith.index_cast %add3A_506 : i32 to index
            %swap3A_519 = arith.constant 0 : index
            %swap3A_520 = tpu.vector_load %arg21[%swap3A_518, %swap3A_519] {strides = array<i32>} : memref<80x16xf32, #tpu.memory_space<vmem>>, vector<16xf32>,
            tpu.vector_store %arg21[%swap3A_518, %swap3A_519], %mul3A_517 {strides = array<i32>} : memref<80x16xf32, #tpu.memory_space<vmem>>, vector<16xf32>,
            %mul3A_521 = arith.constant 16 : i32
            %mul3A_522 = arith.muli %scan3A_482, %mul3A_521 : i32
            %add3A_523 = arith.constant 2 : i32
            %add3A_524 = arith.addi %mul3A_522, %add3A_523 : i32
            %mul3A_525 = arith.constant 2 : i32
            %mul3A_526 = arith.muli %mul3A_525, %scan3A_482 : i32
            %add3A_527 = arith.constant 0 : i32
            %add3A_528 = arith.addi %mul3A_526, %add3A_527 : i32
            %get3A_529 = arith.index_cast %add3A_528 : i32 to index
            %get3A_530 = arith.constant 32 : index
            %get3A_531 = tpu.vector_load %arg19[%get3A_529, %get3A_530] {strides = array<i32>} : memref<10x128xf32, #tpu.memory_space<vmem>>, vector<16xf32>,
            %slice3A_532 = vector.extract_strided_slice %get3A_486 {offsets = [2], sizes = [1], strides = [1]} : vector<16xf32> to vector<1xf32>
            %squeeze3A_533 = vector.extract %slice3A_532[0] : f32 from vector<1xf32>
            %mul3A_534 = vector.broadcast %squeeze3A_533 : f32 to vector<16xf32>
            %mul3A_535 = arith.mulf %get3A_531, %mul3A_534 : vector<16xf32>
            %swap3A_536 = arith.index_cast %add3A_524 : i32 to index
            %swap3A_537 = arith.constant 0 : index
            %swap3A_538 = tpu.vector_load %arg21[%swap3A_536, %swap3A_537] {strides = array<i32>} : memref<80x16xf32, #tpu.memory_space<vmem>>, vector<16xf32>,
            tpu.vector_store %arg21[%swap3A_536, %swap3A_537], %mul3A_535 {strides = array<i32>} : memref<80x16xf32, #tpu.memory_space<vmem>>, vector<16xf32>,
            %mul3A_539 = arith.constant 16 : i32
            %mul3A_540 = arith.muli %scan3A_482, %mul3A_539 : i32
            %add3A_541 = arith.constant 3 : i32
            %add3A_542 = arith.addi %mul3A_540, %add3A_541 : i32
            %mul3A_543 = arith.constant 2 : i32
            %mul3A_544 = arith.muli %mul3A_543, %scan3A_482 : i32
            %add3A_545 = arith.constant 0 : i32
            %add3A_546 = arith.addi %mul3A_544, %add3A_545 : i32
            %get3A_547 = arith.index_cast %add3A_546 : i32 to index
            %get3A_548 = arith.constant 48 : index
            %get3A_549 = tpu.vector_load %arg19[%get3A_547, %get3A_548] {strides = array<i32>} : memref<10x128xf32, #tpu.memory_space<vmem>>, vector<16xf32>,
            %slice3A_550 = vector.extract_strided_slice %get3A_486 {offsets = [3], sizes = [1], strides = [1]} : vector<16xf32> to vector<1xf32>
            %squeeze3A_551 = vector.extract %slice3A_550[0] : f32 from vector<1xf32>
            %mul3A_552 = vector.broadcast %squeeze3A_551 : f32 to vector<16xf32>
            %mul3A_553 = arith.mulf %get3A_549, %mul3A_552 : vector<16xf32>
            %swap3A_554 = arith.index_cast %add3A_542 : i32 to index
            %swap3A_555 = arith.constant 0 : index
            %swap3A_556 = tpu.vector_load %arg21[%swap3A_554, %swap3A_555] {strides = array<i32>} : memref<80x16xf32, #tpu.memory_space<vmem>>, vector<16xf32>,
            tpu.vector_store %arg21[%swap3A_554, %swap3A_555], %mul3A_553 {strides = array<i32>} : memref<80x16xf32, #tpu.memory_space<vmem>>, vector<16xf32>,
            %mul3A_557 = arith.constant 16 : i32
            %mul3A_558 = arith.muli %scan3A_482, %mul3A_557 : i32
            %add3A_559 = arith.constant 4 : i32
            %add3A_560 = arith.addi %mul3A_558, %add3A_559 : i32
            %mul3A_561 = arith.constant 2 : i32
            %mul3A_562 = arith.muli %mul3A_561, %scan3A_482 : i32
            %add3A_563 = arith.constant 0 : i32
            %add3A_564 = arith.addi %mul3A_562, %add3A_563 : i32
            %get3A_565 = arith.index_cast %add3A_564 : i32 to index
            %get3A_566 = arith.constant 64 : index
            %get3A_567 = tpu.vector_load %arg19[%get3A_565, %get3A_566] {strides = array<i32>} : memref<10x128xf32, #tpu.memory_space<vmem>>, vector<16xf32>,
            %slice3A_568 = vector.extract_strided_slice %get3A_486 {offsets = [4], sizes = [1], strides = [1]} : vector<16xf32> to vector<1xf32>
            %squeeze3A_569 = vector.extract %slice3A_568[0] : f32 from vector<1xf32>
            %mul3A_570 = vector.broadcast %squeeze3A_569 : f32 to vector<16xf32>
            %mul3A_571 = arith.mulf %get3A_567, %mul3A_570 : vector<16xf32>
            %swap3A_572 = arith.index_cast %add3A_560 : i32 to index
            %swap3A_573 = arith.constant 0 : index
            %swap3A_574 = tpu.vector_load %arg21[%swap3A_572, %swap3A_573] {strides = array<i32>} : memref<80x16xf32, #tpu.memory_space<vmem>>, vector<16xf32>,
            tpu.vector_store %arg21[%swap3A_572, %swap3A_573], %mul3A_571 {strides = array<i32>} : memref<80x16xf32, #tpu.memory_space<vmem>>, vector<16xf32>,
            %mul3A_575 = arith.constant 16 : i32
            %mul3A_576 = arith.muli %scan3A_482, %mul3A_575 : i32
            %add3A_577 = arith.constant 5 : i32
            %add3A_578 = arith.addi %mul3A_576, %add3A_577 : i32
            %mul3A_579 = arith.constant 2 : i32
            %mul3A_580 = arith.muli %mul3A_579, %scan3A_482 : i32
            %add3A_581 = arith.constant 0 : i32
            %add3A_582 = arith.addi %mul3A_580, %add3A_581 : i32
            %get3A_583 = arith.index_cast %add3A_582 : i32 to index
            %get3A_584 = arith.constant 80 : index
            %get3A_585 = tpu.vector_load %arg19[%get3A_583, %get3A_584] {strides = array<i32>} : memref<10x128xf32, #tpu.memory_space<vmem>>, vector<16xf32>,
            %slice3A_586 = vector.extract_strided_slice %get3A_486 {offsets = [5], sizes = [1], strides = [1]} : vector<16xf32> to vector<1xf32>
            %squeeze3A_587 = vector.extract %slice3A_586[0] : f32 from vector<1xf32>
            %mul3A_588 = vector.broadcast %squeeze3A_587 : f32 to vector<16xf32>
            %mul3A_589 = arith.mulf %get3A_585, %mul3A_588 : vector<16xf32>
            %swap3A_590 = arith.index_cast %add3A_578 : i32 to index
            %swap3A_591 = arith.constant 0 : index
            %swap3A_592 = tpu.vector_load %arg21[%swap3A_590, %swap3A_591] {strides = array<i32>} : memref<80x16xf32, #tpu.memory_space<vmem>>, vector<16xf32>,
            tpu.vector_store %arg21[%swap3A_590, %swap3A_591], %mul3A_589 {strides = array<i32>} : memref<80x16xf32, #tpu.memory_space<vmem>>, vector<16xf32>,
            %mul3A_593 = arith.constant 16 : i32
            %mul3A_594 = arith.muli %scan3A_482, %mul3A_593 : i32
            %add3A_595 = arith.constant 6 : i32
            %add3A_596 = arith.addi %mul3A_594, %add3A_595 : i32
            %mul3A_597 = arith.constant 2 : i32
            %mul3A_598 = arith.muli %mul3A_597, %scan3A_482 : i32
            %add3A_599 = arith.constant 0 : i32
            %add3A_600 = arith.addi %mul3A_598, %add3A_599 : i32
            %get3A_601 = arith.index_cast %add3A_600 : i32 to index
            %get3A_602 = arith.constant 96 : index
            %get3A_603 = tpu.vector_load %arg19[%get3A_601, %get3A_602] {strides = array<i32>} : memref<10x128xf32, #tpu.memory_space<vmem>>, vector<16xf32>,
            %slice3A_604 = vector.extract_strided_slice %get3A_486 {offsets = [6], sizes = [1], strides = [1]} : vector<16xf32> to vector<1xf32>
            %squeeze3A_605 = vector.extract %slice3A_604[0] : f32 from vector<1xf32>
            %mul3A_606 = vector.broadcast %squeeze3A_605 : f32 to vector<16xf32>
            %mul3A_607 = arith.mulf %get3A_603, %mul3A_606 : vector<16xf32>
            %swap3A_608 = arith.index_cast %add3A_596 : i32 to index
            %swap3A_609 = arith.constant 0 : index
            %swap3A_610 = tpu.vector_load %arg21[%swap3A_608, %swap3A_609] {strides = array<i32>} : memref<80x16xf32, #tpu.memory_space<vmem>>, vector<16xf32>,
            tpu.vector_store %arg21[%swap3A_608, %swap3A_609], %mul3A_607 {strides = array<i32>} : memref<80x16xf32, #tpu.memory_space<vmem>>, vector<16xf32>,
            %mul3A_611 = arith.constant 16 : i32
            %mul3A_612 = arith.muli %scan3A_482, %mul3A_611 : i32
            %add3A_613 = arith.constant 7 : i32
            %add3A_614 = arith.addi %mul3A_612, %add3A_613 : i32
            %mul3A_615 = arith.constant 2 : i32
            %mul3A_616 = arith.muli %mul3A_615, %scan3A_482 : i32
            %add3A_617 = arith.constant 0 : i32
            %add3A_618 = arith.addi %mul3A_616, %add3A_617 : i32
            %get3A_619 = arith.index_cast %add3A_618 : i32 to index
            %get3A_620 = arith.constant 112 : index
            %get3A_621 = tpu.vector_load %arg19[%get3A_619, %get3A_620] {strides = array<i32>} : memref<10x128xf32, #tpu.memory_space<vmem>>, vector<16xf32>,
            %slice3A_622 = vector.extract_strided_slice %get3A_486 {offsets = [7], sizes = [1], strides = [1]} : vector<16xf32> to vector<1xf32>
            %squeeze3A_623 = vector.extract %slice3A_622[0] : f32 from vector<1xf32>
            %mul3A_624 = vector.broadcast %squeeze3A_623 : f32 to vector<16xf32>
            %mul3A_625 = arith.mulf %get3A_621, %mul3A_624 : vector<16xf32>
            %swap3A_626 = arith.index_cast %add3A_614 : i32 to index
            %swap3A_627 = arith.constant 0 : index
            %swap3A_628 = tpu.vector_load %arg21[%swap3A_626, %swap3A_627] {strides = array<i32>} : memref<80x16xf32, #tpu.memory_space<vmem>>, vector<16xf32>,
            tpu.vector_store %arg21[%swap3A_626, %swap3A_627], %mul3A_625 {strides = array<i32>} : memref<80x16xf32, #tpu.memory_space<vmem>>, vector<16xf32>,
            %mul3A_629 = arith.constant 16 : i32
            %mul3A_630 = arith.muli %scan3A_482, %mul3A_629 : i32
            %add3A_631 = arith.constant 8 : i32
            %add3A_632 = arith.addi %mul3A_630, %add3A_631 : i32
            %mul3A_633 = arith.constant 2 : i32
            %mul3A_634 = arith.muli %mul3A_633, %scan3A_482 : i32
            %add3A_635 = arith.constant 1 : i32
            %add3A_636 = arith.addi %mul3A_634, %add3A_635 : i32
            %get3A_637 = arith.index_cast %add3A_636 : i32 to index
            %get3A_638 = arith.constant 0 : index
            %get3A_639 = tpu.vector_load %arg19[%get3A_637, %get3A_638] {strides = array<i32>} : memref<10x128xf32, #tpu.memory_space<vmem>>, vector<16xf32>,
            %slice3A_640 = vector.extract_strided_slice %get3A_486 {offsets = [8], sizes = [1], strides = [1]} : vector<16xf32> to vector<1xf32>
            %squeeze3A_641 = vector.extract %slice3A_640[0] : f32 from vector<1xf32>
            %mul3A_642 = vector.broadcast %squeeze3A_641 : f32 to vector<16xf32>
            %mul3A_643 = arith.mulf %get3A_639, %mul3A_642 : vector<16xf32>
            %swap3A_644 = arith.index_cast %add3A_632 : i32 to index
            %swap3A_645 = arith.constant 0 : index
            %swap3A_646 = tpu.vector_load %arg21[%swap3A_644, %swap3A_645] {strides = array<i32>} : memref<80x16xf32, #tpu.memory_space<vmem>>, vector<16xf32>,
            tpu.vector_store %arg21[%swap3A_644, %swap3A_645], %mul3A_643 {strides = array<i32>} : memref<80x16xf32, #tpu.memory_space<vmem>>, vector<16xf32>,
            %mul3A_647 = arith.constant 16 : i32
            %mul3A_648 = arith.muli %scan3A_482, %mul3A_647 : i32
            %add3A_649 = arith.constant 9 : i32
            %add3A_650 = arith.addi %mul3A_648, %add3A_649 : i32
            %mul3A_651 = arith.constant 2 : i32
            %mul3A_652 = arith.muli %mul3A_651, %scan3A_482 : i32
            %add3A_653 = arith.constant 1 : i32
            %add3A_654 = arith.addi %mul3A_652, %add3A_653 : i32
            %get3A_655 = arith.index_cast %add3A_654 : i32 to index
            %get3A_656 = arith.constant 16 : index
            %get3A_657 = tpu.vector_load %arg19[%get3A_655, %get3A_656] {strides = array<i32>} : memref<10x128xf32, #tpu.memory_space<vmem>>, vector<16xf32>,
            %slice3A_658 = vector.extract_strided_slice %get3A_486 {offsets = [9], sizes = [1], strides = [1]} : vector<16xf32> to vector<1xf32>
            %squeeze3A_659 = vector.extract %slice3A_658[0] : f32 from vector<1xf32>
            %mul3A_660 = vector.broadcast %squeeze3A_659 : f32 to vector<16xf32>
            %mul3A_661 = arith.mulf %get3A_657, %mul3A_660 : vector<16xf32>
            %swap3A_662 = arith.index_cast %add3A_650 : i32 to index
            %swap3A_663 = arith.constant 0 : index
            %swap3A_664 = tpu.vector_load %arg21[%swap3A_662, %swap3A_663] {strides = array<i32>} : memref<80x16xf32, #tpu.memory_space<vmem>>, vector<16xf32>,
            tpu.vector_store %arg21[%swap3A_662, %swap3A_663], %mul3A_661 {strides = array<i32>} : memref<80x16xf32, #tpu.memory_space<vmem>>, vector<16xf32>,
            %mul3A_665 = arith.constant 16 : i32
            %mul3A_666 = arith.muli %scan3A_482, %mul3A_665 : i32
            %add3A_667 = arith.constant 10 : i32
            %add3A_668 = arith.addi %mul3A_666, %add3A_667 : i32
            %mul3A_669 = arith.constant 2 : i32
            %mul3A_670 = arith.muli %mul3A_669, %scan3A_482 : i32
            %add3A_671 = arith.constant 1 : i32
            %add3A_672 = arith.addi %mul3A_670, %add3A_671 : i32
            %get3A_673 = arith.index_cast %add3A_672 : i32 to index
            %get3A_674 = arith.constant 32 : index
            %get3A_675 = tpu.vector_load %arg19[%get3A_673, %get3A_674] {strides = array<i32>} : memref<10x128xf32, #tpu.memory_space<vmem>>, vector<16xf32>,
            %slice3A_676 = vector.extract_strided_slice %get3A_486 {offsets = [10], sizes = [1], strides = [1]} : vector<16xf32> to vector<1xf32>
            %squeeze3A_677 = vector.extract %slice3A_676[0] : f32 from vector<1xf32>
            %mul3A_678 = vector.broadcast %squeeze3A_677 : f32 to vector<16xf32>
            %mul3A_679 = arith.mulf %get3A_675, %mul3A_678 : vector<16xf32>
            %swap3A_680 = arith.index_cast %add3A_668 : i32 to index
            %swap3A_681 = arith.constant 0 : index
            %swap3A_682 = tpu.vector_load %arg21[%swap3A_680, %swap3A_681] {strides = array<i32>} : memref<80x16xf32, #tpu.memory_space<vmem>>, vector<16xf32>,
            tpu.vector_store %arg21[%swap3A_680, %swap3A_681], %mul3A_679 {strides = array<i32>} : memref<80x16xf32, #tpu.memory_space<vmem>>, vector<16xf32>,
            %mul3A_683 = arith.constant 16 : i32
            %mul3A_684 = arith.muli %scan3A_482, %mul3A_683 : i32
            %add3A_685 = arith.constant 11 : i32
            %add3A_686 = arith.addi %mul3A_684, %add3A_685 : i32
            %mul3A_687 = arith.constant 2 : i32
            %mul3A_688 = arith.muli %mul3A_687, %scan3A_482 : i32
            %add3A_689 = arith.constant 1 : i32
            %add3A_690 = arith.addi %mul3A_688, %add3A_689 : i32
            %get3A_691 = arith.index_cast %add3A_690 : i32 to index
            %get3A_692 = arith.constant 48 : index
            %get3A_693 = tpu.vector_load %arg19[%get3A_691, %get3A_692] {strides = array<i32>} : memref<10x128xf32, #tpu.memory_space<vmem>>, vector<16xf32>,
            %slice3A_694 = vector.extract_strided_slice %get3A_486 {offsets = [11], sizes = [1], strides = [1]} : vector<16xf32> to vector<1xf32>
            %squeeze3A_695 = vector.extract %slice3A_694[0] : f32 from vector<1xf32>
            %mul3A_696 = vector.broadcast %squeeze3A_695 : f32 to vector<16xf32>
            %mul3A_697 = arith.mulf %get3A_693, %mul3A_696 : vector<16xf32>
            %swap3A_698 = arith.index_cast %add3A_686 : i32 to index
            %swap3A_699 = arith.constant 0 : index
            %swap3A_700 = tpu.vector_load %arg21[%swap3A_698, %swap3A_699] {strides = array<i32>} : memref<80x16xf32, #tpu.memory_space<vmem>>, vector<16xf32>,
            tpu.vector_store %arg21[%swap3A_698, %swap3A_699], %mul3A_697 {strides = array<i32>} : memref<80x16xf32, #tpu.memory_space<vmem>>, vector<16xf32>,
            %mul3A_701 = arith.constant 16 : i32
            %mul3A_702 = arith.muli %scan3A_482, %mul3A_701 : i32
            %add3A_703 = arith.constant 12 : i32
            %add3A_704 = arith.addi %mul3A_702, %add3A_703 : i32
            %mul3A_705 = arith.constant 2 : i32
            %mul3A_706 = arith.muli %mul3A_705, %scan3A_482 : i32
            %add3A_707 = arith.constant 1 : i32
            %add3A_708 = arith.addi %mul3A_706, %add3A_707 : i32
            %get3A_709 = arith.index_cast %add3A_708 : i32 to index
            %get3A_710 = arith.constant 64 : index
            %get3A_711 = tpu.vector_load %arg19[%get3A_709, %get3A_710] {strides = array<i32>} : memref<10x128xf32, #tpu.memory_space<vmem>>, vector<16xf32>,
            %slice3A_712 = vector.extract_strided_slice %get3A_486 {offsets = [12], sizes = [1], strides = [1]} : vector<16xf32> to vector<1xf32>
            %squeeze3A_713 = vector.extract %slice3A_712[0] : f32 from vector<1xf32>
            %mul3A_714 = vector.broadcast %squeeze3A_713 : f32 to vector<16xf32>
            %mul3A_715 = arith.mulf %get3A_711, %mul3A_714 : vector<16xf32>
            %swap3A_716 = arith.index_cast %add3A_704 : i32 to index
            %swap3A_717 = arith.constant 0 : index
            %swap3A_718 = tpu.vector_load %arg21[%swap3A_716, %swap3A_717] {strides = array<i32>} : memref<80x16xf32, #tpu.memory_space<vmem>>, vector<16xf32>,
            tpu.vector_store %arg21[%swap3A_716, %swap3A_717], %mul3A_715 {strides = array<i32>} : memref<80x16xf32, #tpu.memory_space<vmem>>, vector<16xf32>,
            %mul3A_719 = arith.constant 16 : i32
            %mul3A_720 = arith.muli %scan3A_482, %mul3A_719 : i32
            %add3A_721 = arith.constant 13 : i32
            %add3A_722 = arith.addi %mul3A_720, %add3A_721 : i32
            %mul3A_723 = arith.constant 2 : i32
            %mul3A_724 = arith.muli %mul3A_723, %scan3A_482 : i32
            %add3A_725 = arith.constant 1 : i32
            %add3A_726 = arith.addi %mul3A_724, %add3A_725 : i32
            %get3A_727 = arith.index_cast %add3A_726 : i32 to index
            %get3A_728 = arith.constant 80 : index
            %get3A_729 = tpu.vector_load %arg19[%get3A_727, %get3A_728] {strides = array<i32>} : memref<10x128xf32, #tpu.memory_space<vmem>>, vector<16xf32>,
            %slice3A_730 = vector.extract_strided_slice %get3A_486 {offsets = [13], sizes = [1], strides = [1]} : vector<16xf32> to vector<1xf32>
            %squeeze3A_731 = vector.extract %slice3A_730[0] : f32 from vector<1xf32>
            %mul3A_732 = vector.broadcast %squeeze3A_731 : f32 to vector<16xf32>
            %mul3A_733 = arith.mulf %get3A_729, %mul3A_732 : vector<16xf32>
            %swap3A_734 = arith.index_cast %add3A_722 : i32 to index
            %swap3A_735 = arith.constant 0 : index
            %swap3A_736 = tpu.vector_load %arg21[%swap3A_734, %swap3A_735] {strides = array<i32>} : memref<80x16xf32, #tpu.memory_space<vmem>>, vector<16xf32>,
            tpu.vector_store %arg21[%swap3A_734, %swap3A_735], %mul3A_733 {strides = array<i32>} : memref<80x16xf32, #tpu.memory_space<vmem>>, vector<16xf32>,
            %mul3A_737 = arith.constant 16 : i32
            %mul3A_738 = arith.muli %scan3A_482, %mul3A_737 : i32
            %add3A_739 = arith.constant 14 : i32
            %add3A_740 = arith.addi %mul3A_738, %add3A_739 : i32
            %mul3A_741 = arith.constant 2 : i32
            %mul3A_742 = arith.muli %mul3A_741, %scan3A_482 : i32
            %add3A_743 = arith.constant 1 : i32
            %add3A_744 = arith.addi %mul3A_742, %add3A_743 : i32
            %get3A_745 = arith.index_cast %add3A_744 : i32 to index
            %get3A_746 = arith.constant 96 : index
            %get3A_747 = tpu.vector_load %arg19[%get3A_745, %get3A_746] {strides = array<i32>} : memref<10x128xf32, #tpu.memory_space<vmem>>, vector<16xf32>,
            %slice3A_748 = vector.extract_strided_slice %get3A_486 {offsets = [14], sizes = [1], strides = [1]} : vector<16xf32> to vector<1xf32>
            %squeeze3A_749 = vector.extract %slice3A_748[0] : f32 from vector<1xf32>
            %mul3A_750 = vector.broadcast %squeeze3A_749 : f32 to vector<16xf32>
            %mul3A_751 = arith.mulf %get3A_747, %mul3A_750 : vector<16xf32>
            %swap3A_752 = arith.index_cast %add3A_740 : i32 to index
            %swap3A_753 = arith.constant 0 : index
            %swap3A_754 = tpu.vector_load %arg21[%swap3A_752, %swap3A_753] {strides = array<i32>} : memref<80x16xf32, #tpu.memory_space<vmem>>, vector<16xf32>,
            tpu.vector_store %arg21[%swap3A_752, %swap3A_753], %mul3A_751 {strides = array<i32>} : memref<80x16xf32, #tpu.memory_space<vmem>>, vector<16xf32>,
            %mul3A_755 = arith.constant 16 : i32
            %mul3A_756 = arith.muli %scan3A_482, %mul3A_755 : i32
            %add3A_757 = arith.constant 15 : i32
            %add3A_758 = arith.addi %mul3A_756, %add3A_757 : i32
            %mul3A_759 = arith.constant 2 : i32
            %mul3A_760 = arith.muli %mul3A_759, %scan3A_482 : i32
            %add3A_761 = arith.constant 1 : i32
            %add3A_762 = arith.addi %mul3A_760, %add3A_761 : i32
            %get3A_763 = arith.index_cast %add3A_762 : i32 to index
            %get3A_764 = arith.constant 112 : index
            %get3A_765 = tpu.vector_load %arg19[%get3A_763, %get3A_764] {strides = array<i32>} : memref<10x128xf32, #tpu.memory_space<vmem>>, vector<16xf32>,
            %slice3A_766 = vector.extract_strided_slice %get3A_486 {offsets = [15], sizes = [1], strides = [1]} : vector<16xf32> to vector<1xf32>
            %squeeze3A_767 = vector.extract %slice3A_766[0] : f32 from vector<1xf32>
            %mul3A_768 = vector.broadcast %squeeze3A_767 : f32 to vector<16xf32>
            %mul3A_769 = arith.mulf %get3A_765, %mul3A_768 : vector<16xf32>
            %swap3A_770 = arith.index_cast %add3A_758 : i32 to index
            %swap3A_771 = arith.constant 0 : index
            %swap3A_772 = tpu.vector_load %arg21[%swap3A_770, %swap3A_771] {strides = array<i32>} : memref<80x16xf32, #tpu.memory_space<vmem>>, vector<16xf32>,
            tpu.vector_store %arg21[%swap3A_770, %swap3A_771], %mul3A_769 {strides = array<i32>} : memref<80x16xf32, #tpu.memory_space<vmem>>, vector<16xf32>,
          }
          %scan3A_481 = arith.constant 5 : i32
        } else {
        }
        %lt3A = arith.constant 24 : i32
        %lt3A_305 = arith.cmpi slt, %scan3A_180, %lt3A : i32
        %convert_element_type3A_306 = arith.extui %lt3A_305 : i1 to i32
        %cond3A_307 = arith.constant 0 : i32
        %cond3A_308 = arith.cmpi ne, %convert_element_type3A_306, %cond3A_307 : i32
        scf.if %cond3A_308 {
          %add3A_476 = arith.constant 2 : i32
          %add3A_477 = arith.addi %add3A_184, %add3A_476 : i32
          %dma_start3A_478 = arith.constant 0 : i32
          %dma_start3A_479 = tpu.memref_slice %arg11[%add3A_477, %dma_start3A_478] : memref<50x80xi32, #tpu.memory_space<vmem>> -> memref<1x80xi32, #tpu.memory_space<vmem>>
          %dma_start3A_480 = tpu.memref_squeeze %dma_start3A_479 : memref<1x80xi32, #tpu.memory_space<vmem>> -> memref<80xi32, #tpu.memory_space<vmem>>
          %dma_start3A_481 = arith.constant 0 : i32
          %dma_start3A_482 = arith.constant 0 : i32
          %dma_start3A_483 = tpu.memref_slice %arg6[%arg0, %dma_start3A_481, %dma_start3A_482] : memref<2x10000x64xf32, #tpu.memory_space<hbm>> -> memref<1x10000x64xf32, #tpu.memory_space<hbm>>
          %dma_start3A_484 = tpu.memref_squeeze %dma_start3A_483 : memref<1x10000x64xf32, #tpu.memory_space<hbm>> -> memref<10000x64xf32, #tpu.memory_space<hbm>>
          %dma_start3A_485 = arith.constant 0 : i32
          %dma_start3A_486 = arith.constant 0 : i32
          %dma_start3A_487 = tpu.memref_slice %dma_start3A_484[%dma_start3A_485, %dma_start3A_486] : memref<10000x64xf32, #tpu.memory_space<hbm>> -> memref<10000x64xf32, #tpu.memory_space<hbm>>
          tpu.enqueue_indirect_dma source(%dma_start3A_487 : memref<10000x64xf32, #tpu.memory_space<hbm>>) target(%arg15 : memref<80x64xf32, #tpu.memory_space<vmem>>) offsets(%dma_start3A_480 : memref<80xi32, #tpu.memory_space<vmem>>) semaphore(%arg31 : memref<!tpu.dma_semaphore, #tpu.memory_space<semaphore_mem>>)
          %eq3A_488 = arith.constant 0 : i32
          %eq3A_489 = arith.cmpi eq, %arg0, %eq3A_488 : i32
          %convert_element_type3A_490 = arith.extui %eq3A_489 : i1 to i32
          %cond3A_491 = arith.constant 0 : i32
          %cond3A_492 = arith.cmpi ne, %convert_element_type3A_490, %cond3A_491 : i32
          scf.if %cond3A_492 {
            %mul3A_493 = arith.constant 20000 : i32
            %mul3A_494 = arith.muli %arg1, %mul3A_493 : i32
            %mul3A_495 = arith.constant 50 : i32
            %mul3A_496 = arith.muli %scan3A_108, %mul3A_495 : i32
            %add3A_497 = arith.addi %mul3A_496, %add3A_477 : i32
            %mul3A_498 = arith.constant 80 : i32
            %mul3A_499 = arith.muli %add3A_497, %mul3A_498 : i32
            %add3A_500 = arith.addi %mul3A_494, %mul3A_499 : i32
            %mul3A_501 = arith.constant 16 : i32
            %mul3A_502 = arith.muli %add3A_500, %mul3A_501 : i32
            %jit3A = arith.constant 128 : i32
            %div3A = arith.divsi %mul3A_502, %jit3A : i32
            %sign3A = arith.constant 0 : i32
            %sign3A_503 = arith.cmpi sgt, %mul3A_502, %sign3A : i32
            %sign3A_504 = arith.extui %sign3A_503 : i1 to i32
            %sign3A_505 = arith.constant 0 : i32
            %sign3A_506 = arith.cmpi slt, %mul3A_502, %sign3A_505 : i32
            %sign3A_507 = arith.extui %sign3A_506 : i1 to i32
            %sign3A_508 = arith.subi %sign3A_504, %sign3A_507 : i32
            %sign3A_509 = arith.constant 0 : i32
            %sign3A_510 = arith.cmpi sgt, %jit3A, %sign3A_509 : i32
            %sign3A_511 = arith.extui %sign3A_510 : i1 to i32
            %sign3A_512 = arith.constant 0 : i32
            %sign3A_513 = arith.cmpi slt, %jit3A, %sign3A_512 : i32
            %sign3A_514 = arith.extui %sign3A_513 : i1 to i32
            %sign3A_515 = arith.subi %sign3A_511, %sign3A_514 : i32
            %ne3A = arith.cmpi ne, %sign3A_508, %sign3A_515 : i32
            %rem3A = arith.remsi %mul3A_502, %jit3A : i32
            %ne3A_516 = arith.constant 0 : i32
            %ne3A_517 = arith.cmpi ne, %rem3A, %ne3A_516 : i32
            %and3A = arith.andi %ne3A, %ne3A_517 : i1
            %sub3A = arith.constant 1 : i32
            %sub3A_518 = arith.subi %div3A, %sub3A : i32
            %select_n3A_519 = arith.select %and3A, %sub3A_518, %div3A : i32
            %dma_start3A_520 = arith.constant 0 : i32
            %dma_start3A_521 = tpu.memref_slice %arg7[%select_n3A_519, %dma_start3A_520] : memref<40000x128xf32, #tpu.memory_space<hbm>> -> memref<10x128xf32, #tpu.memory_space<hbm>>
            %dma_start3A_522 = arith.constant 0 : i32
            %dma_start3A_523 = tpu.memref_slice %arg7[%select_n3A_519, %dma_start3A_522] : memref<40000x128xf32, #tpu.memory_space<hbm>> -> memref<10x128xf32, #tpu.memory_space<hbm>>
            tpu.enqueue_dma source(%dma_start3A_523 : memref<10x128xf32, #tpu.memory_space<hbm>>) target(%arg19 : memref<10x128xf32, #tpu.memory_space<vmem>>) target_semaphore(%arg31 : memref<!tpu.dma_semaphore, #tpu.memory_space<semaphore_mem>>)
          } else {
          }
        } else {
        }
        %dma_start3A_309 = arith.constant 0 : i32
        %dma_start3A_310 = tpu.memref_slice %arg12[%add3A_184, %dma_start3A_309] : memref<50x80xi32, #tpu.memory_space<vmem>> -> memref<1x80xi32, #tpu.memory_space<vmem>>
        %dma_start3A_311 = tpu.memref_squeeze %dma_start3A_310 : memref<1x80xi32, #tpu.memory_space<vmem>> -> memref<80xi32, #tpu.memory_space<vmem>>
        %dma_start3A_312 = arith.constant 0 : i32
        %dma_start3A_313 = arith.constant 0 : i32
        %dma_start3A_314 = tpu.memref_slice %arg28[%dma_start3A_312, %dma_start3A_313] : memref<10240x64xf32, #tpu.memory_space<vmem_shared>> -> memref<10240x64xf32, #tpu.memory_space<vmem_shared>>
        tpu.enqueue_indirect_dma source(%arg17 : memref<80x64xf32, #tpu.memory_space<vmem>>) target(%dma_start3A_314 : memref<10240x64xf32, #tpu.memory_space<vmem_shared>>) offsets(%dma_start3A_311 : memref<80xi32, #tpu.memory_space<vmem>>) semaphore(%arg33 : memref<!tpu.dma_semaphore, #tpu.memory_space<semaphore_mem>>) {add = true}
        %eq3A_315 = arith.constant 0 : i32
        %eq3A_316 = arith.cmpi eq, %arg0, %eq3A_315 : i32
        %convert_element_type3A_317 = arith.extui %eq3A_316 : i1 to i32
        %cond3A_318 = arith.constant 0 : i32
        %cond3A_319 = arith.cmpi ne, %convert_element_type3A_317, %cond3A_318 : i32
        scf.if %cond3A_319 {
          %dma_start3A_476 = arith.constant 0 : i32
          %dma_start3A_477 = tpu.memref_slice %arg12[%add3A_184, %dma_start3A_476] : memref<50x80xi32, #tpu.memory_space<vmem>> -> memref<1x80xi32, #tpu.memory_space<vmem>>
          %dma_start3A_478 = tpu.memref_squeeze %dma_start3A_477 : memref<1x80xi32, #tpu.memory_space<vmem>> -> memref<80xi32, #tpu.memory_space<vmem>>
          %dma_start3A_479 = arith.constant 0 : i32
          %dma_start3A_480 = arith.constant 0 : i32
          %dma_start3A_481 = tpu.memref_slice %arg29[%dma_start3A_479, %dma_start3A_480] : memref<10240x16xf32, #tpu.memory_space<vmem_shared>> -> memref<10240x16xf32, #tpu.memory_space<vmem_shared>>
          tpu.enqueue_indirect_dma source(%arg21 : memref<80x16xf32, #tpu.memory_space<vmem>>) target(%dma_start3A_481 : memref<10240x16xf32, #tpu.memory_space<vmem_shared>>) offsets(%dma_start3A_478 : memref<80xi32, #tpu.memory_space<vmem>>) semaphore(%arg33 : memref<!tpu.dma_semaphore, #tpu.memory_space<semaphore_mem>>) {add = true}
        } else {
        }
        %eq3A_320 = arith.constant 1 : i32
        %eq3A_321 = arith.cmpi eq, %arg0, %eq3A_320 : i32
        %convert_element_type3A_322 = arith.extui %eq3A_321 : i1 to i32
        %cond3A_323 = arith.constant 0 : i32
        %cond3A_324 = arith.cmpi ne, %convert_element_type3A_322, %cond3A_323 : i32
        scf.if %cond3A_324 {
          %dma_start3A_476 = arith.constant 0 : i32
          %dma_start3A_477 = tpu.memref_slice %arg12[%add3A_184, %dma_start3A_476] : memref<50x80xi32, #tpu.memory_space<vmem>> -> memref<1x80xi32, #tpu.memory_space<vmem>>
          %dma_start3A_478 = tpu.memref_squeeze %dma_start3A_477 : memref<1x80xi32, #tpu.memory_space<vmem>> -> memref<80xi32, #tpu.memory_space<vmem>>
          %dma_start3A_479 = arith.constant 0 : i32
          %dma_start3A_480 = tpu.memref_slice %arg30[%dma_start3A_479] : memref<10240xf32, #tpu.memory_space<vmem_shared>> -> memref<10240xf32, #tpu.memory_space<vmem_shared>>
          tpu.enqueue_indirect_dma source(%arg23 : memref<80xf32, #tpu.memory_space<vmem>>) target(%dma_start3A_480 : memref<10240xf32, #tpu.memory_space<vmem_shared>>) offsets(%dma_start3A_478 : memref<80xi32, #tpu.memory_space<vmem>>) semaphore(%arg33 : memref<!tpu.dma_semaphore, #tpu.memory_space<semaphore_mem>>) {add = true}
        } else {
        }
        %mul3A_325 = arith.constant 2 : i32
        %mul3A_326 = arith.muli %scan3A_180, %mul3A_325 : i32
        %add3A_327 = arith.constant 1 : i32
        %add3A_328 = arith.addi %mul3A_326, %add3A_327 : i32
        %ge3A_329 = arith.constant 1 : i32
        %ge3A_330 = arith.cmpi sge, %scan3A_180, %ge3A_329 : i32
        %convert_element_type3A_331 = arith.extui %ge3A_330 : i1 to i32
        %cond3A_332 = arith.constant 0 : i32
        %cond3A_333 = arith.cmpi ne, %convert_element_type3A_331, %cond3A_332 : i32
        scf.if %cond3A_333 {
          %sub3A = arith.constant 2 : i32
          %sub3A_476 = arith.subi %add3A_328, %sub3A : i32
          %dma_wait3A_477 = arith.constant 0 : i32
          %dma_wait3A_478 = tpu.memref_slice %arg12[%sub3A_476, %dma_wait3A_477] : memref<50x80xi32, #tpu.memory_space<vmem>> -> memref<1x80xi32, #tpu.memory_space<vmem>>
          %dma_wait3A_479 = tpu.memref_squeeze %dma_wait3A_478 : memref<1x80xi32, #tpu.memory_space<vmem>> -> memref<80xi32, #tpu.memory_space<vmem>>
          %dma_wait3A_480 = arith.constant 0 : i32
          %dma_wait3A_481 = arith.constant 0 : i32
          %dma_wait3A_482 = tpu.memref_slice %arg28[%dma_wait3A_480, %dma_wait3A_481] : memref<10240x64xf32, #tpu.memory_space<vmem_shared>> -> memref<10240x64xf32, #tpu.memory_space<vmem_shared>>
          tpu.wait_indirect_dma semaphore(%arg34 : memref<!tpu.dma_semaphore, #tpu.memory_space<semaphore_mem>>) src(%arg18 : memref<80x64xf32, #tpu.memory_space<vmem>>) dst(%dma_wait3A_482 : memref<10240x64xf32, #tpu.memory_space<vmem_shared>>)
          %eq3A_483 = arith.constant 0 : i32
          %eq3A_484 = arith.cmpi eq, %arg0, %eq3A_483 : i32
          %convert_element_type3A_485 = arith.extui %eq3A_484 : i1 to i32
          %cond3A_486 = arith.constant 0 : i32
          %cond3A_487 = arith.cmpi ne, %convert_element_type3A_485, %cond3A_486 : i32
          scf.if %cond3A_487 {
            %dma_wait3A_493 = arith.constant 0 : i32
            %dma_wait3A_494 = tpu.memref_slice %arg12[%sub3A_476, %dma_wait3A_493] : memref<50x80xi32, #tpu.memory_space<vmem>> -> memref<1x80xi32, #tpu.memory_space<vmem>>
            %dma_wait3A_495 = tpu.memref_squeeze %dma_wait3A_494 : memref<1x80xi32, #tpu.memory_space<vmem>> -> memref<80xi32, #tpu.memory_space<vmem>>
            %dma_wait3A_496 = arith.constant 0 : i32
            %dma_wait3A_497 = arith.constant 0 : i32
            %dma_wait3A_498 = tpu.memref_slice %arg29[%dma_wait3A_496, %dma_wait3A_497] : memref<10240x16xf32, #tpu.memory_space<vmem_shared>> -> memref<10240x16xf32, #tpu.memory_space<vmem_shared>>
            tpu.wait_indirect_dma semaphore(%arg34 : memref<!tpu.dma_semaphore, #tpu.memory_space<semaphore_mem>>) src(%arg22 : memref<80x16xf32, #tpu.memory_space<vmem>>) dst(%dma_wait3A_498 : memref<10240x16xf32, #tpu.memory_space<vmem_shared>>)
          } else {
          }
          %eq3A_488 = arith.constant 1 : i32
          %eq3A_489 = arith.cmpi eq, %arg0, %eq3A_488 : i32
          %convert_element_type3A_490 = arith.extui %eq3A_489 : i1 to i32
          %cond3A_491 = arith.constant 0 : i32
          %cond3A_492 = arith.cmpi ne, %convert_element_type3A_490, %cond3A_491 : i32
          scf.if %cond3A_492 {
            %dma_wait3A_493 = arith.constant 0 : i32
            %dma_wait3A_494 = tpu.memref_slice %arg12[%sub3A_476, %dma_wait3A_493] : memref<50x80xi32, #tpu.memory_space<vmem>> -> memref<1x80xi32, #tpu.memory_space<vmem>>
            %dma_wait3A_495 = tpu.memref_squeeze %dma_wait3A_494 : memref<1x80xi32, #tpu.memory_space<vmem>> -> memref<80xi32, #tpu.memory_space<vmem>>
            %dma_wait3A_496 = arith.constant 0 : i32
            %dma_wait3A_497 = tpu.memref_slice %arg30[%dma_wait3A_496] : memref<10240xf32, #tpu.memory_space<vmem_shared>> -> memref<10240xf32, #tpu.memory_space<vmem_shared>>
            tpu.wait_indirect_dma semaphore(%arg34 : memref<!tpu.dma_semaphore, #tpu.memory_space<semaphore_mem>>) src(%arg24 : memref<80xf32, #tpu.memory_space<vmem>>) dst(%dma_wait3A_497 : memref<10240xf32, #tpu.memory_space<vmem_shared>>)
          } else {
          }
        } else {
        }
        %dma_wait3A_334 = arith.constant 0 : i32
        %dma_wait3A_335 = tpu.memref_slice %arg11[%add3A_328, %dma_wait3A_334] : memref<50x80xi32, #tpu.memory_space<vmem>> -> memref<1x80xi32, #tpu.memory_space<vmem>>
        %dma_wait3A_336 = tpu.memref_squeeze %dma_wait3A_335 : memref<1x80xi32, #tpu.memory_space<vmem>> -> memref<80xi32, #tpu.memory_space<vmem>>
        %dma_wait3A_337 = arith.constant 0 : i32
        %dma_wait3A_338 = arith.constant 0 : i32
        %dma_wait3A_339 = tpu.memref_slice %arg6[%arg0, %dma_wait3A_337, %dma_wait3A_338] : memref<2x10000x64xf32, #tpu.memory_space<hbm>> -> memref<1x10000x64xf32, #tpu.memory_space<hbm>>
        %dma_wait3A_340 = tpu.memref_squeeze %dma_wait3A_339 : memref<1x10000x64xf32, #tpu.memory_space<hbm>> -> memref<10000x64xf32, #tpu.memory_space<hbm>>
        %dma_wait3A_341 = arith.constant 0 : i32
        %dma_wait3A_342 = arith.constant 0 : i32
        %dma_wait3A_343 = tpu.memref_slice %dma_wait3A_340[%dma_wait3A_341, %dma_wait3A_342] : memref<10000x64xf32, #tpu.memory_space<hbm>> -> memref<10000x64xf32, #tpu.memory_space<hbm>>
        tpu.wait_indirect_dma semaphore(%arg32 : memref<!tpu.dma_semaphore, #tpu.memory_space<semaphore_mem>>) src(%dma_wait3A_343 : memref<10000x64xf32, #tpu.memory_space<hbm>>) dst(%arg16 : memref<80x64xf32, #tpu.memory_space<vmem>>)
        %eq3A_344 = arith.constant 0 : i32
        %eq3A_345 = arith.cmpi eq, %arg0, %eq3A_344 : i32
        %convert_element_type3A_346 = arith.extui %eq3A_345 : i1 to i32
        %cond3A_347 = arith.constant 0 : i32
        %cond3A_348 = arith.cmpi ne, %convert_element_type3A_346, %cond3A_347 : i32
        scf.if %cond3A_348 {
          %mul3A_476 = arith.constant 20000 : i32
          %mul3A_477 = arith.muli %arg1, %mul3A_476 : i32
          %mul3A_478 = arith.constant 50 : i32
          %mul3A_479 = arith.muli %scan3A_108, %mul3A_478 : i32
          %add3A_480 = arith.addi %mul3A_479, %add3A_328 : i32
          %mul3A_481 = arith.constant 80 : i32
          %mul3A_482 = arith.muli %add3A_480, %mul3A_481 : i32
          %add3A_483 = arith.addi %mul3A_477, %mul3A_482 : i32
          %mul3A_484 = arith.constant 16 : i32
          %mul3A_485 = arith.muli %add3A_483, %mul3A_484 : i32
          %jit3A = arith.constant 128 : i32
          %div3A = arith.divsi %mul3A_485, %jit3A : i32
          %sign3A = arith.constant 0 : i32
          %sign3A_486 = arith.cmpi sgt, %mul3A_485, %sign3A : i32
          %sign3A_487 = arith.extui %sign3A_486 : i1 to i32
          %sign3A_488 = arith.constant 0 : i32
          %sign3A_489 = arith.cmpi slt, %mul3A_485, %sign3A_488 : i32
          %sign3A_490 = arith.extui %sign3A_489 : i1 to i32
          %sign3A_491 = arith.subi %sign3A_487, %sign3A_490 : i32
          %sign3A_492 = arith.constant 0 : i32
          %sign3A_493 = arith.cmpi sgt, %jit3A, %sign3A_492 : i32
          %sign3A_494 = arith.extui %sign3A_493 : i1 to i32
          %sign3A_495 = arith.constant 0 : i32
          %sign3A_496 = arith.cmpi slt, %jit3A, %sign3A_495 : i32
          %sign3A_497 = arith.extui %sign3A_496 : i1 to i32
          %sign3A_498 = arith.subi %sign3A_494, %sign3A_497 : i32
          %ne3A = arith.cmpi ne, %sign3A_491, %sign3A_498 : i32
          %rem3A = arith.remsi %mul3A_485, %jit3A : i32
          %ne3A_499 = arith.constant 0 : i32
          %ne3A_500 = arith.cmpi ne, %rem3A, %ne3A_499 : i32
          %and3A = arith.andi %ne3A, %ne3A_500 : i1
          %sub3A = arith.constant 1 : i32
          %sub3A_501 = arith.subi %div3A, %sub3A : i32
          %select_n3A_502 = arith.select %and3A, %sub3A_501, %div3A : i32
          %dma_wait3A_503 = arith.constant 0 : i32
          %dma_wait3A_504 = tpu.memref_slice %arg7[%select_n3A_502, %dma_wait3A_503] : memref<40000x128xf32, #tpu.memory_space<hbm>> -> memref<10x128xf32, #tpu.memory_space<hbm>>
          %dma_wait3A_505 = arith.constant 0 : i32
          %dma_wait3A_506 = tpu.memref_slice %arg7[%select_n3A_502, %dma_wait3A_505] : memref<40000x128xf32, #tpu.memory_space<hbm>> -> memref<10x128xf32, #tpu.memory_space<hbm>>
          tpu.wait_dma2 semaphore(%arg32 : memref<!tpu.dma_semaphore, #tpu.memory_space<semaphore_mem>>) src(%dma_wait3A_506 : memref<10x128xf32, #tpu.memory_space<hbm>>) dst(%arg20 : memref<10x128xf32, #tpu.memory_space<vmem>>)
        } else {
        }
        %get3A_349 = arith.index_cast %add3A_328 : i32 to index
        %get3A_350 = arith.constant 0 : index
        %get3A_351 = tpu.vector_load %arg11[%get3A_349, %get3A_350] {strides = array<i32>} : memref<50x80xi32, #tpu.memory_space<vmem>>, vector<16xi32>,
        %get3A_352 = arith.index_cast %add3A_328 : i32 to index
        %get3A_353 = arith.constant 0 : index
        %get3A_354 = tpu.vector_load %arg12[%get3A_352, %get3A_353] {strides = array<i32>} : memref<50x80xi32, #tpu.memory_space<vmem>>, vector<16xi32>,
        %gather3A_355 = tpu.vector_load_idx %arg13[%get3A_351] : memref<10240xf32, #tpu.memory_space<vmem>>[vector<16xi32>], vector<16xf32>,
        %gather3A_356 = tpu.vector_load_idx %arg14[%get3A_354] : memref<10240xf32, #tpu.memory_space<vmem>>[vector<16xi32>], vector<16xf32>,
        %add3A_357 = arith.addf %gather3A_355, %gather3A_356 : vector<16xf32>
        %ge3A_358 = arith.constant 0.000000e+00 : f32
        %ge3A_359 = vector.broadcast %ge3A_358 : f32 to vector<16xf32>
        %ge3A_360 = arith.cmpf oge, %add3A_357, %ge3A_359 : vector<16xf32>
        %mul3A_361 = arith.constant 0.00999999977 : f32
        %mul3A_362 = vector.broadcast %mul3A_361 : f32 to vector<16xf32>
        %mul3A_363 = arith.mulf %add3A_357, %mul3A_362 : vector<16xf32>
        %select_n3A_364 = arith.select %ge3A_360, %add3A_357, %mul3A_363 : vector<16xi1>, vector<16xf32>
        %exp3A_365 = math.exp %select_n3A_364 : vector<16xf32>
        %swap3A_366 = arith.constant 0 : index
        %swap3A_367 = tpu.vector_load %arg24[%swap3A_366] {strides = array<i32>} : memref<80xf32, #tpu.memory_space<vmem>>, vector<16xf32>,
        tpu.vector_store %arg24[%swap3A_366], %exp3A_365 {strides = array<i32>} : memref<80xf32, #tpu.memory_space<vmem>>, vector<16xf32>,
        %get3A_368 = arith.index_cast %add3A_328 : i32 to index
        %get3A_369 = arith.constant 16 : index
        %get3A_370 = tpu.vector_load %arg11[%get3A_368, %get3A_369] {strides = array<i32>} : memref<50x80xi32, #tpu.memory_space<vmem>>, vector<16xi32>,
        %get3A_371 = arith.index_cast %add3A_328 : i32 to index
        %get3A_372 = arith.constant 16 : index
        %get3A_373 = tpu.vector_load %arg12[%get3A_371, %get3A_372] {strides = array<i32>} : memref<50x80xi32, #tpu.memory_space<vmem>>, vector<16xi32>,
        %gather3A_374 = tpu.vector_load_idx %arg13[%get3A_370] : memref<10240xf32, #tpu.memory_space<vmem>>[vector<16xi32>], vector<16xf32>,
        %gather3A_375 = tpu.vector_load_idx %arg14[%get3A_373] : memref<10240xf32, #tpu.memory_space<vmem>>[vector<16xi32>], vector<16xf32>,
        %add3A_376 = arith.addf %gather3A_374, %gather3A_375 : vector<16xf32>
        %ge3A_377 = arith.constant 0.000000e+00 : f32
        %ge3A_378 = vector.broadcast %ge3A_377 : f32 to vector<16xf32>
        %ge3A_379 = arith.cmpf oge, %add3A_376, %ge3A_378 : vector<16xf32>
        %mul3A_380 = arith.constant 0.00999999977 : f32
        %mul3A_381 = vector.broadcast %mul3A_380 : f32 to vector<16xf32>
        %mul3A_382 = arith.mulf %add3A_376, %mul3A_381 : vector<16xf32>
        %select_n3A_383 = arith.select %ge3A_379, %add3A_376, %mul3A_382 : vector<16xi1>, vector<16xf32>
        %exp3A_384 = math.exp %select_n3A_383 : vector<16xf32>
        %swap3A_385 = arith.constant 16 : index
        %swap3A_386 = tpu.vector_load %arg24[%swap3A_385] {strides = array<i32>} : memref<80xf32, #tpu.memory_space<vmem>>, vector<16xf32>,
        tpu.vector_store %arg24[%swap3A_385], %exp3A_384 {strides = array<i32>} : memref<80xf32, #tpu.memory_space<vmem>>, vector<16xf32>,
        %get3A_387 = arith.index_cast %add3A_328 : i32 to index
        %get3A_388 = arith.constant 32 : index
        %get3A_389 = tpu.vector_load %arg11[%get3A_387, %get3A_388] {strides = array<i32>} : memref<50x80xi32, #tpu.memory_space<vmem>>, vector<16xi32>,
        %get3A_390 = arith.index_cast %add3A_328 : i32 to index
        %get3A_391 = arith.constant 32 : index
        %get3A_392 = tpu.vector_load %arg12[%get3A_390, %get3A_391] {strides = array<i32>} : memref<50x80xi32, #tpu.memory_space<vmem>>, vector<16xi32>,
        %gather3A_393 = tpu.vector_load_idx %arg13[%get3A_389] : memref<10240xf32, #tpu.memory_space<vmem>>[vector<16xi32>], vector<16xf32>,
        %gather3A_394 = tpu.vector_load_idx %arg14[%get3A_392] : memref<10240xf32, #tpu.memory_space<vmem>>[vector<16xi32>], vector<16xf32>,
        %add3A_395 = arith.addf %gather3A_393, %gather3A_394 : vector<16xf32>
        %ge3A_396 = arith.constant 0.000000e+00 : f32
        %ge3A_397 = vector.broadcast %ge3A_396 : f32 to vector<16xf32>
        %ge3A_398 = arith.cmpf oge, %add3A_395, %ge3A_397 : vector<16xf32>
        %mul3A_399 = arith.constant 0.00999999977 : f32
        %mul3A_400 = vector.broadcast %mul3A_399 : f32 to vector<16xf32>
        %mul3A_401 = arith.mulf %add3A_395, %mul3A_400 : vector<16xf32>
        %select_n3A_402 = arith.select %ge3A_398, %add3A_395, %mul3A_401 : vector<16xi1>, vector<16xf32>
        %exp3A_403 = math.exp %select_n3A_402 : vector<16xf32>
        %swap3A_404 = arith.constant 32 : index
        %swap3A_405 = tpu.vector_load %arg24[%swap3A_404] {strides = array<i32>} : memref<80xf32, #tpu.memory_space<vmem>>, vector<16xf32>,
        tpu.vector_store %arg24[%swap3A_404], %exp3A_403 {strides = array<i32>} : memref<80xf32, #tpu.memory_space<vmem>>, vector<16xf32>,
        %get3A_406 = arith.index_cast %add3A_328 : i32 to index
        %get3A_407 = arith.constant 48 : index
        %get3A_408 = tpu.vector_load %arg11[%get3A_406, %get3A_407] {strides = array<i32>} : memref<50x80xi32, #tpu.memory_space<vmem>>, vector<16xi32>,
        %get3A_409 = arith.index_cast %add3A_328 : i32 to index
        %get3A_410 = arith.constant 48 : index
        %get3A_411 = tpu.vector_load %arg12[%get3A_409, %get3A_410] {strides = array<i32>} : memref<50x80xi32, #tpu.memory_space<vmem>>, vector<16xi32>,
        %gather3A_412 = tpu.vector_load_idx %arg13[%get3A_408] : memref<10240xf32, #tpu.memory_space<vmem>>[vector<16xi32>], vector<16xf32>,
        %gather3A_413 = tpu.vector_load_idx %arg14[%get3A_411] : memref<10240xf32, #tpu.memory_space<vmem>>[vector<16xi32>], vector<16xf32>,
        %add3A_414 = arith.addf %gather3A_412, %gather3A_413 : vector<16xf32>
        %ge3A_415 = arith.constant 0.000000e+00 : f32
        %ge3A_416 = vector.broadcast %ge3A_415 : f32 to vector<16xf32>
        %ge3A_417 = arith.cmpf oge, %add3A_414, %ge3A_416 : vector<16xf32>
        %mul3A_418 = arith.constant 0.00999999977 : f32
        %mul3A_419 = vector.broadcast %mul3A_418 : f32 to vector<16xf32>
        %mul3A_420 = arith.mulf %add3A_414, %mul3A_419 : vector<16xf32>
        %select_n3A_421 = arith.select %ge3A_417, %add3A_414, %mul3A_420 : vector<16xi1>, vector<16xf32>
        %exp3A_422 = math.exp %select_n3A_421 : vector<16xf32>
        %swap3A_423 = arith.constant 48 : index
        %swap3A_424 = tpu.vector_load %arg24[%swap3A_423] {strides = array<i32>} : memref<80xf32, #tpu.memory_space<vmem>>, vector<16xf32>,
        tpu.vector_store %arg24[%swap3A_423], %exp3A_422 {strides = array<i32>} : memref<80xf32, #tpu.memory_space<vmem>>, vector<16xf32>,
        %get3A_425 = arith.index_cast %add3A_328 : i32 to index
        %get3A_426 = arith.constant 64 : index
        %get3A_427 = tpu.vector_load %arg11[%get3A_425, %get3A_426] {strides = array<i32>} : memref<50x80xi32, #tpu.memory_space<vmem>>, vector<16xi32>,
        %get3A_428 = arith.index_cast %add3A_328 : i32 to index
        %get3A_429 = arith.constant 64 : index
        %get3A_430 = tpu.vector_load %arg12[%get3A_428, %get3A_429] {strides = array<i32>} : memref<50x80xi32, #tpu.memory_space<vmem>>, vector<16xi32>,
        %gather3A_431 = tpu.vector_load_idx %arg13[%get3A_427] : memref<10240xf32, #tpu.memory_space<vmem>>[vector<16xi32>], vector<16xf32>,
        %gather3A_432 = tpu.vector_load_idx %arg14[%get3A_430] : memref<10240xf32, #tpu.memory_space<vmem>>[vector<16xi32>], vector<16xf32>,
        %add3A_433 = arith.addf %gather3A_431, %gather3A_432 : vector<16xf32>
        %ge3A_434 = arith.constant 0.000000e+00 : f32
        %ge3A_435 = vector.broadcast %ge3A_434 : f32 to vector<16xf32>
        %ge3A_436 = arith.cmpf oge, %add3A_433, %ge3A_435 : vector<16xf32>
        %mul3A_437 = arith.constant 0.00999999977 : f32
        %mul3A_438 = vector.broadcast %mul3A_437 : f32 to vector<16xf32>
        %mul3A_439 = arith.mulf %add3A_433, %mul3A_438 : vector<16xf32>
        %select_n3A_440 = arith.select %ge3A_436, %add3A_433, %mul3A_439 : vector<16xi1>, vector<16xf32>
        %exp3A_441 = math.exp %select_n3A_440 : vector<16xf32>
        %swap3A_442 = arith.constant 64 : index
        %swap3A_443 = tpu.vector_load %arg24[%swap3A_442] {strides = array<i32>} : memref<80xf32, #tpu.memory_space<vmem>>, vector<16xf32>,
        tpu.vector_store %arg24[%swap3A_442], %exp3A_441 {strides = array<i32>} : memref<80xf32, #tpu.memory_space<vmem>>, vector<16xf32>,
        %scan3A_444 = arith.constant 0 : i32
        %scan3A_445 = arith.constant 0 : i32
        %scan3A_446 = arith.constant 5 : i32
        %scan3A_447 = arith.addi %scan3A_445, %scan3A_446 : i32
        %scan3A_448 = arith.constant 1 : i32
        scf.for %scan3A_476 = %scan3A_445 to %scan3A_447 step %scan3A_448  : i32 {
          %mul3A_477 = arith.constant 16 : i32
          %mul3A_478 = arith.muli %scan3A_476, %mul3A_477 : i32
          %get3A_479 = arith.index_cast %mul3A_478 : i32 to index
          %get3A_480 = tpu.vector_load %arg24[%get3A_479] {strides = array<i32>} : memref<80xf32, #tpu.memory_space<vmem>>, vector<16xf32>,
          %slice3A = vector.extract_strided_slice %get3A_480 {offsets = [0], sizes = [1], strides = [1]} : vector<16xf32> to vector<1xf32>
          %squeeze3A = vector.extract %slice3A[0] : f32 from vector<1xf32>
          %mul3A_481 = arith.constant 16 : i32
          %mul3A_482 = arith.muli %scan3A_476, %mul3A_481 : i32
          %add3A_483 = arith.constant 0 : i32
          %add3A_484 = arith.addi %mul3A_482, %add3A_483 : i32
          %get3A_485 = arith.index_cast %add3A_484 : i32 to index
          %get3A_486 = arith.constant 0 : index
          %get3A_487 = tpu.vector_load %arg16[%get3A_485, %get3A_486] {strides = array<i32>} : memref<80x64xf32, #tpu.memory_space<vmem>>, vector<16xf32>,
          %mul3A_488 = vector.broadcast %squeeze3A : f32 to vector<16xf32>
          %mul3A_489 = arith.mulf %get3A_487, %mul3A_488 : vector<16xf32>
          %swap3A_490 = arith.index_cast %add3A_484 : i32 to index
          %swap3A_491 = arith.constant 0 : index
          %swap3A_492 = tpu.vector_load %arg18[%swap3A_490, %swap3A_491] {strides = array<i32>} : memref<80x64xf32, #tpu.memory_space<vmem>>, vector<16xf32>,
          tpu.vector_store %arg18[%swap3A_490, %swap3A_491], %mul3A_489 {strides = array<i32>} : memref<80x64xf32, #tpu.memory_space<vmem>>, vector<16xf32>,
          %get3A_493 = arith.index_cast %add3A_484 : i32 to index
          %get3A_494 = arith.constant 16 : index
          %get3A_495 = tpu.vector_load %arg16[%get3A_493, %get3A_494] {strides = array<i32>} : memref<80x64xf32, #tpu.memory_space<vmem>>, vector<16xf32>,
          %mul3A_496 = vector.broadcast %squeeze3A : f32 to vector<16xf32>
          %mul3A_497 = arith.mulf %get3A_495, %mul3A_496 : vector<16xf32>
          %swap3A_498 = arith.index_cast %add3A_484 : i32 to index
          %swap3A_499 = arith.constant 16 : index
          %swap3A_500 = tpu.vector_load %arg18[%swap3A_498, %swap3A_499] {strides = array<i32>} : memref<80x64xf32, #tpu.memory_space<vmem>>, vector<16xf32>,
          tpu.vector_store %arg18[%swap3A_498, %swap3A_499], %mul3A_497 {strides = array<i32>} : memref<80x64xf32, #tpu.memory_space<vmem>>, vector<16xf32>,
          %get3A_501 = arith.index_cast %add3A_484 : i32 to index
          %get3A_502 = arith.constant 32 : index
          %get3A_503 = tpu.vector_load %arg16[%get3A_501, %get3A_502] {strides = array<i32>} : memref<80x64xf32, #tpu.memory_space<vmem>>, vector<16xf32>,
          %mul3A_504 = vector.broadcast %squeeze3A : f32 to vector<16xf32>
          %mul3A_505 = arith.mulf %get3A_503, %mul3A_504 : vector<16xf32>
          %swap3A_506 = arith.index_cast %add3A_484 : i32 to index
          %swap3A_507 = arith.constant 32 : index
          %swap3A_508 = tpu.vector_load %arg18[%swap3A_506, %swap3A_507] {strides = array<i32>} : memref<80x64xf32, #tpu.memory_space<vmem>>, vector<16xf32>,
          tpu.vector_store %arg18[%swap3A_506, %swap3A_507], %mul3A_505 {strides = array<i32>} : memref<80x64xf32, #tpu.memory_space<vmem>>, vector<16xf32>,
          %get3A_509 = arith.index_cast %add3A_484 : i32 to index
          %get3A_510 = arith.constant 48 : index
          %get3A_511 = tpu.vector_load %arg16[%get3A_509, %get3A_510] {strides = array<i32>} : memref<80x64xf32, #tpu.memory_space<vmem>>, vector<16xf32>,
          %mul3A_512 = vector.broadcast %squeeze3A : f32 to vector<16xf32>
          %mul3A_513 = arith.mulf %get3A_511, %mul3A_512 : vector<16xf32>
          %swap3A_514 = arith.index_cast %add3A_484 : i32 to index
          %swap3A_515 = arith.constant 48 : index
          %swap3A_516 = tpu.vector_load %arg18[%swap3A_514, %swap3A_515] {strides = array<i32>} : memref<80x64xf32, #tpu.memory_space<vmem>>, vector<16xf32>,
          tpu.vector_store %arg18[%swap3A_514, %swap3A_515], %mul3A_513 {strides = array<i32>} : memref<80x64xf32, #tpu.memory_space<vmem>>, vector<16xf32>,
          %slice3A_517 = vector.extract_strided_slice %get3A_480 {offsets = [1], sizes = [1], strides = [1]} : vector<16xf32> to vector<1xf32>
          %squeeze3A_518 = vector.extract %slice3A_517[0] : f32 from vector<1xf32>
          %mul3A_519 = arith.constant 16 : i32
          %mul3A_520 = arith.muli %scan3A_476, %mul3A_519 : i32
          %add3A_521 = arith.constant 1 : i32
          %add3A_522 = arith.addi %mul3A_520, %add3A_521 : i32
          %get3A_523 = arith.index_cast %add3A_522 : i32 to index
          %get3A_524 = arith.constant 0 : index
          %get3A_525 = tpu.vector_load %arg16[%get3A_523, %get3A_524] {strides = array<i32>} : memref<80x64xf32, #tpu.memory_space<vmem>>, vector<16xf32>,
          %mul3A_526 = vector.broadcast %squeeze3A_518 : f32 to vector<16xf32>
          %mul3A_527 = arith.mulf %get3A_525, %mul3A_526 : vector<16xf32>
          %swap3A_528 = arith.index_cast %add3A_522 : i32 to index
          %swap3A_529 = arith.constant 0 : index
          %swap3A_530 = tpu.vector_load %arg18[%swap3A_528, %swap3A_529] {strides = array<i32>} : memref<80x64xf32, #tpu.memory_space<vmem>>, vector<16xf32>,
          tpu.vector_store %arg18[%swap3A_528, %swap3A_529], %mul3A_527 {strides = array<i32>} : memref<80x64xf32, #tpu.memory_space<vmem>>, vector<16xf32>,
          %get3A_531 = arith.index_cast %add3A_522 : i32 to index
          %get3A_532 = arith.constant 16 : index
          %get3A_533 = tpu.vector_load %arg16[%get3A_531, %get3A_532] {strides = array<i32>} : memref<80x64xf32, #tpu.memory_space<vmem>>, vector<16xf32>,
          %mul3A_534 = vector.broadcast %squeeze3A_518 : f32 to vector<16xf32>
          %mul3A_535 = arith.mulf %get3A_533, %mul3A_534 : vector<16xf32>
          %swap3A_536 = arith.index_cast %add3A_522 : i32 to index
          %swap3A_537 = arith.constant 16 : index
          %swap3A_538 = tpu.vector_load %arg18[%swap3A_536, %swap3A_537] {strides = array<i32>} : memref<80x64xf32, #tpu.memory_space<vmem>>, vector<16xf32>,
          tpu.vector_store %arg18[%swap3A_536, %swap3A_537], %mul3A_535 {strides = array<i32>} : memref<80x64xf32, #tpu.memory_space<vmem>>, vector<16xf32>,
          %get3A_539 = arith.index_cast %add3A_522 : i32 to index
          %get3A_540 = arith.constant 32 : index
          %get3A_541 = tpu.vector_load %arg16[%get3A_539, %get3A_540] {strides = array<i32>} : memref<80x64xf32, #tpu.memory_space<vmem>>, vector<16xf32>,
          %mul3A_542 = vector.broadcast %squeeze3A_518 : f32 to vector<16xf32>
          %mul3A_543 = arith.mulf %get3A_541, %mul3A_542 : vector<16xf32>
          %swap3A_544 = arith.index_cast %add3A_522 : i32 to index
          %swap3A_545 = arith.constant 32 : index
          %swap3A_546 = tpu.vector_load %arg18[%swap3A_544, %swap3A_545] {strides = array<i32>} : memref<80x64xf32, #tpu.memory_space<vmem>>, vector<16xf32>,
          tpu.vector_store %arg18[%swap3A_544, %swap3A_545], %mul3A_543 {strides = array<i32>} : memref<80x64xf32, #tpu.memory_space<vmem>>, vector<16xf32>,
          %get3A_547 = arith.index_cast %add3A_522 : i32 to index
          %get3A_548 = arith.constant 48 : index
          %get3A_549 = tpu.vector_load %arg16[%get3A_547, %get3A_548] {strides = array<i32>} : memref<80x64xf32, #tpu.memory_space<vmem>>, vector<16xf32>,
          %mul3A_550 = vector.broadcast %squeeze3A_518 : f32 to vector<16xf32>
          %mul3A_551 = arith.mulf %get3A_549, %mul3A_550 : vector<16xf32>
          %swap3A_552 = arith.index_cast %add3A_522 : i32 to index
          %swap3A_553 = arith.constant 48 : index
          %swap3A_554 = tpu.vector_load %arg18[%swap3A_552, %swap3A_553] {strides = array<i32>} : memref<80x64xf32, #tpu.memory_space<vmem>>, vector<16xf32>,
          tpu.vector_store %arg18[%swap3A_552, %swap3A_553], %mul3A_551 {strides = array<i32>} : memref<80x64xf32, #tpu.memory_space<vmem>>, vector<16xf32>,
          %slice3A_555 = vector.extract_strided_slice %get3A_480 {offsets = [2], sizes = [1], strides = [1]} : vector<16xf32> to vector<1xf32>
          %squeeze3A_556 = vector.extract %slice3A_555[0] : f32 from vector<1xf32>
          %mul3A_557 = arith.constant 16 : i32
          %mul3A_558 = arith.muli %scan3A_476, %mul3A_557 : i32
          %add3A_559 = arith.constant 2 : i32
          %add3A_560 = arith.addi %mul3A_558, %add3A_559 : i32
          %get3A_561 = arith.index_cast %add3A_560 : i32 to index
          %get3A_562 = arith.constant 0 : index
          %get3A_563 = tpu.vector_load %arg16[%get3A_561, %get3A_562] {strides = array<i32>} : memref<80x64xf32, #tpu.memory_space<vmem>>, vector<16xf32>,
          %mul3A_564 = vector.broadcast %squeeze3A_556 : f32 to vector<16xf32>
          %mul3A_565 = arith.mulf %get3A_563, %mul3A_564 : vector<16xf32>
          %swap3A_566 = arith.index_cast %add3A_560 : i32 to index
          %swap3A_567 = arith.constant 0 : index
          %swap3A_568 = tpu.vector_load %arg18[%swap3A_566, %swap3A_567] {strides = array<i32>} : memref<80x64xf32, #tpu.memory_space<vmem>>, vector<16xf32>,
          tpu.vector_store %arg18[%swap3A_566, %swap3A_567], %mul3A_565 {strides = array<i32>} : memref<80x64xf32, #tpu.memory_space<vmem>>, vector<16xf32>,
          %get3A_569 = arith.index_cast %add3A_560 : i32 to index
          %get3A_570 = arith.constant 16 : index
          %get3A_571 = tpu.vector_load %arg16[%get3A_569, %get3A_570] {strides = array<i32>} : memref<80x64xf32, #tpu.memory_space<vmem>>, vector<16xf32>,
          %mul3A_572 = vector.broadcast %squeeze3A_556 : f32 to vector<16xf32>
          %mul3A_573 = arith.mulf %get3A_571, %mul3A_572 : vector<16xf32>
          %swap3A_574 = arith.index_cast %add3A_560 : i32 to index
          %swap3A_575 = arith.constant 16 : index
          %swap3A_576 = tpu.vector_load %arg18[%swap3A_574, %swap3A_575] {strides = array<i32>} : memref<80x64xf32, #tpu.memory_space<vmem>>, vector<16xf32>,
          tpu.vector_store %arg18[%swap3A_574, %swap3A_575], %mul3A_573 {strides = array<i32>} : memref<80x64xf32, #tpu.memory_space<vmem>>, vector<16xf32>,
          %get3A_577 = arith.index_cast %add3A_560 : i32 to index
          %get3A_578 = arith.constant 32 : index
          %get3A_579 = tpu.vector_load %arg16[%get3A_577, %get3A_578] {strides = array<i32>} : memref<80x64xf32, #tpu.memory_space<vmem>>, vector<16xf32>,
          %mul3A_580 = vector.broadcast %squeeze3A_556 : f32 to vector<16xf32>
          %mul3A_581 = arith.mulf %get3A_579, %mul3A_580 : vector<16xf32>
          %swap3A_582 = arith.index_cast %add3A_560 : i32 to index
          %swap3A_583 = arith.constant 32 : index
          %swap3A_584 = tpu.vector_load %arg18[%swap3A_582, %swap3A_583] {strides = array<i32>} : memref<80x64xf32, #tpu.memory_space<vmem>>, vector<16xf32>,
          tpu.vector_store %arg18[%swap3A_582, %swap3A_583], %mul3A_581 {strides = array<i32>} : memref<80x64xf32, #tpu.memory_space<vmem>>, vector<16xf32>,
          %get3A_585 = arith.index_cast %add3A_560 : i32 to index
          %get3A_586 = arith.constant 48 : index
          %get3A_587 = tpu.vector_load %arg16[%get3A_585, %get3A_586] {strides = array<i32>} : memref<80x64xf32, #tpu.memory_space<vmem>>, vector<16xf32>,
          %mul3A_588 = vector.broadcast %squeeze3A_556 : f32 to vector<16xf32>
          %mul3A_589 = arith.mulf %get3A_587, %mul3A_588 : vector<16xf32>
          %swap3A_590 = arith.index_cast %add3A_560 : i32 to index
          %swap3A_591 = arith.constant 48 : index
          %swap3A_592 = tpu.vector_load %arg18[%swap3A_590, %swap3A_591] {strides = array<i32>} : memref<80x64xf32, #tpu.memory_space<vmem>>, vector<16xf32>,
          tpu.vector_store %arg18[%swap3A_590, %swap3A_591], %mul3A_589 {strides = array<i32>} : memref<80x64xf32, #tpu.memory_space<vmem>>, vector<16xf32>,
          %slice3A_593 = vector.extract_strided_slice %get3A_480 {offsets = [3], sizes = [1], strides = [1]} : vector<16xf32> to vector<1xf32>
          %squeeze3A_594 = vector.extract %slice3A_593[0] : f32 from vector<1xf32>
          %mul3A_595 = arith.constant 16 : i32
          %mul3A_596 = arith.muli %scan3A_476, %mul3A_595 : i32
          %add3A_597 = arith.constant 3 : i32
          %add3A_598 = arith.addi %mul3A_596, %add3A_597 : i32
          %get3A_599 = arith.index_cast %add3A_598 : i32 to index
          %get3A_600 = arith.constant 0 : index
          %get3A_601 = tpu.vector_load %arg16[%get3A_599, %get3A_600] {strides = array<i32>} : memref<80x64xf32, #tpu.memory_space<vmem>>, vector<16xf32>,
          %mul3A_602 = vector.broadcast %squeeze3A_594 : f32 to vector<16xf32>
          %mul3A_603 = arith.mulf %get3A_601, %mul3A_602 : vector<16xf32>
          %swap3A_604 = arith.index_cast %add3A_598 : i32 to index
          %swap3A_605 = arith.constant 0 : index
          %swap3A_606 = tpu.vector_load %arg18[%swap3A_604, %swap3A_605] {strides = array<i32>} : memref<80x64xf32, #tpu.memory_space<vmem>>, vector<16xf32>,
          tpu.vector_store %arg18[%swap3A_604, %swap3A_605], %mul3A_603 {strides = array<i32>} : memref<80x64xf32, #tpu.memory_space<vmem>>, vector<16xf32>,
          %get3A_607 = arith.index_cast %add3A_598 : i32 to index
          %get3A_608 = arith.constant 16 : index
          %get3A_609 = tpu.vector_load %arg16[%get3A_607, %get3A_608] {strides = array<i32>} : memref<80x64xf32, #tpu.memory_space<vmem>>, vector<16xf32>,
          %mul3A_610 = vector.broadcast %squeeze3A_594 : f32 to vector<16xf32>
          %mul3A_611 = arith.mulf %get3A_609, %mul3A_610 : vector<16xf32>
          %swap3A_612 = arith.index_cast %add3A_598 : i32 to index
          %swap3A_613 = arith.constant 16 : index
          %swap3A_614 = tpu.vector_load %arg18[%swap3A_612, %swap3A_613] {strides = array<i32>} : memref<80x64xf32, #tpu.memory_space<vmem>>, vector<16xf32>,
          tpu.vector_store %arg18[%swap3A_612, %swap3A_613], %mul3A_611 {strides = array<i32>} : memref<80x64xf32, #tpu.memory_space<vmem>>, vector<16xf32>,
          %get3A_615 = arith.index_cast %add3A_598 : i32 to index
          %get3A_616 = arith.constant 32 : index
          %get3A_617 = tpu.vector_load %arg16[%get3A_615, %get3A_616] {strides = array<i32>} : memref<80x64xf32, #tpu.memory_space<vmem>>, vector<16xf32>,
          %mul3A_618 = vector.broadcast %squeeze3A_594 : f32 to vector<16xf32>
          %mul3A_619 = arith.mulf %get3A_617, %mul3A_618 : vector<16xf32>
          %swap3A_620 = arith.index_cast %add3A_598 : i32 to index
          %swap3A_621 = arith.constant 32 : index
          %swap3A_622 = tpu.vector_load %arg18[%swap3A_620, %swap3A_621] {strides = array<i32>} : memref<80x64xf32, #tpu.memory_space<vmem>>, vector<16xf32>,
          tpu.vector_store %arg18[%swap3A_620, %swap3A_621], %mul3A_619 {strides = array<i32>} : memref<80x64xf32, #tpu.memory_space<vmem>>, vector<16xf32>,
          %get3A_623 = arith.index_cast %add3A_598 : i32 to index
          %get3A_624 = arith.constant 48 : index
          %get3A_625 = tpu.vector_load %arg16[%get3A_623, %get3A_624] {strides = array<i32>} : memref<80x64xf32, #tpu.memory_space<vmem>>, vector<16xf32>,
          %mul3A_626 = vector.broadcast %squeeze3A_594 : f32 to vector<16xf32>
          %mul3A_627 = arith.mulf %get3A_625, %mul3A_626 : vector<16xf32>
          %swap3A_628 = arith.index_cast %add3A_598 : i32 to index
          %swap3A_629 = arith.constant 48 : index
          %swap3A_630 = tpu.vector_load %arg18[%swap3A_628, %swap3A_629] {strides = array<i32>} : memref<80x64xf32, #tpu.memory_space<vmem>>, vector<16xf32>,
          tpu.vector_store %arg18[%swap3A_628, %swap3A_629], %mul3A_627 {strides = array<i32>} : memref<80x64xf32, #tpu.memory_space<vmem>>, vector<16xf32>,
          %slice3A_631 = vector.extract_strided_slice %get3A_480 {offsets = [4], sizes = [1], strides = [1]} : vector<16xf32> to vector<1xf32>
          %squeeze3A_632 = vector.extract %slice3A_631[0] : f32 from vector<1xf32>
          %mul3A_633 = arith.constant 16 : i32
          %mul3A_634 = arith.muli %scan3A_476, %mul3A_633 : i32
          %add3A_635 = arith.constant 4 : i32
          %add3A_636 = arith.addi %mul3A_634, %add3A_635 : i32
          %get3A_637 = arith.index_cast %add3A_636 : i32 to index
          %get3A_638 = arith.constant 0 : index
          %get3A_639 = tpu.vector_load %arg16[%get3A_637, %get3A_638] {strides = array<i32>} : memref<80x64xf32, #tpu.memory_space<vmem>>, vector<16xf32>,
          %mul3A_640 = vector.broadcast %squeeze3A_632 : f32 to vector<16xf32>
          %mul3A_641 = arith.mulf %get3A_639, %mul3A_640 : vector<16xf32>
          %swap3A_642 = arith.index_cast %add3A_636 : i32 to index
          %swap3A_643 = arith.constant 0 : index
          %swap3A_644 = tpu.vector_load %arg18[%swap3A_642, %swap3A_643] {strides = array<i32>} : memref<80x64xf32, #tpu.memory_space<vmem>>, vector<16xf32>,
          tpu.vector_store %arg18[%swap3A_642, %swap3A_643], %mul3A_641 {strides = array<i32>} : memref<80x64xf32, #tpu.memory_space<vmem>>, vector<16xf32>,
          %get3A_645 = arith.index_cast %add3A_636 : i32 to index
          %get3A_646 = arith.constant 16 : index
          %get3A_647 = tpu.vector_load %arg16[%get3A_645, %get3A_646] {strides = array<i32>} : memref<80x64xf32, #tpu.memory_space<vmem>>, vector<16xf32>,
          %mul3A_648 = vector.broadcast %squeeze3A_632 : f32 to vector<16xf32>
          %mul3A_649 = arith.mulf %get3A_647, %mul3A_648 : vector<16xf32>
          %swap3A_650 = arith.index_cast %add3A_636 : i32 to index
          %swap3A_651 = arith.constant 16 : index
          %swap3A_652 = tpu.vector_load %arg18[%swap3A_650, %swap3A_651] {strides = array<i32>} : memref<80x64xf32, #tpu.memory_space<vmem>>, vector<16xf32>,
          tpu.vector_store %arg18[%swap3A_650, %swap3A_651], %mul3A_649 {strides = array<i32>} : memref<80x64xf32, #tpu.memory_space<vmem>>, vector<16xf32>,
          %get3A_653 = arith.index_cast %add3A_636 : i32 to index
          %get3A_654 = arith.constant 32 : index
          %get3A_655 = tpu.vector_load %arg16[%get3A_653, %get3A_654] {strides = array<i32>} : memref<80x64xf32, #tpu.memory_space<vmem>>, vector<16xf32>,
          %mul3A_656 = vector.broadcast %squeeze3A_632 : f32 to vector<16xf32>
          %mul3A_657 = arith.mulf %get3A_655, %mul3A_656 : vector<16xf32>
          %swap3A_658 = arith.index_cast %add3A_636 : i32 to index
          %swap3A_659 = arith.constant 32 : index
          %swap3A_660 = tpu.vector_load %arg18[%swap3A_658, %swap3A_659] {strides = array<i32>} : memref<80x64xf32, #tpu.memory_space<vmem>>, vector<16xf32>,
          tpu.vector_store %arg18[%swap3A_658, %swap3A_659], %mul3A_657 {strides = array<i32>} : memref<80x64xf32, #tpu.memory_space<vmem>>, vector<16xf32>,
          %get3A_661 = arith.index_cast %add3A_636 : i32 to index
          %get3A_662 = arith.constant 48 : index
          %get3A_663 = tpu.vector_load %arg16[%get3A_661, %get3A_662] {strides = array<i32>} : memref<80x64xf32, #tpu.memory_space<vmem>>, vector<16xf32>,
          %mul3A_664 = vector.broadcast %squeeze3A_632 : f32 to vector<16xf32>
          %mul3A_665 = arith.mulf %get3A_663, %mul3A_664 : vector<16xf32>
          %swap3A_666 = arith.index_cast %add3A_636 : i32 to index
          %swap3A_667 = arith.constant 48 : index
          %swap3A_668 = tpu.vector_load %arg18[%swap3A_666, %swap3A_667] {strides = array<i32>} : memref<80x64xf32, #tpu.memory_space<vmem>>, vector<16xf32>,
          tpu.vector_store %arg18[%swap3A_666, %swap3A_667], %mul3A_665 {strides = array<i32>} : memref<80x64xf32, #tpu.memory_space<vmem>>, vector<16xf32>,
          %slice3A_669 = vector.extract_strided_slice %get3A_480 {offsets = [5], sizes = [1], strides = [1]} : vector<16xf32> to vector<1xf32>
          %squeeze3A_670 = vector.extract %slice3A_669[0] : f32 from vector<1xf32>
          %mul3A_671 = arith.constant 16 : i32
          %mul3A_672 = arith.muli %scan3A_476, %mul3A_671 : i32
          %add3A_673 = arith.constant 5 : i32
          %add3A_674 = arith.addi %mul3A_672, %add3A_673 : i32
          %get3A_675 = arith.index_cast %add3A_674 : i32 to index
          %get3A_676 = arith.constant 0 : index
          %get3A_677 = tpu.vector_load %arg16[%get3A_675, %get3A_676] {strides = array<i32>} : memref<80x64xf32, #tpu.memory_space<vmem>>, vector<16xf32>,
          %mul3A_678 = vector.broadcast %squeeze3A_670 : f32 to vector<16xf32>
          %mul3A_679 = arith.mulf %get3A_677, %mul3A_678 : vector<16xf32>
          %swap3A_680 = arith.index_cast %add3A_674 : i32 to index
          %swap3A_681 = arith.constant 0 : index
          %swap3A_682 = tpu.vector_load %arg18[%swap3A_680, %swap3A_681] {strides = array<i32>} : memref<80x64xf32, #tpu.memory_space<vmem>>, vector<16xf32>,
          tpu.vector_store %arg18[%swap3A_680, %swap3A_681], %mul3A_679 {strides = array<i32>} : memref<80x64xf32, #tpu.memory_space<vmem>>, vector<16xf32>,
          %get3A_683 = arith.index_cast %add3A_674 : i32 to index
          %get3A_684 = arith.constant 16 : index
          %get3A_685 = tpu.vector_load %arg16[%get3A_683, %get3A_684] {strides = array<i32>} : memref<80x64xf32, #tpu.memory_space<vmem>>, vector<16xf32>,
          %mul3A_686 = vector.broadcast %squeeze3A_670 : f32 to vector<16xf32>
          %mul3A_687 = arith.mulf %get3A_685, %mul3A_686 : vector<16xf32>
          %swap3A_688 = arith.index_cast %add3A_674 : i32 to index
          %swap3A_689 = arith.constant 16 : index
          %swap3A_690 = tpu.vector_load %arg18[%swap3A_688, %swap3A_689] {strides = array<i32>} : memref<80x64xf32, #tpu.memory_space<vmem>>, vector<16xf32>,
          tpu.vector_store %arg18[%swap3A_688, %swap3A_689], %mul3A_687 {strides = array<i32>} : memref<80x64xf32, #tpu.memory_space<vmem>>, vector<16xf32>,
          %get3A_691 = arith.index_cast %add3A_674 : i32 to index
          %get3A_692 = arith.constant 32 : index
          %get3A_693 = tpu.vector_load %arg16[%get3A_691, %get3A_692] {strides = array<i32>} : memref<80x64xf32, #tpu.memory_space<vmem>>, vector<16xf32>,
          %mul3A_694 = vector.broadcast %squeeze3A_670 : f32 to vector<16xf32>
          %mul3A_695 = arith.mulf %get3A_693, %mul3A_694 : vector<16xf32>
          %swap3A_696 = arith.index_cast %add3A_674 : i32 to index
          %swap3A_697 = arith.constant 32 : index
          %swap3A_698 = tpu.vector_load %arg18[%swap3A_696, %swap3A_697] {strides = array<i32>} : memref<80x64xf32, #tpu.memory_space<vmem>>, vector<16xf32>,
          tpu.vector_store %arg18[%swap3A_696, %swap3A_697], %mul3A_695 {strides = array<i32>} : memref<80x64xf32, #tpu.memory_space<vmem>>, vector<16xf32>,
          %get3A_699 = arith.index_cast %add3A_674 : i32 to index
          %get3A_700 = arith.constant 48 : index
          %get3A_701 = tpu.vector_load %arg16[%get3A_699, %get3A_700] {strides = array<i32>} : memref<80x64xf32, #tpu.memory_space<vmem>>, vector<16xf32>,
          %mul3A_702 = vector.broadcast %squeeze3A_670 : f32 to vector<16xf32>
          %mul3A_703 = arith.mulf %get3A_701, %mul3A_702 : vector<16xf32>
          %swap3A_704 = arith.index_cast %add3A_674 : i32 to index
          %swap3A_705 = arith.constant 48 : index
          %swap3A_706 = tpu.vector_load %arg18[%swap3A_704, %swap3A_705] {strides = array<i32>} : memref<80x64xf32, #tpu.memory_space<vmem>>, vector<16xf32>,
          tpu.vector_store %arg18[%swap3A_704, %swap3A_705], %mul3A_703 {strides = array<i32>} : memref<80x64xf32, #tpu.memory_space<vmem>>, vector<16xf32>,
          %slice3A_707 = vector.extract_strided_slice %get3A_480 {offsets = [6], sizes = [1], strides = [1]} : vector<16xf32> to vector<1xf32>
          %squeeze3A_708 = vector.extract %slice3A_707[0] : f32 from vector<1xf32>
          %mul3A_709 = arith.constant 16 : i32
          %mul3A_710 = arith.muli %scan3A_476, %mul3A_709 : i32
          %add3A_711 = arith.constant 6 : i32
          %add3A_712 = arith.addi %mul3A_710, %add3A_711 : i32
          %get3A_713 = arith.index_cast %add3A_712 : i32 to index
          %get3A_714 = arith.constant 0 : index
          %get3A_715 = tpu.vector_load %arg16[%get3A_713, %get3A_714] {strides = array<i32>} : memref<80x64xf32, #tpu.memory_space<vmem>>, vector<16xf32>,
          %mul3A_716 = vector.broadcast %squeeze3A_708 : f32 to vector<16xf32>
          %mul3A_717 = arith.mulf %get3A_715, %mul3A_716 : vector<16xf32>
          %swap3A_718 = arith.index_cast %add3A_712 : i32 to index
          %swap3A_719 = arith.constant 0 : index
          %swap3A_720 = tpu.vector_load %arg18[%swap3A_718, %swap3A_719] {strides = array<i32>} : memref<80x64xf32, #tpu.memory_space<vmem>>, vector<16xf32>,
          tpu.vector_store %arg18[%swap3A_718, %swap3A_719], %mul3A_717 {strides = array<i32>} : memref<80x64xf32, #tpu.memory_space<vmem>>, vector<16xf32>,
          %get3A_721 = arith.index_cast %add3A_712 : i32 to index
          %get3A_722 = arith.constant 16 : index
          %get3A_723 = tpu.vector_load %arg16[%get3A_721, %get3A_722] {strides = array<i32>} : memref<80x64xf32, #tpu.memory_space<vmem>>, vector<16xf32>,
          %mul3A_724 = vector.broadcast %squeeze3A_708 : f32 to vector<16xf32>
          %mul3A_725 = arith.mulf %get3A_723, %mul3A_724 : vector<16xf32>
          %swap3A_726 = arith.index_cast %add3A_712 : i32 to index
          %swap3A_727 = arith.constant 16 : index
          %swap3A_728 = tpu.vector_load %arg18[%swap3A_726, %swap3A_727] {strides = array<i32>} : memref<80x64xf32, #tpu.memory_space<vmem>>, vector<16xf32>,
          tpu.vector_store %arg18[%swap3A_726, %swap3A_727], %mul3A_725 {strides = array<i32>} : memref<80x64xf32, #tpu.memory_space<vmem>>, vector<16xf32>,
          %get3A_729 = arith.index_cast %add3A_712 : i32 to index
          %get3A_730 = arith.constant 32 : index
          %get3A_731 = tpu.vector_load %arg16[%get3A_729, %get3A_730] {strides = array<i32>} : memref<80x64xf32, #tpu.memory_space<vmem>>, vector<16xf32>,
          %mul3A_732 = vector.broadcast %squeeze3A_708 : f32 to vector<16xf32>
          %mul3A_733 = arith.mulf %get3A_731, %mul3A_732 : vector<16xf32>
          %swap3A_734 = arith.index_cast %add3A_712 : i32 to index
          %swap3A_735 = arith.constant 32 : index
          %swap3A_736 = tpu.vector_load %arg18[%swap3A_734, %swap3A_735] {strides = array<i32>} : memref<80x64xf32, #tpu.memory_space<vmem>>, vector<16xf32>,
          tpu.vector_store %arg18[%swap3A_734, %swap3A_735], %mul3A_733 {strides = array<i32>} : memref<80x64xf32, #tpu.memory_space<vmem>>, vector<16xf32>,
          %get3A_737 = arith.index_cast %add3A_712 : i32 to index
          %get3A_738 = arith.constant 48 : index
          %get3A_739 = tpu.vector_load %arg16[%get3A_737, %get3A_738] {strides = array<i32>} : memref<80x64xf32, #tpu.memory_space<vmem>>, vector<16xf32>,
          %mul3A_740 = vector.broadcast %squeeze3A_708 : f32 to vector<16xf32>
          %mul3A_741 = arith.mulf %get3A_739, %mul3A_740 : vector<16xf32>
          %swap3A_742 = arith.index_cast %add3A_712 : i32 to index
          %swap3A_743 = arith.constant 48 : index
          %swap3A_744 = tpu.vector_load %arg18[%swap3A_742, %swap3A_743] {strides = array<i32>} : memref<80x64xf32, #tpu.memory_space<vmem>>, vector<16xf32>,
          tpu.vector_store %arg18[%swap3A_742, %swap3A_743], %mul3A_741 {strides = array<i32>} : memref<80x64xf32, #tpu.memory_space<vmem>>, vector<16xf32>,
          %slice3A_745 = vector.extract_strided_slice %get3A_480 {offsets = [7], sizes = [1], strides = [1]} : vector<16xf32> to vector<1xf32>
          %squeeze3A_746 = vector.extract %slice3A_745[0] : f32 from vector<1xf32>
          %mul3A_747 = arith.constant 16 : i32
          %mul3A_748 = arith.muli %scan3A_476, %mul3A_747 : i32
          %add3A_749 = arith.constant 7 : i32
          %add3A_750 = arith.addi %mul3A_748, %add3A_749 : i32
          %get3A_751 = arith.index_cast %add3A_750 : i32 to index
          %get3A_752 = arith.constant 0 : index
          %get3A_753 = tpu.vector_load %arg16[%get3A_751, %get3A_752] {strides = array<i32>} : memref<80x64xf32, #tpu.memory_space<vmem>>, vector<16xf32>,
          %mul3A_754 = vector.broadcast %squeeze3A_746 : f32 to vector<16xf32>
          %mul3A_755 = arith.mulf %get3A_753, %mul3A_754 : vector<16xf32>
          %swap3A_756 = arith.index_cast %add3A_750 : i32 to index
          %swap3A_757 = arith.constant 0 : index
          %swap3A_758 = tpu.vector_load %arg18[%swap3A_756, %swap3A_757] {strides = array<i32>} : memref<80x64xf32, #tpu.memory_space<vmem>>, vector<16xf32>,
          tpu.vector_store %arg18[%swap3A_756, %swap3A_757], %mul3A_755 {strides = array<i32>} : memref<80x64xf32, #tpu.memory_space<vmem>>, vector<16xf32>,
          %get3A_759 = arith.index_cast %add3A_750 : i32 to index
          %get3A_760 = arith.constant 16 : index
          %get3A_761 = tpu.vector_load %arg16[%get3A_759, %get3A_760] {strides = array<i32>} : memref<80x64xf32, #tpu.memory_space<vmem>>, vector<16xf32>,
          %mul3A_762 = vector.broadcast %squeeze3A_746 : f32 to vector<16xf32>
          %mul3A_763 = arith.mulf %get3A_761, %mul3A_762 : vector<16xf32>
          %swap3A_764 = arith.index_cast %add3A_750 : i32 to index
          %swap3A_765 = arith.constant 16 : index
          %swap3A_766 = tpu.vector_load %arg18[%swap3A_764, %swap3A_765] {strides = array<i32>} : memref<80x64xf32, #tpu.memory_space<vmem>>, vector<16xf32>,
          tpu.vector_store %arg18[%swap3A_764, %swap3A_765], %mul3A_763 {strides = array<i32>} : memref<80x64xf32, #tpu.memory_space<vmem>>, vector<16xf32>,
          %get3A_767 = arith.index_cast %add3A_750 : i32 to index
          %get3A_768 = arith.constant 32 : index
          %get3A_769 = tpu.vector_load %arg16[%get3A_767, %get3A_768] {strides = array<i32>} : memref<80x64xf32, #tpu.memory_space<vmem>>, vector<16xf32>,
          %mul3A_770 = vector.broadcast %squeeze3A_746 : f32 to vector<16xf32>
          %mul3A_771 = arith.mulf %get3A_769, %mul3A_770 : vector<16xf32>
          %swap3A_772 = arith.index_cast %add3A_750 : i32 to index
          %swap3A_773 = arith.constant 32 : index
          %swap3A_774 = tpu.vector_load %arg18[%swap3A_772, %swap3A_773] {strides = array<i32>} : memref<80x64xf32, #tpu.memory_space<vmem>>, vector<16xf32>,
          tpu.vector_store %arg18[%swap3A_772, %swap3A_773], %mul3A_771 {strides = array<i32>} : memref<80x64xf32, #tpu.memory_space<vmem>>, vector<16xf32>,
          %get3A_775 = arith.index_cast %add3A_750 : i32 to index
          %get3A_776 = arith.constant 48 : index
          %get3A_777 = tpu.vector_load %arg16[%get3A_775, %get3A_776] {strides = array<i32>} : memref<80x64xf32, #tpu.memory_space<vmem>>, vector<16xf32>,
          %mul3A_778 = vector.broadcast %squeeze3A_746 : f32 to vector<16xf32>
          %mul3A_779 = arith.mulf %get3A_777, %mul3A_778 : vector<16xf32>
          %swap3A_780 = arith.index_cast %add3A_750 : i32 to index
          %swap3A_781 = arith.constant 48 : index
          %swap3A_782 = tpu.vector_load %arg18[%swap3A_780, %swap3A_781] {strides = array<i32>} : memref<80x64xf32, #tpu.memory_space<vmem>>, vector<16xf32>,
          tpu.vector_store %arg18[%swap3A_780, %swap3A_781], %mul3A_779 {strides = array<i32>} : memref<80x64xf32, #tpu.memory_space<vmem>>, vector<16xf32>,
          %slice3A_783 = vector.extract_strided_slice %get3A_480 {offsets = [8], sizes = [1], strides = [1]} : vector<16xf32> to vector<1xf32>
          %squeeze3A_784 = vector.extract %slice3A_783[0] : f32 from vector<1xf32>
          %mul3A_785 = arith.constant 16 : i32
          %mul3A_786 = arith.muli %scan3A_476, %mul3A_785 : i32
          %add3A_787 = arith.constant 8 : i32
          %add3A_788 = arith.addi %mul3A_786, %add3A_787 : i32
          %get3A_789 = arith.index_cast %add3A_788 : i32 to index
          %get3A_790 = arith.constant 0 : index
          %get3A_791 = tpu.vector_load %arg16[%get3A_789, %get3A_790] {strides = array<i32>} : memref<80x64xf32, #tpu.memory_space<vmem>>, vector<16xf32>,
          %mul3A_792 = vector.broadcast %squeeze3A_784 : f32 to vector<16xf32>
          %mul3A_793 = arith.mulf %get3A_791, %mul3A_792 : vector<16xf32>
          %swap3A_794 = arith.index_cast %add3A_788 : i32 to index
          %swap3A_795 = arith.constant 0 : index
          %swap3A_796 = tpu.vector_load %arg18[%swap3A_794, %swap3A_795] {strides = array<i32>} : memref<80x64xf32, #tpu.memory_space<vmem>>, vector<16xf32>,
          tpu.vector_store %arg18[%swap3A_794, %swap3A_795], %mul3A_793 {strides = array<i32>} : memref<80x64xf32, #tpu.memory_space<vmem>>, vector<16xf32>,
          %get3A_797 = arith.index_cast %add3A_788 : i32 to index
          %get3A_798 = arith.constant 16 : index
          %get3A_799 = tpu.vector_load %arg16[%get3A_797, %get3A_798] {strides = array<i32>} : memref<80x64xf32, #tpu.memory_space<vmem>>, vector<16xf32>,
          %mul3A_800 = vector.broadcast %squeeze3A_784 : f32 to vector<16xf32>
          %mul3A_801 = arith.mulf %get3A_799, %mul3A_800 : vector<16xf32>
          %swap3A_802 = arith.index_cast %add3A_788 : i32 to index
          %swap3A_803 = arith.constant 16 : index
          %swap3A_804 = tpu.vector_load %arg18[%swap3A_802, %swap3A_803] {strides = array<i32>} : memref<80x64xf32, #tpu.memory_space<vmem>>, vector<16xf32>,
          tpu.vector_store %arg18[%swap3A_802, %swap3A_803], %mul3A_801 {strides = array<i32>} : memref<80x64xf32, #tpu.memory_space<vmem>>, vector<16xf32>,
          %get3A_805 = arith.index_cast %add3A_788 : i32 to index
          %get3A_806 = arith.constant 32 : index
          %get3A_807 = tpu.vector_load %arg16[%get3A_805, %get3A_806] {strides = array<i32>} : memref<80x64xf32, #tpu.memory_space<vmem>>, vector<16xf32>,
          %mul3A_808 = vector.broadcast %squeeze3A_784 : f32 to vector<16xf32>
          %mul3A_809 = arith.mulf %get3A_807, %mul3A_808 : vector<16xf32>
          %swap3A_810 = arith.index_cast %add3A_788 : i32 to index
          %swap3A_811 = arith.constant 32 : index
          %swap3A_812 = tpu.vector_load %arg18[%swap3A_810, %swap3A_811] {strides = array<i32>} : memref<80x64xf32, #tpu.memory_space<vmem>>, vector<16xf32>,
          tpu.vector_store %arg18[%swap3A_810, %swap3A_811], %mul3A_809 {strides = array<i32>} : memref<80x64xf32, #tpu.memory_space<vmem>>, vector<16xf32>,
          %get3A_813 = arith.index_cast %add3A_788 : i32 to index
          %get3A_814 = arith.constant 48 : index
          %get3A_815 = tpu.vector_load %arg16[%get3A_813, %get3A_814] {strides = array<i32>} : memref<80x64xf32, #tpu.memory_space<vmem>>, vector<16xf32>,
          %mul3A_816 = vector.broadcast %squeeze3A_784 : f32 to vector<16xf32>
          %mul3A_817 = arith.mulf %get3A_815, %mul3A_816 : vector<16xf32>
          %swap3A_818 = arith.index_cast %add3A_788 : i32 to index
          %swap3A_819 = arith.constant 48 : index
          %swap3A_820 = tpu.vector_load %arg18[%swap3A_818, %swap3A_819] {strides = array<i32>} : memref<80x64xf32, #tpu.memory_space<vmem>>, vector<16xf32>,
          tpu.vector_store %arg18[%swap3A_818, %swap3A_819], %mul3A_817 {strides = array<i32>} : memref<80x64xf32, #tpu.memory_space<vmem>>, vector<16xf32>,
          %slice3A_821 = vector.extract_strided_slice %get3A_480 {offsets = [9], sizes = [1], strides = [1]} : vector<16xf32> to vector<1xf32>
          %squeeze3A_822 = vector.extract %slice3A_821[0] : f32 from vector<1xf32>
          %mul3A_823 = arith.constant 16 : i32
          %mul3A_824 = arith.muli %scan3A_476, %mul3A_823 : i32
          %add3A_825 = arith.constant 9 : i32
          %add3A_826 = arith.addi %mul3A_824, %add3A_825 : i32
          %get3A_827 = arith.index_cast %add3A_826 : i32 to index
          %get3A_828 = arith.constant 0 : index
          %get3A_829 = tpu.vector_load %arg16[%get3A_827, %get3A_828] {strides = array<i32>} : memref<80x64xf32, #tpu.memory_space<vmem>>, vector<16xf32>,
          %mul3A_830 = vector.broadcast %squeeze3A_822 : f32 to vector<16xf32>
          %mul3A_831 = arith.mulf %get3A_829, %mul3A_830 : vector<16xf32>
          %swap3A_832 = arith.index_cast %add3A_826 : i32 to index
          %swap3A_833 = arith.constant 0 : index
          %swap3A_834 = tpu.vector_load %arg18[%swap3A_832, %swap3A_833] {strides = array<i32>} : memref<80x64xf32, #tpu.memory_space<vmem>>, vector<16xf32>,
          tpu.vector_store %arg18[%swap3A_832, %swap3A_833], %mul3A_831 {strides = array<i32>} : memref<80x64xf32, #tpu.memory_space<vmem>>, vector<16xf32>,
          %get3A_835 = arith.index_cast %add3A_826 : i32 to index
          %get3A_836 = arith.constant 16 : index
          %get3A_837 = tpu.vector_load %arg16[%get3A_835, %get3A_836] {strides = array<i32>} : memref<80x64xf32, #tpu.memory_space<vmem>>, vector<16xf32>,
          %mul3A_838 = vector.broadcast %squeeze3A_822 : f32 to vector<16xf32>
          %mul3A_839 = arith.mulf %get3A_837, %mul3A_838 : vector<16xf32>
          %swap3A_840 = arith.index_cast %add3A_826 : i32 to index
          %swap3A_841 = arith.constant 16 : index
          %swap3A_842 = tpu.vector_load %arg18[%swap3A_840, %swap3A_841] {strides = array<i32>} : memref<80x64xf32, #tpu.memory_space<vmem>>, vector<16xf32>,
          tpu.vector_store %arg18[%swap3A_840, %swap3A_841], %mul3A_839 {strides = array<i32>} : memref<80x64xf32, #tpu.memory_space<vmem>>, vector<16xf32>,
          %get3A_843 = arith.index_cast %add3A_826 : i32 to index
          %get3A_844 = arith.constant 32 : index
          %get3A_845 = tpu.vector_load %arg16[%get3A_843, %get3A_844] {strides = array<i32>} : memref<80x64xf32, #tpu.memory_space<vmem>>, vector<16xf32>,
          %mul3A_846 = vector.broadcast %squeeze3A_822 : f32 to vector<16xf32>
          %mul3A_847 = arith.mulf %get3A_845, %mul3A_846 : vector<16xf32>
          %swap3A_848 = arith.index_cast %add3A_826 : i32 to index
          %swap3A_849 = arith.constant 32 : index
          %swap3A_850 = tpu.vector_load %arg18[%swap3A_848, %swap3A_849] {strides = array<i32>} : memref<80x64xf32, #tpu.memory_space<vmem>>, vector<16xf32>,
          tpu.vector_store %arg18[%swap3A_848, %swap3A_849], %mul3A_847 {strides = array<i32>} : memref<80x64xf32, #tpu.memory_space<vmem>>, vector<16xf32>,
          %get3A_851 = arith.index_cast %add3A_826 : i32 to index
          %get3A_852 = arith.constant 48 : index
          %get3A_853 = tpu.vector_load %arg16[%get3A_851, %get3A_852] {strides = array<i32>} : memref<80x64xf32, #tpu.memory_space<vmem>>, vector<16xf32>,
          %mul3A_854 = vector.broadcast %squeeze3A_822 : f32 to vector<16xf32>
          %mul3A_855 = arith.mulf %get3A_853, %mul3A_854 : vector<16xf32>
          %swap3A_856 = arith.index_cast %add3A_826 : i32 to index
          %swap3A_857 = arith.constant 48 : index
          %swap3A_858 = tpu.vector_load %arg18[%swap3A_856, %swap3A_857] {strides = array<i32>} : memref<80x64xf32, #tpu.memory_space<vmem>>, vector<16xf32>,
          tpu.vector_store %arg18[%swap3A_856, %swap3A_857], %mul3A_855 {strides = array<i32>} : memref<80x64xf32, #tpu.memory_space<vmem>>, vector<16xf32>,
          %slice3A_859 = vector.extract_strided_slice %get3A_480 {offsets = [10], sizes = [1], strides = [1]} : vector<16xf32> to vector<1xf32>
          %squeeze3A_860 = vector.extract %slice3A_859[0] : f32 from vector<1xf32>
          %mul3A_861 = arith.constant 16 : i32
          %mul3A_862 = arith.muli %scan3A_476, %mul3A_861 : i32
          %add3A_863 = arith.constant 10 : i32
          %add3A_864 = arith.addi %mul3A_862, %add3A_863 : i32
          %get3A_865 = arith.index_cast %add3A_864 : i32 to index
          %get3A_866 = arith.constant 0 : index
          %get3A_867 = tpu.vector_load %arg16[%get3A_865, %get3A_866] {strides = array<i32>} : memref<80x64xf32, #tpu.memory_space<vmem>>, vector<16xf32>,
          %mul3A_868 = vector.broadcast %squeeze3A_860 : f32 to vector<16xf32>
          %mul3A_869 = arith.mulf %get3A_867, %mul3A_868 : vector<16xf32>
          %swap3A_870 = arith.index_cast %add3A_864 : i32 to index
          %swap3A_871 = arith.constant 0 : index
          %swap3A_872 = tpu.vector_load %arg18[%swap3A_870, %swap3A_871] {strides = array<i32>} : memref<80x64xf32, #tpu.memory_space<vmem>>, vector<16xf32>,
          tpu.vector_store %arg18[%swap3A_870, %swap3A_871], %mul3A_869 {strides = array<i32>} : memref<80x64xf32, #tpu.memory_space<vmem>>, vector<16xf32>,
          %get3A_873 = arith.index_cast %add3A_864 : i32 to index
          %get3A_874 = arith.constant 16 : index
          %get3A_875 = tpu.vector_load %arg16[%get3A_873, %get3A_874] {strides = array<i32>} : memref<80x64xf32, #tpu.memory_space<vmem>>, vector<16xf32>,
          %mul3A_876 = vector.broadcast %squeeze3A_860 : f32 to vector<16xf32>
          %mul3A_877 = arith.mulf %get3A_875, %mul3A_876 : vector<16xf32>
          %swap3A_878 = arith.index_cast %add3A_864 : i32 to index
          %swap3A_879 = arith.constant 16 : index
          %swap3A_880 = tpu.vector_load %arg18[%swap3A_878, %swap3A_879] {strides = array<i32>} : memref<80x64xf32, #tpu.memory_space<vmem>>, vector<16xf32>,
          tpu.vector_store %arg18[%swap3A_878, %swap3A_879], %mul3A_877 {strides = array<i32>} : memref<80x64xf32, #tpu.memory_space<vmem>>, vector<16xf32>,
          %get3A_881 = arith.index_cast %add3A_864 : i32 to index
          %get3A_882 = arith.constant 32 : index
          %get3A_883 = tpu.vector_load %arg16[%get3A_881, %get3A_882] {strides = array<i32>} : memref<80x64xf32, #tpu.memory_space<vmem>>, vector<16xf32>,
          %mul3A_884 = vector.broadcast %squeeze3A_860 : f32 to vector<16xf32>
          %mul3A_885 = arith.mulf %get3A_883, %mul3A_884 : vector<16xf32>
          %swap3A_886 = arith.index_cast %add3A_864 : i32 to index
          %swap3A_887 = arith.constant 32 : index
          %swap3A_888 = tpu.vector_load %arg18[%swap3A_886, %swap3A_887] {strides = array<i32>} : memref<80x64xf32, #tpu.memory_space<vmem>>, vector<16xf32>,
          tpu.vector_store %arg18[%swap3A_886, %swap3A_887], %mul3A_885 {strides = array<i32>} : memref<80x64xf32, #tpu.memory_space<vmem>>, vector<16xf32>,
          %get3A_889 = arith.index_cast %add3A_864 : i32 to index
          %get3A_890 = arith.constant 48 : index
          %get3A_891 = tpu.vector_load %arg16[%get3A_889, %get3A_890] {strides = array<i32>} : memref<80x64xf32, #tpu.memory_space<vmem>>, vector<16xf32>,
          %mul3A_892 = vector.broadcast %squeeze3A_860 : f32 to vector<16xf32>
          %mul3A_893 = arith.mulf %get3A_891, %mul3A_892 : vector<16xf32>
          %swap3A_894 = arith.index_cast %add3A_864 : i32 to index
          %swap3A_895 = arith.constant 48 : index
          %swap3A_896 = tpu.vector_load %arg18[%swap3A_894, %swap3A_895] {strides = array<i32>} : memref<80x64xf32, #tpu.memory_space<vmem>>, vector<16xf32>,
          tpu.vector_store %arg18[%swap3A_894, %swap3A_895], %mul3A_893 {strides = array<i32>} : memref<80x64xf32, #tpu.memory_space<vmem>>, vector<16xf32>,
          %slice3A_897 = vector.extract_strided_slice %get3A_480 {offsets = [11], sizes = [1], strides = [1]} : vector<16xf32> to vector<1xf32>
          %squeeze3A_898 = vector.extract %slice3A_897[0] : f32 from vector<1xf32>
          %mul3A_899 = arith.constant 16 : i32
          %mul3A_900 = arith.muli %scan3A_476, %mul3A_899 : i32
          %add3A_901 = arith.constant 11 : i32
          %add3A_902 = arith.addi %mul3A_900, %add3A_901 : i32
          %get3A_903 = arith.index_cast %add3A_902 : i32 to index
          %get3A_904 = arith.constant 0 : index
          %get3A_905 = tpu.vector_load %arg16[%get3A_903, %get3A_904] {strides = array<i32>} : memref<80x64xf32, #tpu.memory_space<vmem>>, vector<16xf32>,
          %mul3A_906 = vector.broadcast %squeeze3A_898 : f32 to vector<16xf32>
          %mul3A_907 = arith.mulf %get3A_905, %mul3A_906 : vector<16xf32>
          %swap3A_908 = arith.index_cast %add3A_902 : i32 to index
          %swap3A_909 = arith.constant 0 : index
          %swap3A_910 = tpu.vector_load %arg18[%swap3A_908, %swap3A_909] {strides = array<i32>} : memref<80x64xf32, #tpu.memory_space<vmem>>, vector<16xf32>,
          tpu.vector_store %arg18[%swap3A_908, %swap3A_909], %mul3A_907 {strides = array<i32>} : memref<80x64xf32, #tpu.memory_space<vmem>>, vector<16xf32>,
          %get3A_911 = arith.index_cast %add3A_902 : i32 to index
          %get3A_912 = arith.constant 16 : index
          %get3A_913 = tpu.vector_load %arg16[%get3A_911, %get3A_912] {strides = array<i32>} : memref<80x64xf32, #tpu.memory_space<vmem>>, vector<16xf32>,
          %mul3A_914 = vector.broadcast %squeeze3A_898 : f32 to vector<16xf32>
          %mul3A_915 = arith.mulf %get3A_913, %mul3A_914 : vector<16xf32>
          %swap3A_916 = arith.index_cast %add3A_902 : i32 to index
          %swap3A_917 = arith.constant 16 : index
          %swap3A_918 = tpu.vector_load %arg18[%swap3A_916, %swap3A_917] {strides = array<i32>} : memref<80x64xf32, #tpu.memory_space<vmem>>, vector<16xf32>,
          tpu.vector_store %arg18[%swap3A_916, %swap3A_917], %mul3A_915 {strides = array<i32>} : memref<80x64xf32, #tpu.memory_space<vmem>>, vector<16xf32>,
          %get3A_919 = arith.index_cast %add3A_902 : i32 to index
          %get3A_920 = arith.constant 32 : index
          %get3A_921 = tpu.vector_load %arg16[%get3A_919, %get3A_920] {strides = array<i32>} : memref<80x64xf32, #tpu.memory_space<vmem>>, vector<16xf32>,
          %mul3A_922 = vector.broadcast %squeeze3A_898 : f32 to vector<16xf32>
          %mul3A_923 = arith.mulf %get3A_921, %mul3A_922 : vector<16xf32>
          %swap3A_924 = arith.index_cast %add3A_902 : i32 to index
          %swap3A_925 = arith.constant 32 : index
          %swap3A_926 = tpu.vector_load %arg18[%swap3A_924, %swap3A_925] {strides = array<i32>} : memref<80x64xf32, #tpu.memory_space<vmem>>, vector<16xf32>,
          tpu.vector_store %arg18[%swap3A_924, %swap3A_925], %mul3A_923 {strides = array<i32>} : memref<80x64xf32, #tpu.memory_space<vmem>>, vector<16xf32>,
          %get3A_927 = arith.index_cast %add3A_902 : i32 to index
          %get3A_928 = arith.constant 48 : index
          %get3A_929 = tpu.vector_load %arg16[%get3A_927, %get3A_928] {strides = array<i32>} : memref<80x64xf32, #tpu.memory_space<vmem>>, vector<16xf32>,
          %mul3A_930 = vector.broadcast %squeeze3A_898 : f32 to vector<16xf32>
          %mul3A_931 = arith.mulf %get3A_929, %mul3A_930 : vector<16xf32>
          %swap3A_932 = arith.index_cast %add3A_902 : i32 to index
          %swap3A_933 = arith.constant 48 : index
          %swap3A_934 = tpu.vector_load %arg18[%swap3A_932, %swap3A_933] {strides = array<i32>} : memref<80x64xf32, #tpu.memory_space<vmem>>, vector<16xf32>,
          tpu.vector_store %arg18[%swap3A_932, %swap3A_933], %mul3A_931 {strides = array<i32>} : memref<80x64xf32, #tpu.memory_space<vmem>>, vector<16xf32>,
          %slice3A_935 = vector.extract_strided_slice %get3A_480 {offsets = [12], sizes = [1], strides = [1]} : vector<16xf32> to vector<1xf32>
          %squeeze3A_936 = vector.extract %slice3A_935[0] : f32 from vector<1xf32>
          %mul3A_937 = arith.constant 16 : i32
          %mul3A_938 = arith.muli %scan3A_476, %mul3A_937 : i32
          %add3A_939 = arith.constant 12 : i32
          %add3A_940 = arith.addi %mul3A_938, %add3A_939 : i32
          %get3A_941 = arith.index_cast %add3A_940 : i32 to index
          %get3A_942 = arith.constant 0 : index
          %get3A_943 = tpu.vector_load %arg16[%get3A_941, %get3A_942] {strides = array<i32>} : memref<80x64xf32, #tpu.memory_space<vmem>>, vector<16xf32>,
          %mul3A_944 = vector.broadcast %squeeze3A_936 : f32 to vector<16xf32>
          %mul3A_945 = arith.mulf %get3A_943, %mul3A_944 : vector<16xf32>
          %swap3A_946 = arith.index_cast %add3A_940 : i32 to index
          %swap3A_947 = arith.constant 0 : index
          %swap3A_948 = tpu.vector_load %arg18[%swap3A_946, %swap3A_947] {strides = array<i32>} : memref<80x64xf32, #tpu.memory_space<vmem>>, vector<16xf32>,
          tpu.vector_store %arg18[%swap3A_946, %swap3A_947], %mul3A_945 {strides = array<i32>} : memref<80x64xf32, #tpu.memory_space<vmem>>, vector<16xf32>,
          %get3A_949 = arith.index_cast %add3A_940 : i32 to index
          %get3A_950 = arith.constant 16 : index
          %get3A_951 = tpu.vector_load %arg16[%get3A_949, %get3A_950] {strides = array<i32>} : memref<80x64xf32, #tpu.memory_space<vmem>>, vector<16xf32>,
          %mul3A_952 = vector.broadcast %squeeze3A_936 : f32 to vector<16xf32>
          %mul3A_953 = arith.mulf %get3A_951, %mul3A_952 : vector<16xf32>
          %swap3A_954 = arith.index_cast %add3A_940 : i32 to index
          %swap3A_955 = arith.constant 16 : index
          %swap3A_956 = tpu.vector_load %arg18[%swap3A_954, %swap3A_955] {strides = array<i32>} : memref<80x64xf32, #tpu.memory_space<vmem>>, vector<16xf32>,
          tpu.vector_store %arg18[%swap3A_954, %swap3A_955], %mul3A_953 {strides = array<i32>} : memref<80x64xf32, #tpu.memory_space<vmem>>, vector<16xf32>,
          %get3A_957 = arith.index_cast %add3A_940 : i32 to index
          %get3A_958 = arith.constant 32 : index
          %get3A_959 = tpu.vector_load %arg16[%get3A_957, %get3A_958] {strides = array<i32>} : memref<80x64xf32, #tpu.memory_space<vmem>>, vector<16xf32>,
          %mul3A_960 = vector.broadcast %squeeze3A_936 : f32 to vector<16xf32>
          %mul3A_961 = arith.mulf %get3A_959, %mul3A_960 : vector<16xf32>
          %swap3A_962 = arith.index_cast %add3A_940 : i32 to index
          %swap3A_963 = arith.constant 32 : index
          %swap3A_964 = tpu.vector_load %arg18[%swap3A_962, %swap3A_963] {strides = array<i32>} : memref<80x64xf32, #tpu.memory_space<vmem>>, vector<16xf32>,
          tpu.vector_store %arg18[%swap3A_962, %swap3A_963], %mul3A_961 {strides = array<i32>} : memref<80x64xf32, #tpu.memory_space<vmem>>, vector<16xf32>,
          %get3A_965 = arith.index_cast %add3A_940 : i32 to index
          %get3A_966 = arith.constant 48 : index
          %get3A_967 = tpu.vector_load %arg16[%get3A_965, %get3A_966] {strides = array<i32>} : memref<80x64xf32, #tpu.memory_space<vmem>>, vector<16xf32>,
          %mul3A_968 = vector.broadcast %squeeze3A_936 : f32 to vector<16xf32>
          %mul3A_969 = arith.mulf %get3A_967, %mul3A_968 : vector<16xf32>
          %swap3A_970 = arith.index_cast %add3A_940 : i32 to index
          %swap3A_971 = arith.constant 48 : index
          %swap3A_972 = tpu.vector_load %arg18[%swap3A_970, %swap3A_971] {strides = array<i32>} : memref<80x64xf32, #tpu.memory_space<vmem>>, vector<16xf32>,
          tpu.vector_store %arg18[%swap3A_970, %swap3A_971], %mul3A_969 {strides = array<i32>} : memref<80x64xf32, #tpu.memory_space<vmem>>, vector<16xf32>,
          %slice3A_973 = vector.extract_strided_slice %get3A_480 {offsets = [13], sizes = [1], strides = [1]} : vector<16xf32> to vector<1xf32>
          %squeeze3A_974 = vector.extract %slice3A_973[0] : f32 from vector<1xf32>
          %mul3A_975 = arith.constant 16 : i32
          %mul3A_976 = arith.muli %scan3A_476, %mul3A_975 : i32
          %add3A_977 = arith.constant 13 : i32
          %add3A_978 = arith.addi %mul3A_976, %add3A_977 : i32
          %get3A_979 = arith.index_cast %add3A_978 : i32 to index
          %get3A_980 = arith.constant 0 : index
          %get3A_981 = tpu.vector_load %arg16[%get3A_979, %get3A_980] {strides = array<i32>} : memref<80x64xf32, #tpu.memory_space<vmem>>, vector<16xf32>,
          %mul3A_982 = vector.broadcast %squeeze3A_974 : f32 to vector<16xf32>
          %mul3A_983 = arith.mulf %get3A_981, %mul3A_982 : vector<16xf32>
          %swap3A_984 = arith.index_cast %add3A_978 : i32 to index
          %swap3A_985 = arith.constant 0 : index
          %swap3A_986 = tpu.vector_load %arg18[%swap3A_984, %swap3A_985] {strides = array<i32>} : memref<80x64xf32, #tpu.memory_space<vmem>>, vector<16xf32>,
          tpu.vector_store %arg18[%swap3A_984, %swap3A_985], %mul3A_983 {strides = array<i32>} : memref<80x64xf32, #tpu.memory_space<vmem>>, vector<16xf32>,
          %get3A_987 = arith.index_cast %add3A_978 : i32 to index
          %get3A_988 = arith.constant 16 : index
          %get3A_989 = tpu.vector_load %arg16[%get3A_987, %get3A_988] {strides = array<i32>} : memref<80x64xf32, #tpu.memory_space<vmem>>, vector<16xf32>,
          %mul3A_990 = vector.broadcast %squeeze3A_974 : f32 to vector<16xf32>
          %mul3A_991 = arith.mulf %get3A_989, %mul3A_990 : vector<16xf32>
          %swap3A_992 = arith.index_cast %add3A_978 : i32 to index
          %swap3A_993 = arith.constant 16 : index
          %swap3A_994 = tpu.vector_load %arg18[%swap3A_992, %swap3A_993] {strides = array<i32>} : memref<80x64xf32, #tpu.memory_space<vmem>>, vector<16xf32>,
          tpu.vector_store %arg18[%swap3A_992, %swap3A_993], %mul3A_991 {strides = array<i32>} : memref<80x64xf32, #tpu.memory_space<vmem>>, vector<16xf32>,
          %get3A_995 = arith.index_cast %add3A_978 : i32 to index
          %get3A_996 = arith.constant 32 : index
          %get3A_997 = tpu.vector_load %arg16[%get3A_995, %get3A_996] {strides = array<i32>} : memref<80x64xf32, #tpu.memory_space<vmem>>, vector<16xf32>,
          %mul3A_998 = vector.broadcast %squeeze3A_974 : f32 to vector<16xf32>
          %mul3A_999 = arith.mulf %get3A_997, %mul3A_998 : vector<16xf32>
          %swap3A_1000 = arith.index_cast %add3A_978 : i32 to index
          %swap3A_1001 = arith.constant 32 : index
          %swap3A_1002 = tpu.vector_load %arg18[%swap3A_1000, %swap3A_1001] {strides = array<i32>} : memref<80x64xf32, #tpu.memory_space<vmem>>, vector<16xf32>,
          tpu.vector_store %arg18[%swap3A_1000, %swap3A_1001], %mul3A_999 {strides = array<i32>} : memref<80x64xf32, #tpu.memory_space<vmem>>, vector<16xf32>,
          %get3A_1003 = arith.index_cast %add3A_978 : i32 to index
          %get3A_1004 = arith.constant 48 : index
          %get3A_1005 = tpu.vector_load %arg16[%get3A_1003, %get3A_1004] {strides = array<i32>} : memref<80x64xf32, #tpu.memory_space<vmem>>, vector<16xf32>,
          %mul3A_1006 = vector.broadcast %squeeze3A_974 : f32 to vector<16xf32>
          %mul3A_1007 = arith.mulf %get3A_1005, %mul3A_1006 : vector<16xf32>
          %swap3A_1008 = arith.index_cast %add3A_978 : i32 to index
          %swap3A_1009 = arith.constant 48 : index
          %swap3A_1010 = tpu.vector_load %arg18[%swap3A_1008, %swap3A_1009] {strides = array<i32>} : memref<80x64xf32, #tpu.memory_space<vmem>>, vector<16xf32>,
          tpu.vector_store %arg18[%swap3A_1008, %swap3A_1009], %mul3A_1007 {strides = array<i32>} : memref<80x64xf32, #tpu.memory_space<vmem>>, vector<16xf32>,
          %slice3A_1011 = vector.extract_strided_slice %get3A_480 {offsets = [14], sizes = [1], strides = [1]} : vector<16xf32> to vector<1xf32>
          %squeeze3A_1012 = vector.extract %slice3A_1011[0] : f32 from vector<1xf32>
          %mul3A_1013 = arith.constant 16 : i32
          %mul3A_1014 = arith.muli %scan3A_476, %mul3A_1013 : i32
          %add3A_1015 = arith.constant 14 : i32
          %add3A_1016 = arith.addi %mul3A_1014, %add3A_1015 : i32
          %get3A_1017 = arith.index_cast %add3A_1016 : i32 to index
          %get3A_1018 = arith.constant 0 : index
          %get3A_1019 = tpu.vector_load %arg16[%get3A_1017, %get3A_1018] {strides = array<i32>} : memref<80x64xf32, #tpu.memory_space<vmem>>, vector<16xf32>,
          %mul3A_1020 = vector.broadcast %squeeze3A_1012 : f32 to vector<16xf32>
          %mul3A_1021 = arith.mulf %get3A_1019, %mul3A_1020 : vector<16xf32>
          %swap3A_1022 = arith.index_cast %add3A_1016 : i32 to index
          %swap3A_1023 = arith.constant 0 : index
          %swap3A_1024 = tpu.vector_load %arg18[%swap3A_1022, %swap3A_1023] {strides = array<i32>} : memref<80x64xf32, #tpu.memory_space<vmem>>, vector<16xf32>,
          tpu.vector_store %arg18[%swap3A_1022, %swap3A_1023], %mul3A_1021 {strides = array<i32>} : memref<80x64xf32, #tpu.memory_space<vmem>>, vector<16xf32>,
          %get3A_1025 = arith.index_cast %add3A_1016 : i32 to index
          %get3A_1026 = arith.constant 16 : index
          %get3A_1027 = tpu.vector_load %arg16[%get3A_1025, %get3A_1026] {strides = array<i32>} : memref<80x64xf32, #tpu.memory_space<vmem>>, vector<16xf32>,
          %mul3A_1028 = vector.broadcast %squeeze3A_1012 : f32 to vector<16xf32>
          %mul3A_1029 = arith.mulf %get3A_1027, %mul3A_1028 : vector<16xf32>
          %swap3A_1030 = arith.index_cast %add3A_1016 : i32 to index
          %swap3A_1031 = arith.constant 16 : index
          %swap3A_1032 = tpu.vector_load %arg18[%swap3A_1030, %swap3A_1031] {strides = array<i32>} : memref<80x64xf32, #tpu.memory_space<vmem>>, vector<16xf32>,
          tpu.vector_store %arg18[%swap3A_1030, %swap3A_1031], %mul3A_1029 {strides = array<i32>} : memref<80x64xf32, #tpu.memory_space<vmem>>, vector<16xf32>,
          %get3A_1033 = arith.index_cast %add3A_1016 : i32 to index
          %get3A_1034 = arith.constant 32 : index
          %get3A_1035 = tpu.vector_load %arg16[%get3A_1033, %get3A_1034] {strides = array<i32>} : memref<80x64xf32, #tpu.memory_space<vmem>>, vector<16xf32>,
          %mul3A_1036 = vector.broadcast %squeeze3A_1012 : f32 to vector<16xf32>
          %mul3A_1037 = arith.mulf %get3A_1035, %mul3A_1036 : vector<16xf32>
          %swap3A_1038 = arith.index_cast %add3A_1016 : i32 to index
          %swap3A_1039 = arith.constant 32 : index
          %swap3A_1040 = tpu.vector_load %arg18[%swap3A_1038, %swap3A_1039] {strides = array<i32>} : memref<80x64xf32, #tpu.memory_space<vmem>>, vector<16xf32>,
          tpu.vector_store %arg18[%swap3A_1038, %swap3A_1039], %mul3A_1037 {strides = array<i32>} : memref<80x64xf32, #tpu.memory_space<vmem>>, vector<16xf32>,
          %get3A_1041 = arith.index_cast %add3A_1016 : i32 to index
          %get3A_1042 = arith.constant 48 : index
          %get3A_1043 = tpu.vector_load %arg16[%get3A_1041, %get3A_1042] {strides = array<i32>} : memref<80x64xf32, #tpu.memory_space<vmem>>, vector<16xf32>,
          %mul3A_1044 = vector.broadcast %squeeze3A_1012 : f32 to vector<16xf32>
          %mul3A_1045 = arith.mulf %get3A_1043, %mul3A_1044 : vector<16xf32>
          %swap3A_1046 = arith.index_cast %add3A_1016 : i32 to index
          %swap3A_1047 = arith.constant 48 : index
          %swap3A_1048 = tpu.vector_load %arg18[%swap3A_1046, %swap3A_1047] {strides = array<i32>} : memref<80x64xf32, #tpu.memory_space<vmem>>, vector<16xf32>,
          tpu.vector_store %arg18[%swap3A_1046, %swap3A_1047], %mul3A_1045 {strides = array<i32>} : memref<80x64xf32, #tpu.memory_space<vmem>>, vector<16xf32>,
          %slice3A_1049 = vector.extract_strided_slice %get3A_480 {offsets = [15], sizes = [1], strides = [1]} : vector<16xf32> to vector<1xf32>
          %squeeze3A_1050 = vector.extract %slice3A_1049[0] : f32 from vector<1xf32>
          %mul3A_1051 = arith.constant 16 : i32
          %mul3A_1052 = arith.muli %scan3A_476, %mul3A_1051 : i32
          %add3A_1053 = arith.constant 15 : i32
          %add3A_1054 = arith.addi %mul3A_1052, %add3A_1053 : i32
          %get3A_1055 = arith.index_cast %add3A_1054 : i32 to index
          %get3A_1056 = arith.constant 0 : index
          %get3A_1057 = tpu.vector_load %arg16[%get3A_1055, %get3A_1056] {strides = array<i32>} : memref<80x64xf32, #tpu.memory_space<vmem>>, vector<16xf32>,
          %mul3A_1058 = vector.broadcast %squeeze3A_1050 : f32 to vector<16xf32>
          %mul3A_1059 = arith.mulf %get3A_1057, %mul3A_1058 : vector<16xf32>
          %swap3A_1060 = arith.index_cast %add3A_1054 : i32 to index
          %swap3A_1061 = arith.constant 0 : index
          %swap3A_1062 = tpu.vector_load %arg18[%swap3A_1060, %swap3A_1061] {strides = array<i32>} : memref<80x64xf32, #tpu.memory_space<vmem>>, vector<16xf32>,
          tpu.vector_store %arg18[%swap3A_1060, %swap3A_1061], %mul3A_1059 {strides = array<i32>} : memref<80x64xf32, #tpu.memory_space<vmem>>, vector<16xf32>,
          %get3A_1063 = arith.index_cast %add3A_1054 : i32 to index
          %get3A_1064 = arith.constant 16 : index
          %get3A_1065 = tpu.vector_load %arg16[%get3A_1063, %get3A_1064] {strides = array<i32>} : memref<80x64xf32, #tpu.memory_space<vmem>>, vector<16xf32>,
          %mul3A_1066 = vector.broadcast %squeeze3A_1050 : f32 to vector<16xf32>
          %mul3A_1067 = arith.mulf %get3A_1065, %mul3A_1066 : vector<16xf32>
          %swap3A_1068 = arith.index_cast %add3A_1054 : i32 to index
          %swap3A_1069 = arith.constant 16 : index
          %swap3A_1070 = tpu.vector_load %arg18[%swap3A_1068, %swap3A_1069] {strides = array<i32>} : memref<80x64xf32, #tpu.memory_space<vmem>>, vector<16xf32>,
          tpu.vector_store %arg18[%swap3A_1068, %swap3A_1069], %mul3A_1067 {strides = array<i32>} : memref<80x64xf32, #tpu.memory_space<vmem>>, vector<16xf32>,
          %get3A_1071 = arith.index_cast %add3A_1054 : i32 to index
          %get3A_1072 = arith.constant 32 : index
          %get3A_1073 = tpu.vector_load %arg16[%get3A_1071, %get3A_1072] {strides = array<i32>} : memref<80x64xf32, #tpu.memory_space<vmem>>, vector<16xf32>,
          %mul3A_1074 = vector.broadcast %squeeze3A_1050 : f32 to vector<16xf32>
          %mul3A_1075 = arith.mulf %get3A_1073, %mul3A_1074 : vector<16xf32>
          %swap3A_1076 = arith.index_cast %add3A_1054 : i32 to index
          %swap3A_1077 = arith.constant 32 : index
          %swap3A_1078 = tpu.vector_load %arg18[%swap3A_1076, %swap3A_1077] {strides = array<i32>} : memref<80x64xf32, #tpu.memory_space<vmem>>, vector<16xf32>,
          tpu.vector_store %arg18[%swap3A_1076, %swap3A_1077], %mul3A_1075 {strides = array<i32>} : memref<80x64xf32, #tpu.memory_space<vmem>>, vector<16xf32>,
          %get3A_1079 = arith.index_cast %add3A_1054 : i32 to index
          %get3A_1080 = arith.constant 48 : index
          %get3A_1081 = tpu.vector_load %arg16[%get3A_1079, %get3A_1080] {strides = array<i32>} : memref<80x64xf32, #tpu.memory_space<vmem>>, vector<16xf32>,
          %mul3A_1082 = vector.broadcast %squeeze3A_1050 : f32 to vector<16xf32>
          %mul3A_1083 = arith.mulf %get3A_1081, %mul3A_1082 : vector<16xf32>
          %swap3A_1084 = arith.index_cast %add3A_1054 : i32 to index
          %swap3A_1085 = arith.constant 48 : index
          %swap3A_1086 = tpu.vector_load %arg18[%swap3A_1084, %swap3A_1085] {strides = array<i32>} : memref<80x64xf32, #tpu.memory_space<vmem>>, vector<16xf32>,
          tpu.vector_store %arg18[%swap3A_1084, %swap3A_1085], %mul3A_1083 {strides = array<i32>} : memref<80x64xf32, #tpu.memory_space<vmem>>, vector<16xf32>,
        }
        %scan3A_449 = arith.constant 5 : i32
        %eq3A_450 = arith.constant 0 : i32
        %eq3A_451 = arith.cmpi eq, %arg0, %eq3A_450 : i32
        %convert_element_type3A_452 = arith.extui %eq3A_451 : i1 to i32
        %cond3A_453 = arith.constant 0 : i32
        %cond3A_454 = arith.cmpi ne, %convert_element_type3A_452, %cond3A_453 : i32
        scf.if %cond3A_454 {
          %scan3A_476 = arith.constant 0 : i32
          %scan3A_477 = arith.constant 0 : i32
          %scan3A_478 = arith.constant 5 : i32
          %scan3A_479 = arith.addi %scan3A_477, %scan3A_478 : i32
          %scan3A_480 = arith.constant 1 : i32
          scf.for %scan3A_482 = %scan3A_477 to %scan3A_479 step %scan3A_480  : i32 {
            %mul3A_483 = arith.constant 16 : i32
            %mul3A_484 = arith.muli %scan3A_482, %mul3A_483 : i32
            %get3A_485 = arith.index_cast %mul3A_484 : i32 to index
            %get3A_486 = tpu.vector_load %arg24[%get3A_485] {strides = array<i32>} : memref<80xf32, #tpu.memory_space<vmem>>, vector<16xf32>,
            %mul3A_487 = arith.constant 16 : i32
            %mul3A_488 = arith.muli %scan3A_482, %mul3A_487 : i32
            %add3A_489 = arith.constant 0 : i32
            %add3A_490 = arith.addi %mul3A_488, %add3A_489 : i32
            %mul3A_491 = arith.constant 2 : i32
            %mul3A_492 = arith.muli %mul3A_491, %scan3A_482 : i32
            %add3A_493 = arith.constant 0 : i32
            %add3A_494 = arith.addi %mul3A_492, %add3A_493 : i32
            %get3A_495 = arith.index_cast %add3A_494 : i32 to index
            %get3A_496 = arith.constant 0 : index
            %get3A_497 = tpu.vector_load %arg20[%get3A_495, %get3A_496] {strides = array<i32>} : memref<10x128xf32, #tpu.memory_space<vmem>>, vector<16xf32>,
            %slice3A = vector.extract_strided_slice %get3A_486 {offsets = [0], sizes = [1], strides = [1]} : vector<16xf32> to vector<1xf32>
            %squeeze3A = vector.extract %slice3A[0] : f32 from vector<1xf32>
            %mul3A_498 = vector.broadcast %squeeze3A : f32 to vector<16xf32>
            %mul3A_499 = arith.mulf %get3A_497, %mul3A_498 : vector<16xf32>
            %swap3A_500 = arith.index_cast %add3A_490 : i32 to index
            %swap3A_501 = arith.constant 0 : index
            %swap3A_502 = tpu.vector_load %arg22[%swap3A_500, %swap3A_501] {strides = array<i32>} : memref<80x16xf32, #tpu.memory_space<vmem>>, vector<16xf32>,
            tpu.vector_store %arg22[%swap3A_500, %swap3A_501], %mul3A_499 {strides = array<i32>} : memref<80x16xf32, #tpu.memory_space<vmem>>, vector<16xf32>,
            %mul3A_503 = arith.constant 16 : i32
            %mul3A_504 = arith.muli %scan3A_482, %mul3A_503 : i32
            %add3A_505 = arith.constant 1 : i32
            %add3A_506 = arith.addi %mul3A_504, %add3A_505 : i32
            %mul3A_507 = arith.constant 2 : i32
            %mul3A_508 = arith.muli %mul3A_507, %scan3A_482 : i32
            %add3A_509 = arith.constant 0 : i32
            %add3A_510 = arith.addi %mul3A_508, %add3A_509 : i32
            %get3A_511 = arith.index_cast %add3A_510 : i32 to index
            %get3A_512 = arith.constant 16 : index
            %get3A_513 = tpu.vector_load %arg20[%get3A_511, %get3A_512] {strides = array<i32>} : memref<10x128xf32, #tpu.memory_space<vmem>>, vector<16xf32>,
            %slice3A_514 = vector.extract_strided_slice %get3A_486 {offsets = [1], sizes = [1], strides = [1]} : vector<16xf32> to vector<1xf32>
            %squeeze3A_515 = vector.extract %slice3A_514[0] : f32 from vector<1xf32>
            %mul3A_516 = vector.broadcast %squeeze3A_515 : f32 to vector<16xf32>
            %mul3A_517 = arith.mulf %get3A_513, %mul3A_516 : vector<16xf32>
            %swap3A_518 = arith.index_cast %add3A_506 : i32 to index
            %swap3A_519 = arith.constant 0 : index
            %swap3A_520 = tpu.vector_load %arg22[%swap3A_518, %swap3A_519] {strides = array<i32>} : memref<80x16xf32, #tpu.memory_space<vmem>>, vector<16xf32>,
            tpu.vector_store %arg22[%swap3A_518, %swap3A_519], %mul3A_517 {strides = array<i32>} : memref<80x16xf32, #tpu.memory_space<vmem>>, vector<16xf32>,
            %mul3A_521 = arith.constant 16 : i32
            %mul3A_522 = arith.muli %scan3A_482, %mul3A_521 : i32
            %add3A_523 = arith.constant 2 : i32
            %add3A_524 = arith.addi %mul3A_522, %add3A_523 : i32
            %mul3A_525 = arith.constant 2 : i32
            %mul3A_526 = arith.muli %mul3A_525, %scan3A_482 : i32
            %add3A_527 = arith.constant 0 : i32
            %add3A_528 = arith.addi %mul3A_526, %add3A_527 : i32
            %get3A_529 = arith.index_cast %add3A_528 : i32 to index
            %get3A_530 = arith.constant 32 : index
            %get3A_531 = tpu.vector_load %arg20[%get3A_529, %get3A_530] {strides = array<i32>} : memref<10x128xf32, #tpu.memory_space<vmem>>, vector<16xf32>,
            %slice3A_532 = vector.extract_strided_slice %get3A_486 {offsets = [2], sizes = [1], strides = [1]} : vector<16xf32> to vector<1xf32>
            %squeeze3A_533 = vector.extract %slice3A_532[0] : f32 from vector<1xf32>
            %mul3A_534 = vector.broadcast %squeeze3A_533 : f32 to vector<16xf32>
            %mul3A_535 = arith.mulf %get3A_531, %mul3A_534 : vector<16xf32>
            %swap3A_536 = arith.index_cast %add3A_524 : i32 to index
            %swap3A_537 = arith.constant 0 : index
            %swap3A_538 = tpu.vector_load %arg22[%swap3A_536, %swap3A_537] {strides = array<i32>} : memref<80x16xf32, #tpu.memory_space<vmem>>, vector<16xf32>,
            tpu.vector_store %arg22[%swap3A_536, %swap3A_537], %mul3A_535 {strides = array<i32>} : memref<80x16xf32, #tpu.memory_space<vmem>>, vector<16xf32>,
            %mul3A_539 = arith.constant 16 : i32
            %mul3A_540 = arith.muli %scan3A_482, %mul3A_539 : i32
            %add3A_541 = arith.constant 3 : i32
            %add3A_542 = arith.addi %mul3A_540, %add3A_541 : i32
            %mul3A_543 = arith.constant 2 : i32
            %mul3A_544 = arith.muli %mul3A_543, %scan3A_482 : i32
            %add3A_545 = arith.constant 0 : i32
            %add3A_546 = arith.addi %mul3A_544, %add3A_545 : i32
            %get3A_547 = arith.index_cast %add3A_546 : i32 to index
            %get3A_548 = arith.constant 48 : index
            %get3A_549 = tpu.vector_load %arg20[%get3A_547, %get3A_548] {strides = array<i32>} : memref<10x128xf32, #tpu.memory_space<vmem>>, vector<16xf32>,
            %slice3A_550 = vector.extract_strided_slice %get3A_486 {offsets = [3], sizes = [1], strides = [1]} : vector<16xf32> to vector<1xf32>
            %squeeze3A_551 = vector.extract %slice3A_550[0] : f32 from vector<1xf32>
            %mul3A_552 = vector.broadcast %squeeze3A_551 : f32 to vector<16xf32>
            %mul3A_553 = arith.mulf %get3A_549, %mul3A_552 : vector<16xf32>
            %swap3A_554 = arith.index_cast %add3A_542 : i32 to index
            %swap3A_555 = arith.constant 0 : index
            %swap3A_556 = tpu.vector_load %arg22[%swap3A_554, %swap3A_555] {strides = array<i32>} : memref<80x16xf32, #tpu.memory_space<vmem>>, vector<16xf32>,
            tpu.vector_store %arg22[%swap3A_554, %swap3A_555], %mul3A_553 {strides = array<i32>} : memref<80x16xf32, #tpu.memory_space<vmem>>, vector<16xf32>,
            %mul3A_557 = arith.constant 16 : i32
            %mul3A_558 = arith.muli %scan3A_482, %mul3A_557 : i32
            %add3A_559 = arith.constant 4 : i32
            %add3A_560 = arith.addi %mul3A_558, %add3A_559 : i32
            %mul3A_561 = arith.constant 2 : i32
            %mul3A_562 = arith.muli %mul3A_561, %scan3A_482 : i32
            %add3A_563 = arith.constant 0 : i32
            %add3A_564 = arith.addi %mul3A_562, %add3A_563 : i32
            %get3A_565 = arith.index_cast %add3A_564 : i32 to index
            %get3A_566 = arith.constant 64 : index
            %get3A_567 = tpu.vector_load %arg20[%get3A_565, %get3A_566] {strides = array<i32>} : memref<10x128xf32, #tpu.memory_space<vmem>>, vector<16xf32>,
            %slice3A_568 = vector.extract_strided_slice %get3A_486 {offsets = [4], sizes = [1], strides = [1]} : vector<16xf32> to vector<1xf32>
            %squeeze3A_569 = vector.extract %slice3A_568[0] : f32 from vector<1xf32>
            %mul3A_570 = vector.broadcast %squeeze3A_569 : f32 to vector<16xf32>
            %mul3A_571 = arith.mulf %get3A_567, %mul3A_570 : vector<16xf32>
            %swap3A_572 = arith.index_cast %add3A_560 : i32 to index
            %swap3A_573 = arith.constant 0 : index
            %swap3A_574 = tpu.vector_load %arg22[%swap3A_572, %swap3A_573] {strides = array<i32>} : memref<80x16xf32, #tpu.memory_space<vmem>>, vector<16xf32>,
            tpu.vector_store %arg22[%swap3A_572, %swap3A_573], %mul3A_571 {strides = array<i32>} : memref<80x16xf32, #tpu.memory_space<vmem>>, vector<16xf32>,
            %mul3A_575 = arith.constant 16 : i32
            %mul3A_576 = arith.muli %scan3A_482, %mul3A_575 : i32
            %add3A_577 = arith.constant 5 : i32
            %add3A_578 = arith.addi %mul3A_576, %add3A_577 : i32
            %mul3A_579 = arith.constant 2 : i32
            %mul3A_580 = arith.muli %mul3A_579, %scan3A_482 : i32
            %add3A_581 = arith.constant 0 : i32
            %add3A_582 = arith.addi %mul3A_580, %add3A_581 : i32
            %get3A_583 = arith.index_cast %add3A_582 : i32 to index
            %get3A_584 = arith.constant 80 : index
            %get3A_585 = tpu.vector_load %arg20[%get3A_583, %get3A_584] {strides = array<i32>} : memref<10x128xf32, #tpu.memory_space<vmem>>, vector<16xf32>,
            %slice3A_586 = vector.extract_strided_slice %get3A_486 {offsets = [5], sizes = [1], strides = [1]} : vector<16xf32> to vector<1xf32>
            %squeeze3A_587 = vector.extract %slice3A_586[0] : f32 from vector<1xf32>
            %mul3A_588 = vector.broadcast %squeeze3A_587 : f32 to vector<16xf32>
            %mul3A_589 = arith.mulf %get3A_585, %mul3A_588 : vector<16xf32>
            %swap3A_590 = arith.index_cast %add3A_578 : i32 to index
            %swap3A_591 = arith.constant 0 : index
            %swap3A_592 = tpu.vector_load %arg22[%swap3A_590, %swap3A_591] {strides = array<i32>} : memref<80x16xf32, #tpu.memory_space<vmem>>, vector<16xf32>,
            tpu.vector_store %arg22[%swap3A_590, %swap3A_591], %mul3A_589 {strides = array<i32>} : memref<80x16xf32, #tpu.memory_space<vmem>>, vector<16xf32>,
            %mul3A_593 = arith.constant 16 : i32
            %mul3A_594 = arith.muli %scan3A_482, %mul3A_593 : i32
            %add3A_595 = arith.constant 6 : i32
            %add3A_596 = arith.addi %mul3A_594, %add3A_595 : i32
            %mul3A_597 = arith.constant 2 : i32
            %mul3A_598 = arith.muli %mul3A_597, %scan3A_482 : i32
            %add3A_599 = arith.constant 0 : i32
            %add3A_600 = arith.addi %mul3A_598, %add3A_599 : i32
            %get3A_601 = arith.index_cast %add3A_600 : i32 to index
            %get3A_602 = arith.constant 96 : index
            %get3A_603 = tpu.vector_load %arg20[%get3A_601, %get3A_602] {strides = array<i32>} : memref<10x128xf32, #tpu.memory_space<vmem>>, vector<16xf32>,
            %slice3A_604 = vector.extract_strided_slice %get3A_486 {offsets = [6], sizes = [1], strides = [1]} : vector<16xf32> to vector<1xf32>
            %squeeze3A_605 = vector.extract %slice3A_604[0] : f32 from vector<1xf32>
            %mul3A_606 = vector.broadcast %squeeze3A_605 : f32 to vector<16xf32>
            %mul3A_607 = arith.mulf %get3A_603, %mul3A_606 : vector<16xf32>
            %swap3A_608 = arith.index_cast %add3A_596 : i32 to index
            %swap3A_609 = arith.constant 0 : index
            %swap3A_610 = tpu.vector_load %arg22[%swap3A_608, %swap3A_609] {strides = array<i32>} : memref<80x16xf32, #tpu.memory_space<vmem>>, vector<16xf32>,
            tpu.vector_store %arg22[%swap3A_608, %swap3A_609], %mul3A_607 {strides = array<i32>} : memref<80x16xf32, #tpu.memory_space<vmem>>, vector<16xf32>,
            %mul3A_611 = arith.constant 16 : i32
            %mul3A_612 = arith.muli %scan3A_482, %mul3A_611 : i32
            %add3A_613 = arith.constant 7 : i32
            %add3A_614 = arith.addi %mul3A_612, %add3A_613 : i32
            %mul3A_615 = arith.constant 2 : i32
            %mul3A_616 = arith.muli %mul3A_615, %scan3A_482 : i32
            %add3A_617 = arith.constant 0 : i32
            %add3A_618 = arith.addi %mul3A_616, %add3A_617 : i32
            %get3A_619 = arith.index_cast %add3A_618 : i32 to index
            %get3A_620 = arith.constant 112 : index
            %get3A_621 = tpu.vector_load %arg20[%get3A_619, %get3A_620] {strides = array<i32>} : memref<10x128xf32, #tpu.memory_space<vmem>>, vector<16xf32>,
            %slice3A_622 = vector.extract_strided_slice %get3A_486 {offsets = [7], sizes = [1], strides = [1]} : vector<16xf32> to vector<1xf32>
            %squeeze3A_623 = vector.extract %slice3A_622[0] : f32 from vector<1xf32>
            %mul3A_624 = vector.broadcast %squeeze3A_623 : f32 to vector<16xf32>
            %mul3A_625 = arith.mulf %get3A_621, %mul3A_624 : vector<16xf32>
            %swap3A_626 = arith.index_cast %add3A_614 : i32 to index
            %swap3A_627 = arith.constant 0 : index
            %swap3A_628 = tpu.vector_load %arg22[%swap3A_626, %swap3A_627] {strides = array<i32>} : memref<80x16xf32, #tpu.memory_space<vmem>>, vector<16xf32>,
            tpu.vector_store %arg22[%swap3A_626, %swap3A_627], %mul3A_625 {strides = array<i32>} : memref<80x16xf32, #tpu.memory_space<vmem>>, vector<16xf32>,
            %mul3A_629 = arith.constant 16 : i32
            %mul3A_630 = arith.muli %scan3A_482, %mul3A_629 : i32
            %add3A_631 = arith.constant 8 : i32
            %add3A_632 = arith.addi %mul3A_630, %add3A_631 : i32
            %mul3A_633 = arith.constant 2 : i32
            %mul3A_634 = arith.muli %mul3A_633, %scan3A_482 : i32
            %add3A_635 = arith.constant 1 : i32
            %add3A_636 = arith.addi %mul3A_634, %add3A_635 : i32
            %get3A_637 = arith.index_cast %add3A_636 : i32 to index
            %get3A_638 = arith.constant 0 : index
            %get3A_639 = tpu.vector_load %arg20[%get3A_637, %get3A_638] {strides = array<i32>} : memref<10x128xf32, #tpu.memory_space<vmem>>, vector<16xf32>,
            %slice3A_640 = vector.extract_strided_slice %get3A_486 {offsets = [8], sizes = [1], strides = [1]} : vector<16xf32> to vector<1xf32>
            %squeeze3A_641 = vector.extract %slice3A_640[0] : f32 from vector<1xf32>
            %mul3A_642 = vector.broadcast %squeeze3A_641 : f32 to vector<16xf32>
            %mul3A_643 = arith.mulf %get3A_639, %mul3A_642 : vector<16xf32>
            %swap3A_644 = arith.index_cast %add3A_632 : i32 to index
            %swap3A_645 = arith.constant 0 : index
            %swap3A_646 = tpu.vector_load %arg22[%swap3A_644, %swap3A_645] {strides = array<i32>} : memref<80x16xf32, #tpu.memory_space<vmem>>, vector<16xf32>,
            tpu.vector_store %arg22[%swap3A_644, %swap3A_645], %mul3A_643 {strides = array<i32>} : memref<80x16xf32, #tpu.memory_space<vmem>>, vector<16xf32>,
            %mul3A_647 = arith.constant 16 : i32
            %mul3A_648 = arith.muli %scan3A_482, %mul3A_647 : i32
            %add3A_649 = arith.constant 9 : i32
            %add3A_650 = arith.addi %mul3A_648, %add3A_649 : i32
            %mul3A_651 = arith.constant 2 : i32
            %mul3A_652 = arith.muli %mul3A_651, %scan3A_482 : i32
            %add3A_653 = arith.constant 1 : i32
            %add3A_654 = arith.addi %mul3A_652, %add3A_653 : i32
            %get3A_655 = arith.index_cast %add3A_654 : i32 to index
            %get3A_656 = arith.constant 16 : index
            %get3A_657 = tpu.vector_load %arg20[%get3A_655, %get3A_656] {strides = array<i32>} : memref<10x128xf32, #tpu.memory_space<vmem>>, vector<16xf32>,
            %slice3A_658 = vector.extract_strided_slice %get3A_486 {offsets = [9], sizes = [1], strides = [1]} : vector<16xf32> to vector<1xf32>
            %squeeze3A_659 = vector.extract %slice3A_658[0] : f32 from vector<1xf32>
            %mul3A_660 = vector.broadcast %squeeze3A_659 : f32 to vector<16xf32>
            %mul3A_661 = arith.mulf %get3A_657, %mul3A_660 : vector<16xf32>
            %swap3A_662 = arith.index_cast %add3A_650 : i32 to index
            %swap3A_663 = arith.constant 0 : index
            %swap3A_664 = tpu.vector_load %arg22[%swap3A_662, %swap3A_663] {strides = array<i32>} : memref<80x16xf32, #tpu.memory_space<vmem>>, vector<16xf32>,
            tpu.vector_store %arg22[%swap3A_662, %swap3A_663], %mul3A_661 {strides = array<i32>} : memref<80x16xf32, #tpu.memory_space<vmem>>, vector<16xf32>,
            %mul3A_665 = arith.constant 16 : i32
            %mul3A_666 = arith.muli %scan3A_482, %mul3A_665 : i32
            %add3A_667 = arith.constant 10 : i32
            %add3A_668 = arith.addi %mul3A_666, %add3A_667 : i32
            %mul3A_669 = arith.constant 2 : i32
            %mul3A_670 = arith.muli %mul3A_669, %scan3A_482 : i32
            %add3A_671 = arith.constant 1 : i32
            %add3A_672 = arith.addi %mul3A_670, %add3A_671 : i32
            %get3A_673 = arith.index_cast %add3A_672 : i32 to index
            %get3A_674 = arith.constant 32 : index
            %get3A_675 = tpu.vector_load %arg20[%get3A_673, %get3A_674] {strides = array<i32>} : memref<10x128xf32, #tpu.memory_space<vmem>>, vector<16xf32>,
            %slice3A_676 = vector.extract_strided_slice %get3A_486 {offsets = [10], sizes = [1], strides = [1]} : vector<16xf32> to vector<1xf32>
            %squeeze3A_677 = vector.extract %slice3A_676[0] : f32 from vector<1xf32>
            %mul3A_678 = vector.broadcast %squeeze3A_677 : f32 to vector<16xf32>
            %mul3A_679 = arith.mulf %get3A_675, %mul3A_678 : vector<16xf32>
            %swap3A_680 = arith.index_cast %add3A_668 : i32 to index
            %swap3A_681 = arith.constant 0 : index
            %swap3A_682 = tpu.vector_load %arg22[%swap3A_680, %swap3A_681] {strides = array<i32>} : memref<80x16xf32, #tpu.memory_space<vmem>>, vector<16xf32>,
            tpu.vector_store %arg22[%swap3A_680, %swap3A_681], %mul3A_679 {strides = array<i32>} : memref<80x16xf32, #tpu.memory_space<vmem>>, vector<16xf32>,
            %mul3A_683 = arith.constant 16 : i32
            %mul3A_684 = arith.muli %scan3A_482, %mul3A_683 : i32
            %add3A_685 = arith.constant 11 : i32
            %add3A_686 = arith.addi %mul3A_684, %add3A_685 : i32
            %mul3A_687 = arith.constant 2 : i32
            %mul3A_688 = arith.muli %mul3A_687, %scan3A_482 : i32
            %add3A_689 = arith.constant 1 : i32
            %add3A_690 = arith.addi %mul3A_688, %add3A_689 : i32
            %get3A_691 = arith.index_cast %add3A_690 : i32 to index
            %get3A_692 = arith.constant 48 : index
            %get3A_693 = tpu.vector_load %arg20[%get3A_691, %get3A_692] {strides = array<i32>} : memref<10x128xf32, #tpu.memory_space<vmem>>, vector<16xf32>,
            %slice3A_694 = vector.extract_strided_slice %get3A_486 {offsets = [11], sizes = [1], strides = [1]} : vector<16xf32> to vector<1xf32>
            %squeeze3A_695 = vector.extract %slice3A_694[0] : f32 from vector<1xf32>
            %mul3A_696 = vector.broadcast %squeeze3A_695 : f32 to vector<16xf32>
            %mul3A_697 = arith.mulf %get3A_693, %mul3A_696 : vector<16xf32>
            %swap3A_698 = arith.index_cast %add3A_686 : i32 to index
            %swap3A_699 = arith.constant 0 : index
            %swap3A_700 = tpu.vector_load %arg22[%swap3A_698, %swap3A_699] {strides = array<i32>} : memref<80x16xf32, #tpu.memory_space<vmem>>, vector<16xf32>,
            tpu.vector_store %arg22[%swap3A_698, %swap3A_699], %mul3A_697 {strides = array<i32>} : memref<80x16xf32, #tpu.memory_space<vmem>>, vector<16xf32>,
            %mul3A_701 = arith.constant 16 : i32
            %mul3A_702 = arith.muli %scan3A_482, %mul3A_701 : i32
            %add3A_703 = arith.constant 12 : i32
            %add3A_704 = arith.addi %mul3A_702, %add3A_703 : i32
            %mul3A_705 = arith.constant 2 : i32
            %mul3A_706 = arith.muli %mul3A_705, %scan3A_482 : i32
            %add3A_707 = arith.constant 1 : i32
            %add3A_708 = arith.addi %mul3A_706, %add3A_707 : i32
            %get3A_709 = arith.index_cast %add3A_708 : i32 to index
            %get3A_710 = arith.constant 64 : index
            %get3A_711 = tpu.vector_load %arg20[%get3A_709, %get3A_710] {strides = array<i32>} : memref<10x128xf32, #tpu.memory_space<vmem>>, vector<16xf32>,
            %slice3A_712 = vector.extract_strided_slice %get3A_486 {offsets = [12], sizes = [1], strides = [1]} : vector<16xf32> to vector<1xf32>
            %squeeze3A_713 = vector.extract %slice3A_712[0] : f32 from vector<1xf32>
            %mul3A_714 = vector.broadcast %squeeze3A_713 : f32 to vector<16xf32>
            %mul3A_715 = arith.mulf %get3A_711, %mul3A_714 : vector<16xf32>
            %swap3A_716 = arith.index_cast %add3A_704 : i32 to index
            %swap3A_717 = arith.constant 0 : index
            %swap3A_718 = tpu.vector_load %arg22[%swap3A_716, %swap3A_717] {strides = array<i32>} : memref<80x16xf32, #tpu.memory_space<vmem>>, vector<16xf32>,
            tpu.vector_store %arg22[%swap3A_716, %swap3A_717], %mul3A_715 {strides = array<i32>} : memref<80x16xf32, #tpu.memory_space<vmem>>, vector<16xf32>,
            %mul3A_719 = arith.constant 16 : i32
            %mul3A_720 = arith.muli %scan3A_482, %mul3A_719 : i32
            %add3A_721 = arith.constant 13 : i32
            %add3A_722 = arith.addi %mul3A_720, %add3A_721 : i32
            %mul3A_723 = arith.constant 2 : i32
            %mul3A_724 = arith.muli %mul3A_723, %scan3A_482 : i32
            %add3A_725 = arith.constant 1 : i32
            %add3A_726 = arith.addi %mul3A_724, %add3A_725 : i32
            %get3A_727 = arith.index_cast %add3A_726 : i32 to index
            %get3A_728 = arith.constant 80 : index
            %get3A_729 = tpu.vector_load %arg20[%get3A_727, %get3A_728] {strides = array<i32>} : memref<10x128xf32, #tpu.memory_space<vmem>>, vector<16xf32>,
            %slice3A_730 = vector.extract_strided_slice %get3A_486 {offsets = [13], sizes = [1], strides = [1]} : vector<16xf32> to vector<1xf32>
            %squeeze3A_731 = vector.extract %slice3A_730[0] : f32 from vector<1xf32>
            %mul3A_732 = vector.broadcast %squeeze3A_731 : f32 to vector<16xf32>
            %mul3A_733 = arith.mulf %get3A_729, %mul3A_732 : vector<16xf32>
            %swap3A_734 = arith.index_cast %add3A_722 : i32 to index
            %swap3A_735 = arith.constant 0 : index
            %swap3A_736 = tpu.vector_load %arg22[%swap3A_734, %swap3A_735] {strides = array<i32>} : memref<80x16xf32, #tpu.memory_space<vmem>>, vector<16xf32>,
            tpu.vector_store %arg22[%swap3A_734, %swap3A_735], %mul3A_733 {strides = array<i32>} : memref<80x16xf32, #tpu.memory_space<vmem>>, vector<16xf32>,
            %mul3A_737 = arith.constant 16 : i32
            %mul3A_738 = arith.muli %scan3A_482, %mul3A_737 : i32
            %add3A_739 = arith.constant 14 : i32
            %add3A_740 = arith.addi %mul3A_738, %add3A_739 : i32
            %mul3A_741 = arith.constant 2 : i32
            %mul3A_742 = arith.muli %mul3A_741, %scan3A_482 : i32
            %add3A_743 = arith.constant 1 : i32
            %add3A_744 = arith.addi %mul3A_742, %add3A_743 : i32
            %get3A_745 = arith.index_cast %add3A_744 : i32 to index
            %get3A_746 = arith.constant 96 : index
            %get3A_747 = tpu.vector_load %arg20[%get3A_745, %get3A_746] {strides = array<i32>} : memref<10x128xf32, #tpu.memory_space<vmem>>, vector<16xf32>,
            %slice3A_748 = vector.extract_strided_slice %get3A_486 {offsets = [14], sizes = [1], strides = [1]} : vector<16xf32> to vector<1xf32>
            %squeeze3A_749 = vector.extract %slice3A_748[0] : f32 from vector<1xf32>
            %mul3A_750 = vector.broadcast %squeeze3A_749 : f32 to vector<16xf32>
            %mul3A_751 = arith.mulf %get3A_747, %mul3A_750 : vector<16xf32>
            %swap3A_752 = arith.index_cast %add3A_740 : i32 to index
            %swap3A_753 = arith.constant 0 : index
            %swap3A_754 = tpu.vector_load %arg22[%swap3A_752, %swap3A_753] {strides = array<i32>} : memref<80x16xf32, #tpu.memory_space<vmem>>, vector<16xf32>,
            tpu.vector_store %arg22[%swap3A_752, %swap3A_753], %mul3A_751 {strides = array<i32>} : memref<80x16xf32, #tpu.memory_space<vmem>>, vector<16xf32>,
            %mul3A_755 = arith.constant 16 : i32
            %mul3A_756 = arith.muli %scan3A_482, %mul3A_755 : i32
            %add3A_757 = arith.constant 15 : i32
            %add3A_758 = arith.addi %mul3A_756, %add3A_757 : i32
            %mul3A_759 = arith.constant 2 : i32
            %mul3A_760 = arith.muli %mul3A_759, %scan3A_482 : i32
            %add3A_761 = arith.constant 1 : i32
            %add3A_762 = arith.addi %mul3A_760, %add3A_761 : i32
            %get3A_763 = arith.index_cast %add3A_762 : i32 to index
            %get3A_764 = arith.constant 112 : index
            %get3A_765 = tpu.vector_load %arg20[%get3A_763, %get3A_764] {strides = array<i32>} : memref<10x128xf32, #tpu.memory_space<vmem>>, vector<16xf32>,
            %slice3A_766 = vector.extract_strided_slice %get3A_486 {offsets = [15], sizes = [1], strides = [1]} : vector<16xf32> to vector<1xf32>
            %squeeze3A_767 = vector.extract %slice3A_766[0] : f32 from vector<1xf32>
            %mul3A_768 = vector.broadcast %squeeze3A_767 : f32 to vector<16xf32>
            %mul3A_769 = arith.mulf %get3A_765, %mul3A_768 : vector<16xf32>
            %swap3A_770 = arith.index_cast %add3A_758 : i32 to index
            %swap3A_771 = arith.constant 0 : index
            %swap3A_772 = tpu.vector_load %arg22[%swap3A_770, %swap3A_771] {strides = array<i32>} : memref<80x16xf32, #tpu.memory_space<vmem>>, vector<16xf32>,
            tpu.vector_store %arg22[%swap3A_770, %swap3A_771], %mul3A_769 {strides = array<i32>} : memref<80x16xf32, #tpu.memory_space<vmem>>, vector<16xf32>,
          }
          %scan3A_481 = arith.constant 5 : i32
        } else {
        }
        %lt3A_455 = arith.constant 24 : i32
        %lt3A_456 = arith.cmpi slt, %scan3A_180, %lt3A_455 : i32
        %convert_element_type3A_457 = arith.extui %lt3A_456 : i1 to i32
        %cond3A_458 = arith.constant 0 : i32
        %cond3A_459 = arith.cmpi ne, %convert_element_type3A_457, %cond3A_458 : i32
        scf.if %cond3A_459 {
          %add3A_476 = arith.constant 2 : i32
          %add3A_477 = arith.addi %add3A_328, %add3A_476 : i32
          %dma_start3A_478 = arith.constant 0 : i32
          %dma_start3A_479 = tpu.memref_slice %arg11[%add3A_477, %dma_start3A_478] : memref<50x80xi32, #tpu.memory_space<vmem>> -> memref<1x80xi32, #tpu.memory_space<vmem>>
          %dma_start3A_480 = tpu.memref_squeeze %dma_start3A_479 : memref<1x80xi32, #tpu.memory_space<vmem>> -> memref<80xi32, #tpu.memory_space<vmem>>
          %dma_start3A_481 = arith.constant 0 : i32
          %dma_start3A_482 = arith.constant 0 : i32
          %dma_start3A_483 = tpu.memref_slice %arg6[%arg0, %dma_start3A_481, %dma_start3A_482] : memref<2x10000x64xf32, #tpu.memory_space<hbm>> -> memref<1x10000x64xf32, #tpu.memory_space<hbm>>
          %dma_start3A_484 = tpu.memref_squeeze %dma_start3A_483 : memref<1x10000x64xf32, #tpu.memory_space<hbm>> -> memref<10000x64xf32, #tpu.memory_space<hbm>>
          %dma_start3A_485 = arith.constant 0 : i32
          %dma_start3A_486 = arith.constant 0 : i32
          %dma_start3A_487 = tpu.memref_slice %dma_start3A_484[%dma_start3A_485, %dma_start3A_486] : memref<10000x64xf32, #tpu.memory_space<hbm>> -> memref<10000x64xf32, #tpu.memory_space<hbm>>
          tpu.enqueue_indirect_dma source(%dma_start3A_487 : memref<10000x64xf32, #tpu.memory_space<hbm>>) target(%arg16 : memref<80x64xf32, #tpu.memory_space<vmem>>) offsets(%dma_start3A_480 : memref<80xi32, #tpu.memory_space<vmem>>) semaphore(%arg32 : memref<!tpu.dma_semaphore, #tpu.memory_space<semaphore_mem>>)
          %eq3A_488 = arith.constant 0 : i32
          %eq3A_489 = arith.cmpi eq, %arg0, %eq3A_488 : i32
          %convert_element_type3A_490 = arith.extui %eq3A_489 : i1 to i32
          %cond3A_491 = arith.constant 0 : i32
          %cond3A_492 = arith.cmpi ne, %convert_element_type3A_490, %cond3A_491 : i32
          scf.if %cond3A_492 {
            %mul3A_493 = arith.constant 20000 : i32
            %mul3A_494 = arith.muli %arg1, %mul3A_493 : i32
            %mul3A_495 = arith.constant 50 : i32
            %mul3A_496 = arith.muli %scan3A_108, %mul3A_495 : i32
            %add3A_497 = arith.addi %mul3A_496, %add3A_477 : i32
            %mul3A_498 = arith.constant 80 : i32
            %mul3A_499 = arith.muli %add3A_497, %mul3A_498 : i32
            %add3A_500 = arith.addi %mul3A_494, %mul3A_499 : i32
            %mul3A_501 = arith.constant 16 : i32
            %mul3A_502 = arith.muli %add3A_500, %mul3A_501 : i32
            %jit3A = arith.constant 128 : i32
            %div3A = arith.divsi %mul3A_502, %jit3A : i32
            %sign3A = arith.constant 0 : i32
            %sign3A_503 = arith.cmpi sgt, %mul3A_502, %sign3A : i32
            %sign3A_504 = arith.extui %sign3A_503 : i1 to i32
            %sign3A_505 = arith.constant 0 : i32
            %sign3A_506 = arith.cmpi slt, %mul3A_502, %sign3A_505 : i32
            %sign3A_507 = arith.extui %sign3A_506 : i1 to i32
            %sign3A_508 = arith.subi %sign3A_504, %sign3A_507 : i32
            %sign3A_509 = arith.constant 0 : i32
            %sign3A_510 = arith.cmpi sgt, %jit3A, %sign3A_509 : i32
            %sign3A_511 = arith.extui %sign3A_510 : i1 to i32
            %sign3A_512 = arith.constant 0 : i32
            %sign3A_513 = arith.cmpi slt, %jit3A, %sign3A_512 : i32
            %sign3A_514 = arith.extui %sign3A_513 : i1 to i32
            %sign3A_515 = arith.subi %sign3A_511, %sign3A_514 : i32
            %ne3A = arith.cmpi ne, %sign3A_508, %sign3A_515 : i32
            %rem3A = arith.remsi %mul3A_502, %jit3A : i32
            %ne3A_516 = arith.constant 0 : i32
            %ne3A_517 = arith.cmpi ne, %rem3A, %ne3A_516 : i32
            %and3A = arith.andi %ne3A, %ne3A_517 : i1
            %sub3A = arith.constant 1 : i32
            %sub3A_518 = arith.subi %div3A, %sub3A : i32
            %select_n3A_519 = arith.select %and3A, %sub3A_518, %div3A : i32
            %dma_start3A_520 = arith.constant 0 : i32
            %dma_start3A_521 = tpu.memref_slice %arg7[%select_n3A_519, %dma_start3A_520] : memref<40000x128xf32, #tpu.memory_space<hbm>> -> memref<10x128xf32, #tpu.memory_space<hbm>>
            %dma_start3A_522 = arith.constant 0 : i32
            %dma_start3A_523 = tpu.memref_slice %arg7[%select_n3A_519, %dma_start3A_522] : memref<40000x128xf32, #tpu.memory_space<hbm>> -> memref<10x128xf32, #tpu.memory_space<hbm>>
            tpu.enqueue_dma source(%dma_start3A_523 : memref<10x128xf32, #tpu.memory_space<hbm>>) target(%arg20 : memref<10x128xf32, #tpu.memory_space<vmem>>) target_semaphore(%arg32 : memref<!tpu.dma_semaphore, #tpu.memory_space<semaphore_mem>>)
          } else {
          }
        } else {
        }
        %dma_start3A_460 = arith.constant 0 : i32
        %dma_start3A_461 = tpu.memref_slice %arg12[%add3A_328, %dma_start3A_460] : memref<50x80xi32, #tpu.memory_space<vmem>> -> memref<1x80xi32, #tpu.memory_space<vmem>>
        %dma_start3A_462 = tpu.memref_squeeze %dma_start3A_461 : memref<1x80xi32, #tpu.memory_space<vmem>> -> memref<80xi32, #tpu.memory_space<vmem>>
        %dma_start3A_463 = arith.constant 0 : i32
        %dma_start3A_464 = arith.constant 0 : i32
        %dma_start3A_465 = tpu.memref_slice %arg28[%dma_start3A_463, %dma_start3A_464] : memref<10240x64xf32, #tpu.memory_space<vmem_shared>> -> memref<10240x64xf32, #tpu.memory_space<vmem_shared>>
        tpu.enqueue_indirect_dma source(%arg18 : memref<80x64xf32, #tpu.memory_space<vmem>>) target(%dma_start3A_465 : memref<10240x64xf32, #tpu.memory_space<vmem_shared>>) offsets(%dma_start3A_462 : memref<80xi32, #tpu.memory_space<vmem>>) semaphore(%arg34 : memref<!tpu.dma_semaphore, #tpu.memory_space<semaphore_mem>>) {add = true}
        %eq3A_466 = arith.constant 0 : i32
        %eq3A_467 = arith.cmpi eq, %arg0, %eq3A_466 : i32
        %convert_element_type3A_468 = arith.extui %eq3A_467 : i1 to i32
        %cond3A_469 = arith.constant 0 : i32
        %cond3A_470 = arith.cmpi ne, %convert_element_type3A_468, %cond3A_469 : i32
        scf.if %cond3A_470 {
          %dma_start3A_476 = arith.constant 0 : i32
          %dma_start3A_477 = tpu.memref_slice %arg12[%add3A_328, %dma_start3A_476] : memref<50x80xi32, #tpu.memory_space<vmem>> -> memref<1x80xi32, #tpu.memory_space<vmem>>
          %dma_start3A_478 = tpu.memref_squeeze %dma_start3A_477 : memref<1x80xi32, #tpu.memory_space<vmem>> -> memref<80xi32, #tpu.memory_space<vmem>>
          %dma_start3A_479 = arith.constant 0 : i32
          %dma_start3A_480 = arith.constant 0 : i32
          %dma_start3A_481 = tpu.memref_slice %arg29[%dma_start3A_479, %dma_start3A_480] : memref<10240x16xf32, #tpu.memory_space<vmem_shared>> -> memref<10240x16xf32, #tpu.memory_space<vmem_shared>>
          tpu.enqueue_indirect_dma source(%arg22 : memref<80x16xf32, #tpu.memory_space<vmem>>) target(%dma_start3A_481 : memref<10240x16xf32, #tpu.memory_space<vmem_shared>>) offsets(%dma_start3A_478 : memref<80xi32, #tpu.memory_space<vmem>>) semaphore(%arg34 : memref<!tpu.dma_semaphore, #tpu.memory_space<semaphore_mem>>) {add = true}
        } else {
        }
        %eq3A_471 = arith.constant 1 : i32
        %eq3A_472 = arith.cmpi eq, %arg0, %eq3A_471 : i32
        %convert_element_type3A_473 = arith.extui %eq3A_472 : i1 to i32
        %cond3A_474 = arith.constant 0 : i32
        %cond3A_475 = arith.cmpi ne, %convert_element_type3A_473, %cond3A_474 : i32
        scf.if %cond3A_475 {
          %dma_start3A_476 = arith.constant 0 : i32
          %dma_start3A_477 = tpu.memref_slice %arg12[%add3A_328, %dma_start3A_476] : memref<50x80xi32, #tpu.memory_space<vmem>> -> memref<1x80xi32, #tpu.memory_space<vmem>>
          %dma_start3A_478 = tpu.memref_squeeze %dma_start3A_477 : memref<1x80xi32, #tpu.memory_space<vmem>> -> memref<80xi32, #tpu.memory_space<vmem>>
          %dma_start3A_479 = arith.constant 0 : i32
          %dma_start3A_480 = tpu.memref_slice %arg30[%dma_start3A_479] : memref<10240xf32, #tpu.memory_space<vmem_shared>> -> memref<10240xf32, #tpu.memory_space<vmem_shared>>
          tpu.enqueue_indirect_dma source(%arg24 : memref<80xf32, #tpu.memory_space<vmem>>) target(%dma_start3A_480 : memref<10240xf32, #tpu.memory_space<vmem_shared>>) offsets(%dma_start3A_478 : memref<80xi32, #tpu.memory_space<vmem>>) semaphore(%arg34 : memref<!tpu.dma_semaphore, #tpu.memory_space<semaphore_mem>>) {add = true}
        } else {
        }
      }
      %scan3A_146 = arith.constant 25 : i32
      %dma_wait3A = arith.constant 48 : i32
      %dma_wait3A_147 = arith.constant 0 : i32
      %dma_wait3A_148 = tpu.memref_slice %arg12[%dma_wait3A, %dma_wait3A_147] : memref<50x80xi32, #tpu.memory_space<vmem>> -> memref<1x80xi32, #tpu.memory_space<vmem>>
      %dma_wait3A_149 = tpu.memref_squeeze %dma_wait3A_148 : memref<1x80xi32, #tpu.memory_space<vmem>> -> memref<80xi32, #tpu.memory_space<vmem>>
      %dma_wait3A_150 = arith.constant 0 : i32
      %dma_wait3A_151 = arith.constant 0 : i32
      %dma_wait3A_152 = tpu.memref_slice %arg28[%dma_wait3A_150, %dma_wait3A_151] : memref<10240x64xf32, #tpu.memory_space<vmem_shared>> -> memref<10240x64xf32, #tpu.memory_space<vmem_shared>>
      tpu.wait_indirect_dma semaphore(%arg33 : memref<!tpu.dma_semaphore, #tpu.memory_space<semaphore_mem>>) src(%arg17 : memref<80x64xf32, #tpu.memory_space<vmem>>) dst(%dma_wait3A_152 : memref<10240x64xf32, #tpu.memory_space<vmem_shared>>)
      %eq3A_153 = arith.constant 0 : i32
      %eq3A_154 = arith.cmpi eq, %arg0, %eq3A_153 : i32
      %convert_element_type3A_155 = arith.extui %eq3A_154 : i1 to i32
      %cond3A_156 = arith.constant 0 : i32
      %cond3A_157 = arith.cmpi ne, %convert_element_type3A_155, %cond3A_156 : i32
      scf.if %cond3A_157 {
        %dma_wait3A_180 = arith.constant 48 : i32
        %dma_wait3A_181 = arith.constant 0 : i32
        %dma_wait3A_182 = tpu.memref_slice %arg12[%dma_wait3A_180, %dma_wait3A_181] : memref<50x80xi32, #tpu.memory_space<vmem>> -> memref<1x80xi32, #tpu.memory_space<vmem>>
        %dma_wait3A_183 = tpu.memref_squeeze %dma_wait3A_182 : memref<1x80xi32, #tpu.memory_space<vmem>> -> memref<80xi32, #tpu.memory_space<vmem>>
        %dma_wait3A_184 = arith.constant 0 : i32
        %dma_wait3A_185 = arith.constant 0 : i32
        %dma_wait3A_186 = tpu.memref_slice %arg29[%dma_wait3A_184, %dma_wait3A_185] : memref<10240x16xf32, #tpu.memory_space<vmem_shared>> -> memref<10240x16xf32, #tpu.memory_space<vmem_shared>>
        tpu.wait_indirect_dma semaphore(%arg33 : memref<!tpu.dma_semaphore, #tpu.memory_space<semaphore_mem>>) src(%arg21 : memref<80x16xf32, #tpu.memory_space<vmem>>) dst(%dma_wait3A_186 : memref<10240x16xf32, #tpu.memory_space<vmem_shared>>)
      } else {
      }
      %eq3A_158 = arith.constant 1 : i32
      %eq3A_159 = arith.cmpi eq, %arg0, %eq3A_158 : i32
      %convert_element_type3A_160 = arith.extui %eq3A_159 : i1 to i32
      %cond3A_161 = arith.constant 0 : i32
      %cond3A_162 = arith.cmpi ne, %convert_element_type3A_160, %cond3A_161 : i32
      scf.if %cond3A_162 {
        %dma_wait3A_180 = arith.constant 48 : i32
        %dma_wait3A_181 = arith.constant 0 : i32
        %dma_wait3A_182 = tpu.memref_slice %arg12[%dma_wait3A_180, %dma_wait3A_181] : memref<50x80xi32, #tpu.memory_space<vmem>> -> memref<1x80xi32, #tpu.memory_space<vmem>>
        %dma_wait3A_183 = tpu.memref_squeeze %dma_wait3A_182 : memref<1x80xi32, #tpu.memory_space<vmem>> -> memref<80xi32, #tpu.memory_space<vmem>>
        %dma_wait3A_184 = arith.constant 0 : i32
        %dma_wait3A_185 = tpu.memref_slice %arg30[%dma_wait3A_184] : memref<10240xf32, #tpu.memory_space<vmem_shared>> -> memref<10240xf32, #tpu.memory_space<vmem_shared>>
        tpu.wait_indirect_dma semaphore(%arg33 : memref<!tpu.dma_semaphore, #tpu.memory_space<semaphore_mem>>) src(%arg23 : memref<80xf32, #tpu.memory_space<vmem>>) dst(%dma_wait3A_185 : memref<10240xf32, #tpu.memory_space<vmem_shared>>)
      } else {
      }
      %dma_wait3A_163 = arith.constant 49 : i32
      %dma_wait3A_164 = arith.constant 0 : i32
      %dma_wait3A_165 = tpu.memref_slice %arg12[%dma_wait3A_163, %dma_wait3A_164] : memref<50x80xi32, #tpu.memory_space<vmem>> -> memref<1x80xi32, #tpu.memory_space<vmem>>
      %dma_wait3A_166 = tpu.memref_squeeze %dma_wait3A_165 : memref<1x80xi32, #tpu.memory_space<vmem>> -> memref<80xi32, #tpu.memory_space<vmem>>
      %dma_wait3A_167 = arith.constant 0 : i32
      %dma_wait3A_168 = arith.constant 0 : i32
      %dma_wait3A_169 = tpu.memref_slice %arg28[%dma_wait3A_167, %dma_wait3A_168] : memref<10240x64xf32, #tpu.memory_space<vmem_shared>> -> memref<10240x64xf32, #tpu.memory_space<vmem_shared>>
      tpu.wait_indirect_dma semaphore(%arg34 : memref<!tpu.dma_semaphore, #tpu.memory_space<semaphore_mem>>) src(%arg18 : memref<80x64xf32, #tpu.memory_space<vmem>>) dst(%dma_wait3A_169 : memref<10240x64xf32, #tpu.memory_space<vmem_shared>>)
      %eq3A_170 = arith.constant 0 : i32
      %eq3A_171 = arith.cmpi eq, %arg0, %eq3A_170 : i32
      %convert_element_type3A_172 = arith.extui %eq3A_171 : i1 to i32
      %cond3A_173 = arith.constant 0 : i32
      %cond3A_174 = arith.cmpi ne, %convert_element_type3A_172, %cond3A_173 : i32
      scf.if %cond3A_174 {
        %dma_wait3A_180 = arith.constant 49 : i32
        %dma_wait3A_181 = arith.constant 0 : i32
        %dma_wait3A_182 = tpu.memref_slice %arg12[%dma_wait3A_180, %dma_wait3A_181] : memref<50x80xi32, #tpu.memory_space<vmem>> -> memref<1x80xi32, #tpu.memory_space<vmem>>
        %dma_wait3A_183 = tpu.memref_squeeze %dma_wait3A_182 : memref<1x80xi32, #tpu.memory_space<vmem>> -> memref<80xi32, #tpu.memory_space<vmem>>
        %dma_wait3A_184 = arith.constant 0 : i32
        %dma_wait3A_185 = arith.constant 0 : i32
        %dma_wait3A_186 = tpu.memref_slice %arg29[%dma_wait3A_184, %dma_wait3A_185] : memref<10240x16xf32, #tpu.memory_space<vmem_shared>> -> memref<10240x16xf32, #tpu.memory_space<vmem_shared>>
        tpu.wait_indirect_dma semaphore(%arg34 : memref<!tpu.dma_semaphore, #tpu.memory_space<semaphore_mem>>) src(%arg22 : memref<80x16xf32, #tpu.memory_space<vmem>>) dst(%dma_wait3A_186 : memref<10240x16xf32, #tpu.memory_space<vmem_shared>>)
      } else {
      }
      %eq3A_175 = arith.constant 1 : i32
      %eq3A_176 = arith.cmpi eq, %arg0, %eq3A_175 : i32
      %convert_element_type3A_177 = arith.extui %eq3A_176 : i1 to i32
      %cond3A_178 = arith.constant 0 : i32
      %cond3A_179 = arith.cmpi ne, %convert_element_type3A_177, %cond3A_178 : i32
      scf.if %cond3A_179 {
        %dma_wait3A_180 = arith.constant 49 : i32
        %dma_wait3A_181 = arith.constant 0 : i32
        %dma_wait3A_182 = tpu.memref_slice %arg12[%dma_wait3A_180, %dma_wait3A_181] : memref<50x80xi32, #tpu.memory_space<vmem>> -> memref<1x80xi32, #tpu.memory_space<vmem>>
        %dma_wait3A_183 = tpu.memref_squeeze %dma_wait3A_182 : memref<1x80xi32, #tpu.memory_space<vmem>> -> memref<80xi32, #tpu.memory_space<vmem>>
        %dma_wait3A_184 = arith.constant 0 : i32
        %dma_wait3A_185 = tpu.memref_slice %arg30[%dma_wait3A_184] : memref<10240xf32, #tpu.memory_space<vmem_shared>> -> memref<10240xf32, #tpu.memory_space<vmem_shared>>
        tpu.wait_indirect_dma semaphore(%arg34 : memref<!tpu.dma_semaphore, #tpu.memory_space<semaphore_mem>>) src(%arg24 : memref<80xf32, #tpu.memory_space<vmem>>) dst(%dma_wait3A_185 : memref<10240xf32, #tpu.memory_space<vmem_shared>>)
      } else {
      }
    }
    %scan3A_62 = arith.constant 5 : i32
    %barrier3A_63 = arith.constant 0 : index
    tpu.barrier barrier_id(%barrier3A_63)
    %mul3A_64 = arith.constant 640 : i32
    %mul3A_65 = arith.muli %arg1, %mul3A_64 : i32
    %add3A_66 = arith.constant 0 : i32
    %add3A_67 = arith.addi %mul3A_65, %add3A_66 : i32
    "tpu.region"() ({
      %run_scoped3A_108 = tpu.sem_alloc : memref<!tpu.dma_semaphore, #tpu.memory_space<semaphore_mem>>
      %dma_start3A = arith.constant 0 : i32
      %dma_start3A_109 = tpu.memref_slice %arg28[%add3A_67, %dma_start3A] : memref<10240x64xf32, #tpu.memory_space<vmem_shared>> -> memref<80x64xf32, #tpu.memory_space<vmem_shared>>
      %dma_start3A_110 = arith.constant 0 : i32
      %dma_start3A_111 = tpu.memref_slice %arg28[%add3A_67, %dma_start3A_110] : memref<10240x64xf32, #tpu.memory_space<vmem_shared>> -> memref<80x64xf32, #tpu.memory_space<vmem_shared>>
      tpu.enqueue_dma source(%dma_start3A_111 : memref<80x64xf32, #tpu.memory_space<vmem_shared>>) target(%arg25 : memref<80x64xf32, #tpu.memory_space<vmem>>) target_semaphore(%run_scoped3A_108 : memref<!tpu.dma_semaphore, #tpu.memory_space<semaphore_mem>>)
      %dma_wait3A = arith.constant 0 : i32
      %dma_wait3A_112 = tpu.memref_slice %arg28[%add3A_67, %dma_wait3A] : memref<10240x64xf32, #tpu.memory_space<vmem_shared>> -> memref<80x64xf32, #tpu.memory_space<vmem_shared>>
      %dma_wait3A_113 = arith.constant 0 : i32
      %dma_wait3A_114 = tpu.memref_slice %arg28[%add3A_67, %dma_wait3A_113] : memref<10240x64xf32, #tpu.memory_space<vmem_shared>> -> memref<80x64xf32, #tpu.memory_space<vmem_shared>>
      tpu.wait_dma2 semaphore(%run_scoped3A_108 : memref<!tpu.dma_semaphore, #tpu.memory_space<semaphore_mem>>) src(%dma_wait3A_114 : memref<80x64xf32, #tpu.memory_space<vmem_shared>>) dst(%arg25 : memref<80x64xf32, #tpu.memory_space<vmem>>)
      tpu.yield
    }) : () -> ()
    "tpu.region"() ({
      %run_scoped3A_108 = tpu.sem_alloc : memref<!tpu.dma_semaphore, #tpu.memory_space<semaphore_mem>>
      %dma_start3A = arith.constant 0 : i32
      %dma_start3A_109 = tpu.memref_slice %arg8[%arg0, %add3A_67, %dma_start3A] : memref<2x10240x64xf32, #tpu.memory_space<hbm>> -> memref<1x80x64xf32, #tpu.memory_space<hbm>>
      %dma_start3A_110 = tpu.memref_squeeze %dma_start3A_109 : memref<1x80x64xf32, #tpu.memory_space<hbm>> -> memref<80x64xf32, #tpu.memory_space<hbm>>
      %dma_start3A_111 = arith.constant 0 : i32
      %dma_start3A_112 = tpu.memref_slice %arg8[%arg0, %add3A_67, %dma_start3A_111] : memref<2x10240x64xf32, #tpu.memory_space<hbm>> -> memref<1x80x64xf32, #tpu.memory_space<hbm>>
      %dma_start3A_113 = tpu.memref_squeeze %dma_start3A_112 : memref<1x80x64xf32, #tpu.memory_space<hbm>> -> memref<80x64xf32, #tpu.memory_space<hbm>>
      tpu.enqueue_dma source(%arg25 : memref<80x64xf32, #tpu.memory_space<vmem>>) target(%dma_start3A_113 : memref<80x64xf32, #tpu.memory_space<hbm>>) target_semaphore(%run_scoped3A_108 : memref<!tpu.dma_semaphore, #tpu.memory_space<semaphore_mem>>)
      %dma_wait3A = arith.constant 0 : i32
      %dma_wait3A_114 = tpu.memref_slice %arg8[%arg0, %add3A_67, %dma_wait3A] : memref<2x10240x64xf32, #tpu.memory_space<hbm>> -> memref<1x80x64xf32, #tpu.memory_space<hbm>>
      %dma_wait3A_115 = tpu.memref_squeeze %dma_wait3A_114 : memref<1x80x64xf32, #tpu.memory_space<hbm>> -> memref<80x64xf32, #tpu.memory_space<hbm>>
      %dma_wait3A_116 = arith.constant 0 : i32
      %dma_wait3A_117 = tpu.memref_slice %arg8[%arg0, %add3A_67, %dma_wait3A_116] : memref<2x10240x64xf32, #tpu.memory_space<hbm>> -> memref<1x80x64xf32, #tpu.memory_space<hbm>>
      %dma_wait3A_118 = tpu.memref_squeeze %dma_wait3A_117 : memref<1x80x64xf32, #tpu.memory_space<hbm>> -> memref<80x64xf32, #tpu.memory_space<hbm>>
      tpu.wait_dma2 semaphore(%run_scoped3A_108 : memref<!tpu.dma_semaphore, #tpu.memory_space<semaphore_mem>>) src(%arg25 : memref<80x64xf32, #tpu.memory_space<vmem>>) dst(%dma_wait3A_118 : memref<80x64xf32, #tpu.memory_space<hbm>>)
      tpu.yield
    }) : () -> ()
    %mul3A_68 = arith.constant 640 : i32
    %mul3A_69 = arith.muli %arg1, %mul3A_68 : i32
    %add3A_70 = arith.constant 80 : i32
    %add3A_71 = arith.addi %mul3A_69, %add3A_70 : i32
    "tpu.region"() ({
      %run_scoped3A_108 = tpu.sem_alloc : memref<!tpu.dma_semaphore, #tpu.memory_space<semaphore_mem>>
      %dma_start3A = arith.constant 0 : i32
      %dma_start3A_109 = tpu.memref_slice %arg28[%add3A_71, %dma_start3A] : memref<10240x64xf32, #tpu.memory_space<vmem_shared>> -> memref<80x64xf32, #tpu.memory_space<vmem_shared>>
      %dma_start3A_110 = arith.constant 0 : i32
      %dma_start3A_111 = tpu.memref_slice %arg28[%add3A_71, %dma_start3A_110] : memref<10240x64xf32, #tpu.memory_space<vmem_shared>> -> memref<80x64xf32, #tpu.memory_space<vmem_shared>>
      tpu.enqueue_dma source(%dma_start3A_111 : memref<80x64xf32, #tpu.memory_space<vmem_shared>>) target(%arg25 : memref<80x64xf32, #tpu.memory_space<vmem>>) target_semaphore(%run_scoped3A_108 : memref<!tpu.dma_semaphore, #tpu.memory_space<semaphore_mem>>)
      %dma_wait3A = arith.constant 0 : i32
      %dma_wait3A_112 = tpu.memref_slice %arg28[%add3A_71, %dma_wait3A] : memref<10240x64xf32, #tpu.memory_space<vmem_shared>> -> memref<80x64xf32, #tpu.memory_space<vmem_shared>>
      %dma_wait3A_113 = arith.constant 0 : i32
      %dma_wait3A_114 = tpu.memref_slice %arg28[%add3A_71, %dma_wait3A_113] : memref<10240x64xf32, #tpu.memory_space<vmem_shared>> -> memref<80x64xf32, #tpu.memory_space<vmem_shared>>
      tpu.wait_dma2 semaphore(%run_scoped3A_108 : memref<!tpu.dma_semaphore, #tpu.memory_space<semaphore_mem>>) src(%dma_wait3A_114 : memref<80x64xf32, #tpu.memory_space<vmem_shared>>) dst(%arg25 : memref<80x64xf32, #tpu.memory_space<vmem>>)
      tpu.yield
    }) : () -> ()
    "tpu.region"() ({
      %run_scoped3A_108 = tpu.sem_alloc : memref<!tpu.dma_semaphore, #tpu.memory_space<semaphore_mem>>
      %dma_start3A = arith.constant 0 : i32
      %dma_start3A_109 = tpu.memref_slice %arg8[%arg0, %add3A_71, %dma_start3A] : memref<2x10240x64xf32, #tpu.memory_space<hbm>> -> memref<1x80x64xf32, #tpu.memory_space<hbm>>
      %dma_start3A_110 = tpu.memref_squeeze %dma_start3A_109 : memref<1x80x64xf32, #tpu.memory_space<hbm>> -> memref<80x64xf32, #tpu.memory_space<hbm>>
      %dma_start3A_111 = arith.constant 0 : i32
      %dma_start3A_112 = tpu.memref_slice %arg8[%arg0, %add3A_71, %dma_start3A_111] : memref<2x10240x64xf32, #tpu.memory_space<hbm>> -> memref<1x80x64xf32, #tpu.memory_space<hbm>>
      %dma_start3A_113 = tpu.memref_squeeze %dma_start3A_112 : memref<1x80x64xf32, #tpu.memory_space<hbm>> -> memref<80x64xf32, #tpu.memory_space<hbm>>
      tpu.enqueue_dma source(%arg25 : memref<80x64xf32, #tpu.memory_space<vmem>>) target(%dma_start3A_113 : memref<80x64xf32, #tpu.memory_space<hbm>>) target_semaphore(%run_scoped3A_108 : memref<!tpu.dma_semaphore, #tpu.memory_space<semaphore_mem>>)
      %dma_wait3A = arith.constant 0 : i32
      %dma_wait3A_114 = tpu.memref_slice %arg8[%arg0, %add3A_71, %dma_wait3A] : memref<2x10240x64xf32, #tpu.memory_space<hbm>> -> memref<1x80x64xf32, #tpu.memory_space<hbm>>
      %dma_wait3A_115 = tpu.memref_squeeze %dma_wait3A_114 : memref<1x80x64xf32, #tpu.memory_space<hbm>> -> memref<80x64xf32, #tpu.memory_space<hbm>>
      %dma_wait3A_116 = arith.constant 0 : i32
      %dma_wait3A_117 = tpu.memref_slice %arg8[%arg0, %add3A_71, %dma_wait3A_116] : memref<2x10240x64xf32, #tpu.memory_space<hbm>> -> memref<1x80x64xf32, #tpu.memory_space<hbm>>
      %dma_wait3A_118 = tpu.memref_squeeze %dma_wait3A_117 : memref<1x80x64xf32, #tpu.memory_space<hbm>> -> memref<80x64xf32, #tpu.memory_space<hbm>>
      tpu.wait_dma2 semaphore(%run_scoped3A_108 : memref<!tpu.dma_semaphore, #tpu.memory_space<semaphore_mem>>) src(%arg25 : memref<80x64xf32, #tpu.memory_space<vmem>>) dst(%dma_wait3A_118 : memref<80x64xf32, #tpu.memory_space<hbm>>)
      tpu.yield
    }) : () -> ()
    %mul3A_72 = arith.constant 640 : i32
    %mul3A_73 = arith.muli %arg1, %mul3A_72 : i32
    %add3A_74 = arith.constant 160 : i32
    %add3A_75 = arith.addi %mul3A_73, %add3A_74 : i32
    "tpu.region"() ({
      %run_scoped3A_108 = tpu.sem_alloc : memref<!tpu.dma_semaphore, #tpu.memory_space<semaphore_mem>>
      %dma_start3A = arith.constant 0 : i32
      %dma_start3A_109 = tpu.memref_slice %arg28[%add3A_75, %dma_start3A] : memref<10240x64xf32, #tpu.memory_space<vmem_shared>> -> memref<80x64xf32, #tpu.memory_space<vmem_shared>>
      %dma_start3A_110 = arith.constant 0 : i32
      %dma_start3A_111 = tpu.memref_slice %arg28[%add3A_75, %dma_start3A_110] : memref<10240x64xf32, #tpu.memory_space<vmem_shared>> -> memref<80x64xf32, #tpu.memory_space<vmem_shared>>
      tpu.enqueue_dma source(%dma_start3A_111 : memref<80x64xf32, #tpu.memory_space<vmem_shared>>) target(%arg25 : memref<80x64xf32, #tpu.memory_space<vmem>>) target_semaphore(%run_scoped3A_108 : memref<!tpu.dma_semaphore, #tpu.memory_space<semaphore_mem>>)
      %dma_wait3A = arith.constant 0 : i32
      %dma_wait3A_112 = tpu.memref_slice %arg28[%add3A_75, %dma_wait3A] : memref<10240x64xf32, #tpu.memory_space<vmem_shared>> -> memref<80x64xf32, #tpu.memory_space<vmem_shared>>
      %dma_wait3A_113 = arith.constant 0 : i32
      %dma_wait3A_114 = tpu.memref_slice %arg28[%add3A_75, %dma_wait3A_113] : memref<10240x64xf32, #tpu.memory_space<vmem_shared>> -> memref<80x64xf32, #tpu.memory_space<vmem_shared>>
      tpu.wait_dma2 semaphore(%run_scoped3A_108 : memref<!tpu.dma_semaphore, #tpu.memory_space<semaphore_mem>>) src(%dma_wait3A_114 : memref<80x64xf32, #tpu.memory_space<vmem_shared>>) dst(%arg25 : memref<80x64xf32, #tpu.memory_space<vmem>>)
      tpu.yield
    }) : () -> ()
    "tpu.region"() ({
      %run_scoped3A_108 = tpu.sem_alloc : memref<!tpu.dma_semaphore, #tpu.memory_space<semaphore_mem>>
      %dma_start3A = arith.constant 0 : i32
      %dma_start3A_109 = tpu.memref_slice %arg8[%arg0, %add3A_75, %dma_start3A] : memref<2x10240x64xf32, #tpu.memory_space<hbm>> -> memref<1x80x64xf32, #tpu.memory_space<hbm>>
      %dma_start3A_110 = tpu.memref_squeeze %dma_start3A_109 : memref<1x80x64xf32, #tpu.memory_space<hbm>> -> memref<80x64xf32, #tpu.memory_space<hbm>>
      %dma_start3A_111 = arith.constant 0 : i32
      %dma_start3A_112 = tpu.memref_slice %arg8[%arg0, %add3A_75, %dma_start3A_111] : memref<2x10240x64xf32, #tpu.memory_space<hbm>> -> memref<1x80x64xf32, #tpu.memory_space<hbm>>
      %dma_start3A_113 = tpu.memref_squeeze %dma_start3A_112 : memref<1x80x64xf32, #tpu.memory_space<hbm>> -> memref<80x64xf32, #tpu.memory_space<hbm>>
      tpu.enqueue_dma source(%arg25 : memref<80x64xf32, #tpu.memory_space<vmem>>) target(%dma_start3A_113 : memref<80x64xf32, #tpu.memory_space<hbm>>) target_semaphore(%run_scoped3A_108 : memref<!tpu.dma_semaphore, #tpu.memory_space<semaphore_mem>>)
      %dma_wait3A = arith.constant 0 : i32
      %dma_wait3A_114 = tpu.memref_slice %arg8[%arg0, %add3A_75, %dma_wait3A] : memref<2x10240x64xf32, #tpu.memory_space<hbm>> -> memref<1x80x64xf32, #tpu.memory_space<hbm>>
      %dma_wait3A_115 = tpu.memref_squeeze %dma_wait3A_114 : memref<1x80x64xf32, #tpu.memory_space<hbm>> -> memref<80x64xf32, #tpu.memory_space<hbm>>
      %dma_wait3A_116 = arith.constant 0 : i32
      %dma_wait3A_117 = tpu.memref_slice %arg8[%arg0, %add3A_75, %dma_wait3A_116] : memref<2x10240x64xf32, #tpu.memory_space<hbm>> -> memref<1x80x64xf32, #tpu.memory_space<hbm>>
      %dma_wait3A_118 = tpu.memref_squeeze %dma_wait3A_117 : memref<1x80x64xf32, #tpu.memory_space<hbm>> -> memref<80x64xf32, #tpu.memory_space<hbm>>
      tpu.wait_dma2 semaphore(%run_scoped3A_108 : memref<!tpu.dma_semaphore, #tpu.memory_space<semaphore_mem>>) src(%arg25 : memref<80x64xf32, #tpu.memory_space<vmem>>) dst(%dma_wait3A_118 : memref<80x64xf32, #tpu.memory_space<hbm>>)
      tpu.yield
    }) : () -> ()
    %mul3A_76 = arith.constant 640 : i32
    %mul3A_77 = arith.muli %arg1, %mul3A_76 : i32
    %add3A_78 = arith.constant 240 : i32
    %add3A_79 = arith.addi %mul3A_77, %add3A_78 : i32
    "tpu.region"() ({
      %run_scoped3A_108 = tpu.sem_alloc : memref<!tpu.dma_semaphore, #tpu.memory_space<semaphore_mem>>
      %dma_start3A = arith.constant 0 : i32
      %dma_start3A_109 = tpu.memref_slice %arg28[%add3A_79, %dma_start3A] : memref<10240x64xf32, #tpu.memory_space<vmem_shared>> -> memref<80x64xf32, #tpu.memory_space<vmem_shared>>
      %dma_start3A_110 = arith.constant 0 : i32
      %dma_start3A_111 = tpu.memref_slice %arg28[%add3A_79, %dma_start3A_110] : memref<10240x64xf32, #tpu.memory_space<vmem_shared>> -> memref<80x64xf32, #tpu.memory_space<vmem_shared>>
      tpu.enqueue_dma source(%dma_start3A_111 : memref<80x64xf32, #tpu.memory_space<vmem_shared>>) target(%arg25 : memref<80x64xf32, #tpu.memory_space<vmem>>) target_semaphore(%run_scoped3A_108 : memref<!tpu.dma_semaphore, #tpu.memory_space<semaphore_mem>>)
      %dma_wait3A = arith.constant 0 : i32
      %dma_wait3A_112 = tpu.memref_slice %arg28[%add3A_79, %dma_wait3A] : memref<10240x64xf32, #tpu.memory_space<vmem_shared>> -> memref<80x64xf32, #tpu.memory_space<vmem_shared>>
      %dma_wait3A_113 = arith.constant 0 : i32
      %dma_wait3A_114 = tpu.memref_slice %arg28[%add3A_79, %dma_wait3A_113] : memref<10240x64xf32, #tpu.memory_space<vmem_shared>> -> memref<80x64xf32, #tpu.memory_space<vmem_shared>>
      tpu.wait_dma2 semaphore(%run_scoped3A_108 : memref<!tpu.dma_semaphore, #tpu.memory_space<semaphore_mem>>) src(%dma_wait3A_114 : memref<80x64xf32, #tpu.memory_space<vmem_shared>>) dst(%arg25 : memref<80x64xf32, #tpu.memory_space<vmem>>)
      tpu.yield
    }) : () -> ()
    "tpu.region"() ({
      %run_scoped3A_108 = tpu.sem_alloc : memref<!tpu.dma_semaphore, #tpu.memory_space<semaphore_mem>>
      %dma_start3A = arith.constant 0 : i32
      %dma_start3A_109 = tpu.memref_slice %arg8[%arg0, %add3A_79, %dma_start3A] : memref<2x10240x64xf32, #tpu.memory_space<hbm>> -> memref<1x80x64xf32, #tpu.memory_space<hbm>>
      %dma_start3A_110 = tpu.memref_squeeze %dma_start3A_109 : memref<1x80x64xf32, #tpu.memory_space<hbm>> -> memref<80x64xf32, #tpu.memory_space<hbm>>
      %dma_start3A_111 = arith.constant 0 : i32
      %dma_start3A_112 = tpu.memref_slice %arg8[%arg0, %add3A_79, %dma_start3A_111] : memref<2x10240x64xf32, #tpu.memory_space<hbm>> -> memref<1x80x64xf32, #tpu.memory_space<hbm>>
      %dma_start3A_113 = tpu.memref_squeeze %dma_start3A_112 : memref<1x80x64xf32, #tpu.memory_space<hbm>> -> memref<80x64xf32, #tpu.memory_space<hbm>>
      tpu.enqueue_dma source(%arg25 : memref<80x64xf32, #tpu.memory_space<vmem>>) target(%dma_start3A_113 : memref<80x64xf32, #tpu.memory_space<hbm>>) target_semaphore(%run_scoped3A_108 : memref<!tpu.dma_semaphore, #tpu.memory_space<semaphore_mem>>)
      %dma_wait3A = arith.constant 0 : i32
      %dma_wait3A_114 = tpu.memref_slice %arg8[%arg0, %add3A_79, %dma_wait3A] : memref<2x10240x64xf32, #tpu.memory_space<hbm>> -> memref<1x80x64xf32, #tpu.memory_space<hbm>>
      %dma_wait3A_115 = tpu.memref_squeeze %dma_wait3A_114 : memref<1x80x64xf32, #tpu.memory_space<hbm>> -> memref<80x64xf32, #tpu.memory_space<hbm>>
      %dma_wait3A_116 = arith.constant 0 : i32
      %dma_wait3A_117 = tpu.memref_slice %arg8[%arg0, %add3A_79, %dma_wait3A_116] : memref<2x10240x64xf32, #tpu.memory_space<hbm>> -> memref<1x80x64xf32, #tpu.memory_space<hbm>>
      %dma_wait3A_118 = tpu.memref_squeeze %dma_wait3A_117 : memref<1x80x64xf32, #tpu.memory_space<hbm>> -> memref<80x64xf32, #tpu.memory_space<hbm>>
      tpu.wait_dma2 semaphore(%run_scoped3A_108 : memref<!tpu.dma_semaphore, #tpu.memory_space<semaphore_mem>>) src(%arg25 : memref<80x64xf32, #tpu.memory_space<vmem>>) dst(%dma_wait3A_118 : memref<80x64xf32, #tpu.memory_space<hbm>>)
      tpu.yield
    }) : () -> ()
    %mul3A_80 = arith.constant 640 : i32
    %mul3A_81 = arith.muli %arg1, %mul3A_80 : i32
    %add3A_82 = arith.constant 320 : i32
    %add3A_83 = arith.addi %mul3A_81, %add3A_82 : i32
    "tpu.region"() ({
      %run_scoped3A_108 = tpu.sem_alloc : memref<!tpu.dma_semaphore, #tpu.memory_space<semaphore_mem>>
      %dma_start3A = arith.constant 0 : i32
      %dma_start3A_109 = tpu.memref_slice %arg28[%add3A_83, %dma_start3A] : memref<10240x64xf32, #tpu.memory_space<vmem_shared>> -> memref<80x64xf32, #tpu.memory_space<vmem_shared>>
      %dma_start3A_110 = arith.constant 0 : i32
      %dma_start3A_111 = tpu.memref_slice %arg28[%add3A_83, %dma_start3A_110] : memref<10240x64xf32, #tpu.memory_space<vmem_shared>> -> memref<80x64xf32, #tpu.memory_space<vmem_shared>>
      tpu.enqueue_dma source(%dma_start3A_111 : memref<80x64xf32, #tpu.memory_space<vmem_shared>>) target(%arg25 : memref<80x64xf32, #tpu.memory_space<vmem>>) target_semaphore(%run_scoped3A_108 : memref<!tpu.dma_semaphore, #tpu.memory_space<semaphore_mem>>)
      %dma_wait3A = arith.constant 0 : i32
      %dma_wait3A_112 = tpu.memref_slice %arg28[%add3A_83, %dma_wait3A] : memref<10240x64xf32, #tpu.memory_space<vmem_shared>> -> memref<80x64xf32, #tpu.memory_space<vmem_shared>>
      %dma_wait3A_113 = arith.constant 0 : i32
      %dma_wait3A_114 = tpu.memref_slice %arg28[%add3A_83, %dma_wait3A_113] : memref<10240x64xf32, #tpu.memory_space<vmem_shared>> -> memref<80x64xf32, #tpu.memory_space<vmem_shared>>
      tpu.wait_dma2 semaphore(%run_scoped3A_108 : memref<!tpu.dma_semaphore, #tpu.memory_space<semaphore_mem>>) src(%dma_wait3A_114 : memref<80x64xf32, #tpu.memory_space<vmem_shared>>) dst(%arg25 : memref<80x64xf32, #tpu.memory_space<vmem>>)
      tpu.yield
    }) : () -> ()
    "tpu.region"() ({
      %run_scoped3A_108 = tpu.sem_alloc : memref<!tpu.dma_semaphore, #tpu.memory_space<semaphore_mem>>
      %dma_start3A = arith.constant 0 : i32
      %dma_start3A_109 = tpu.memref_slice %arg8[%arg0, %add3A_83, %dma_start3A] : memref<2x10240x64xf32, #tpu.memory_space<hbm>> -> memref<1x80x64xf32, #tpu.memory_space<hbm>>
      %dma_start3A_110 = tpu.memref_squeeze %dma_start3A_109 : memref<1x80x64xf32, #tpu.memory_space<hbm>> -> memref<80x64xf32, #tpu.memory_space<hbm>>
      %dma_start3A_111 = arith.constant 0 : i32
      %dma_start3A_112 = tpu.memref_slice %arg8[%arg0, %add3A_83, %dma_start3A_111] : memref<2x10240x64xf32, #tpu.memory_space<hbm>> -> memref<1x80x64xf32, #tpu.memory_space<hbm>>
      %dma_start3A_113 = tpu.memref_squeeze %dma_start3A_112 : memref<1x80x64xf32, #tpu.memory_space<hbm>> -> memref<80x64xf32, #tpu.memory_space<hbm>>
      tpu.enqueue_dma source(%arg25 : memref<80x64xf32, #tpu.memory_space<vmem>>) target(%dma_start3A_113 : memref<80x64xf32, #tpu.memory_space<hbm>>) target_semaphore(%run_scoped3A_108 : memref<!tpu.dma_semaphore, #tpu.memory_space<semaphore_mem>>)
      %dma_wait3A = arith.constant 0 : i32
      %dma_wait3A_114 = tpu.memref_slice %arg8[%arg0, %add3A_83, %dma_wait3A] : memref<2x10240x64xf32, #tpu.memory_space<hbm>> -> memref<1x80x64xf32, #tpu.memory_space<hbm>>
      %dma_wait3A_115 = tpu.memref_squeeze %dma_wait3A_114 : memref<1x80x64xf32, #tpu.memory_space<hbm>> -> memref<80x64xf32, #tpu.memory_space<hbm>>
      %dma_wait3A_116 = arith.constant 0 : i32
      %dma_wait3A_117 = tpu.memref_slice %arg8[%arg0, %add3A_83, %dma_wait3A_116] : memref<2x10240x64xf32, #tpu.memory_space<hbm>> -> memref<1x80x64xf32, #tpu.memory_space<hbm>>
      %dma_wait3A_118 = tpu.memref_squeeze %dma_wait3A_117 : memref<1x80x64xf32, #tpu.memory_space<hbm>> -> memref<80x64xf32, #tpu.memory_space<hbm>>
      tpu.wait_dma2 semaphore(%run_scoped3A_108 : memref<!tpu.dma_semaphore, #tpu.memory_space<semaphore_mem>>) src(%arg25 : memref<80x64xf32, #tpu.memory_space<vmem>>) dst(%dma_wait3A_118 : memref<80x64xf32, #tpu.memory_space<hbm>>)
      tpu.yield
    }) : () -> ()
    %mul3A_84 = arith.constant 640 : i32
    %mul3A_85 = arith.muli %arg1, %mul3A_84 : i32
    %add3A_86 = arith.constant 400 : i32
    %add3A_87 = arith.addi %mul3A_85, %add3A_86 : i32
    "tpu.region"() ({
      %run_scoped3A_108 = tpu.sem_alloc : memref<!tpu.dma_semaphore, #tpu.memory_space<semaphore_mem>>
      %dma_start3A = arith.constant 0 : i32
      %dma_start3A_109 = tpu.memref_slice %arg28[%add3A_87, %dma_start3A] : memref<10240x64xf32, #tpu.memory_space<vmem_shared>> -> memref<80x64xf32, #tpu.memory_space<vmem_shared>>
      %dma_start3A_110 = arith.constant 0 : i32
      %dma_start3A_111 = tpu.memref_slice %arg28[%add3A_87, %dma_start3A_110] : memref<10240x64xf32, #tpu.memory_space<vmem_shared>> -> memref<80x64xf32, #tpu.memory_space<vmem_shared>>
      tpu.enqueue_dma source(%dma_start3A_111 : memref<80x64xf32, #tpu.memory_space<vmem_shared>>) target(%arg25 : memref<80x64xf32, #tpu.memory_space<vmem>>) target_semaphore(%run_scoped3A_108 : memref<!tpu.dma_semaphore, #tpu.memory_space<semaphore_mem>>)
      %dma_wait3A = arith.constant 0 : i32
      %dma_wait3A_112 = tpu.memref_slice %arg28[%add3A_87, %dma_wait3A] : memref<10240x64xf32, #tpu.memory_space<vmem_shared>> -> memref<80x64xf32, #tpu.memory_space<vmem_shared>>
      %dma_wait3A_113 = arith.constant 0 : i32
      %dma_wait3A_114 = tpu.memref_slice %arg28[%add3A_87, %dma_wait3A_113] : memref<10240x64xf32, #tpu.memory_space<vmem_shared>> -> memref<80x64xf32, #tpu.memory_space<vmem_shared>>
      tpu.wait_dma2 semaphore(%run_scoped3A_108 : memref<!tpu.dma_semaphore, #tpu.memory_space<semaphore_mem>>) src(%dma_wait3A_114 : memref<80x64xf32, #tpu.memory_space<vmem_shared>>) dst(%arg25 : memref<80x64xf32, #tpu.memory_space<vmem>>)
      tpu.yield
    }) : () -> ()
    "tpu.region"() ({
      %run_scoped3A_108 = tpu.sem_alloc : memref<!tpu.dma_semaphore, #tpu.memory_space<semaphore_mem>>
      %dma_start3A = arith.constant 0 : i32
      %dma_start3A_109 = tpu.memref_slice %arg8[%arg0, %add3A_87, %dma_start3A] : memref<2x10240x64xf32, #tpu.memory_space<hbm>> -> memref<1x80x64xf32, #tpu.memory_space<hbm>>
      %dma_start3A_110 = tpu.memref_squeeze %dma_start3A_109 : memref<1x80x64xf32, #tpu.memory_space<hbm>> -> memref<80x64xf32, #tpu.memory_space<hbm>>
      %dma_start3A_111 = arith.constant 0 : i32
      %dma_start3A_112 = tpu.memref_slice %arg8[%arg0, %add3A_87, %dma_start3A_111] : memref<2x10240x64xf32, #tpu.memory_space<hbm>> -> memref<1x80x64xf32, #tpu.memory_space<hbm>>
      %dma_start3A_113 = tpu.memref_squeeze %dma_start3A_112 : memref<1x80x64xf32, #tpu.memory_space<hbm>> -> memref<80x64xf32, #tpu.memory_space<hbm>>
      tpu.enqueue_dma source(%arg25 : memref<80x64xf32, #tpu.memory_space<vmem>>) target(%dma_start3A_113 : memref<80x64xf32, #tpu.memory_space<hbm>>) target_semaphore(%run_scoped3A_108 : memref<!tpu.dma_semaphore, #tpu.memory_space<semaphore_mem>>)
      %dma_wait3A = arith.constant 0 : i32
      %dma_wait3A_114 = tpu.memref_slice %arg8[%arg0, %add3A_87, %dma_wait3A] : memref<2x10240x64xf32, #tpu.memory_space<hbm>> -> memref<1x80x64xf32, #tpu.memory_space<hbm>>
      %dma_wait3A_115 = tpu.memref_squeeze %dma_wait3A_114 : memref<1x80x64xf32, #tpu.memory_space<hbm>> -> memref<80x64xf32, #tpu.memory_space<hbm>>
      %dma_wait3A_116 = arith.constant 0 : i32
      %dma_wait3A_117 = tpu.memref_slice %arg8[%arg0, %add3A_87, %dma_wait3A_116] : memref<2x10240x64xf32, #tpu.memory_space<hbm>> -> memref<1x80x64xf32, #tpu.memory_space<hbm>>
      %dma_wait3A_118 = tpu.memref_squeeze %dma_wait3A_117 : memref<1x80x64xf32, #tpu.memory_space<hbm>> -> memref<80x64xf32, #tpu.memory_space<hbm>>
      tpu.wait_dma2 semaphore(%run_scoped3A_108 : memref<!tpu.dma_semaphore, #tpu.memory_space<semaphore_mem>>) src(%arg25 : memref<80x64xf32, #tpu.memory_space<vmem>>) dst(%dma_wait3A_118 : memref<80x64xf32, #tpu.memory_space<hbm>>)
      tpu.yield
    }) : () -> ()
    %mul3A_88 = arith.constant 640 : i32
    %mul3A_89 = arith.muli %arg1, %mul3A_88 : i32
    %add3A_90 = arith.constant 480 : i32
    %add3A_91 = arith.addi %mul3A_89, %add3A_90 : i32
    "tpu.region"() ({
      %run_scoped3A_108 = tpu.sem_alloc : memref<!tpu.dma_semaphore, #tpu.memory_space<semaphore_mem>>
      %dma_start3A = arith.constant 0 : i32
      %dma_start3A_109 = tpu.memref_slice %arg28[%add3A_91, %dma_start3A] : memref<10240x64xf32, #tpu.memory_space<vmem_shared>> -> memref<80x64xf32, #tpu.memory_space<vmem_shared>>
      %dma_start3A_110 = arith.constant 0 : i32
      %dma_start3A_111 = tpu.memref_slice %arg28[%add3A_91, %dma_start3A_110] : memref<10240x64xf32, #tpu.memory_space<vmem_shared>> -> memref<80x64xf32, #tpu.memory_space<vmem_shared>>
      tpu.enqueue_dma source(%dma_start3A_111 : memref<80x64xf32, #tpu.memory_space<vmem_shared>>) target(%arg25 : memref<80x64xf32, #tpu.memory_space<vmem>>) target_semaphore(%run_scoped3A_108 : memref<!tpu.dma_semaphore, #tpu.memory_space<semaphore_mem>>)
      %dma_wait3A = arith.constant 0 : i32
      %dma_wait3A_112 = tpu.memref_slice %arg28[%add3A_91, %dma_wait3A] : memref<10240x64xf32, #tpu.memory_space<vmem_shared>> -> memref<80x64xf32, #tpu.memory_space<vmem_shared>>
      %dma_wait3A_113 = arith.constant 0 : i32
      %dma_wait3A_114 = tpu.memref_slice %arg28[%add3A_91, %dma_wait3A_113] : memref<10240x64xf32, #tpu.memory_space<vmem_shared>> -> memref<80x64xf32, #tpu.memory_space<vmem_shared>>
      tpu.wait_dma2 semaphore(%run_scoped3A_108 : memref<!tpu.dma_semaphore, #tpu.memory_space<semaphore_mem>>) src(%dma_wait3A_114 : memref<80x64xf32, #tpu.memory_space<vmem_shared>>) dst(%arg25 : memref<80x64xf32, #tpu.memory_space<vmem>>)
      tpu.yield
    }) : () -> ()
    "tpu.region"() ({
      %run_scoped3A_108 = tpu.sem_alloc : memref<!tpu.dma_semaphore, #tpu.memory_space<semaphore_mem>>
      %dma_start3A = arith.constant 0 : i32
      %dma_start3A_109 = tpu.memref_slice %arg8[%arg0, %add3A_91, %dma_start3A] : memref<2x10240x64xf32, #tpu.memory_space<hbm>> -> memref<1x80x64xf32, #tpu.memory_space<hbm>>
      %dma_start3A_110 = tpu.memref_squeeze %dma_start3A_109 : memref<1x80x64xf32, #tpu.memory_space<hbm>> -> memref<80x64xf32, #tpu.memory_space<hbm>>
      %dma_start3A_111 = arith.constant 0 : i32
      %dma_start3A_112 = tpu.memref_slice %arg8[%arg0, %add3A_91, %dma_start3A_111] : memref<2x10240x64xf32, #tpu.memory_space<hbm>> -> memref<1x80x64xf32, #tpu.memory_space<hbm>>
      %dma_start3A_113 = tpu.memref_squeeze %dma_start3A_112 : memref<1x80x64xf32, #tpu.memory_space<hbm>> -> memref<80x64xf32, #tpu.memory_space<hbm>>
      tpu.enqueue_dma source(%arg25 : memref<80x64xf32, #tpu.memory_space<vmem>>) target(%dma_start3A_113 : memref<80x64xf32, #tpu.memory_space<hbm>>) target_semaphore(%run_scoped3A_108 : memref<!tpu.dma_semaphore, #tpu.memory_space<semaphore_mem>>)
      %dma_wait3A = arith.constant 0 : i32
      %dma_wait3A_114 = tpu.memref_slice %arg8[%arg0, %add3A_91, %dma_wait3A] : memref<2x10240x64xf32, #tpu.memory_space<hbm>> -> memref<1x80x64xf32, #tpu.memory_space<hbm>>
      %dma_wait3A_115 = tpu.memref_squeeze %dma_wait3A_114 : memref<1x80x64xf32, #tpu.memory_space<hbm>> -> memref<80x64xf32, #tpu.memory_space<hbm>>
      %dma_wait3A_116 = arith.constant 0 : i32
      %dma_wait3A_117 = tpu.memref_slice %arg8[%arg0, %add3A_91, %dma_wait3A_116] : memref<2x10240x64xf32, #tpu.memory_space<hbm>> -> memref<1x80x64xf32, #tpu.memory_space<hbm>>
      %dma_wait3A_118 = tpu.memref_squeeze %dma_wait3A_117 : memref<1x80x64xf32, #tpu.memory_space<hbm>> -> memref<80x64xf32, #tpu.memory_space<hbm>>
      tpu.wait_dma2 semaphore(%run_scoped3A_108 : memref<!tpu.dma_semaphore, #tpu.memory_space<semaphore_mem>>) src(%arg25 : memref<80x64xf32, #tpu.memory_space<vmem>>) dst(%dma_wait3A_118 : memref<80x64xf32, #tpu.memory_space<hbm>>)
      tpu.yield
    }) : () -> ()
    %mul3A_92 = arith.constant 640 : i32
    %mul3A_93 = arith.muli %arg1, %mul3A_92 : i32
    %add3A_94 = arith.constant 560 : i32
    %add3A_95 = arith.addi %mul3A_93, %add3A_94 : i32
    "tpu.region"() ({
      %run_scoped3A_108 = tpu.sem_alloc : memref<!tpu.dma_semaphore, #tpu.memory_space<semaphore_mem>>
      %dma_start3A = arith.constant 0 : i32
      %dma_start3A_109 = tpu.memref_slice %arg28[%add3A_95, %dma_start3A] : memref<10240x64xf32, #tpu.memory_space<vmem_shared>> -> memref<80x64xf32, #tpu.memory_space<vmem_shared>>
      %dma_start3A_110 = arith.constant 0 : i32
      %dma_start3A_111 = tpu.memref_slice %arg28[%add3A_95, %dma_start3A_110] : memref<10240x64xf32, #tpu.memory_space<vmem_shared>> -> memref<80x64xf32, #tpu.memory_space<vmem_shared>>
      tpu.enqueue_dma source(%dma_start3A_111 : memref<80x64xf32, #tpu.memory_space<vmem_shared>>) target(%arg25 : memref<80x64xf32, #tpu.memory_space<vmem>>) target_semaphore(%run_scoped3A_108 : memref<!tpu.dma_semaphore, #tpu.memory_space<semaphore_mem>>)
      %dma_wait3A = arith.constant 0 : i32
      %dma_wait3A_112 = tpu.memref_slice %arg28[%add3A_95, %dma_wait3A] : memref<10240x64xf32, #tpu.memory_space<vmem_shared>> -> memref<80x64xf32, #tpu.memory_space<vmem_shared>>
      %dma_wait3A_113 = arith.constant 0 : i32
      %dma_wait3A_114 = tpu.memref_slice %arg28[%add3A_95, %dma_wait3A_113] : memref<10240x64xf32, #tpu.memory_space<vmem_shared>> -> memref<80x64xf32, #tpu.memory_space<vmem_shared>>
      tpu.wait_dma2 semaphore(%run_scoped3A_108 : memref<!tpu.dma_semaphore, #tpu.memory_space<semaphore_mem>>) src(%dma_wait3A_114 : memref<80x64xf32, #tpu.memory_space<vmem_shared>>) dst(%arg25 : memref<80x64xf32, #tpu.memory_space<vmem>>)
      tpu.yield
    }) : () -> ()
    "tpu.region"() ({
      %run_scoped3A_108 = tpu.sem_alloc : memref<!tpu.dma_semaphore, #tpu.memory_space<semaphore_mem>>
      %dma_start3A = arith.constant 0 : i32
      %dma_start3A_109 = tpu.memref_slice %arg8[%arg0, %add3A_95, %dma_start3A] : memref<2x10240x64xf32, #tpu.memory_space<hbm>> -> memref<1x80x64xf32, #tpu.memory_space<hbm>>
      %dma_start3A_110 = tpu.memref_squeeze %dma_start3A_109 : memref<1x80x64xf32, #tpu.memory_space<hbm>> -> memref<80x64xf32, #tpu.memory_space<hbm>>
      %dma_start3A_111 = arith.constant 0 : i32
      %dma_start3A_112 = tpu.memref_slice %arg8[%arg0, %add3A_95, %dma_start3A_111] : memref<2x10240x64xf32, #tpu.memory_space<hbm>> -> memref<1x80x64xf32, #tpu.memory_space<hbm>>
      %dma_start3A_113 = tpu.memref_squeeze %dma_start3A_112 : memref<1x80x64xf32, #tpu.memory_space<hbm>> -> memref<80x64xf32, #tpu.memory_space<hbm>>
      tpu.enqueue_dma source(%arg25 : memref<80x64xf32, #tpu.memory_space<vmem>>) target(%dma_start3A_113 : memref<80x64xf32, #tpu.memory_space<hbm>>) target_semaphore(%run_scoped3A_108 : memref<!tpu.dma_semaphore, #tpu.memory_space<semaphore_mem>>)
      %dma_wait3A = arith.constant 0 : i32
      %dma_wait3A_114 = tpu.memref_slice %arg8[%arg0, %add3A_95, %dma_wait3A] : memref<2x10240x64xf32, #tpu.memory_space<hbm>> -> memref<1x80x64xf32, #tpu.memory_space<hbm>>
      %dma_wait3A_115 = tpu.memref_squeeze %dma_wait3A_114 : memref<1x80x64xf32, #tpu.memory_space<hbm>> -> memref<80x64xf32, #tpu.memory_space<hbm>>
      %dma_wait3A_116 = arith.constant 0 : i32
      %dma_wait3A_117 = tpu.memref_slice %arg8[%arg0, %add3A_95, %dma_wait3A_116] : memref<2x10240x64xf32, #tpu.memory_space<hbm>> -> memref<1x80x64xf32, #tpu.memory_space<hbm>>
      %dma_wait3A_118 = tpu.memref_squeeze %dma_wait3A_117 : memref<1x80x64xf32, #tpu.memory_space<hbm>> -> memref<80x64xf32, #tpu.memory_space<hbm>>
      tpu.wait_dma2 semaphore(%run_scoped3A_108 : memref<!tpu.dma_semaphore, #tpu.memory_space<semaphore_mem>>) src(%arg25 : memref<80x64xf32, #tpu.memory_space<vmem>>) dst(%dma_wait3A_118 : memref<80x64xf32, #tpu.memory_space<hbm>>)
      tpu.yield
    }) : () -> ()
    %mul3A_96 = arith.constant 640 : i32
    %mul3A_97 = arith.muli %arg1, %mul3A_96 : i32
    %add3A_98 = arith.constant 0 : i32
    %add3A_99 = arith.addi %mul3A_97, %add3A_98 : i32
    "tpu.region"() ({
      %run_scoped3A_108 = tpu.sem_alloc : memref<!tpu.dma_semaphore, #tpu.memory_space<semaphore_mem>>
      %dma_start3A = arith.constant 0 : i32
      %dma_start3A_109 = tpu.memref_slice %arg29[%add3A_99, %dma_start3A] : memref<10240x16xf32, #tpu.memory_space<vmem_shared>> -> memref<320x16xf32, #tpu.memory_space<vmem_shared>>
      %dma_start3A_110 = arith.constant 0 : i32
      %dma_start3A_111 = tpu.memref_slice %arg29[%add3A_99, %dma_start3A_110] : memref<10240x16xf32, #tpu.memory_space<vmem_shared>> -> memref<320x16xf32, #tpu.memory_space<vmem_shared>>
      tpu.enqueue_dma source(%dma_start3A_111 : memref<320x16xf32, #tpu.memory_space<vmem_shared>>) target(%arg26 : memref<320x16xf32, #tpu.memory_space<vmem>>) target_semaphore(%run_scoped3A_108 : memref<!tpu.dma_semaphore, #tpu.memory_space<semaphore_mem>>)
      %dma_wait3A = arith.constant 0 : i32
      %dma_wait3A_112 = tpu.memref_slice %arg29[%add3A_99, %dma_wait3A] : memref<10240x16xf32, #tpu.memory_space<vmem_shared>> -> memref<320x16xf32, #tpu.memory_space<vmem_shared>>
      %dma_wait3A_113 = arith.constant 0 : i32
      %dma_wait3A_114 = tpu.memref_slice %arg29[%add3A_99, %dma_wait3A_113] : memref<10240x16xf32, #tpu.memory_space<vmem_shared>> -> memref<320x16xf32, #tpu.memory_space<vmem_shared>>
      tpu.wait_dma2 semaphore(%run_scoped3A_108 : memref<!tpu.dma_semaphore, #tpu.memory_space<semaphore_mem>>) src(%dma_wait3A_114 : memref<320x16xf32, #tpu.memory_space<vmem_shared>>) dst(%arg26 : memref<320x16xf32, #tpu.memory_space<vmem>>)
      tpu.yield
    }) : () -> ()
    "tpu.region"() ({
      %run_scoped3A_108 = tpu.sem_alloc : memref<!tpu.dma_semaphore, #tpu.memory_space<semaphore_mem>>
      %dma_start3A = arith.constant 0 : i32
      %dma_start3A_109 = tpu.memref_slice %arg9[%arg0, %add3A_99, %dma_start3A] : memref<2x10240x16xf32, #tpu.memory_space<hbm>> -> memref<1x320x16xf32, #tpu.memory_space<hbm>>
      %dma_start3A_110 = tpu.memref_squeeze %dma_start3A_109 : memref<1x320x16xf32, #tpu.memory_space<hbm>> -> memref<320x16xf32, #tpu.memory_space<hbm>>
      %dma_start3A_111 = arith.constant 0 : i32
      %dma_start3A_112 = tpu.memref_slice %arg9[%arg0, %add3A_99, %dma_start3A_111] : memref<2x10240x16xf32, #tpu.memory_space<hbm>> -> memref<1x320x16xf32, #tpu.memory_space<hbm>>
      %dma_start3A_113 = tpu.memref_squeeze %dma_start3A_112 : memref<1x320x16xf32, #tpu.memory_space<hbm>> -> memref<320x16xf32, #tpu.memory_space<hbm>>
      tpu.enqueue_dma source(%arg26 : memref<320x16xf32, #tpu.memory_space<vmem>>) target(%dma_start3A_113 : memref<320x16xf32, #tpu.memory_space<hbm>>) target_semaphore(%run_scoped3A_108 : memref<!tpu.dma_semaphore, #tpu.memory_space<semaphore_mem>>)
      %dma_wait3A = arith.constant 0 : i32
      %dma_wait3A_114 = tpu.memref_slice %arg9[%arg0, %add3A_99, %dma_wait3A] : memref<2x10240x16xf32, #tpu.memory_space<hbm>> -> memref<1x320x16xf32, #tpu.memory_space<hbm>>
      %dma_wait3A_115 = tpu.memref_squeeze %dma_wait3A_114 : memref<1x320x16xf32, #tpu.memory_space<hbm>> -> memref<320x16xf32, #tpu.memory_space<hbm>>
      %dma_wait3A_116 = arith.constant 0 : i32
      %dma_wait3A_117 = tpu.memref_slice %arg9[%arg0, %add3A_99, %dma_wait3A_116] : memref<2x10240x16xf32, #tpu.memory_space<hbm>> -> memref<1x320x16xf32, #tpu.memory_space<hbm>>
      %dma_wait3A_118 = tpu.memref_squeeze %dma_wait3A_117 : memref<1x320x16xf32, #tpu.memory_space<hbm>> -> memref<320x16xf32, #tpu.memory_space<hbm>>
      tpu.wait_dma2 semaphore(%run_scoped3A_108 : memref<!tpu.dma_semaphore, #tpu.memory_space<semaphore_mem>>) src(%arg26 : memref<320x16xf32, #tpu.memory_space<vmem>>) dst(%dma_wait3A_118 : memref<320x16xf32, #tpu.memory_space<hbm>>)
      tpu.yield
    }) : () -> ()
    %mul3A_100 = arith.constant 640 : i32
    %mul3A_101 = arith.muli %arg1, %mul3A_100 : i32
    %add3A_102 = arith.constant 320 : i32
    %add3A_103 = arith.addi %mul3A_101, %add3A_102 : i32
    "tpu.region"() ({
      %run_scoped3A_108 = tpu.sem_alloc : memref<!tpu.dma_semaphore, #tpu.memory_space<semaphore_mem>>
      %dma_start3A = arith.constant 0 : i32
      %dma_start3A_109 = tpu.memref_slice %arg29[%add3A_103, %dma_start3A] : memref<10240x16xf32, #tpu.memory_space<vmem_shared>> -> memref<320x16xf32, #tpu.memory_space<vmem_shared>>
      %dma_start3A_110 = arith.constant 0 : i32
      %dma_start3A_111 = tpu.memref_slice %arg29[%add3A_103, %dma_start3A_110] : memref<10240x16xf32, #tpu.memory_space<vmem_shared>> -> memref<320x16xf32, #tpu.memory_space<vmem_shared>>
      tpu.enqueue_dma source(%dma_start3A_111 : memref<320x16xf32, #tpu.memory_space<vmem_shared>>) target(%arg26 : memref<320x16xf32, #tpu.memory_space<vmem>>) target_semaphore(%run_scoped3A_108 : memref<!tpu.dma_semaphore, #tpu.memory_space<semaphore_mem>>)
      %dma_wait3A = arith.constant 0 : i32
      %dma_wait3A_112 = tpu.memref_slice %arg29[%add3A_103, %dma_wait3A] : memref<10240x16xf32, #tpu.memory_space<vmem_shared>> -> memref<320x16xf32, #tpu.memory_space<vmem_shared>>
      %dma_wait3A_113 = arith.constant 0 : i32
      %dma_wait3A_114 = tpu.memref_slice %arg29[%add3A_103, %dma_wait3A_113] : memref<10240x16xf32, #tpu.memory_space<vmem_shared>> -> memref<320x16xf32, #tpu.memory_space<vmem_shared>>
      tpu.wait_dma2 semaphore(%run_scoped3A_108 : memref<!tpu.dma_semaphore, #tpu.memory_space<semaphore_mem>>) src(%dma_wait3A_114 : memref<320x16xf32, #tpu.memory_space<vmem_shared>>) dst(%arg26 : memref<320x16xf32, #tpu.memory_space<vmem>>)
      tpu.yield
    }) : () -> ()
    "tpu.region"() ({
      %run_scoped3A_108 = tpu.sem_alloc : memref<!tpu.dma_semaphore, #tpu.memory_space<semaphore_mem>>
      %dma_start3A = arith.constant 0 : i32
      %dma_start3A_109 = tpu.memref_slice %arg9[%arg0, %add3A_103, %dma_start3A] : memref<2x10240x16xf32, #tpu.memory_space<hbm>> -> memref<1x320x16xf32, #tpu.memory_space<hbm>>
      %dma_start3A_110 = tpu.memref_squeeze %dma_start3A_109 : memref<1x320x16xf32, #tpu.memory_space<hbm>> -> memref<320x16xf32, #tpu.memory_space<hbm>>
      %dma_start3A_111 = arith.constant 0 : i32
      %dma_start3A_112 = tpu.memref_slice %arg9[%arg0, %add3A_103, %dma_start3A_111] : memref<2x10240x16xf32, #tpu.memory_space<hbm>> -> memref<1x320x16xf32, #tpu.memory_space<hbm>>
      %dma_start3A_113 = tpu.memref_squeeze %dma_start3A_112 : memref<1x320x16xf32, #tpu.memory_space<hbm>> -> memref<320x16xf32, #tpu.memory_space<hbm>>
      tpu.enqueue_dma source(%arg26 : memref<320x16xf32, #tpu.memory_space<vmem>>) target(%dma_start3A_113 : memref<320x16xf32, #tpu.memory_space<hbm>>) target_semaphore(%run_scoped3A_108 : memref<!tpu.dma_semaphore, #tpu.memory_space<semaphore_mem>>)
      %dma_wait3A = arith.constant 0 : i32
      %dma_wait3A_114 = tpu.memref_slice %arg9[%arg0, %add3A_103, %dma_wait3A] : memref<2x10240x16xf32, #tpu.memory_space<hbm>> -> memref<1x320x16xf32, #tpu.memory_space<hbm>>
      %dma_wait3A_115 = tpu.memref_squeeze %dma_wait3A_114 : memref<1x320x16xf32, #tpu.memory_space<hbm>> -> memref<320x16xf32, #tpu.memory_space<hbm>>
      %dma_wait3A_116 = arith.constant 0 : i32
      %dma_wait3A_117 = tpu.memref_slice %arg9[%arg0, %add3A_103, %dma_wait3A_116] : memref<2x10240x16xf32, #tpu.memory_space<hbm>> -> memref<1x320x16xf32, #tpu.memory_space<hbm>>
      %dma_wait3A_118 = tpu.memref_squeeze %dma_wait3A_117 : memref<1x320x16xf32, #tpu.memory_space<hbm>> -> memref<320x16xf32, #tpu.memory_space<hbm>>
      tpu.wait_dma2 semaphore(%run_scoped3A_108 : memref<!tpu.dma_semaphore, #tpu.memory_space<semaphore_mem>>) src(%arg26 : memref<320x16xf32, #tpu.memory_space<vmem>>) dst(%dma_wait3A_118 : memref<320x16xf32, #tpu.memory_space<hbm>>)
      tpu.yield
    }) : () -> ()
    %mul3A_104 = arith.constant 640 : i32
    %mul3A_105 = arith.muli %arg1, %mul3A_104 : i32
    "tpu.region"() ({
      %run_scoped3A_108 = tpu.sem_alloc : memref<!tpu.dma_semaphore, #tpu.memory_space<semaphore_mem>>
      %dma_start3A = tpu.memref_slice %arg30[%mul3A_105] : memref<10240xf32, #tpu.memory_space<vmem_shared>> -> memref<640xf32, #tpu.memory_space<vmem_shared>>
      %dma_start3A_109 = tpu.memref_slice %arg30[%mul3A_105] : memref<10240xf32, #tpu.memory_space<vmem_shared>> -> memref<640xf32, #tpu.memory_space<vmem_shared>>
      tpu.enqueue_dma source(%dma_start3A_109 : memref<640xf32, #tpu.memory_space<vmem_shared>>) target(%arg27 : memref<640xf32, #tpu.memory_space<vmem>>) target_semaphore(%run_scoped3A_108 : memref<!tpu.dma_semaphore, #tpu.memory_space<semaphore_mem>>)
      %dma_wait3A = tpu.memref_slice %arg30[%mul3A_105] : memref<10240xf32, #tpu.memory_space<vmem_shared>> -> memref<640xf32, #tpu.memory_space<vmem_shared>>
      %dma_wait3A_110 = tpu.memref_slice %arg30[%mul3A_105] : memref<10240xf32, #tpu.memory_space<vmem_shared>> -> memref<640xf32, #tpu.memory_space<vmem_shared>>
      tpu.wait_dma2 semaphore(%run_scoped3A_108 : memref<!tpu.dma_semaphore, #tpu.memory_space<semaphore_mem>>) src(%dma_wait3A_110 : memref<640xf32, #tpu.memory_space<vmem_shared>>) dst(%arg27 : memref<640xf32, #tpu.memory_space<vmem>>)
      tpu.yield
    }) : () -> ()
    %mul3A_106 = arith.constant 640 : i32
    %mul3A_107 = arith.muli %arg1, %mul3A_106 : i32
    %run_scoped3A = arith.constant 0 : i32
    "tpu.region"() ({
      %run_scoped3A_108 = tpu.sem_alloc : memref<!tpu.dma_semaphore, #tpu.memory_space<semaphore_mem>>
      %dma_start3A = tpu.memref_slice %arg10[%arg0, %run_scoped3A, %mul3A_107] : memref<2x1x10240xf32, #tpu.memory_space<hbm>> -> memref<1x1x640xf32, #tpu.memory_space<hbm>>
      %dma_start3A_109 = tpu.memref_squeeze %dma_start3A : memref<1x1x640xf32, #tpu.memory_space<hbm>> -> memref<640xf32, #tpu.memory_space<hbm>>
      %dma_start3A_110 = tpu.memref_slice %arg10[%arg0, %run_scoped3A, %mul3A_107] : memref<2x1x10240xf32, #tpu.memory_space<hbm>> -> memref<1x1x640xf32, #tpu.memory_space<hbm>>
      %dma_start3A_111 = tpu.memref_squeeze %dma_start3A_110 : memref<1x1x640xf32, #tpu.memory_space<hbm>> -> memref<640xf32, #tpu.memory_space<hbm>>
      tpu.enqueue_dma source(%arg27 : memref<640xf32, #tpu.memory_space<vmem>>) target(%dma_start3A_111 : memref<640xf32, #tpu.memory_space<hbm>>) target_semaphore(%run_scoped3A_108 : memref<!tpu.dma_semaphore, #tpu.memory_space<semaphore_mem>>)
      %dma_wait3A = tpu.memref_slice %arg10[%arg0, %run_scoped3A, %mul3A_107] : memref<2x1x10240xf32, #tpu.memory_space<hbm>> -> memref<1x1x640xf32, #tpu.memory_space<hbm>>
      %dma_wait3A_112 = tpu.memref_squeeze %dma_wait3A : memref<1x1x640xf32, #tpu.memory_space<hbm>> -> memref<640xf32, #tpu.memory_space<hbm>>
      %dma_wait3A_113 = tpu.memref_slice %arg10[%arg0, %run_scoped3A, %mul3A_107] : memref<2x1x10240xf32, #tpu.memory_space<hbm>> -> memref<1x1x640xf32, #tpu.memory_space<hbm>>
      %dma_wait3A_114 = tpu.memref_squeeze %dma_wait3A_113 : memref<1x1x640xf32, #tpu.memory_space<hbm>> -> memref<640xf32, #tpu.memory_space<hbm>>
      tpu.wait_dma2 semaphore(%run_scoped3A_108 : memref<!tpu.dma_semaphore, #tpu.memory_space<semaphore_mem>>) src(%arg27 : memref<640xf32, #tpu.memory_space<vmem>>) dst(%dma_wait3A_114 : memref<640xf32, #tpu.memory_space<hbm>>)
      tpu.yield
    }) : () -> ()
    return
  }
}

module attributes {stable_mosaic.version = 14 : i64} {
  func.func @_prep_body(%arg0: i32, %arg1: memref<1000x128xf32, #tpu.memory_space<vmem>>, %arg2: memref<128x128xf32, #tpu.memory_space<vmem>>, %arg3: memref<128x2xf32, #tpu.memory_space<vmem>>, %arg4: memref<1x2xf32, #tpu.memory_space<vmem>>, %arg5: memref<2x1000x64xf32, #tpu.memory_space<vmem>>, %arg6: memref<1000x1xf32, #tpu.memory_space<vmem>>, %arg7: memref<1000x1xf32, #tpu.memory_space<vmem>>) attributes {dimension_semantics = [#tpu.dimension_semantics<arbitrary>], iteration_bounds = array<i64: 10>, scalar_prefetch = 0 : i64, scratch_operands = 0 : i64, tpu.core_type = #tpu.core_type<tc>, window_params = [{transform_indices = @transform_0, window_bounds = array<i64: 1000, 128>}, {pipeline_mode = #tpu.pipeline_mode<synchronous>, transform_indices = @transform_1, window_bounds = array<i64: 128, 128>}, {pipeline_mode = #tpu.pipeline_mode<synchronous>, transform_indices = @transform_2, window_bounds = array<i64: 128, 2>}, {pipeline_mode = #tpu.pipeline_mode<synchronous>, transform_indices = @transform_3, window_bounds = array<i64: 1, 2>}, {transform_indices = @transform_4, window_bounds = array<i64: 2, 1000, 64>}, {transform_indices = @transform_5, window_bounds = array<i64: 1000, 1>}, {transform_indices = @transform_6, window_bounds = array<i64: 1000, 1>}]} {
    %get3A = arith.constant 0 : index
    %get3A_0 = arith.constant 0 : index
    %get3A_1 = vector.load %arg1[%get3A, %get3A_0] : memref<1000x128xf32, #tpu.memory_space<vmem>>, vector<1000x128xf32>
    %get3A_2 = arith.constant 0 : index
    %get3A_3 = arith.constant 0 : index
    %get3A_4 = vector.load %arg2[%get3A_2, %get3A_3] : memref<128x128xf32, #tpu.memory_space<vmem>>, vector<128x128xf32>
    %dot_general3A = arith.constant dense<0.000000e+00> : vector<1000x128xf32>
    %dot_general3A_5 = tpu.matmul %get3A_1, %get3A_4, %dot_general3A {dimension_numbers = #tpu.dot_dimension_numbers<[1], [1], [0], [0], [0, 0, 1, 0], [], []>, transpose_lhs_hint = false} : vector<1000x128xf32>, vector<128x128xf32>, vector<1000x128xf32> -> vector<1000x128xf32>
    %slice3A = vector.extract_strided_slice %dot_general3A_5 {offsets = [0, 0], sizes = [1000, 64], strides = [1, 1]} : vector<1000x128xf32> to vector<1000x64xf32>
    %swap3A = arith.constant 0 : index
    %swap3A_6 = arith.constant 0 : index
    %swap3A_7 = arith.constant 0 : index
    %swap3A_8 = vector.load %arg5[%swap3A, %swap3A_6, %swap3A_7] : memref<2x1000x64xf32, #tpu.memory_space<vmem>>, vector<1x1000x64xf32>
    %swap3A_9 = vector.shape_cast %swap3A_8 : vector<1x1000x64xf32> to vector<1000x64xf32>
    %swap3A_10 = vector.shape_cast %slice3A : vector<1000x64xf32> to vector<1x1000x64xf32>
    tpu.vector_store %arg5[%swap3A, %swap3A_6, %swap3A_7], %swap3A_10 {strides = array<i32>} : memref<2x1000x64xf32, #tpu.memory_space<vmem>>, vector<1x1000x64xf32>,
    %slice3A_11 = vector.extract_strided_slice %dot_general3A_5 {offsets = [0, 64], sizes = [1000, 64], strides = [1, 1]} : vector<1000x128xf32> to vector<1000x64xf32>
    %swap3A_12 = arith.constant 1 : index
    %swap3A_13 = arith.constant 0 : index
    %swap3A_14 = arith.constant 0 : index
    %swap3A_15 = vector.load %arg5[%swap3A_12, %swap3A_13, %swap3A_14] : memref<2x1000x64xf32, #tpu.memory_space<vmem>>, vector<1x1000x64xf32>
    %swap3A_16 = vector.shape_cast %swap3A_15 : vector<1x1000x64xf32> to vector<1000x64xf32>
    %swap3A_17 = vector.shape_cast %slice3A_11 : vector<1000x64xf32> to vector<1x1000x64xf32>
    tpu.vector_store %arg5[%swap3A_12, %swap3A_13, %swap3A_14], %swap3A_17 {strides = array<i32>} : memref<2x1000x64xf32, #tpu.memory_space<vmem>>, vector<1x1000x64xf32>,
    %get3A_18 = arith.constant 0 : index
    %get3A_19 = arith.constant 0 : index
    %get3A_20 = vector.load %arg3[%get3A_18, %get3A_19] : memref<128x2xf32, #tpu.memory_space<vmem>>, vector<128x2xf32>
    %dot_general3A_21 = arith.constant dense<0.000000e+00> : vector<1000x2xf32>
    %dot_general3A_22 = tpu.matmul %get3A_1, %get3A_20, %dot_general3A_21 {dimension_numbers = #tpu.dot_dimension_numbers<[1], [0], [0], [1], [0, 0, 1, 1], [], []>, transpose_lhs_hint = false} : vector<1000x128xf32>, vector<128x2xf32>, vector<1000x2xf32> -> vector<1000x2xf32>
    %get3A_23 = arith.constant 0 : index
    %get3A_24 = arith.constant 0 : index
    %get3A_25 = vector.load %arg4[%get3A_23, %get3A_24] : memref<1x2xf32, #tpu.memory_space<vmem>>, vector<1x2xf32>
    %add3A = vector.broadcast %get3A_25 : vector<1x2xf32> to vector<1000x2xf32>
    %add3A_26 = arith.addf %dot_general3A_22, %add3A : vector<1000x2xf32>
    %slice3A_27 = vector.extract_strided_slice %add3A_26 {offsets = [0, 0], sizes = [1000, 1], strides = [1, 1]} : vector<1000x2xf32> to vector<1000x1xf32>
    %swap3A_28 = arith.constant 0 : index
    %swap3A_29 = arith.constant 0 : index
    %swap3A_30 = vector.load %arg6[%swap3A_28, %swap3A_29] : memref<1000x1xf32, #tpu.memory_space<vmem>>, vector<1000x1xf32>
    tpu.vector_store %arg6[%swap3A_28, %swap3A_29], %slice3A_27 {strides = array<i32>} : memref<1000x1xf32, #tpu.memory_space<vmem>>, vector<1000x1xf32>,
    %slice3A_31 = vector.extract_strided_slice %add3A_26 {offsets = [0, 1], sizes = [1000, 1], strides = [1, 1]} : vector<1000x2xf32> to vector<1000x1xf32>
    %swap3A_32 = arith.constant 0 : index
    %swap3A_33 = arith.constant 0 : index
    %swap3A_34 = vector.load %arg7[%swap3A_32, %swap3A_33] : memref<1000x1xf32, #tpu.memory_space<vmem>>, vector<1000x1xf32>
    tpu.vector_store %arg7[%swap3A_32, %swap3A_33], %slice3A_31 {strides = array<i32>} : memref<1000x1xf32, #tpu.memory_space<vmem>>, vector<1000x1xf32>,
    return
  }
  func.func @transform_0(%arg0: i32) -> (i32, i32) {
    %c0_i32 = arith.constant 0 : i32
    %c0_i32_0 = arith.constant 0 : i32
    return %arg0, %c0_i32 : i32, i32
  }
  func.func @transform_1(%arg0: i32) -> (i32, i32) {
    %c0_i32 = arith.constant 0 : i32
    %c0_i32_0 = arith.constant 0 : i32
    %c0_i32_1 = arith.constant 0 : i32
    return %c0_i32, %c0_i32_0 : i32, i32
  }
  func.func @transform_2(%arg0: i32) -> (i32, i32) {
    %c0_i32 = arith.constant 0 : i32
    %c0_i32_0 = arith.constant 0 : i32
    %c0_i32_1 = arith.constant 0 : i32
    return %c0_i32, %c0_i32_0 : i32, i32
  }
  func.func @transform_3(%arg0: i32) -> (i32, i32) {
    %c0_i32 = arith.constant 0 : i32
    %c0_i32_0 = arith.constant 0 : i32
    %c0_i32_1 = arith.constant 0 : i32
    return %c0_i32, %c0_i32_0 : i32, i32
  }
  func.func @transform_4(%arg0: i32) -> (i32, i32, i32) {
    %c0_i32 = arith.constant 0 : i32
    %c0_i32_0 = arith.constant 0 : i32
    %c0_i32_1 = arith.constant 0 : i32
    return %c0_i32, %arg0, %c0_i32_0 : i32, i32, i32
  }
  func.func @transform_5(%arg0: i32) -> (i32, i32) {
    %c0_i32 = arith.constant 0 : i32
    %c0_i32_0 = arith.constant 0 : i32
    return %arg0, %c0_i32 : i32, i32
  }
  func.func @transform_6(%arg0: i32) -> (i32, i32) {
    %c0_i32 = arith.constant 0 : i32
    %c0_i32_0 = arith.constant 0 : i32
    return %arg0, %c0_i32 : i32, i32
  }
}

module attributes {stable_mosaic.version = 14 : i64} {
  func.func @_apply_body(%arg0: i32, %arg1: memref<1000x128xf32, #tpu.memory_space<vmem>>, %arg2: memref<2x1000x64xf32, #tpu.memory_space<vmem>>, %arg3: memref<2x1000x16xf32, #tpu.memory_space<vmem>>, %arg4: memref<1000x1xf32, #tpu.memory_space<vmem>>, %arg5: memref<128x16xf32, #tpu.memory_space<vmem>>, %arg6: memref<128x128xf32, #tpu.memory_space<vmem>>, %arg7: memref<128x128xf32, #tpu.memory_space<vmem>>, %arg8: memref<1x128xf32, #tpu.memory_space<vmem>>, %arg9: memref<1000x128xf32, #tpu.memory_space<vmem>>) attributes {dimension_semantics = [#tpu.dimension_semantics<arbitrary>], iteration_bounds = array<i64: 10>, scalar_prefetch = 0 : i64, scratch_operands = 0 : i64, tpu.core_type = #tpu.core_type<tc>, window_params = [{transform_indices = @transform_0, window_bounds = array<i64: 1000, 128>}, {transform_indices = @transform_1, window_bounds = array<i64: 2, 1000, 64>}, {transform_indices = @transform_2, window_bounds = array<i64: 2, 1000, 16>}, {transform_indices = @transform_3, window_bounds = array<i64: 1000, 1>}, {pipeline_mode = #tpu.pipeline_mode<synchronous>, transform_indices = @transform_4, window_bounds = array<i64: 128, 16>}, {pipeline_mode = #tpu.pipeline_mode<synchronous>, transform_indices = @transform_5, window_bounds = array<i64: 128, 128>}, {pipeline_mode = #tpu.pipeline_mode<synchronous>, transform_indices = @transform_6, window_bounds = array<i64: 128, 128>}, {pipeline_mode = #tpu.pipeline_mode<synchronous>, transform_indices = @transform_7, window_bounds = array<i64: 1, 128>}, {transform_indices = @transform_8, window_bounds = array<i64: 1000, 128>}]} {
    %get3A = arith.constant 0 : index
    %get3A_0 = arith.constant 0 : index
    %get3A_1 = arith.constant 0 : index
    %get3A_2 = vector.load %arg2[%get3A, %get3A_0, %get3A_1] : memref<2x1000x64xf32, #tpu.memory_space<vmem>>, vector<1x1000x64xf32>
    %get3A_3 = vector.shape_cast %get3A_2 : vector<1x1000x64xf32> to vector<1000x64xf32>
    %get3A_4 = arith.constant 1 : index
    %get3A_5 = arith.constant 0 : index
    %get3A_6 = arith.constant 0 : index
    %get3A_7 = vector.load %arg2[%get3A_4, %get3A_5, %get3A_6] : memref<2x1000x64xf32, #tpu.memory_space<vmem>>, vector<1x1000x64xf32>
    %get3A_8 = vector.shape_cast %get3A_7 : vector<1x1000x64xf32> to vector<1000x64xf32>
    %concatenate3A = tpu.concatenate %get3A_3, %get3A_8 in 1 : vector<1000x64xf32>, vector<1000x64xf32> -> vector<1000x128xf32>
    %get3A_9 = arith.constant 0 : index
    %get3A_10 = arith.constant 0 : index
    %get3A_11 = arith.constant 0 : index
    %get3A_12 = vector.load %arg3[%get3A_9, %get3A_10, %get3A_11] : memref<2x1000x16xf32, #tpu.memory_space<vmem>>, vector<1x1000x16xf32>
    %get3A_13 = vector.shape_cast %get3A_12 : vector<1x1000x16xf32> to vector<1000x16xf32>
    %get3A_14 = arith.constant 0 : index
    %get3A_15 = arith.constant 0 : index
    %get3A_16 = vector.load %arg5[%get3A_14, %get3A_15] : memref<128x16xf32, #tpu.memory_space<vmem>>, vector<128x16xf32>
    %dot_general3A = arith.constant dense<0.000000e+00> : vector<1000x128xf32>
    %dot_general3A_17 = tpu.matmul %get3A_13, %get3A_16, %dot_general3A {dimension_numbers = #tpu.dot_dimension_numbers<[1], [1], [0], [0], [0, 0, 1, 0], [], []>, transpose_lhs_hint = false} : vector<1000x16xf32>, vector<128x16xf32>, vector<1000x128xf32> -> vector<1000x128xf32>
    %add3A = arith.addf %concatenate3A, %dot_general3A_17 : vector<1000x128xf32>
    %get3A_18 = arith.constant 0 : index
    %get3A_19 = arith.constant 0 : index
    %get3A_20 = vector.load %arg4[%get3A_18, %get3A_19] : memref<1000x1xf32, #tpu.memory_space<vmem>>, vector<1000x1xf32>
    %gt3A = arith.constant 0.000000e+00 : f32
    %gt3A_21 = vector.broadcast %gt3A : f32 to vector<1000x1xf32>
    %gt3A_22 = arith.cmpf ogt, %get3A_20, %gt3A_21 : vector<1000x1xf32>
    %jit3A = arith.constant 1.000000e+00 : f32
    %broadcast_in_dim3A = vector.broadcast %jit3A : f32 to vector<1000x1xf32>
    %select_n3A = arith.select %gt3A_22, %get3A_20, %broadcast_in_dim3A : vector<1000x1xi1>, vector<1000x1xf32>
    %div3A = vector.broadcast %select_n3A : vector<1000x1xf32> to vector<1000x128xf32>
    %div3A_23 = arith.divf %add3A, %div3A : vector<1000x128xf32>
    %get3A_24 = arith.constant 0 : index
    %get3A_25 = arith.constant 0 : index
    %get3A_26 = vector.load %arg1[%get3A_24, %get3A_25] : memref<1000x128xf32, #tpu.memory_space<vmem>>, vector<1000x128xf32>
    %get3A_27 = arith.constant 0 : index
    %get3A_28 = arith.constant 0 : index
    %get3A_29 = vector.load %arg6[%get3A_27, %get3A_28] : memref<128x128xf32, #tpu.memory_space<vmem>>, vector<128x128xf32>
    %dot_general3A_30 = arith.constant dense<0.000000e+00> : vector<1000x128xf32>
    %dot_general3A_31 = tpu.matmul %get3A_26, %get3A_29, %dot_general3A_30 {dimension_numbers = #tpu.dot_dimension_numbers<[1], [1], [0], [0], [0, 0, 1, 0], [], []>, transpose_lhs_hint = false} : vector<1000x128xf32>, vector<128x128xf32>, vector<1000x128xf32> -> vector<1000x128xf32>
    %get3A_32 = arith.constant 0 : index
    %get3A_33 = arith.constant 0 : index
    %get3A_34 = vector.load %arg7[%get3A_32, %get3A_33] : memref<128x128xf32, #tpu.memory_space<vmem>>, vector<128x128xf32>
    %dot_general3A_35 = arith.constant dense<0.000000e+00> : vector<1000x128xf32>
    %dot_general3A_36 = tpu.matmul %div3A_23, %get3A_34, %dot_general3A_35 {dimension_numbers = #tpu.dot_dimension_numbers<[1], [1], [0], [0], [0, 0, 1, 0], [], []>, transpose_lhs_hint = false} : vector<1000x128xf32>, vector<128x128xf32>, vector<1000x128xf32> -> vector<1000x128xf32>
    %add3A_37 = arith.addf %dot_general3A_31, %dot_general3A_36 : vector<1000x128xf32>
    %get3A_38 = arith.constant 0 : index
    %get3A_39 = arith.constant 0 : index
    %get3A_40 = vector.load %arg8[%get3A_38, %get3A_39] : memref<1x128xf32, #tpu.memory_space<vmem>>, vector<1x128xf32>
    %add3A_41 = vector.broadcast %get3A_40 : vector<1x128xf32> to vector<1000x128xf32>
    %add3A_42 = arith.addf %add3A_37, %add3A_41 : vector<1000x128xf32>
    %max3A = arith.constant 0.000000e+00 : f32
    %max3A_43 = vector.broadcast %max3A : f32 to vector<1000x128xf32>
    %max3A_44 = arith.maximumf %add3A_42, %max3A_43 : vector<1000x128xf32>
    %swap3A = arith.constant 0 : index
    %swap3A_45 = arith.constant 0 : index
    %swap3A_46 = vector.load %arg9[%swap3A, %swap3A_45] : memref<1000x128xf32, #tpu.memory_space<vmem>>, vector<1000x128xf32>
    tpu.vector_store %arg9[%swap3A, %swap3A_45], %max3A_44 {strides = array<i32>} : memref<1000x128xf32, #tpu.memory_space<vmem>>, vector<1000x128xf32>,
    return
  }
  func.func @transform_0(%arg0: i32) -> (i32, i32) {
    %c0_i32 = arith.constant 0 : i32
    %c0_i32_0 = arith.constant 0 : i32
    return %arg0, %c0_i32 : i32, i32
  }
  func.func @transform_1(%arg0: i32) -> (i32, i32, i32) {
    %c0_i32 = arith.constant 0 : i32
    %c0_i32_0 = arith.constant 0 : i32
    %c0_i32_1 = arith.constant 0 : i32
    return %c0_i32, %arg0, %c0_i32_0 : i32, i32, i32
  }
  func.func @transform_2(%arg0: i32) -> (i32, i32, i32) {
    %c0_i32 = arith.constant 0 : i32
    %c0_i32_0 = arith.constant 0 : i32
    %c0_i32_1 = arith.constant 0 : i32
    return %c0_i32, %arg0, %c0_i32_0 : i32, i32, i32
  }
  func.func @transform_3(%arg0: i32) -> (i32, i32) {
    %c0_i32 = arith.constant 0 : i32
    %c0_i32_0 = arith.constant 0 : i32
    return %arg0, %c0_i32 : i32, i32
  }
  func.func @transform_4(%arg0: i32) -> (i32, i32) {
    %c0_i32 = arith.constant 0 : i32
    %c0_i32_0 = arith.constant 0 : i32
    %c0_i32_1 = arith.constant 0 : i32
    return %c0_i32, %c0_i32_0 : i32, i32
  }
  func.func @transform_5(%arg0: i32) -> (i32, i32) {
    %c0_i32 = arith.constant 0 : i32
    %c0_i32_0 = arith.constant 0 : i32
    %c0_i32_1 = arith.constant 0 : i32
    return %c0_i32, %c0_i32_0 : i32, i32
  }
  func.func @transform_6(%arg0: i32) -> (i32, i32) {
    %c0_i32 = arith.constant 0 : i32
    %c0_i32_0 = arith.constant 0 : i32
    %c0_i32_1 = arith.constant 0 : i32
    return %c0_i32, %c0_i32_0 : i32, i32
  }
  func.func @transform_7(%arg0: i32) -> (i32, i32) {
    %c0_i32 = arith.constant 0 : i32
    %c0_i32_0 = arith.constant 0 : i32
    %c0_i32_1 = arith.constant 0 : i32
    return %c0_i32, %c0_i32_0 : i32, i32
  }
  func.func @transform_8(%arg0: i32) -> (i32, i32) {
    %c0_i32 = arith.constant 0 : i32
    %c0_i32_0 = arith.constant 0 : i32
    return %arg0, %c0_i32 : i32, i32
  }
}

</mosaic_0001>

<sc_bundles>
// kernel: kernel.5.cloned.1.call-start
scs
__scs_entry_jumppad:
0x0: {  	(pc) =	sbr.rel $0x88, $3  }
0x1: {  	(tag) =	ssettag $0x0;
	lr =	simm.s32 $0x1  }
0x2: {  	[smem:$0x3F99] =	sst lr;
	_ =	strace $0xD0000000  }
0x3: {  	_ = 	snop  }
0x4: {  	_ = 	snop  }
0x5: {  	_ = 	snop  }
0x6: {  	_ = 	snop  }
0x7: {  	_ = 	snop  }
__scs_overlays_trampoline_lowered:
0x8: {  	[smem:$0x3FA8] =	sst s0  }
0x9: {  	[smem:$0x3FA9] =	sst s1  }
0xa: {  	[smem:$0x3FAA] =	sst s2  }
0xb: {  	[smem:$0x3FAB] =	sst s3  }
0xc: {  	[smem:$0x3FAC] =	sst s4  }
0xd: {  	[smem:$0x3FAD] =	sst s5  }
0xe: {  	[smem:$0x3FAE] =	sst s6  }
0xf: {  	[smem:$0x3FAF] =	sst s7  }
0x10: {  	[smem:$0x3FB0] =	sst s8  }
0x11: {  	[smem:$0x3FB1] =	sst s9;
	s0 =	simm.s32 @!p0 $0x0  }
0x12: {  	s1 =	sld [smem:$0x3F97];
	s0 =	simm.s32 @p0 $0x1  }
0x13: {  	[smem:$0x3FB2] =	sst s0;
	s0 =	simm.s32 @!p1 $0x0  }
0x14: {  	s2 =	sld [smem:$0x3F96];
	s0 =	simm.s32 @p1 $0x1  }
0x15: {  	[smem:$0x3FB3] =	sst s0;
	s0 =	simm.s32 @!p2 $0x0  }
0x16: {  	s3 =	sld [smem:$0x3FDB];
	s0 =	simm.s32 @p2 $0x1  }
0x17: {  	s4 =	simm.s32 $0x1BF5;
	[smem:$0x3FB5] =	sst s0  }
0x18: {  	s0 =	sld [smem:$0x3F98];
	_ =	swait.ge [sflag:s4], $0x0  }
0x19: {  	s7 =	sld [smem:$0x3F99]  }
0x1a: {  	s8 =	sadd.s32 $0xFFFFE003, lr  }
0x1b: {  	s9 =	sadd.s32 $0xFFFFFEF7, lr;
	s5 =	simm.s32 $0xFFFFFFFF;
	p2 =	slt.u32 s8, $0xFFFFF086  }
0x1c: {  	p1 =	slt.u32 s9, $0xF7A;
	s5 =	simm.s32 @!p2 $0x0  }
0x1d: {  	s5 =	simm.s32 @p1 $0x1;
	p0 =	seq.s32 s7, s2  }
0x1e: {  	s7 =	smul.u32 @!p0 $0xF7A, s2;
	p2 =	seq.s32 @!p0 s5, $0x0  }
0x1f: {  	s9 =	smul.u32 $0xF7A, s1;
	s8 =	simm.s32 @!p0 $0x1BF5;
	p2 =	por !p2, p0  }
0x20: {  	[sflag:s8] =	ssyncset.s32 @!p0 $0xFFFFF086;
	s6 =	sadd.s32 @!p0 s3, s7;
	s7 =	simm.s32 @!p0 $0x108  }
0x21: {  	s3 =	sadd.s32 s3, s9;
	s6 =	sadd.s32 @!p0 $0x88, s6;
	s7 =	simm.s32 @p2 $0x1082  }
0x22: {  	[simem:s7], [sflag:s8] =	dma.local @!p0 [hbm:s6], $0xF7A  }
0x23: {  	s9 =	sor.u32 $0xD0000000, s2;
	s6 =	simm.s32 $0x108;
	_ =	swait.ge @!p0 [sflag:s8], $0x0  }
0x24: {  	s3 =	sadd.s32 $0x88, s3;
	s6 =	simm.s32 @!p1 $0x1082;
	[sflag:s4] =	ssyncset.s32 $0xFFFFF086  }
0x25: {  	[simem:s6], [sflag:s4] =	dma.local [hbm:s3], $0xF7A  }
0x26: {  	[smem:$0x3F99] =	sst s1;
	(tag) =	ssettag s2;
	_ =	strace s9  }
0x27: {  	s1 =	sld [smem:$0x3FA9]  }
0x28: {  	s2 =	sld [smem:$0x3FAA]  }
0x29: {  	s4 =	sld [smem:$0x3FAC]  }
0x2a: {  	p0 =	seq.s32 s5, $0x0;
	s5 =	sld [smem:$0x3FAD]  }
0x2b: {  	s6 =	sld [smem:$0x3FAE]  }
0x2c: {  	s7 =	sld [smem:$0x3FAF]  }
0x2d: {  	s3 =	simm.s32 $0x108;
	s8 =	sld [smem:$0x3FB0]  }
0x2e: {  	s3 =	simm.s32 @!p0 $0x1082;
	s9 =	sld [smem:$0x3FB1]  }
0x2f: {  	lr =	sadd.s32 s0, s3;
	s0 =	sld [smem:$0x3FA8]  }
0x30: {  	s3 =	sld [smem:$0x3FAB]  }
0x31: {  	[smem:$0x3FB4] =	sst s10  }
0x32: {  	s10 =	sld [smem:$0x3FB2];
	_ =	sdelay $0x3  }
0x33: {  	p0 =	seq.s32 s10, $0x1;
	s10 =	sld [smem:$0x3FB4];
	_ =	sdelay $0x3  }
0x34: {  	[smem:$0x3FB4] =	sst s10  }
0x35: {  	s10 =	sld [smem:$0x3FB3];
	_ =	sdelay $0x3  }
0x36: {  	p1 =	seq.s32 s10, $0x1;
	s10 =	sld [smem:$0x3FB4];
	_ =	sdelay $0x3  }
0x37: {  	[smem:$0x3FB4] =	sst s10  }
0x38: {  	s10 =	sld [smem:$0x3FB5]  }
0x39: {  	_ = 	snop;
	(pc) =	sbr.ind lr, $3  }
0x3a: {  	_ = 	snop  }
0x3b: {  	_ = 	snop  }
0x3c: {  	p2 =	seq.s32 s10, $0x1;
	s10 =	sld [smem:$0x3FB4]  }
0x3d: {  	_ =	shalt  }
0x3e: {  	_ =	shalt  }
0x3f: {  	_ =	shalt  }
0x40: {  	_ =	shalt  }
0x41: {  	_ =	shalt  }
0x42: {  	_ =	shalt  }
0x43: {  	_ =	shalt  }
0x44: {  	_ =	shalt  }
0x45: {  	_ =	shalt  }
0x46: {  	_ =	shalt  }
0x47: {  	_ =	shalt  }
0x48: {  	_ =	shalt  }
0x49: {  	_ =	shalt  }
0x4a: {  	_ =	shalt  }
0x4b: {  	_ =	shalt  }
0x4c: {  	_ =	shalt  }
0x4d: {  	_ =	shalt  }
0x4e: {  	_ =	shalt  }
0x4f: {  	_ =	shalt  }
0x50: {  	_ =	shalt  }
0x51: {  	_ =	shalt  }
0x52: {  	_ =	shalt  }
0x53: {  	_ =	shalt  }
0x54: {  	_ =	shalt  }
0x55: {  	_ =	shalt  }
0x56: {  	_ =	shalt  }
0x57: {  	_ =	shalt  }
0x58: {  	_ =	shalt  }
0x59: {  	_ =	shalt  }
0x5a: {  	_ =	shalt  }
0x5b: {  	_ =	shalt  }
0x5c: {  	_ =	shalt  }
0x5d: {  	_ =	shalt  }
0x5e: {  	_ =	shalt  }
0x5f: {  	_ =	shalt  }
0x60: {  	_ =	shalt  }
0x61: {  	_ =	shalt  }
0x62: {  	_ =	shalt  }
0x63: {  	_ =	shalt  }
0x64: {  	_ =	shalt  }
0x65: {  	_ =	shalt  }
0x66: {  	_ =	shalt  }
0x67: {  	_ =	shalt  }
0x68: {  	_ =	shalt  }
0x69: {  	_ =	shalt  }
0x6a: {  	_ =	shalt  }
0x6b: {  	_ =	shalt  }
0x6c: {  	_ =	shalt  }
0x6d: {  	_ =	shalt  }
0x6e: {  	_ =	shalt  }
0x6f: {  	_ =	shalt  }
0x70: {  	_ =	shalt  }
0x71: {  	_ =	shalt  }
0x72: {  	_ =	shalt  }
0x73: {  	_ =	shalt  }
0x74: {  	_ =	shalt  }
0x75: {  	_ =	shalt  }
0x76: {  	_ =	shalt  }
0x77: {  	_ =	shalt  }
0x78: {  	_ =	shalt  }
0x79: {  	_ =	shalt  }
0x7a: {  	_ =	shalt  }
0x7b: {  	_ =	shalt  }
0x7c: {  	_ =	shalt  }
0x7d: {  	_ =	shalt  }
0x7e: {  	_ =	shalt  }
0x7f: {  	_ =	shalt  }
0x80: {  	_ =	shalt  }
0x81: {  	_ =	shalt  }
0x82: {  	_ =	shalt  }
0x83: {  	_ =	shalt  }
0x84: {  	_ =	shalt  }
0x85: {  	_ =	shalt  }
0x86: {  	_ =	shalt  }
0x87: {  	_ =	shalt  }
.Lfunc_end0:
.L_simem_size_0:
called_computation_lowered:
.L_overlay_start_0:
0x88: {  	s2 =	sld [smem:$0x3FD9]  }
0x89: {  	s3 =	sld [smem:$0x3FFE];
	_ =	sdelay $0x1  }
0x8a: {  	s1 =	srdreg.scid  }
0x8b: {  	s0 =	sand.u32 $0x1, s1  }
0x8c: {  	s17 =	sshll.u32 s0, $0xA;
	s2 =	sadd.s32 s3, s2  }
0x8d: {  	s2 =	sadd.s32 s2, s17  }
0x8e: {  	[smem:$0x3FC0] =	sst s2  }
0x8f: {  	_ = 	snop  }
0x90: {  	s2 =	sld [smem:$0x3FD0];
	(tm) =	ssettm $0x1  }
0x91: {  	s18 =	sld [smem:$0x3FFB];
	_ =	sdelay $0x3  }
0x92: {  	_ =	strace s18  }
0x93: {  	s3 =	sld [smem:$0x3FFC];
	_ =	sdelay $0x3  }
0x94: {  	_ =	strace s3  }
0x95: {  	s3 =	sld [smem:$0x3FFD];
	_ =	sdelay $0x3  }
0x96: {  	_ =	strace s3  }
0x97: {  	_ =	strace $0x8FFFFFFF  }
0x98: {  	s19 =	sld [smem:$0x3FDB];
	_ =	sdelay $0x1  }
0x99: {  	s4 =	simm.s32 $_scs_section_size  }
0x9a: {  	s5 =	simm.s32 $_size__tile_overlayer_lowered;
	s6 =	simm.s32 $_tile_overlayer_lowered  }
0x9b: {  	s22 =	simm.s32 $0x1BFF;
	s21 =	sshll.u32 s6, $0x1;
	s3 =	sadd.s32 s4, s19  }
0x9c: {  	s7 =	simm.s32 $0x0;
	s20 =	sshll.u32 s5, $0x1;
	s5 =	sadd.s32 s21, s3  }
0x9d: {  	[timem:s7], [sflag:s22] =	dma.local [hbm:s5], s20  }
0x9e: {  	_ =	swait.ge [sflag:s22], s20  }
0x9f: {  	s4 =	ssub.s32 $0x0, s20;
	[sflag:s22] =	ssyncset.done $0x0  }
0xa0: {  	[sflag:s22] =	ssyncadd.s32 s4;
	_ =	sdelay $0x1  }
0xa1: {  	s23 =	simm.s32 $0x1B8B  }
0xa2: {  	_ =	swait.ge [sflag:s23], $0x1  }
0xa3: {  	[sflag:s23] =	ssyncset.done $0x0  }
0xa4: {  	s25 =	simm.s32 $0x1B8E;
	s24 =	sld [smem:$0x3FFE];
	[sflag:s23] =	ssyncadd.s32 $0xFFFFFFFF  }
0xa5: {  	s26 =	simm.s32 $execute0_lowered;
	[smem:$0x3FD2] =	sst s25  }
0xa6: {  	s5 =	sshll.u32 s26, $0x1;
	_ =	strace $0x80000046;
	[dreg:$0x1] =	wrdreg $0xFFFFFFFF  }
0xa7: {  	s28 =	simm.s32 $_size_execute0_lowered;
	s3 =	sadd.s32 s3, s5;
	[dreg:$0x0] =	wrdreg $0x0  }
0xa8: {  	s5 =	sshll.u32 s28, $0x1;
	[dreg:$0x2] =	wrdreg s3  }
0xa9: {  	[dreg:$0x3] =	wrdreg s5  }
0xaa: {  	[dreg:$0x4] =	wrdreg $0xC0  }
0xab: {  	_ =	task [dreg:s7], $0x5FFFF  }
0xac: {  	[dreg:$0x1] =	wrdreg $0xFFFFFFFF  }
0xad: {  	[dreg:$0x0] =	wrdreg $0x60  }
0xae: {  	[dreg:$0x2] =	wrdreg s24  }
0xaf: {  	[dreg:$0x3] =	wrdreg s2  }
0xb0: {  	[dreg:$0x4] =	wrdreg $0xFE600  }
0xb1: {  	[dreg:$0x5] =	wrdreg $0x19E600  }
0xb2: {  	[dreg:$0x6] =	wrdreg $0x1C6600  }
0xb3: {  	[dreg:$0x7] =	wrdreg $0x9  }
0xb4: {  	_ =	task.clear_ibuf [dreg:s7], $0x8FFFF;
	_ =	strace $0x90000046  }
0xb5: {  	s29 =	simm.s32 $0x9;
	_ =	strace $0x80000048  }
0xb6: {  	_ =	swait.ge [sflag:s29], $0x1  }
0xb7: {  	[sflag:s29] =	ssyncadd.s32 $0xFFFFFFFF  }
0xb8: {  	_ =	strace $0x90000048  }
0xb9: {  	_ =	sfence  }
0xba: {  	s30 =	sld [smem:$0x0];
	_ =	sdelay $0x2  }
0xbb: {  	s31 =	sshll.u32 s1, $0xD;
	s1 =	sshrl.u32 s1, $0x2  }
0xbc: {  	s3 =	sand.u32 $0x4000, s31;
	s1 =	sadd.s32 s1, s30  }
0xbd: {  	s0 =	sor.u32 s3, s0;
	s1 =	sshll.u32 s1, $0x11  }
0xbe: {  	s0 =	sor.u32 s1, s0  }
0xbf: {  	s0 =	sadd.s32 $0x8F2B, s0  }
0xc0: {  	[sflag:s0] =	ssyncadd.remote.s32 $0x1  }
0xc1: {  	_ =	sfence.sel $0xFFFF  }
0xc2: {  	[dreg:$0x0] =	wrdreg $0xFFFFFFFF;
	(pc) =	sbr.abs _section_cstart, $3  }
0xc3: {  	[dreg:$0x1] =	wrdreg $0xFFFFFFFF  }
0xc4: {  	_ =	task.clear_ibuf [dreg:s7], $0x2FFFF;
	_ =	strace $0x9FFFFFFF  }
0xc5: {  	(tm) =	ssettm $0x7FFFFFFF  }
tec
execute0_lowered:
.L_overlay_start_1:
0x0: {  	(tag) =	ssettag $0x1  }
0x1: {  	s22 =	stileid.u32  }
0x2: {  	s0 =	srdreg.scid;
	s4 =	smul.u32 $0xA000, s22  }
0x3: {  	s3 =	rddreg [dreg:$0x0];
	s8 =	sand.u32 $0x1, s0;
	s0 =	smul.u32 $0x280, s22  }
0x4: {  	s1 =	rddreg [dreg:$0x1];
	s18 =	smul.u32 $0x2800, s22  }
0x5: {  	s9 =	sadd.s32 $0x1EE00, s3;
	s2 =	ssub.s32 $0x2, s8;
	s10 =	smul.u32 $0x13880, s8  }
0x6: {  	s12 =	smul.u32 $0xA0000, s8;
	s5 =	sshrl.u32 s2, $0x1;
	s6 =	sadd.s32 $0x2800, s4  }
0x7: {  	s7 =	sadd.s32 $0x3C00, s4;
	s11 =	sadd.s32 $0x140, s0;
	s14 =	sadd.s32 $0x6400, s4  }
0x8: {  	s16 =	sadd.s32 $0x7800, s4;
	s17 =	sadd.s32 $0x8C00, s4;
	s2 =	ssub.s32 s2, s5  }
0x9: {  	s5 =	sor.u32 $0x1400, s4;
	s13 =	sshll.u32 s11, $0x6;
	s1 =	sadd.s32 s1, s10  }
0xa: {  	s20 =	sadd.s32 s4, s12;
	s19 =	sadd.s32 s12, s6;
	s24 =	sadd.s32 s12, s7  }
0xb: {  	s26 =	sadd.s32 s12, s14;
	s15 =	sadd.s32 s12, s5;
	s10 =	sshrl.u32 s20, $0x3  }
0xc: {  	s23 =	sshrl.u32 s19, $0x3;
	s15 =	sshrl.u32 s15, $0x3;
	s10 =	sadd.s32 s9, s10  }
0xd: {  	s25 =	sadd.s32 s12, s13;
	[dreg:$0x6] =	wrdreg s10;
	s21 =	sadd.s32 s9, s15  }
0xe: {  	s20 =	sshrl.u32 s26, $0x3;
	s10 =	sadd.s32 s9, s23;
	[dreg:$0x7] =	wrdreg s21  }
0xf: {  	s15 =	sshrl.u32 s25, $0x3;
	s23 =	smul.u32 $0x28000, s8;
	[dreg:$0x8] =	wrdreg s10  }
0x10: {  	s10 =	sshrl.u32 s24, $0x3;
	s15 =	sadd.s32 s9, s15;
	s21 =	sadd.s32 s12, s16  }
0x11: {  	s12 =	sadd.s32 s12, s17;
	s10 =	sadd.s32 s9, s10;
	[dreg:$0xa] =	wrdreg s15  }
0x12: {  	s12 =	sshrl.u32 s12, $0x3;
	s24 =	sadd.s32 s18, s23;
	[dreg:$0x9] =	wrdreg s10  }
0x13: {  	s10 =	sadd.s32 s9, s20;
	s25 =	sshrl.u32 s24, $0x3;
	s20 =	sadd.s32 $0x14E00, s3  }
0x14: {  	[dreg:$0xb] =	wrdreg s10;
	s10 =	sshrl.u32 s21, $0x3;
	s19 =	sadd.s32 s20, s25  }
0x15: {  	s10 =	sadd.s32 s9, s10;
	s9 =	sadd.s32 s9, s12;
	s12 =	rddreg [dreg:$0x3]  }
0x16: {  	s28 =	simm.s32 $0xCE40;
	[dreg:$0xe] =	wrdreg s19  }
0x17: {  	s29 =	simm.s32 $0x3;
	s30 =	simm.s32 $0xD390;
	[dreg:$0xc] =	wrdreg s10  }
0x18: {  	s31 =	smul.u32 $0x4E20, s22;
	[dreg:$0xd] =	wrdreg s9;
	s9 =	sshll.u32 s11, $0x4  }
0x19: {  	s10 =	simm.s32 $0x0;
	s11 =	rddreg [dreg:$0x2];
	s15 =	sadd.s32 s23, s9  }
0x1a: {  	s22 =	simm.s32 $0xC940;
	[smem:$0x7FF] =	sst s10;
	s26 =	sshrl.u32 s15, $0x3  }
0x1b: {  	p0 =	sne.s32 s8, $0x0;
	s15 =	rddreg [dreg:$0x4];
	s19 =	sadd.s32 s20, s26  }
0x1c: {  	s24 =	sadd.s32 $0x1200, s3;
	s23 =	sadd.s32 $0xB000, s3;
	[dreg:$0xf] =	wrdreg s19  }
0x1d: {  	s21 =	smul.u32 $0x2800, s8;
	_ =	strace $0x80000047;
	[dreg:$0x10] =	wrdreg s23  }
0x1e: {  	s25 =	sadd.s32 $0xC00, s3;
	s4 =	sadd.s32 s4, s11;
	[dreg:$0x11] =	wrdreg s24  }
0x1f: {  	s5 =	sadd.s32 s5, s11;
	s26 =	sadd.s32 $0x600, s3;
	[dreg:$0x12] =	wrdreg s25  }
0x20: {  	s6 =	sadd.s32 s6, s11;
	s7 =	sadd.s32 s7, s11;
	[dreg:$0x13] =	wrdreg s26  }
0x21: {  	s13 =	sadd.s32 s13, s11;
	s14 =	sadd.s32 s14, s11;
	[dreg:$0x14] =	wrdreg s4  }
0x22: {  	s9 =	sadd.s32 s9, s12;
	s20 =	sadd.s32 s0, s21;
	[dreg:$0x16] =	wrdreg s6  }
0x23: {  	s0 =	sadd.s32 s0, s15;
	s19 =	sadd.s32 s16, s11;
	[dreg:$0x18] =	wrdreg s13  }
0x24: {  	s21 =	sshrl.u32 s20, $0x3;
	s20 =	sadd.s32 s17, s11;
	[dreg:$0x1a] =	wrdreg s19  }
0x25: {  	s16 =	simm.s32 $0x9740;
	s17 =	simm.s32 $0x0;
	[dreg:$0x1b] =	wrdreg s20  }
0x26: {  	s8 =	sadd.s32 s21, s3;
	s21 =	sadd.s32 $0x4F6E00, s3;
	[dreg:$0x1e] =	wrdreg s0  }
0x27: {  	s23 =	sadd.s32 s18, s12;
	s25 =	smax.u32 s2, $0x1;
	[dreg:$0x15] =	wrdreg s5  }
0x28: {  	s26 =	sadd.s32 $0x50, s31;
	s6 =	simm.s32 $0x1F40;
	[dreg:$0x17] =	wrdreg s7  }
0x29: {  	s2 =	simm.s32 $0x5;
	s18 =	simm.s32 $0xFBE0;
	[dreg:$0x19] =	wrdreg s14  }
.Ltmp0:
0x2a: {  	s20 =	simm.s32 $0x50;
	[dreg:$0x1d] =	wrdreg s9;
	(pc) =	sbr.rel .LBB2_1-.Ltmp0, $4  }
0x2b: {  	s3 =	simm.s32 $0x6F40;
	s4 =	simm.s32 $0x1;
	[dreg:$0x1c] =	wrdreg s23  }
0x2c: {  	s13 =	simm.s32 $0xD340;
	s24 =	sadd.s32 $0x46E00, s8;
	[smem:$0x7FC] =	sst s25  }
0x2d: {  	[smem:$0x7FD] =	sst s26;
	s8 =	simm.s32 $0x4740;
	s23 =	simm.s32 $0x4  }
0x2e: {  	v0 =	vimm.f32 $0.0e+00;
	s26 =	simm.s32 $0xAB40;
	[dreg:$0x1f] =	wrdreg s24;
	s24 =	simm.s32 $0x2  }
.LBB2_37:
0x2f: {  	[bflag:$0x0] =	sbarrier.arrive $0xFFFF  }
0x30: {  	s9 =	simm.s32 $0xD3E0;
	s2 =	simm.s32 $0x5;
	s0 =	rddreg [dreg:$0x14]  }
0x31: {  	[tilespmem:s9], [sflag:$0x5] =	stream.linear.gather [spmem:s0], $0x1400, $0x38;
	[tilespmem:$0x1C8E0] =	vst v63  }
0x32: {  	_ =	swait.ge [sflag:s2], $0x1400  }
0x33: {  	[sflag:s2] =	ssyncset.done $0x0  }
0x34: {  	s7 =	rddreg [dreg:$0x6];
	[sflag:s2] =	ssyncadd.s32 $0xFFFFEC00  }
0x35: {  	[hbm4b:s7+s10] =	stream.linear.scatter [tilespmem:s9], [sflag:$0x5], $0x1400, $0x38;
	[tilespmem:$0x1C8E0] =	vst v63  }
0x36: {  	_ =	swait.ge [sflag:s2], $0x1400  }
0x37: {  	[sflag:s2] =	ssyncset.done $0x0  }
0x38: {  	s5 =	rddreg [dreg:$0x15];
	[sflag:s2] =	ssyncadd.s32 $0xFFFFEC00  }
0x39: {  	[tilespmem:s9], [sflag:$0x5] =	stream.linear.gather [spmem:s5], $0x1400, $0x38;
	[tilespmem:$0x1C8E0] =	vst v63  }
0x3a: {  	_ =	swait.ge [sflag:s2], $0x1400  }
0x3b: {  	[sflag:s2] =	ssyncset.done $0x0  }
0x3c: {  	s14 =	rddreg [dreg:$0x7];
	[sflag:s2] =	ssyncadd.s32 $0xFFFFEC00  }
0x3d: {  	[hbm4b:s14+s10] =	stream.linear.scatter [tilespmem:s9], [sflag:$0x5], $0x1400, $0x38;
	[tilespmem:$0x1C8E0] =	vst v63  }
0x3e: {  	_ =	swait.ge [sflag:s2], $0x1400  }
0x3f: {  	[sflag:s2] =	ssyncset.done $0x0  }
0x40: {  	s17 =	rddreg [dreg:$0x16];
	[sflag:s2] =	ssyncadd.s32 $0xFFFFEC00  }
0x41: {  	[tilespmem:s9], [sflag:$0x5] =	stream.linear.gather [spmem:s17], $0x1400, $0x38;
	[tilespmem:$0x1C8E0] =	vst v63  }
0x42: {  	_ =	swait.ge [sflag:s2], $0x1400  }
0x43: {  	[sflag:s2] =	ssyncset.done $0x0  }
0x44: {  	s18 =	rddreg [dreg:$0x8];
	[sflag:s2] =	ssyncadd.s32 $0xFFFFEC00  }
0x45: {  	[hbm4b:s18+s10] =	stream.linear.scatter [tilespmem:s9], [sflag:$0x5], $0x1400, $0x38;
	[tilespmem:$0x1C8E0] =	vst v63  }
0x46: {  	_ =	swait.ge [sflag:s2], $0x1400  }
0x47: {  	[sflag:s2] =	ssyncset.done $0x0  }
0x48: {  	s7 =	rddreg [dreg:$0x17];
	[sflag:s2] =	ssyncadd.s32 $0xFFFFEC00  }
0x49: {  	[tilespmem:s9], [sflag:$0x5] =	stream.linear.gather [spmem:s7], $0x1400, $0x38;
	[tilespmem:$0x1C8E0] =	vst v63  }
0x4a: {  	_ =	swait.ge [sflag:s2], $0x1400  }
0x4b: {  	[sflag:s2] =	ssyncset.done $0x0  }
0x4c: {  	s19 =	rddreg [dreg:$0x9];
	[sflag:s2] =	ssyncadd.s32 $0xFFFFEC00  }
0x4d: {  	[hbm4b:s19+s10] =	stream.linear.scatter [tilespmem:s9], [sflag:$0x5], $0x1400, $0x38;
	[tilespmem:$0x1C8E0] =	vst v63  }
0x4e: {  	_ =	swait.ge [sflag:s2], $0x1400  }
0x4f: {  	[sflag:s2] =	ssyncset.done $0x0  }
0x50: {  	s25 =	rddreg [dreg:$0x18];
	[sflag:s2] =	ssyncadd.s32 $0xFFFFEC00  }
0x51: {  	[tilespmem:s9], [sflag:$0x5] =	stream.linear.gather [spmem:s25], $0x1400, $0x38;
	[tilespmem:$0x1C8E0] =	vst v63  }
0x52: {  	_ =	swait.ge [sflag:s2], $0x1400  }
0x53: {  	[sflag:s2] =	ssyncset.done $0x0  }
0x54: {  	s14 =	rddreg [dreg:$0xa];
	[sflag:s2] =	ssyncadd.s32 $0xFFFFEC00  }
0x55: {  	[hbm4b:s14+s10] =	stream.linear.scatter [tilespmem:s9], [sflag:$0x5], $0x1400, $0x38;
	[tilespmem:$0x1C8E0] =	vst v63  }
0x56: {  	_ =	swait.ge [sflag:s2], $0x1400  }
0x57: {  	[sflag:s2] =	ssyncset.done $0x0  }
0x58: {  	s14 =	rddreg [dreg:$0x19];
	[sflag:s2] =	ssyncadd.s32 $0xFFFFEC00  }
0x59: {  	[tilespmem:s9], [sflag:$0x5] =	stream.linear.gather [spmem:s14], $0x1400, $0x38;
	[tilespmem:$0x1C8E0] =	vst v63  }
0x5a: {  	_ =	swait.ge [sflag:s2], $0x1400  }
0x5b: {  	[sflag:s2] =	ssyncset.done $0x0  }
0x5c: {  	s17 =	rddreg [dreg:$0xb];
	[sflag:s2] =	ssyncadd.s32 $0xFFFFEC00  }
0x5d: {  	[hbm4b:s17+s10] =	stream.linear.scatter [tilespmem:s9], [sflag:$0x5], $0x1400, $0x38;
	[tilespmem:$0x1C8E0] =	vst v63  }
0x5e: {  	_ =	swait.ge [sflag:s2], $0x1400  }
0x5f: {  	[sflag:s2] =	ssyncset.done $0x0  }
0x60: {  	s18 =	rddreg [dreg:$0x1a];
	[sflag:s2] =	ssyncadd.s32 $0xFFFFEC00  }
0x61: {  	[tilespmem:s9], [sflag:$0x5] =	stream.linear.gather [spmem:s18], $0x1400, $0x38;
	[tilespmem:$0x1C8E0] =	vst v63  }
0x62: {  	_ =	swait.ge [sflag:s2], $0x1400  }
0x63: {  	[sflag:s2] =	ssyncset.done $0x0  }
0x64: {  	s19 =	rddreg [dreg:$0xc];
	[sflag:s2] =	ssyncadd.s32 $0xFFFFEC00  }
0x65: {  	[hbm4b:s19+s10] =	stream.linear.scatter [tilespmem:s9], [sflag:$0x5], $0x1400, $0x38;
	[tilespmem:$0x1C8E0] =	vst v63  }
0x66: {  	_ =	swait.ge [sflag:s2], $0x1400  }
0x67: {  	[sflag:s2] =	ssyncset.done $0x0  }
0x68: {  	s25 =	rddreg [dreg:$0x1b];
	[sflag:s2] =	ssyncadd.s32 $0xFFFFEC00  }
0x69: {  	[tilespmem:s9], [sflag:$0x5] =	stream.linear.gather [spmem:s25], $0x1400, $0x38;
	[tilespmem:$0x1C8E0] =	vst v63  }
0x6a: {  	_ =	swait.ge [sflag:s2], $0x1400  }
0x6b: {  	[sflag:s2] =	ssyncset.done $0x0  }
0x6c: {  	s17 =	rddreg [dreg:$0xd];
	[sflag:s2] =	ssyncadd.s32 $0xFFFFEC00  }
0x6d: {  	[hbm4b:s17+s10] =	stream.linear.scatter [tilespmem:s9], [sflag:$0x5], $0x1400, $0x38;
	[tilespmem:$0x1C8E0] =	vst v63  }
0x6e: {  	_ =	swait.ge [sflag:s2], $0x1400  }
0x6f: {  	[sflag:s2] =	ssyncset.done $0x0  }
0x70: {  	s17 =	simm.s32 $0xE7E0;
	s18 =	rddreg [dreg:$0x1c];
	[sflag:s2] =	ssyncadd.s32 $0xFFFFEC00  }
0x71: {  	[tilespmem:s17], [sflag:$0x5] =	stream.linear.gather [spmem:s18], $0x1400, $0x38;
	[tilespmem:$0x1C8E0] =	vst v63  }
0x72: {  	_ =	swait.ge [sflag:s2], $0x1400  }
0x73: {  	[sflag:s2] =	ssyncset.done $0x0  }
0x74: {  	s19 =	rddreg [dreg:$0xe];
	[sflag:s2] =	ssyncadd.s32 $0xFFFFEC00  }
0x75: {  	[hbm4b:s19+s10] =	stream.linear.scatter [tilespmem:s17], [sflag:$0x5], $0x1400, $0x38;
	[tilespmem:$0x1C8E0] =	vst v63  }
0x76: {  	_ =	swait.ge [sflag:s2], $0x1400  }
0x77: {  	[sflag:s2] =	ssyncset.done $0x0  }
0x78: {  	s9 =	rddreg [dreg:$0x1d];
	[sflag:s2] =	ssyncadd.s32 $0xFFFFEC00  }
0x79: {  	[tilespmem:s17], [sflag:$0x5] =	stream.linear.gather [spmem:s9], $0x1400, $0x38;
	[tilespmem:$0x1C8E0] =	vst v63  }
0x7a: {  	_ =	swait.ge [sflag:s2], $0x1400  }
0x7b: {  	[sflag:s2] =	ssyncset.done $0x0  }
0x7c: {  	s25 =	rddreg [dreg:$0xf];
	[sflag:s2] =	ssyncadd.s32 $0xFFFFEC00  }
0x7d: {  	[hbm4b:s25+s10] =	stream.linear.scatter [tilespmem:s17], [sflag:$0x5], $0x1400, $0x38;
	[tilespmem:$0x1C8E0] =	vst v63  }
0x7e: {  	_ =	swait.ge [sflag:s2], $0x1400  }
0x7f: {  	[sflag:s2] =	ssyncset.done $0x0  }
0x80: {  	s19 =	simm.s32 $0xFBE0;
	s18 =	rddreg [dreg:$0x1e];
	[sflag:s2] =	ssyncadd.s32 $0xFFFFEC00  }
0x81: {  	[tilespmem:s19], [sflag:$0x5] =	stream.linear.gather [spmem:s18], $0x280, $0x38;
	[tilespmem:$0x1C8E0] =	vst v63  }
0x82: {  	_ =	swait.ge [sflag:s2], $0x280  }
0x83: {  	[sflag:s2] =	ssyncset.done $0x0  }
0x84: {  	s25 =	rddreg [dreg:$0x1f];
	[sflag:s2] =	ssyncadd.s32 $0xFFFFFD80  }
0x85: {  	[hbm4b:s25+s10] =	stream.linear.scatter [tilespmem:s19], [sflag:$0x5], $0x280, $0x38;
	[tilespmem:$0x1C8E0] =	vst v63  }
0x86: {  	_ =	swait.ge [sflag:s2], $0x280  }
0x87: {  	s19 =	sld [smem:$0x7FB]  }
0x88: {  	s25 =	sld [smem:$0x7FC];
	_ =	sdelay $0x1  }
0x89: {  	s17 =	sadd.s32 $0x1, s19  }
0x8a: {  	p1 =	sne.s32 s17, s25  }
.Ltmp1:
0x8b: {  	_ = 	snop;
	(pc) =	sbr.rel @!p1 .LBB2_38-.Ltmp1, $3  }
0x8c: {  	_ =	sdelay $0x1  }
0x8d: {  	[sflag:s2] =	ssyncset.done $0x0  }
0x8e: {  	s18 =	simm.s32 $0xFBE0;
	[sflag:s2] =	ssyncadd.s32 $0xFFFFFD80  }
.LBB2_1:
0x8f: {  	s0 =	rddreg [dreg:$0x12]  }
0x90: {  	[tilespmem:s6], [sflag:$0x5] =	stream.linear.gather [hbm4b:s0+s10], $0x2800, $0x38;
	[tilespmem:$0x1C8E0] =	vst v63  }
0x91: {  	_ =	swait.ge [sflag:s2], $0x2800  }
0x92: {  	[sflag:s2] =	ssyncset.done $0x0  }
0x93: {  	s25 =	rddreg [dreg:$0x13];
	[sflag:s2] =	ssyncadd.s32 $0xFFFFD800  }
0x94: {  	[tilespmem:s8], [sflag:$0x5] =	stream.linear.gather [hbm4b:s25+s10], $0x2800, $0x38;
	[tilespmem:$0x1C8E0] =	vst v63  }
0x95: {  	_ =	swait.ge [sflag:s2], $0x2800  }
0x96: {  	[sflag:s2] =	ssyncset.done $0x0  }
0x97: {  	s0 =	simm.s32 $0x0;
	[sflag:s2] =	ssyncadd.s32 $0xFFFFD800  }
.LBB2_2:
0x98: {  	p1 =	sne.s32 s0, $0x4F00  }
.Ltmp2:
0x99: {  	s2 =	sshra.s32 s0, $0x2;
	(pc) =	sbr.rel @p1 .LBB2_2-.Ltmp2, $4  }
0x9a: {  	[tilespmem:s2+$0xD3E0] =	vst v0  }
0x9b: {  	[tilespmem:s2+$0xD3F0] =	vst v0  }
0x9c: {  	[tilespmem:s2+$0xD400] =	vst v0  }
0x9d: {  	s0 =	sadd.s32 $0x100, s0;
	[tilespmem:s2+$0xD410] =	vst v0  }
0x9e: {  	[smem:$0x7FB] =	sst s17;
	s0 =	simm.s32 $0x40;
	s2 =	simm.s32 $0x0  }
.LBB2_4:
0x9f: {  	p1 =	sne.s32 s0, $0x4FC0;
	[tilespmem:s2+$0xE7E0] =	vst v0;
	s2 =	smov.u32 s0;
	s0 =	sadd.s32 $0x40, s0  }
.Ltmp3:
0xa0: {  	(pc) =	sbr.rel @p1 .LBB2_4-.Ltmp3, $2  }
0xa1: {  	_ =	sdelay $0x2  }
0xa2: {  	s2 =	sshra.s32 s2, $0x2  }
0xa3: {  	[tilespmem:s2+$0xE7E0] =	vst v0  }
0xa4: {  	[tilespmem:$0xFBE0] =	vst v0  }
0xa5: {  	[tilespmem:$0xFBF0] =	vst v0  }
0xa6: {  	[tilespmem:$0xFC00] =	vst v0  }
0xa7: {  	[tilespmem:$0xFC10] =	vst v0  }
0xa8: {  	[tilespmem:$0xFC20] =	vst v0  }
0xa9: {  	[tilespmem:$0xFC30] =	vst v0  }
0xaa: {  	[tilespmem:$0xFC40] =	vst v0  }
0xab: {  	[tilespmem:$0xFC50] =	vst v0  }
0xac: {  	[tilespmem:$0xFC60] =	vst v0  }
0xad: {  	[tilespmem:$0xFC70] =	vst v0  }
0xae: {  	[tilespmem:$0xFC80] =	vst v0  }
0xaf: {  	[tilespmem:$0xFC90] =	vst v0  }
0xb0: {  	[tilespmem:$0xFCA0] =	vst v0  }
0xb1: {  	[tilespmem:$0xFCB0] =	vst v0  }
0xb2: {  	[tilespmem:$0xFCC0] =	vst v0  }
0xb3: {  	[tilespmem:$0xFCD0] =	vst v0  }
0xb4: {  	[tilespmem:$0xFCE0] =	vst v0  }
0xb5: {  	[tilespmem:$0xFCF0] =	vst v0  }
0xb6: {  	[tilespmem:$0xFD00] =	vst v0  }
0xb7: {  	[tilespmem:$0xFD10] =	vst v0  }
0xb8: {  	[tilespmem:$0xFD20] =	vst v0  }
0xb9: {  	[tilespmem:$0xFD30] =	vst v0  }
0xba: {  	[tilespmem:$0xFD40] =	vst v0  }
0xbb: {  	[tilespmem:$0xFD50] =	vst v0  }
0xbc: {  	[tilespmem:$0xFD60] =	vst v0  }
0xbd: {  	[tilespmem:$0xFD70] =	vst v0  }
0xbe: {  	[tilespmem:$0xFD80] =	vst v0  }
0xbf: {  	[tilespmem:$0xFD90] =	vst v0  }
0xc0: {  	[tilespmem:$0xFDA0] =	vst v0  }
0xc1: {  	[tilespmem:$0xFDB0] =	vst v0  }
0xc2: {  	[tilespmem:$0xFDC0] =	vst v0  }
0xc3: {  	[tilespmem:$0xFDD0] =	vst v0  }
0xc4: {  	[tilespmem:$0xFDE0] =	vst v0  }
0xc5: {  	[tilespmem:$0xFDF0] =	vst v0  }
0xc6: {  	[tilespmem:$0xFE00] =	vst v0  }
0xc7: {  	[tilespmem:$0xFE10] =	vst v0  }
0xc8: {  	[tilespmem:$0xFE20] =	vst v0  }
0xc9: {  	[tilespmem:$0xFE30] =	vst v0  }
0xca: {  	[tilespmem:$0xFE40] =	vst v0  }
0xcb: {  	s0 =	rddreg [dreg:$0x14];
	s17 =	simm.s32 $0xD3E0;
	s2 =	simm.s32 $0x5;
	[tilespmem:$0xFE50] =	vst v0  }
0xcc: {  	[spmem:s0] =	stream.linear.scatter [tilespmem:s17], [sflag:$0x5], $0x1400, $0x38;
	[tilespmem:$0x1C8E0] =	vst v63  }
0xcd: {  	_ =	swait.ge [sflag:s2], $0x1400  }
0xce: {  	[sflag:s2] =	ssyncset.done $0x0  }
0xcf: {  	[sflag:s2] =	ssyncadd.s32 $0xFFFFEC00  }
0xd0: {  	[spmem:s5] =	stream.linear.scatter [tilespmem:s17], [sflag:$0x5], $0x1400, $0x38;
	[tilespmem:$0x1C8E0] =	vst v63  }
0xd1: {  	_ =	swait.ge [sflag:s2], $0x1400  }
0xd2: {  	[sflag:s2] =	ssyncset.done $0x0  }
0xd3: {  	s25 =	rddreg [dreg:$0x16];
	[sflag:s2] =	ssyncadd.s32 $0xFFFFEC00  }
0xd4: {  	[spmem:s25] =	stream.linear.scatter [tilespmem:s17], [sflag:$0x5], $0x1400, $0x38;
	[tilespmem:$0x1C8E0] =	vst v63  }
0xd5: {  	_ =	swait.ge [sflag:s2], $0x1400  }
0xd6: {  	[sflag:s2] =	ssyncset.done $0x0  }
0xd7: {  	[sflag:s2] =	ssyncadd.s32 $0xFFFFEC00  }
0xd8: {  	[spmem:s7] =	stream.linear.scatter [tilespmem:s17], [sflag:$0x5], $0x1400, $0x38;
	[tilespmem:$0x1C8E0] =	vst v63  }
0xd9: {  	_ =	swait.ge [sflag:s2], $0x1400  }
0xda: {  	[sflag:s2] =	ssyncset.done $0x0  }
0xdb: {  	s5 =	rddreg [dreg:$0x18];
	[sflag:s2] =	ssyncadd.s32 $0xFFFFEC00  }
0xdc: {  	[spmem:s5] =	stream.linear.scatter [tilespmem:s17], [sflag:$0x5], $0x1400, $0x38;
	[tilespmem:$0x1C8E0] =	vst v63  }
0xdd: {  	_ =	swait.ge [sflag:s2], $0x1400  }
0xde: {  	[sflag:s2] =	ssyncset.done $0x0  }
0xdf: {  	[sflag:s2] =	ssyncadd.s32 $0xFFFFEC00  }
0xe0: {  	[spmem:s14] =	stream.linear.scatter [tilespmem:s17], [sflag:$0x5], $0x1400, $0x38;
	[tilespmem:$0x1C8E0] =	vst v63  }
0xe1: {  	_ =	swait.ge [sflag:s2], $0x1400  }
0xe2: {  	[sflag:s2] =	ssyncset.done $0x0  }
0xe3: {  	s7 =	rddreg [dreg:$0x1a];
	[sflag:s2] =	ssyncadd.s32 $0xFFFFEC00  }
0xe4: {  	[spmem:s7] =	stream.linear.scatter [tilespmem:s17], [sflag:$0x5], $0x1400, $0x38;
	[tilespmem:$0x1C8E0] =	vst v63  }
0xe5: {  	_ =	swait.ge [sflag:s2], $0x1400  }
0xe6: {  	[sflag:s2] =	ssyncset.done $0x0  }
0xe7: {  	s14 =	rddreg [dreg:$0x1b];
	[sflag:s2] =	ssyncadd.s32 $0xFFFFEC00  }
0xe8: {  	[spmem:s14] =	stream.linear.scatter [tilespmem:s17], [sflag:$0x5], $0x1400, $0x38;
	[tilespmem:$0x1C8E0] =	vst v63  }
0xe9: {  	_ =	swait.ge [sflag:s2], $0x1400  }
0xea: {  	[sflag:s2] =	ssyncset.done $0x0  }
0xeb: {  	s19 =	simm.s32 $0xE7E0;
	s17 =	rddreg [dreg:$0x1c];
	[sflag:s2] =	ssyncadd.s32 $0xFFFFEC00  }
0xec: {  	[spmem:s17] =	stream.linear.scatter [tilespmem:s19], [sflag:$0x5], $0x1400, $0x38;
	[tilespmem:$0x1C8E0] =	vst v63  }
0xed: {  	_ =	swait.ge [sflag:s2], $0x1400  }
0xee: {  	[sflag:s2] =	ssyncset.done $0x0  }
0xef: {  	[sflag:s2] =	ssyncadd.s32 $0xFFFFEC00  }
0xf0: {  	[spmem:s9] =	stream.linear.scatter [tilespmem:s19], [sflag:$0x5], $0x1400, $0x38;
	[tilespmem:$0x1C8E0] =	vst v63  }
0xf1: {  	_ =	swait.ge [sflag:s2], $0x1400  }
0xf2: {  	[sflag:s2] =	ssyncset.done $0x0  }
0xf3: {  	s25 =	rddreg [dreg:$0x1e];
	[sflag:s2] =	ssyncadd.s32 $0xFFFFEC00  }
0xf4: {  	[spmem:s25] =	stream.linear.scatter [tilespmem:s18], [sflag:$0x5], $0x280, $0x38;
	[tilespmem:$0x1C8E0] =	vst v63  }
.Ltmp4:
0xf5: {  	_ =	swait.ge [sflag:s2], $0x280;
	(pc) =	sbr.rel .LBB2_6-.Ltmp4, $4  }
0xf6: {  	[sflag:s2] =	ssyncset.done $0x0  }
0xf7: {  	[sflag:s2] =	ssyncadd.s32 $0xFFFFFD80  }
0xf8: {  	[bflag:$0x0] =	sbarrier.arrive $0xFFFF  }
0xf9: {  	s2 =	simm.s32 $0x0  }
.LBB2_36:
0xfa: {  	_ =	swait.ge [sflag:s29], $0x1400  }
0xfb: {  	[sflag:s29] =	ssyncset.done $0x0  }
0xfc: {  	s0 =	simm.s32 @p0 $0x3;
	[sflag:s29] =	ssyncadd.s32 $0xFFFFEC00  }
0xfd: {  	_ =	swait.ge @p0 [sflag:s0], $0x50  }
0xfe: {  	[sflag:s0] =	ssyncset.done @p0 $0x0  }
0xff: {  	[sflag:s0] =	ssyncadd.s32 @p0 $0xFFFFFFB0;
	s0 =	simm.s32 @p0 $0x4  }
0x100: {  	_ =	swait.ge @p0 [sflag:s0], $0x1400  }
0x101: {  	[sflag:s0] =	ssyncset.done @p0 $0x0  }
0x102: {  	[sflag:s0] =	ssyncadd.s32 @p0 $0xFFFFEC00  }
0x103: {  	_ =	swait.ge @p0 [sflag:s0], $0x50  }
0x104: {  	[sflag:s0] =	ssyncset.done @p0 $0x0  }
0x105: {  	[sflag:s0] =	ssyncadd.s32 @p0 $0xFFFFFFB0;
	s0 =	simm.s32 @!p0 $0x3  }
0x106: {  	_ =	swait.ge @!p0 [sflag:s0], $0x500  }
0x107: {  	[sflag:s0] =	ssyncset.done @!p0 $0x0  }
0x108: {  	s2 =	sadd.s32 $0x1, s2;
	[sflag:s0] =	ssyncadd.s32 @!p0 $0xFFFFFB00;
	s0 =	simm.s32 @!p0 $0x4  }
0x109: {  	p1 =	sne.s32 s2, $0x5;
	_ =	swait.ge @!p0 [sflag:s0], $0x1400  }
.Ltmp5:
0x10a: {  	[sflag:s0] =	ssyncset.done @!p0 $0x0;
	(pc) =	sbr.rel @!p1 .LBB2_37-.Ltmp5, $4  }
0x10b: {  	[sflag:s0] =	ssyncadd.s32 @!p0 $0xFFFFEC00  }
0x10c: {  	_ =	swait.ge @!p0 [sflag:s0], $0x500  }
0x10d: {  	[sflag:s0] =	ssyncset.done @!p0 $0x0  }
0x10e: {  	[sflag:s0] =	ssyncadd.s32 @!p0 $0xFFFFFB00  }
.LBB2_6:
0x10f: {  	s0 =	smul.u32 $0xFA0, s2;
	_ =	sdelay $0x1  }
0x110: {  	s5 =	sadd.s32 s31, s0  }
0x111: {  	s9 =	rddreg [dreg:$0x10];
	s7 =	sshrl.u32 s5, $0x3  }
0x112: {  	s14 =	simm.s32 $0x5;
	s9 =	sadd.s32 s9, s7  }
0x113: {  	[tilespmem:s10], [sflag:$0x5] =	stream.linear.gather [hbm4b:s9+s10], $0xFA0, $0x38;
	[tilespmem:$0x1C8E0] =	vst v63  }
0x114: {  	_ =	swait.ge [sflag:s14], $0xFA0  }
0x115: {  	[sflag:s14] =	ssyncset.done $0x0;
	s19 =	rddreg [dreg:$0x11]  }
0x116: {  	s25 =	simm.s32 $0xFA0;
	[sflag:s14] =	ssyncadd.s32 $0xFFFFF060;
	s7 =	sadd.s32 s19, s7  }
0x117: {  	[tilespmem:s25], [sflag:$0x5] =	stream.linear.gather [hbm4b:s7+s10], $0xFA0, $0x38;
	[tilespmem:$0x1C8E0] =	vst v63  }
0x118: {  	_ =	swait.ge [sflag:s14], $0xFA0  }
0x119: {  	[sflag:s14] =	ssyncset.done $0x0  }
0x11a: {  	[sflag:s14] =	ssyncadd.s32 $0xFFFFF060  }
0x11b: {  	[tilespmem:s3], [sflag:$0x1] =	stream.indirect.gather [hbm4b:s1+s20], $0x40, s10, s20, $0xb8;
	[tilespmem:$0x1C8E0] =	vst v63  }
0x11c: {  	s5 =	sshll.u32 @!p0 s5, $0x1;
	s9 =	simm.s32 @p0 $0x8340;
	s7 =	simm.s32 @p0 $0x50  }
0x11d: {  	[tilespmem:s9], [sflag:$0x2] =	stream.indirect.gather @p0 [hbm4b:s1+s7], $0x40, s7, s7, $0xb8;
	[tilespmem:$0x1C8E0] =	vst v63  }
0x11e: {  	s5 =	sadd.s32 @!p0 s21, s5;
	s7 =	simm.s32 @!p0 $0x0;
	s9 =	simm.s32 @!p0 $0xBF40  }
0x11f: {  	[tilespmem:s9], [sflag:$0x1] =	stream.linear.gather @!p0 [hbm4b:s5+s7], $0x500, $0x38;
	[tilespmem:$0x1C8E0] =	vst v63  }
0x120: {  	s5 =	simm.s32 @!p0 $0x50;
	s9 =	simm.s32 @!p0 $0x8340  }
0x121: {  	[tilespmem:s9], [sflag:$0x2] =	stream.indirect.gather @!p0 [hbm4b:s1+s5], $0x40, s5, s5, $0xb8;
	[tilespmem:$0x1C8E0] =	vst v63  }
0x122: {  	s5 =	sld [smem:$0x7FD];
	_ =	sdelay $0x2  }
.Ltmp6:
0x123: {  	s0 =	sadd.s32 @!p0 s5, s0;
	(pc) =	sbr.rel .LBB2_7-.Ltmp6, $4  }
0x124: {  	s0 =	sshll.u32 @!p0 s0, $0x1  }
0x125: {  	s5 =	simm.s32 @!p0 $0xC440;
	s0 =	sadd.s32 @!p0 s21, s0  }
0x126: {  	[tilespmem:s5], [sflag:$0x2] =	stream.linear.gather @!p0 [hbm4b:s0+s7], $0x500, $0x38;
	[tilespmem:$0x1C8E0] =	vst v63  }
0x127: {  	s14 =	smul.u32 $0x32, s2;
	s0 =	simm.s32 $0x0  }
.LBB2_34:
0x128: {  	s5 =	smul.u32 @!p2 $0x280, s0;
	_ =	sdelay $0x1  }
0x129: {  	s5 =	sshra.s32 @!p2 s5, $0x2  }
0x12a: {  	s7 =	simm.s32 @!p2 $0x50;
	s9 =	simm.s32 @!p2 $0x8340;
	s5 =	sadd.s32 @!p2 $0xF0, s5  }
0x12b: {  	[tilespmem:s9], [sflag:$0x2] =	stream.indirect.gather @!p2 [hbm4b:s1+s7], $0x40, s5, s7, $0xb8;
	[tilespmem:$0x1C8E0] =	vst v63  }
0x12c: {  	_ = 	snop  }
0x12d: {  	[spmem:s11] =	stream.indirect.scatter.add.f32 [tilespmem:s26], [sflag:$0x4], $0x40, s17, s20, $0xb8;
	[tilespmem:$0x1C8E0] =	vst v63  }
0x12e: {  	_ = 	snop  }
0x12f: {  	[spmem:s15] =	stream.indirect.scatter.add.f32 [tilespmem:s30], [sflag:$0x4], $0x1, s17, s20, $0xb8;
	[tilespmem:$0x1C8E0] =	vst v63  }
.LBB2_35:
0x130: {  	s0 =	sadd.s32 $0x1, s0  }
0x131: {  	p1 =	sne.s32 s0, $0x19  }
.Ltmp7:
0x132: {  	_ = 	snop;
	(pc) =	sbr.rel @!p1 .LBB2_36-.Ltmp7, $1  }
0x133: {  	_ =	sdelay $0x3  }
.LBB2_7:
0x134: {  	p1 =	seq.s32 s0, $0x0  }
.Ltmp8:
0x135: {  	_ = 	snop;
	(pc) =	sbr.rel @p1 .LBB2_11-.Ltmp8, $1  }
0x136: {  	_ =	sdelay $0x3  }
.Ltmp9:
0x137: {  	(pc) =	sbr.rel @p0 .LBB2_10-.Ltmp9, $4  }
0x138: {  	_ = 	snop  }
0x139: {  	_ =	swait.ge [sflag:s29], $0x1400  }
0x13a: {  	[sflag:s29] =	ssyncset.done $0x0  }
0x13b: {  	[sflag:s29] =	ssyncadd.s32 $0xFFFFEC00  }
0x13c: {  	_ =	swait.ge [sflag:s29], $0x500  }
.Ltmp10:
0x13d: {  	[sflag:s29] =	ssyncset.done $0x0;
	(pc) =	sbr.rel .LBB2_12-.Ltmp10, $4  }
0x13e: {  	[sflag:s29] =	ssyncadd.s32 $0xFFFFFB00  }
0x13f: {  	_ =	swait.ge [sflag:s4], $0x1400  }
0x140: {  	[sflag:s4] =	ssyncset.done $0x0  }
0x141: {  	[sflag:s4] =	ssyncadd.s32 $0xFFFFEC00  }
.LBB2_11:
.Ltmp11:
0x142: {  	(pc) =	sbr.rel @p0 .LBB2_13-.Ltmp11, $4  }
0x143: {  	_ = 	snop  }
0x144: {  	_ =	swait.ge [sflag:s4], $0x1400  }
0x145: {  	[sflag:s4] =	ssyncset.done $0x0  }
0x146: {  	[sflag:s4] =	ssyncadd.s32 $0xFFFFEC00  }
.LBB2_12:
.Ltmp12:
0x147: {  	(pc) =	sbr.rel .LBB2_13-.Ltmp12, $4  }
0x148: {  	_ = 	snop  }
0x149: {  	_ =	swait.ge [sflag:s4], $0x500  }
0x14a: {  	[sflag:s4] =	ssyncset.done $0x0  }
0x14b: {  	[sflag:s4] =	ssyncadd.s32 $0xFFFFFB00  }
.LBB2_10:
0x14c: {  	_ =	swait.ge [sflag:s29], $0x50  }
0x14d: {  	[sflag:s29] =	ssyncset.done $0x0  }
0x14e: {  	[sflag:s29] =	ssyncadd.s32 $0xFFFFFFB0  }
0x14f: {  	_ =	swait.ge [sflag:s4], $0x1400  }
0x150: {  	[sflag:s4] =	ssyncset.done $0x0  }
0x151: {  	[sflag:s4] =	ssyncadd.s32 $0xFFFFEC00  }
.LBB2_13:
0x152: {  	s19 =	smul.u32 $0xA0, s0;
	_ =	sdelay $0x1  }
0x153: {  	v1 =	vld [tilespmem:s19+$0x0]  }
0x154: {  	v2 =	vld [tilespmem:s19+$0xFA0];
	_ =	sdelay $0x6  }
0x155: {  	v1 =	vld.idx.msk [tilespmem:v1+s6+$0x0], $0xffff  }
0x156: {  	v2 =	vld.idx.msk [tilespmem:v2+s8+$0x0], $0xffff;
	_ =	sdelay $0x4  }
0x157: {  	v1 =	vadd.f32 v2, v1;
	_ =	sdelay $0x1  }
0x158: {  	v2 =	vmul.f32 $9.999999770e-03, v1  }
0x159: {  	vm0 =	vge.f32 v1, $0.0e+00  }
0x15a: {  	v1 =	vsel vm0, v1, v2  }
0x15b: {  	v1 =	vmul.f32 $1.442695020e+00, v1;
	_ =	sdelay $0x1  }
0x15c: {  	(erf) = vpow2.f32 v1;
	_ =	sdelay $0x8  }
0x15d: {  	v1 =	vpop (erf)  }
0x15e: {  	[tilespmem:$0xD340] =	vst v1  }
0x15f: {  	v1 =	vld [tilespmem:s19+$0x10]  }
0x160: {  	v2 =	vld [tilespmem:s19+$0xFB0];
	_ =	sdelay $0x6  }
0x161: {  	v1 =	vld.idx.msk [tilespmem:v1+s6+$0x0], $0xffff  }
0x162: {  	v2 =	vld.idx.msk [tilespmem:v2+s8+$0x0], $0xffff;
	_ =	sdelay $0x4  }
0x163: {  	v1 =	vadd.f32 v2, v1;
	_ =	sdelay $0x1  }
0x164: {  	v2 =	vmul.f32 $9.999999770e-03, v1  }
0x165: {  	vm12 =	vge.f32 v1, $0.0e+00  }
0x166: {  	v1 =	vsel vm12, v1, v2  }
0x167: {  	v1 =	vmul.f32 $1.442695020e+00, v1;
	_ =	sdelay $0x1  }
0x168: {  	(erf) = vpow2.f32 v1;
	_ =	sdelay $0x8  }
0x169: {  	v1 =	vpop (erf)  }
0x16a: {  	[tilespmem:$0xD350] =	vst v1  }
0x16b: {  	v1 =	vld [tilespmem:s19+$0x20]  }
0x16c: {  	v2 =	vld [tilespmem:s19+$0xFC0];
	_ =	sdelay $0x6  }
0x16d: {  	v1 =	vld.idx.msk [tilespmem:v1+s6+$0x0], $0xffff  }
0x16e: {  	v2 =	vld.idx.msk [tilespmem:v2+s8+$0x0], $0xffff;
	_ =	sdelay $0x4  }
0x16f: {  	v1 =	vadd.f32 v2, v1;
	_ =	sdelay $0x1  }
0x170: {  	v2 =	vmul.f32 $9.999999770e-03, v1  }
0x171: {  	vm13 =	vge.f32 v1, $0.0e+00  }
0x172: {  	v1 =	vsel vm13, v1, v2  }
0x173: {  	v1 =	vmul.f32 $1.442695020e+00, v1;
	_ =	sdelay $0x1  }
0x174: {  	(erf) = vpow2.f32 v1;
	_ =	sdelay $0x8  }
0x175: {  	v1 =	vpop (erf)  }
0x176: {  	[tilespmem:$0xD360] =	vst v1  }
0x177: {  	v1 =	vld [tilespmem:s19+$0x30]  }
0x178: {  	v2 =	vld [tilespmem:s19+$0xFD0];
	_ =	sdelay $0x6  }
0x179: {  	v1 =	vld.idx.msk [tilespmem:v1+s6+$0x0], $0xffff  }
0x17a: {  	v2 =	vld.idx.msk [tilespmem:v2+s8+$0x0], $0xffff;
	_ =	sdelay $0x4  }
0x17b: {  	v1 =	vadd.f32 v2, v1;
	_ =	sdelay $0x1  }
0x17c: {  	v2 =	vmul.f32 $9.999999770e-03, v1  }
0x17d: {  	vm14 =	vge.f32 v1, $0.0e+00  }
0x17e: {  	v1 =	vsel vm14, v1, v2  }
0x17f: {  	v1 =	vmul.f32 $1.442695020e+00, v1;
	_ =	sdelay $0x1  }
0x180: {  	(erf) = vpow2.f32 v1;
	_ =	sdelay $0x8  }
0x181: {  	v1 =	vpop (erf)  }
0x182: {  	[tilespmem:$0xD370] =	vst v1  }
0x183: {  	v1 =	vld [tilespmem:s19+$0x40]  }
0x184: {  	v2 =	vld [tilespmem:s19+$0xFE0];
	_ =	sdelay $0x6  }
0x185: {  	v1 =	vld.idx.msk [tilespmem:v1+s6+$0x0], $0xffff  }
0x186: {  	v2 =	vld.idx.msk [tilespmem:v2+s8+$0x0], $0xffff;
	_ =	sdelay $0x4  }
0x187: {  	v1 =	vadd.f32 v2, v1;
	_ =	sdelay $0x1  }
0x188: {  	v2 =	vmul.f32 $9.999999770e-03, v1  }
0x189: {  	vm15 =	vge.f32 v1, $0.0e+00  }
0x18a: {  	v1 =	vsel vm15, v1, v2  }
0x18b: {  	v1 =	vmul.f32 $1.442695020e+00, v1;
	_ =	sdelay $0x1  }
0x18c: {  	(erf) = vpow2.f32 v1;
	_ =	sdelay $0x8  }
0x18d: {  	v1 =	vpop (erf)  }
0x18e: {  	s18 =	simm.s32 $0x3F0;
	[tilespmem:$0xD380] =	vst v1  }
0x18f: {  	v25 =	vld [tilespmem:s18+$0x6B50]  }
0x190: {  	v26 =	vld [tilespmem:s18+$0x6B60]  }
0x191: {  	v24 =	vld [tilespmem:s18+$0x6B70]  }
0x192: {  	v23 =	vld [tilespmem:s18+$0x6B80]  }
0x193: {  	v21 =	vld [tilespmem:s18+$0x6B90]  }
0x194: {  	v22 =	vld [tilespmem:s18+$0x6BA0]  }
0x195: {  	v20 =	vld [tilespmem:s18+$0x6BB0]  }
0x196: {  	v19 =	vld [tilespmem:s18+$0x6BC0]  }
0x197: {  	v17 =	vld [tilespmem:s18+$0x6BD0]  }
0x198: {  	v18 =	vld [tilespmem:s18+$0x6BE0]  }
0x199: {  	v16 =	vld [tilespmem:s18+$0x6BF0]  }
0x19a: {  	v15 =	vld [tilespmem:s18+$0x6C00]  }
0x19b: {  	v13 =	vld [tilespmem:s18+$0x6C10]  }
0x19c: {  	v14 =	vld [tilespmem:s18+$0x6C20]  }
0x19d: {  	v11 =	vld [tilespmem:s18+$0x6C30]  }
0x19e: {  	v12 =	vld [tilespmem:s18+$0x6C40]  }
0x19f: {  	v9 =	vld [tilespmem:s18+$0x6C50]  }
0x1a0: {  	v10 =	vld [tilespmem:s18+$0x6C60]  }
0x1a1: {  	v8 =	vld [tilespmem:s18+$0x6C70]  }
0x1a2: {  	v7 =	vld [tilespmem:s18+$0x6C80]  }
0x1a3: {  	v5 =	vld [tilespmem:s18+$0x6C90]  }
0x1a4: {  	v6 =	vld [tilespmem:s18+$0x6CA0]  }
0x1a5: {  	v4 =	vld [tilespmem:s18+$0x6CB0]  }
0x1a6: {  	v3 =	vld [tilespmem:s18+$0x6CC0]  }
0x1a7: {  	s5 =	simm.s32 $0xD340;
	v2 =	vld [tilespmem:s18+$0x6CD0]  }
0x1a8: {  	s9 =	sshll.u32 s0, $0x1;
	s25 =	simm.s32 $0x1FC0;
	s17 =	sadd.s32 $0xFA0, s19;
	v1 =	vld [tilespmem:s5+$0x0]  }
.LBB2_14:
0x1a9: {  	p2 =	sne.s32 s25, $0x4FC0;
	v27 =	vld [tilespmem:s18+$0x6CE0]  }
0x1aa: {  	v28 =	vld [tilespmem:s18+$0x6CF0]  }
0x1ab: {  	v29 =	vld [tilespmem:s18+$0x6D00]  }
0x1ac: {  	v30 =	vld [tilespmem:s18+$0x6D10]  }
0x1ad: {  	v31 =	vbroadcast v1, $0x0;
	v32 =	vbroadcast v1, $0x1;
	v33 =	vld [tilespmem:s18+$0x6D20]  }
0x1ae: {  	v34 =	vbroadcast v1, $0x2;
	v35 =	vbroadcast v1, $0x3;
	v36 =	vld [tilespmem:s18+$0x6D30]  }
0x1af: {  	v25 =	vmul.f32 v31, v25;
	v26 =	vmul.f32 v26, v31;
	v37 =	vld [tilespmem:s18+$0x6D40]  }
0x1b0: {  	v24 =	vmul.f32 v24, v31;
	v23 =	vmul.f32 v23, v31;
	v31 =	vld [tilespmem:s18+$0x6D50]  }
0x1b1: {  	v21 =	vmul.f32 v21, v32;
	v22 =	vmul.f32 v22, v32;
	[tilespmem:s18+$0x9350] =	vst v25;
	v25 =	vld [tilespmem:s18+$0x6D60]  }
0x1b2: {  	v20 =	vmul.f32 v20, v32;
	v19 =	vmul.f32 v19, v32;
	[tilespmem:s18+$0x9360] =	vst v26;
	v26 =	vld [tilespmem:s18+$0x6D70]  }
0x1b3: {  	v17 =	vmul.f32 v17, v34;
	v18 =	vmul.f32 v18, v34;
	[tilespmem:s18+$0x9370] =	vst v24;
	v24 =	vld [tilespmem:s18+$0x6D80]  }
0x1b4: {  	v16 =	vmul.f32 v16, v34;
	v15 =	vmul.f32 v15, v34;
	[tilespmem:s18+$0x9380] =	vst v23;
	v23 =	vld [tilespmem:s18+$0x6D90]  }
0x1b5: {  	v13 =	vmul.f32 v13, v35;
	v14 =	vmul.f32 v14, v35;
	[tilespmem:s18+$0x9390] =	vst v21;
	v21 =	vld [tilespmem:s18+$0x6DA0]  }
0x1b6: {  	v11 =	vmul.f32 v11, v35;
	v12 =	vmul.f32 v12, v35;
	[tilespmem:s18+$0x93A0] =	vst v22;
	v22 =	vld [tilespmem:s18+$0x6DB0]  }
0x1b7: {  	v32 =	vbroadcast v1, $0x5;
	[tilespmem:s18+$0x93B0] =	vst v20;
	v20 =	vbroadcast v1, $0x4;
	v34 =	vld [tilespmem:s18+$0x6DC0]  }
0x1b8: {  	v35 =	vbroadcast v1, $0x7;
	[tilespmem:s18+$0x93C0] =	vst v19;
	v19 =	vbroadcast v1, $0x6;
	v38 =	vld [tilespmem:s18+$0x6DD0]  }
0x1b9: {  	[tilespmem:s18+$0x93D0] =	vst v17;
	v9 =	vmul.f32 v9, v20;
	v10 =	vmul.f32 v10, v20;
	v17 =	vld [tilespmem:s18+$0x6DE0]  }
0x1ba: {  	v8 =	vmul.f32 v8, v20;
	v7 =	vmul.f32 v7, v20;
	[tilespmem:s18+$0x93E0] =	vst v18;
	v18 =	vld [tilespmem:s18+$0x6DF0]  }
0x1bb: {  	v5 =	vmul.f32 v5, v32;
	v6 =	vmul.f32 v6, v32;
	[tilespmem:s18+$0x93F0] =	vst v16;
	v16 =	vld [tilespmem:s18+$0x6E00]  }
0x1bc: {  	v4 =	vmul.f32 v4, v32;
	v3 =	vmul.f32 v3, v32;
	[tilespmem:s18+$0x9400] =	vst v15;
	v15 =	vld [tilespmem:s18+$0x6E10]  }
0x1bd: {  	v2 =	vmul.f32 v2, v19;
	[tilespmem:s18+$0x9410] =	vst v13;
	v13 =	vmul.f32 v27, v19;
	v20 =	vld [tilespmem:s18+$0x6E20]  }
0x1be: {  	[tilespmem:s18+$0x9420] =	vst v14;
	v14 =	vmul.f32 v28, v19;
	v19 =	vmul.f32 v29, v19;
	v27 =	vld [tilespmem:s18+$0x6E30]  }
0x1bf: {  	v28 =	vmul.f32 v33, v35;
	[tilespmem:s18+$0x9430] =	vst v11;
	v11 =	vmul.f32 v30, v35;
	v29 =	vld [tilespmem:s18+$0x6E40]  }
0x1c0: {  	v30 =	vmul.f32 v37, v35;
	[tilespmem:s18+$0x9440] =	vst v12;
	v12 =	vmul.f32 v36, v35;
	v32 =	vld [tilespmem:s18+$0x6E50]  }
0x1c1: {  	v33 =	vbroadcast v1, $0x9;
	[tilespmem:s18+$0x9450] =	vst v9;
	v9 =	vbroadcast v1, $0x8;
	v35 =	vld [tilespmem:s18+$0x6E60]  }
0x1c2: {  	v36 =	vbroadcast v1, $0xB;
	[tilespmem:s18+$0x9460] =	vst v10;
	v10 =	vbroadcast v1, $0xA;
	v37 =	vld [tilespmem:s18+$0x6E70]  }
0x1c3: {  	[tilespmem:s18+$0x9470] =	vst v8;
	v8 =	vmul.f32 v31, v9;
	v25 =	vmul.f32 v25, v9;
	v31 =	vld [tilespmem:s18+$0x6E80]  }
0x1c4: {  	[tilespmem:s18+$0x9480] =	vst v7;
	v7 =	vmul.f32 v26, v9;
	v9 =	vmul.f32 v24, v9;
	v24 =	vld [tilespmem:s18+$0x6E90]  }
0x1c5: {  	v21 =	vmul.f32 v21, v33;
	[tilespmem:s18+$0x9490] =	vst v5;
	v5 =	vmul.f32 v23, v33;
	v23 =	vld [tilespmem:s18+$0x6EA0]  }
0x1c6: {  	[tilespmem:s18+$0x94A0] =	vst v6;
	v6 =	vmul.f32 v22, v33;
	v22 =	vmul.f32 v34, v33;
	v26 =	vld [tilespmem:s18+$0x6EB0]  }
0x1c7: {  	v17 =	vmul.f32 v17, v10;
	[tilespmem:s18+$0x94B0] =	vst v4;
	v4 =	vmul.f32 v38, v10;
	v33 =	vld [tilespmem:s18+$0x6EC0]  }
0x1c8: {  	[tilespmem:s18+$0x94C0] =	vst v3;
	v3 =	vmul.f32 v18, v10;
	v10 =	vmul.f32 v16, v10;
	v16 =	vld [tilespmem:s18+$0x6ED0]  }
0x1c9: {  	[tilespmem:s18+$0x94D0] =	vst v2;
	v2 =	vmul.f32 v15, v36;
	v15 =	vmul.f32 v20, v36;
	v18 =	vld [tilespmem:s18+$0x6EE0]  }
0x1ca: {  	[tilespmem:s18+$0x94E0] =	vst v13;
	v13 =	vmul.f32 v27, v36;
	v27 =	vmul.f32 v29, v36;
	v20 =	vld [tilespmem:s18+$0x6EF0]  }
0x1cb: {  	v29 =	vbroadcast v1, $0xD;
	[tilespmem:s18+$0x94F0] =	vst v14;
	v14 =	vbroadcast v1, $0xC;
	v34 =	vld [tilespmem:s18+$0x6F00]  }
0x1cc: {  	[tilespmem:s18+$0x9500] =	vst v19;
	v19 =	vbroadcast v1, $0xE;
	v36 =	vld [tilespmem:s18+$0x6F10];
	v1 =	vbroadcast v1, $0xF  }
0x1cd: {  	[tilespmem:s18+$0x9510] =	vst v11;
	v11 =	vmul.f32 v32, v14;
	v32 =	vmul.f32 v35, v14;
	v35 =	vld [tilespmem:s18+$0x6F20]  }
0x1ce: {  	[tilespmem:s18+$0x9520] =	vst v28;
	v28 =	vmul.f32 v37, v14;
	v14 =	vmul.f32 v31, v14;
	v31 =	vld [tilespmem:s18+$0x6F30]  }
0x1cf: {  	v37 =	vmul.f32 v23, v29;
	[tilespmem:s18+$0x9530] =	vst v12;
	v12 =	vmul.f32 v24, v29;
	v23 =	vld [tilespmem:s18+$0x6F40]  }
0x1d0: {  	[tilespmem:s18+$0x9540] =	vst v30;
	v30 =	vmul.f32 v26, v29;
	v29 =	vmul.f32 v33, v29  }
0x1d1: {  	v33 =	vmul.f32 v18, v19;
	[tilespmem:s18+$0x9550] =	vst v8;
	v8 =	vmul.f32 v16, v19  }
0x1d2: {  	v38 =	vmul.f32 v20, v19;
	v34 =	vmul.f32 v34, v19;
	[tilespmem:s18+$0x9560] =	vst v25  }
0x1d3: {  	v36 =	vmul.f32 v36, v1;
	v35 =	vmul.f32 v35, v1;
	[tilespmem:s18+$0x9570] =	vst v7  }
0x1d4: {  	v31 =	vmul.f32 v31, v1;
	[tilespmem:s18+$0x9580] =	vst v9;
	v1 =	vmul.f32 v23, v1  }
0x1d5: {  	[tilespmem:s18+$0x9590] =	vst v5  }
0x1d6: {  	[tilespmem:s18+$0x95A0] =	vst v21  }
0x1d7: {  	s7 =	sshra.s32 s25, $0x2;
	[tilespmem:s18+$0x95B0] =	vst v6  }
0x1d8: {  	v25 =	vld [tilespmem:s7+$0x6B50];
	[tilespmem:s18+$0x95C0] =	vst v22  }
0x1d9: {  	v26 =	vld [tilespmem:s7+$0x6B60];
	[tilespmem:s18+$0x95D0] =	vst v4  }
0x1da: {  	v24 =	vld [tilespmem:s7+$0x6B70];
	[tilespmem:s18+$0x95E0] =	vst v17  }
0x1db: {  	v23 =	vld [tilespmem:s7+$0x6B80];
	[tilespmem:s18+$0x95F0] =	vst v3  }
0x1dc: {  	v21 =	vld [tilespmem:s7+$0x6B90];
	[tilespmem:s18+$0x9600] =	vst v10  }
0x1dd: {  	v22 =	vld [tilespmem:s7+$0x6BA0];
	[tilespmem:s18+$0x9610] =	vst v2  }
0x1de: {  	v20 =	vld [tilespmem:s7+$0x6BB0];
	[tilespmem:s18+$0x9620] =	vst v15  }
0x1df: {  	v19 =	vld [tilespmem:s7+$0x6BC0];
	[tilespmem:s18+$0x9630] =	vst v13  }
0x1e0: {  	v17 =	vld [tilespmem:s7+$0x6BD0];
	[tilespmem:s18+$0x9640] =	vst v27  }
0x1e1: {  	v18 =	vld [tilespmem:s7+$0x6BE0];
	[tilespmem:s18+$0x9650] =	vst v11  }
0x1e2: {  	v16 =	vld [tilespmem:s7+$0x6BF0];
	[tilespmem:s18+$0x9660] =	vst v32  }
0x1e3: {  	v15 =	vld [tilespmem:s7+$0x6C00];
	[tilespmem:s18+$0x9670] =	vst v28  }
0x1e4: {  	v13 =	vld [tilespmem:s7+$0x6C10];
	[tilespmem:s18+$0x9680] =	vst v14  }
0x1e5: {  	v14 =	vld [tilespmem:s7+$0x6C20];
	[tilespmem:s18+$0x9690] =	vst v12  }
0x1e6: {  	v11 =	vld [tilespmem:s7+$0x6C30];
	[tilespmem:s18+$0x96A0] =	vst v37  }
0x1e7: {  	v12 =	vld [tilespmem:s7+$0x6C40];
	[tilespmem:s18+$0x96B0] =	vst v30  }
0x1e8: {  	v9 =	vld [tilespmem:s7+$0x6C50];
	[tilespmem:s18+$0x96C0] =	vst v29  }
0x1e9: {  	v10 =	vld [tilespmem:s7+$0x6C60];
	[tilespmem:s18+$0x96D0] =	vst v8  }
0x1ea: {  	v8 =	vld [tilespmem:s7+$0x6C70];
	[tilespmem:s18+$0x96E0] =	vst v33  }
0x1eb: {  	v7 =	vld [tilespmem:s7+$0x6C80];
	[tilespmem:s18+$0x96F0] =	vst v38  }
0x1ec: {  	v5 =	vld [tilespmem:s7+$0x6C90];
	[tilespmem:s18+$0x9700] =	vst v34  }
.Ltmp13:
0x1ed: {  	v6 =	vld [tilespmem:s7+$0x6CA0];
	[tilespmem:s18+$0x9710] =	vst v36;
	(pc) =	sbr.rel @p2 .LBB2_14-.Ltmp13, $4  }
0x1ee: {  	v4 =	vld [tilespmem:s7+$0x6CB0];
	[tilespmem:s18+$0x9720] =	vst v35  }
0x1ef: {  	v3 =	vld [tilespmem:s7+$0x6CC0];
	[tilespmem:s18+$0x9730] =	vst v31  }
0x1f0: {  	s5 =	sadd.s32 $0x10, s5;
	v2 =	vld [tilespmem:s7+$0x6CD0];
	[tilespmem:s18+$0x9740] =	vst v1;
	s18 =	smov.u32 s7  }
0x1f1: {  	s25 =	sadd.s32 $0x1000, s25;
	v1 =	vld [tilespmem:s5+$0x0]  }
0x1f2: {  	_ =	sdelay $0x3  }
0x1f3: {  	v31 =	vbroadcast v1, $0x0;
	_ =	sdelay $0x1  }
0x1f4: {  	v25 =	vmul.f32 v31, v25  }
0x1f5: {  	v26 =	vmul.f32 v26, v31  }
0x1f6: {  	v36 =	vbroadcast v1, $0x1;
	v24 =	vmul.f32 v24, v31;
	[tilespmem:s18+$0x9350] =	vst v25  }
0x1f7: {  	v23 =	vmul.f32 v23, v31;
	[tilespmem:s18+$0x9360] =	vst v26  }
0x1f8: {  	v21 =	vmul.f32 v21, v36;
	[tilespmem:s18+$0x9370] =	vst v24  }
0x1f9: {  	v22 =	vmul.f32 v22, v36;
	[tilespmem:s18+$0x9380] =	vst v23  }
0x1fa: {  	v57 =	vbroadcast v1, $0x2;
	v20 =	vmul.f32 v20, v36;
	[tilespmem:s18+$0x9390] =	vst v21  }
0x1fb: {  	v19 =	vmul.f32 v19, v36;
	[tilespmem:s18+$0x93A0] =	vst v22  }
0x1fc: {  	v17 =	vmul.f32 v17, v57;
	[tilespmem:s18+$0x93B0] =	vst v20  }
0x1fd: {  	v18 =	vmul.f32 v18, v57;
	[tilespmem:s18+$0x93C0] =	vst v19  }
0x1fe: {  	v58 =	vbroadcast v1, $0x3;
	v16 =	vmul.f32 v16, v57;
	[tilespmem:s18+$0x93D0] =	vst v17  }
0x1ff: {  	v15 =	vmul.f32 v15, v57;
	[tilespmem:s18+$0x93E0] =	vst v18  }
0x200: {  	v13 =	vmul.f32 v13, v58;
	[tilespmem:s18+$0x93F0] =	vst v16  }
0x201: {  	v14 =	vmul.f32 v14, v58;
	[tilespmem:s18+$0x9400] =	vst v15  }
0x202: {  	v59 =	vbroadcast v1, $0x4;
	v11 =	vmul.f32 v11, v58;
	[tilespmem:s18+$0x9410] =	vst v13  }
0x203: {  	v12 =	vmul.f32 v12, v58;
	[tilespmem:s18+$0x9420] =	vst v14  }
0x204: {  	v9 =	vmul.f32 v9, v59;
	[tilespmem:s18+$0x9430] =	vst v11  }
0x205: {  	v10 =	vmul.f32 v10, v59;
	[tilespmem:s18+$0x9440] =	vst v12  }
0x206: {  	v62 =	vbroadcast v1, $0x5;
	v8 =	vmul.f32 v8, v59;
	[tilespmem:s18+$0x9450] =	vst v9  }
0x207: {  	v7 =	vmul.f32 v7, v59;
	[tilespmem:s18+$0x9460] =	vst v10  }
0x208: {  	v27 =	vld [tilespmem:s18+$0x6CE0];
	v5 =	vmul.f32 v5, v62;
	[tilespmem:s18+$0x9470] =	vst v8  }
0x209: {  	v28 =	vld [tilespmem:s18+$0x6CF0];
	v6 =	vmul.f32 v6, v62;
	[tilespmem:s18+$0x9480] =	vst v7  }
0x20a: {  	v29 =	vld [tilespmem:s18+$0x6D00];
	v43 =	vbroadcast v1, $0x6;
	v4 =	vmul.f32 v4, v62;
	[tilespmem:s18+$0x9490] =	vst v5  }
0x20b: {  	v30 =	vld [tilespmem:s18+$0x6D10];
	v3 =	vmul.f32 v3, v62;
	[tilespmem:s18+$0x94A0] =	vst v6  }
0x20c: {  	v32 =	vld [tilespmem:s18+$0x6D20];
	v2 =	vmul.f32 v2, v43;
	[tilespmem:s18+$0x94B0] =	vst v4  }
0x20d: {  	v33 =	vld [tilespmem:s18+$0x6D30];
	v27 =	vmul.f32 v27, v43;
	[tilespmem:s18+$0x94C0] =	vst v3  }
0x20e: {  	v34 =	vld [tilespmem:s18+$0x6D40];
	v46 =	vbroadcast v1, $0x7;
	v28 =	vmul.f32 v28, v43;
	[tilespmem:s18+$0x94D0] =	vst v2  }
0x20f: {  	v35 =	vld [tilespmem:s18+$0x6D50];
	v29 =	vmul.f32 v29, v43;
	[tilespmem:s18+$0x94E0] =	vst v27  }
0x210: {  	v56 =	vld [tilespmem:s18+$0x6D60];
	v30 =	vmul.f32 v30, v46;
	[tilespmem:s18+$0x94F0] =	vst v28  }
0x211: {  	v60 =	vld [tilespmem:s18+$0x6E60];
	v49 =	vmul.f32 v32, v46;
	[tilespmem:s18+$0x9500] =	vst v29  }
0x212: {  	v61 =	vld [tilespmem:s18+$0x6E70];
	v52 =	vbroadcast v1, $0x8;
	v51 =	vmul.f32 v33, v46;
	[tilespmem:s18+$0x9510] =	vst v30  }
0x213: {  	v63 =	vld [tilespmem:s18+$0x6E80];
	v34 =	vmul.f32 v34, v46;
	[tilespmem:s18+$0x9520] =	vst v49  }
0x214: {  	v40 =	vld [tilespmem:s18+$0x6E90];
	v54 =	vmul.f32 v35, v52;
	v59 =	vbroadcast v1, $0xC;
	[tilespmem:s18+$0x9530] =	vst v51  }
0x215: {  	v41 =	vld [tilespmem:s18+$0x6EA0];
	v25 =	vmul.f32 v56, v52;
	[tilespmem:s18+$0x9540] =	vst v34  }
0x216: {  	v42 =	vld [tilespmem:s18+$0x6EB0];
	[tilespmem:s18+$0x9550] =	vst v54;
	v9 =	vmul.f32 v60, v59  }
0x217: {  	v44 =	vld [tilespmem:s18+$0x6EC0];
	v60 =	vbroadcast v1, $0xD;
	v10 =	vmul.f32 v61, v59;
	[tilespmem:s18+$0x9560] =	vst v25  }
0x218: {  	v45 =	vld [tilespmem:s18+$0x6EF0];
	v57 =	vbroadcast v1, $0xA;
	v8 =	vmul.f32 v63, v59;
	[tilespmem:s18+$0x9660] =	vst v9  }
0x219: {  	v50 =	vld [tilespmem:s18+$0x6F20];
	v58 =	vbroadcast v1, $0xB;
	v7 =	vmul.f32 v40, v60;
	[tilespmem:s18+$0x9670] =	vst v10  }
0x21a: {  	v26 =	vld [tilespmem:s18+$0x6D70];
	v56 =	vbroadcast v1, $0x9;
	v5 =	vmul.f32 v41, v60;
	[tilespmem:s18+$0x9680] =	vst v8  }
0x21b: {  	v24 =	vld [tilespmem:s18+$0x6D80];
	v61 =	vbroadcast v1, $0xE;
	v6 =	vmul.f32 v42, v60;
	[tilespmem:s18+$0x9690] =	vst v7  }
0x21c: {  	v23 =	vld [tilespmem:s18+$0x6D90];
	v1 =	vbroadcast v1, $0xF;
	v4 =	vmul.f32 v44, v60;
	[tilespmem:s18+$0x96A0] =	vst v5  }
0x21d: {  	v21 =	vld [tilespmem:s18+$0x6DA0];
	v62 =	vmul.f32 v45, v61;
	[tilespmem:s18+$0x96B0] =	vst v6  }
0x21e: {  	v22 =	vld [tilespmem:s18+$0x6DB0];
	v63 =	vmul.f32 v50, v1;
	[tilespmem:s18+$0x96C0] =	vst v4  }
0x21f: {  	v20 =	vld [tilespmem:s18+$0x6DC0];
	[tilespmem:s18+$0x96F0] =	vst v62;
	v26 =	vmul.f32 v26, v52  }
0x220: {  	v19 =	vld [tilespmem:s18+$0x6DD0];
	[tilespmem:s18+$0x9720] =	vst v63;
	v24 =	vmul.f32 v24, v52  }
0x221: {  	v17 =	vld [tilespmem:s18+$0x6DE0];
	v23 =	vmul.f32 v23, v56;
	[tilespmem:s18+$0x9570] =	vst v26  }
0x222: {  	v18 =	vld [tilespmem:s18+$0x6DF0];
	v21 =	vmul.f32 v21, v56;
	[tilespmem:s18+$0x9580] =	vst v24  }
0x223: {  	v16 =	vld [tilespmem:s18+$0x6E00];
	v22 =	vmul.f32 v22, v56;
	[tilespmem:s18+$0x9590] =	vst v23  }
0x224: {  	v15 =	vld [tilespmem:s18+$0x6E10];
	v20 =	vmul.f32 v20, v56;
	[tilespmem:s18+$0x95A0] =	vst v21  }
0x225: {  	v13 =	vld [tilespmem:s18+$0x6E20];
	v19 =	vmul.f32 v19, v57;
	[tilespmem:s18+$0x95B0] =	vst v22  }
0x226: {  	v14 =	vld [tilespmem:s18+$0x6E30];
	v17 =	vmul.f32 v17, v57;
	[tilespmem:s18+$0x95C0] =	vst v20  }
0x227: {  	v11 =	vld [tilespmem:s18+$0x6E40];
	v18 =	vmul.f32 v18, v57;
	[tilespmem:s18+$0x95D0] =	vst v19  }
0x228: {  	v12 =	vld [tilespmem:s18+$0x6E50];
	v16 =	vmul.f32 v16, v57;
	[tilespmem:s18+$0x95E0] =	vst v17  }
0x229: {  	v3 =	vld [tilespmem:s18+$0x6ED0];
	v15 =	vmul.f32 v15, v58;
	[tilespmem:s18+$0x95F0] =	vst v18  }
0x22a: {  	v2 =	vld [tilespmem:s18+$0x6EE0];
	v13 =	vmul.f32 v13, v58;
	[tilespmem:s18+$0x9600] =	vst v16  }
0x22b: {  	v47 =	vld [tilespmem:s18+$0x6F00];
	v14 =	vmul.f32 v14, v58;
	[tilespmem:s18+$0x9610] =	vst v15  }
0x22c: {  	v48 =	vld [tilespmem:s18+$0x6F10];
	v11 =	vmul.f32 v11, v58;
	[tilespmem:s18+$0x9620] =	vst v13  }
0x22d: {  	v53 =	vld [tilespmem:s18+$0x6F30];
	v12 =	vmul.f32 v12, v59;
	[tilespmem:s18+$0x9630] =	vst v14  }
0x22e: {  	v55 =	vld [tilespmem:s18+$0x6F40];
	v3 =	vmul.f32 v3, v61;
	[tilespmem:s18+$0x9640] =	vst v11  }
0x22f: {  	v2 =	vmul.f32 v2, v61;
	[tilespmem:s18+$0x9650] =	vst v12  }
0x230: {  	[tilespmem:s18+$0x96D0] =	vst v3;
	v3 =	vmul.f32 v47, v61  }
.Ltmp14:
0x231: {  	[tilespmem:s18+$0x96E0] =	vst v2;
	v2 =	vmul.f32 v48, v1;
	(pc) =	sbr.rel @p0 .LBB2_21-.Ltmp14, $4  }
0x232: {  	[tilespmem:s18+$0x9700] =	vst v3;
	v3 =	vmul.f32 v53, v1  }
0x233: {  	[tilespmem:s18+$0x9710] =	vst v2;
	v1 =	vmul.f32 v55, v1  }
0x234: {  	[tilespmem:s18+$0x9730] =	vst v3  }
0x235: {  	[tilespmem:s18+$0x9740] =	vst v1  }
0x236: {  	s5 =	simm.s32 $0x0  }
0x237: {  	s18 =	simm.s32 $0xD340;
	v2 =	vld [tilespmem:s5+$0xBF40]  }
0x238: {  	s25 =	simm.s32 $0x400;
	v1 =	vld [tilespmem:s18+$0x0]  }
.LBB2_17:
0x239: {  	p2 =	sne.s32 s25, $0x1000;
	v3 =	vld [tilespmem:s5+$0xBF50]  }
0x23a: {  	v4 =	vld [tilespmem:s5+$0xBF60]  }
0x23b: {  	v5 =	vld [tilespmem:s5+$0xBF70]  }
0x23c: {  	v6 =	vld [tilespmem:s5+$0xBF80]  }
0x23d: {  	v7 =	vbroadcast v1, $0x0;
	v8 =	vbroadcast v1, $0x1;
	v9 =	vld [tilespmem:s5+$0xBF90]  }
0x23e: {  	v10 =	vbroadcast v1, $0x2;
	v11 =	vbroadcast v1, $0x3;
	v12 =	vld [tilespmem:s5+$0xBFA0]  }
0x23f: {  	v2 =	vmul.f32 v7, v2;
	v3 =	vmul.f32 v3, v8;
	v7 =	vld [tilespmem:s5+$0xBFB0]  }
0x240: {  	v4 =	vmul.f32 v4, v10;
	v5 =	vmul.f32 v5, v11;
	v8 =	vld [tilespmem:s5+$0xBFC0]  }
0x241: {  	v10 =	vbroadcast v1, $0x5;
	[tilespmem:s5+$0xC940] =	vst v2;
	v2 =	vbroadcast v1, $0x4;
	v11 =	vld [tilespmem:s5+$0xBFD0]  }
0x242: {  	v13 =	vbroadcast v1, $0x7;
	[tilespmem:s5+$0xC950] =	vst v3;
	v3 =	vbroadcast v1, $0x6;
	v14 =	vld [tilespmem:s5+$0xBFE0]  }
0x243: {  	[tilespmem:s5+$0xC960] =	vst v4;
	v2 =	vmul.f32 v6, v2;
	v4 =	vmul.f32 v9, v10;
	v6 =	vld [tilespmem:s5+$0xBFF0]  }
0x244: {  	[tilespmem:s5+$0xC970] =	vst v5;
	v3 =	vmul.f32 v12, v3;
	v5 =	vmul.f32 v7, v13;
	v7 =	vld [tilespmem:s5+$0xC000]  }
0x245: {  	v9 =	vbroadcast v1, $0x9;
	[tilespmem:s5+$0xC980] =	vst v2;
	v2 =	vbroadcast v1, $0x8;
	v10 =	vld [tilespmem:s5+$0xC010]  }
0x246: {  	v12 =	vbroadcast v1, $0xB;
	[tilespmem:s5+$0xC990] =	vst v4;
	v4 =	vbroadcast v1, $0xA;
	v13 =	vld [tilespmem:s5+$0xC020]  }
0x247: {  	[tilespmem:s5+$0xC9A0] =	vst v3;
	v2 =	vmul.f32 v8, v2;
	v3 =	vmul.f32 v11, v9;
	v8 =	vld [tilespmem:s5+$0xC030]  }
0x248: {  	[tilespmem:s5+$0xC9B0] =	vst v5;
	v4 =	vmul.f32 v14, v4;
	v5 =	vmul.f32 v6, v12  }
0x249: {  	v6 =	vbroadcast v1, $0xD;
	[tilespmem:s5+$0xC9C0] =	vst v2;
	v2 =	vbroadcast v1, $0xC  }
0x24a: {  	[tilespmem:s5+$0xC9D0] =	vst v3;
	v3 =	vbroadcast v1, $0xE;
	v1 =	vbroadcast v1, $0xF  }
0x24b: {  	[tilespmem:s5+$0xC9E0] =	vst v4;
	v2 =	vmul.f32 v7, v2;
	v4 =	vmul.f32 v10, v6  }
0x24c: {  	[tilespmem:s5+$0xC9F0] =	vst v5;
	v3 =	vmul.f32 v13, v3;
	v1 =	vmul.f32 v8, v1  }
.Ltmp15:
0x24d: {  	[tilespmem:s5+$0xCA00] =	vst v2;
	(pc) =	sbr.rel @p2 .LBB2_17-.Ltmp15, $4  }
0x24e: {  	[tilespmem:s5+$0xCA10] =	vst v4  }
0x24f: {  	s7 =	sshra.s32 s25, $0x2;
	[tilespmem:s5+$0xCA20] =	vst v3  }
0x250: {  	s18 =	sadd.s32 $0x10, s18;
	v2 =	vld [tilespmem:s7+$0xBF40];
	[tilespmem:s5+$0xCA30] =	vst v1;
	s5 =	smov.u32 s7  }
0x251: {  	s25 =	sadd.s32 $0x400, s25;
	v1 =	vld [tilespmem:s18+$0x0]  }
0x252: {  	_ =	sdelay $0x1  }
0x253: {  	v3 =	vld [tilespmem:s5+$0xBF50]  }
0x254: {  	v4 =	vld [tilespmem:s5+$0xBF60]  }
0x255: {  	v5 =	vld [tilespmem:s5+$0xBF70];
	v7 =	vbroadcast v1, $0x0  }
0x256: {  	v6 =	vld [tilespmem:s5+$0xBF80];
	v10 =	vbroadcast v1, $0x1  }
0x257: {  	v8 =	vld [tilespmem:s5+$0xBF90];
	v12 =	vbroadcast v1, $0x2;
	v2 =	vmul.f32 v7, v2  }
0x258: {  	v9 =	vld [tilespmem:s5+$0xBFA0];
	v48 =	vbroadcast v1, $0x3;
	v3 =	vmul.f32 v3, v10  }
0x259: {  	v47 =	vld [tilespmem:s5+$0xBFB0];
	v49 =	vbroadcast v1, $0x4;
	v4 =	vmul.f32 v4, v12;
	[tilespmem:s5+$0xC940] =	vst v2  }
0x25a: {  	v54 =	vld [tilespmem:s5+$0xC010];
	v51 =	vbroadcast v1, $0x5;
	v5 =	vmul.f32 v5, v48;
	[tilespmem:s5+$0xC950] =	vst v3  }
0x25b: {  	v11 =	vld [tilespmem:s5+$0xBFC0];
	v53 =	vbroadcast v1, $0x6;
	v6 =	vmul.f32 v6, v49;
	[tilespmem:s5+$0xC960] =	vst v4  }
0x25c: {  	v55 =	vbroadcast v1, $0x7;
	v8 =	vmul.f32 v8, v51;
	v2 =	vld [tilespmem:s5+$0xBFD0];
	[tilespmem:s5+$0xC970] =	vst v5  }
0x25d: {  	v62 =	vbroadcast v1, $0xD;
	v9 =	vmul.f32 v9, v53;
	v3 =	vld [tilespmem:s5+$0xBFE0];
	[tilespmem:s5+$0xC980] =	vst v6  }
0x25e: {  	v50 =	vld [tilespmem:s5+$0xBFF0];
	v56 =	vbroadcast v1, $0x8;
	v7 =	vmul.f32 v47, v55;
	[tilespmem:s5+$0xC990] =	vst v8  }
0x25f: {  	v52 =	vld [tilespmem:s5+$0xC000];
	v58 =	vbroadcast v1, $0x9;
	v63 =	vmul.f32 v54, v62;
	[tilespmem:s5+$0xC9A0] =	vst v9  }
0x260: {  	v57 =	vld [tilespmem:s5+$0xC020];
	v59 =	vbroadcast v1, $0xA;
	v8 =	vmul.f32 v11, v56;
	[tilespmem:s5+$0xC9B0] =	vst v7  }
0x261: {  	v60 =	vld [tilespmem:s5+$0xC030];
	v13 =	vbroadcast v1, $0xB;
	[tilespmem:s5+$0xCA10] =	vst v63;
	v2 =	vmul.f32 v2, v58  }
0x262: {  	v61 =	vbroadcast v1, $0xC;
	[tilespmem:s5+$0xC9C0] =	vst v8;
	v3 =	vmul.f32 v3, v59  }
0x263: {  	p2 =	seq.s32 s0, $0x18;
	v4 =	vmul.f32 v50, v13;
	[tilespmem:s5+$0xC9D0] =	vst v2;
	v2 =	vbroadcast v1, $0xE  }
.Ltmp16:
0x264: {  	[tilespmem:s5+$0xC9E0] =	vst v3;
	v3 =	vmul.f32 v52, v61;
	v1 =	vbroadcast v1, $0xF;
	(pc) =	sbr.rel @!p2 .LBB2_19-.Ltmp16, $4  }
0x265: {  	[tilespmem:s5+$0xC9F0] =	vst v4;
	v2 =	vmul.f32 v57, v2  }
0x266: {  	[tilespmem:s5+$0xCA00] =	vst v3;
	v1 =	vmul.f32 v60, v1  }
0x267: {  	[tilespmem:s5+$0xCA20] =	vst v2  }
0x268: {  	[tilespmem:s5+$0xCA30] =	vst v1  }
.Ltmp17:
0x269: {  	(pc) =	sbr.rel .LBB2_24-.Ltmp17, $4  }
0x26a: {  	_ = 	snop  }
0x26b: {  	[spmem:s11] =	stream.indirect.scatter.add.f32 [tilespmem:s16], [sflag:$0x3], $0x40, s17, s20, $0xb8;
	[tilespmem:$0x1C8E0] =	vst v63  }
0x26c: {  	_ = 	snop  }
0x26d: {  	[spmem:s12] =	stream.indirect.scatter.add.f32 [tilespmem:s22], [sflag:$0x3], $0x10, s17, s20, $0xb8;
	[tilespmem:$0x1C8E0] =	vst v63  }
.LBB2_21:
0x26e: {  	p2 =	sne.s32 s0, $0x18  }
.Ltmp18:
0x26f: {  	_ = 	snop;
	(pc) =	sbr.rel @p2 .LBB2_25-.Ltmp18, $1  }
0x270: {  	_ =	sdelay $0x3  }
.Ltmp19:
0x271: {  	(pc) =	sbr.rel .LBB2_26-.Ltmp19, $4  }
0x272: {  	_ = 	snop  }
0x273: {  	[spmem:s11] =	stream.indirect.scatter.add.f32 [tilespmem:s16], [sflag:$0x3], $0x40, s17, s20, $0xb8;
	[tilespmem:$0x1C8E0] =	vst v63  }
0x274: {  	_ = 	snop  }
0x275: {  	[spmem:s15] =	stream.indirect.scatter.add.f32 [tilespmem:s13], [sflag:$0x3], $0x1, s17, s20, $0xb8;
	[tilespmem:$0x1C8E0] =	vst v63  }
.LBB2_19:
0x276: {  	s5 =	sadd.s32 $0x2, s9  }
0x277: {  	s7 =	smul.u32 $0x140, s5  }
0x278: {  	s5 =	sadd.s32 s14, s5  }
0x279: {  	s5 =	smul.u32 $0x50, s5;
	s7 =	sshra.s32 s7, $0x2  }
0x27a: {  	[tilespmem:s3], [sflag:$0x1] =	stream.indirect.gather [hbm4b:s1+s20], $0x40, s7, s20, $0xb8;
	[tilespmem:$0x1C8E0] =	vst v63  }
0x27b: {  	s5 =	sadd.s32 s31, s5  }
0x27c: {  	s5 =	sshll.u32 s5, $0x1  }
0x27d: {  	s25 =	simm.s32 $0xBF40;
	s5 =	sadd.s32 s21, s5  }
0x27e: {  	[tilespmem:s25], [sflag:$0x1] =	stream.linear.gather [hbm4b:s5+s10], $0x500, $0x38;
	[tilespmem:$0x1C8E0] =	vst v63  }
.Ltmp20:
0x27f: {  	_ = 	snop;
	(pc) =	sbr.rel @p1 .LBB2_20-.Ltmp20, $4  }
0x280: {  	_ = 	snop  }
0x281: {  	[spmem:s11] =	stream.indirect.scatter.add.f32 [tilespmem:s16], [sflag:$0x3], $0x40, s17, s20, $0xb8;
	[tilespmem:$0x1C8E0] =	vst v63  }
0x282: {  	_ = 	snop  }
0x283: {  	[spmem:s12] =	stream.indirect.scatter.add.f32 [tilespmem:s22], [sflag:$0x3], $0x10, s17, s20, $0xb8;
	[tilespmem:$0x1C8E0] =	vst v63  }
.LBB2_24:
0x284: {  	_ =	swait.ge [sflag:s23], $0x1400  }
0x285: {  	[sflag:s23] =	ssyncset.done $0x0  }
0x286: {  	[sflag:s23] =	ssyncadd.s32 $0xFFFFEC00  }
0x287: {  	_ =	swait.ge [sflag:s23], $0x500  }
0x288: {  	[sflag:s23] =	ssyncset.done $0x0  }
0x289: {  	[sflag:s23] =	ssyncadd.s32 $0xFFFFFB00  }
.LBB2_20:
0x28a: {  	_ =	swait.ge [sflag:s24], $0x1400  }
.Ltmp21:
0x28b: {  	[sflag:s24] =	ssyncset.done $0x0;
	(pc) =	sbr.rel .LBB2_28-.Ltmp21, $4  }
0x28c: {  	[sflag:s24] =	ssyncadd.s32 $0xFFFFEC00  }
0x28d: {  	_ =	swait.ge [sflag:s24], $0x500  }
0x28e: {  	[sflag:s24] =	ssyncset.done $0x0  }
0x28f: {  	[sflag:s24] =	ssyncadd.s32 $0xFFFFFB00  }
.LBB2_25:
0x290: {  	s5 =	smul.u32 $0x280, s0;
	_ =	sdelay $0x1  }
0x291: {  	s5 =	sshra.s32 s5, $0x2  }
0x292: {  	s5 =	sadd.s32 $0xA0, s5  }
0x293: {  	[tilespmem:s3], [sflag:$0x1] =	stream.indirect.gather [hbm4b:s1+s20], $0x40, s5, s20, $0xb8;
	[tilespmem:$0x1C8E0] =	vst v63  }
.Ltmp22:
0x294: {  	_ = 	snop;
	(pc) =	sbr.rel @p1 .LBB2_27-.Ltmp22, $4  }
0x295: {  	_ = 	snop  }
0x296: {  	[spmem:s11] =	stream.indirect.scatter.add.f32 [tilespmem:s16], [sflag:$0x3], $0x40, s17, s20, $0xb8;
	[tilespmem:$0x1C8E0] =	vst v63  }
0x297: {  	_ = 	snop  }
0x298: {  	[spmem:s15] =	stream.indirect.scatter.add.f32 [tilespmem:s13], [sflag:$0x3], $0x1, s17, s20, $0xb8;
	[tilespmem:$0x1C8E0] =	vst v63  }
.LBB2_26:
0x299: {  	_ =	swait.ge [sflag:s23], $0x1400  }
0x29a: {  	[sflag:s23] =	ssyncset.done $0x0  }
0x29b: {  	[sflag:s23] =	ssyncadd.s32 $0xFFFFEC00  }
0x29c: {  	_ =	swait.ge [sflag:s23], $0x50  }
0x29d: {  	[sflag:s23] =	ssyncset.done $0x0  }
0x29e: {  	[sflag:s23] =	ssyncadd.s32 $0xFFFFFFB0  }
.LBB2_27:
0x29f: {  	_ =	swait.ge [sflag:s24], $0x1400  }
0x2a0: {  	[sflag:s24] =	ssyncset.done $0x0  }
0x2a1: {  	p2 =	seq.s32 s0, $0x18;
	[sflag:s24] =	ssyncadd.s32 $0xFFFFEC00  }
.LBB2_28:
0x2a2: {  	v1 =	vld [tilespmem:s19+$0x50]  }
0x2a3: {  	v2 =	vld [tilespmem:s19+$0xFF0];
	_ =	sdelay $0x6  }
0x2a4: {  	v1 =	vld.idx.msk [tilespmem:v1+s6+$0x0], $0xffff  }
0x2a5: {  	v2 =	vld.idx.msk [tilespmem:v2+s8+$0x0], $0xffff;
	_ =	sdelay $0x4  }
0x2a6: {  	v1 =	vadd.f32 v2, v1;
	_ =	sdelay $0x1  }
0x2a7: {  	v2 =	vmul.f32 $9.999999770e-03, v1  }
0x2a8: {  	vm0 =	vge.f32 v1, $0.0e+00  }
0x2a9: {  	v1 =	vsel vm0, v1, v2  }
0x2aa: {  	v1 =	vmul.f32 $1.442695020e+00, v1;
	_ =	sdelay $0x1  }
0x2ab: {  	(erf) = vpow2.f32 v1;
	_ =	sdelay $0x8  }
0x2ac: {  	v1 =	vpop (erf)  }
0x2ad: {  	[tilespmem:$0xD390] =	vst v1  }
0x2ae: {  	v1 =	vld [tilespmem:s19+$0x60]  }
0x2af: {  	v2 =	vld [tilespmem:s19+$0x1000];
	_ =	sdelay $0x6  }
0x2b0: {  	v1 =	vld.idx.msk [tilespmem:v1+s6+$0x0], $0xffff  }
0x2b1: {  	v2 =	vld.idx.msk [tilespmem:v2+s8+$0x0], $0xffff;
	_ =	sdelay $0x4  }
0x2b2: {  	v1 =	vadd.f32 v2, v1;
	_ =	sdelay $0x1  }
0x2b3: {  	v2 =	vmul.f32 $9.999999770e-03, v1  }
0x2b4: {  	vm12 =	vge.f32 v1, $0.0e+00  }
0x2b5: {  	v1 =	vsel vm12, v1, v2  }
0x2b6: {  	v1 =	vmul.f32 $1.442695020e+00, v1;
	_ =	sdelay $0x1  }
0x2b7: {  	(erf) = vpow2.f32 v1;
	_ =	sdelay $0x8  }
0x2b8: {  	v1 =	vpop (erf)  }
0x2b9: {  	[tilespmem:$0xD3A0] =	vst v1  }
0x2ba: {  	v1 =	vld [tilespmem:s19+$0x70]  }
0x2bb: {  	v2 =	vld [tilespmem:s19+$0x1010];
	_ =	sdelay $0x6  }
0x2bc: {  	v1 =	vld.idx.msk [tilespmem:v1+s6+$0x0], $0xffff  }
0x2bd: {  	v2 =	vld.idx.msk [tilespmem:v2+s8+$0x0], $0xffff;
	_ =	sdelay $0x4  }
0x2be: {  	v1 =	vadd.f32 v2, v1;
	_ =	sdelay $0x1  }
0x2bf: {  	v2 =	vmul.f32 $9.999999770e-03, v1  }
0x2c0: {  	vm13 =	vge.f32 v1, $0.0e+00  }
0x2c1: {  	v1 =	vsel vm13, v1, v2  }
0x2c2: {  	v1 =	vmul.f32 $1.442695020e+00, v1;
	_ =	sdelay $0x1  }
0x2c3: {  	(erf) = vpow2.f32 v1;
	_ =	sdelay $0x8  }
0x2c4: {  	v1 =	vpop (erf)  }
0x2c5: {  	[tilespmem:$0xD3B0] =	vst v1  }
0x2c6: {  	v1 =	vld [tilespmem:s19+$0x80]  }
0x2c7: {  	v2 =	vld [tilespmem:s19+$0x1020];
	_ =	sdelay $0x6  }
0x2c8: {  	v1 =	vld.idx.msk [tilespmem:v1+s6+$0x0], $0xffff  }
0x2c9: {  	v2 =	vld.idx.msk [tilespmem:v2+s8+$0x0], $0xffff;
	_ =	sdelay $0x4  }
0x2ca: {  	v1 =	vadd.f32 v2, v1;
	_ =	sdelay $0x1  }
0x2cb: {  	v2 =	vmul.f32 $9.999999770e-03, v1  }
0x2cc: {  	vm14 =	vge.f32 v1, $0.0e+00  }
0x2cd: {  	v1 =	vsel vm14, v1, v2  }
0x2ce: {  	v1 =	vmul.f32 $1.442695020e+00, v1;
	_ =	sdelay $0x1  }
0x2cf: {  	(erf) = vpow2.f32 v1;
	_ =	sdelay $0x8  }
0x2d0: {  	v1 =	vpop (erf)  }
0x2d1: {  	[tilespmem:$0xD3C0] =	vst v1  }
0x2d2: {  	v1 =	vld [tilespmem:s19+$0x90]  }
0x2d3: {  	v2 =	vld [tilespmem:s19+$0x1030];
	_ =	sdelay $0x6  }
0x2d4: {  	v1 =	vld.idx.msk [tilespmem:v1+s6+$0x0], $0xffff  }
0x2d5: {  	v2 =	vld.idx.msk [tilespmem:v2+s8+$0x0], $0xffff;
	_ =	sdelay $0x4  }
0x2d6: {  	v1 =	vadd.f32 v2, v1;
	_ =	sdelay $0x1  }
0x2d7: {  	v2 =	vmul.f32 $9.999999770e-03, v1  }
0x2d8: {  	vm15 =	vge.f32 v1, $0.0e+00  }
0x2d9: {  	v1 =	vsel vm15, v1, v2  }
0x2da: {  	v1 =	vmul.f32 $1.442695020e+00, v1;
	_ =	sdelay $0x1  }
0x2db: {  	(erf) = vpow2.f32 v1;
	_ =	sdelay $0x8  }
0x2dc: {  	v1 =	vpop (erf)  }
0x2dd: {  	s18 =	simm.s32 $0x3F0;
	[tilespmem:$0xD3D0] =	vst v1  }
0x2de: {  	v25 =	vld [tilespmem:s18+$0x7F50]  }
0x2df: {  	v26 =	vld [tilespmem:s18+$0x7F60]  }
0x2e0: {  	v24 =	vld [tilespmem:s18+$0x7F70]  }
0x2e1: {  	v23 =	vld [tilespmem:s18+$0x7F80]  }
0x2e2: {  	v21 =	vld [tilespmem:s18+$0x7F90]  }
0x2e3: {  	v22 =	vld [tilespmem:s18+$0x7FA0]  }
0x2e4: {  	v20 =	vld [tilespmem:s18+$0x7FB0]  }
0x2e5: {  	v19 =	vld [tilespmem:s18+$0x7FC0]  }
0x2e6: {  	v17 =	vld [tilespmem:s18+$0x7FD0]  }
0x2e7: {  	v18 =	vld [tilespmem:s18+$0x7FE0]  }
0x2e8: {  	v16 =	vld [tilespmem:s18+$0x7FF0]  }
0x2e9: {  	v15 =	vld [tilespmem:s18+$0x8000]  }
0x2ea: {  	v13 =	vld [tilespmem:s18+$0x8010]  }
0x2eb: {  	v14 =	vld [tilespmem:s18+$0x8020]  }
0x2ec: {  	v11 =	vld [tilespmem:s18+$0x8030]  }
0x2ed: {  	v12 =	vld [tilespmem:s18+$0x8040]  }
0x2ee: {  	v9 =	vld [tilespmem:s18+$0x8050]  }
0x2ef: {  	v10 =	vld [tilespmem:s18+$0x8060]  }
0x2f0: {  	v8 =	vld [tilespmem:s18+$0x8070]  }
0x2f1: {  	v7 =	vld [tilespmem:s18+$0x8080]  }
0x2f2: {  	v5 =	vld [tilespmem:s18+$0x8090]  }
0x2f3: {  	v6 =	vld [tilespmem:s18+$0x80A0]  }
0x2f4: {  	v4 =	vld [tilespmem:s18+$0x80B0]  }
0x2f5: {  	v3 =	vld [tilespmem:s18+$0x80C0]  }
0x2f6: {  	s5 =	simm.s32 $0xD390;
	v2 =	vld [tilespmem:s18+$0x80D0]  }
0x2f7: {  	s17 =	sadd.s32 $0xFF0, s19;
	s19 =	simm.s32 $0x1FC0;
	v1 =	vld [tilespmem:s5+$0x0]  }
.LBB2_29:
0x2f8: {  	p1 =	sne.s32 s19, $0x4FC0;
	v27 =	vld [tilespmem:s18+$0x80E0]  }
0x2f9: {  	v28 =	vld [tilespmem:s18+$0x80F0]  }
0x2fa: {  	v29 =	vld [tilespmem:s18+$0x8100]  }
0x2fb: {  	v30 =	vld [tilespmem:s18+$0x8110]  }
0x2fc: {  	v31 =	vbroadcast v1, $0x0;
	v32 =	vbroadcast v1, $0x1;
	v33 =	vld [tilespmem:s18+$0x8120]  }
0x2fd: {  	v34 =	vbroadcast v1, $0x2;
	v35 =	vbroadcast v1, $0x3;
	v36 =	vld [tilespmem:s18+$0x8130]  }
0x2fe: {  	v25 =	vmul.f32 v31, v25;
	v26 =	vmul.f32 v26, v31;
	v37 =	vld [tilespmem:s18+$0x8140]  }
0x2ff: {  	v24 =	vmul.f32 v24, v31;
	v23 =	vmul.f32 v23, v31;
	v31 =	vld [tilespmem:s18+$0x8150]  }
0x300: {  	v21 =	vmul.f32 v21, v32;
	v22 =	vmul.f32 v22, v32;
	[tilespmem:s18+$0xA750] =	vst v25;
	v25 =	vld [tilespmem:s18+$0x8160]  }
0x301: {  	v20 =	vmul.f32 v20, v32;
	v19 =	vmul.f32 v19, v32;
	[tilespmem:s18+$0xA760] =	vst v26;
	v26 =	vld [tilespmem:s18+$0x8170]  }
0x302: {  	v17 =	vmul.f32 v17, v34;
	v18 =	vmul.f32 v18, v34;
	[tilespmem:s18+$0xA770] =	vst v24;
	v24 =	vld [tilespmem:s18+$0x8180]  }
0x303: {  	v16 =	vmul.f32 v16, v34;
	v15 =	vmul.f32 v15, v34;
	[tilespmem:s18+$0xA780] =	vst v23;
	v23 =	vld [tilespmem:s18+$0x8190]  }
0x304: {  	v13 =	vmul.f32 v13, v35;
	v14 =	vmul.f32 v14, v35;
	[tilespmem:s18+$0xA790] =	vst v21;
	v21 =	vld [tilespmem:s18+$0x81A0]  }
0x305: {  	v11 =	vmul.f32 v11, v35;
	v12 =	vmul.f32 v12, v35;
	[tilespmem:s18+$0xA7A0] =	vst v22;
	v22 =	vld [tilespmem:s18+$0x81B0]  }
0x306: {  	v32 =	vbroadcast v1, $0x5;
	[tilespmem:s18+$0xA7B0] =	vst v20;
	v20 =	vbroadcast v1, $0x4;
	v34 =	vld [tilespmem:s18+$0x81C0]  }
0x307: {  	v35 =	vbroadcast v1, $0x7;
	[tilespmem:s18+$0xA7C0] =	vst v19;
	v19 =	vbroadcast v1, $0x6;
	v38 =	vld [tilespmem:s18+$0x81D0]  }
0x308: {  	[tilespmem:s18+$0xA7D0] =	vst v17;
	v9 =	vmul.f32 v9, v20;
	v10 =	vmul.f32 v10, v20;
	v17 =	vld [tilespmem:s18+$0x81E0]  }
0x309: {  	v8 =	vmul.f32 v8, v20;
	v7 =	vmul.f32 v7, v20;
	[tilespmem:s18+$0xA7E0] =	vst v18;
	v18 =	vld [tilespmem:s18+$0x81F0]  }
0x30a: {  	v5 =	vmul.f32 v5, v32;
	v6 =	vmul.f32 v6, v32;
	[tilespmem:s18+$0xA7F0] =	vst v16;
	v16 =	vld [tilespmem:s18+$0x8200]  }
0x30b: {  	v4 =	vmul.f32 v4, v32;
	v3 =	vmul.f32 v3, v32;
	[tilespmem:s18+$0xA800] =	vst v15;
	v15 =	vld [tilespmem:s18+$0x8210]  }
0x30c: {  	v2 =	vmul.f32 v2, v19;
	[tilespmem:s18+$0xA810] =	vst v13;
	v13 =	vmul.f32 v27, v19;
	v20 =	vld [tilespmem:s18+$0x8220]  }
0x30d: {  	[tilespmem:s18+$0xA820] =	vst v14;
	v14 =	vmul.f32 v28, v19;
	v19 =	vmul.f32 v29, v19;
	v27 =	vld [tilespmem:s18+$0x8230]  }
0x30e: {  	v28 =	vmul.f32 v33, v35;
	[tilespmem:s18+$0xA830] =	vst v11;
	v11 =	vmul.f32 v30, v35;
	v29 =	vld [tilespmem:s18+$0x8240]  }
0x30f: {  	v30 =	vmul.f32 v37, v35;
	[tilespmem:s18+$0xA840] =	vst v12;
	v12 =	vmul.f32 v36, v35;
	v32 =	vld [tilespmem:s18+$0x8250]  }
0x310: {  	v33 =	vbroadcast v1, $0x9;
	[tilespmem:s18+$0xA850] =	vst v9;
	v9 =	vbroadcast v1, $0x8;
	v35 =	vld [tilespmem:s18+$0x8260]  }
0x311: {  	v36 =	vbroadcast v1, $0xB;
	[tilespmem:s18+$0xA860] =	vst v10;
	v10 =	vbroadcast v1, $0xA;
	v37 =	vld [tilespmem:s18+$0x8270]  }
0x312: {  	[tilespmem:s18+$0xA870] =	vst v8;
	v8 =	vmul.f32 v31, v9;
	v25 =	vmul.f32 v25, v9;
	v31 =	vld [tilespmem:s18+$0x8280]  }
0x313: {  	[tilespmem:s18+$0xA880] =	vst v7;
	v7 =	vmul.f32 v26, v9;
	v9 =	vmul.f32 v24, v9;
	v24 =	vld [tilespmem:s18+$0x8290]  }
0x314: {  	v21 =	vmul.f32 v21, v33;
	[tilespmem:s18+$0xA890] =	vst v5;
	v5 =	vmul.f32 v23, v33;
	v23 =	vld [tilespmem:s18+$0x82A0]  }
0x315: {  	[tilespmem:s18+$0xA8A0] =	vst v6;
	v6 =	vmul.f32 v22, v33;
	v22 =	vmul.f32 v34, v33;
	v26 =	vld [tilespmem:s18+$0x82B0]  }
0x316: {  	v17 =	vmul.f32 v17, v10;
	[tilespmem:s18+$0xA8B0] =	vst v4;
	v4 =	vmul.f32 v38, v10;
	v33 =	vld [tilespmem:s18+$0x82C0]  }
0x317: {  	[tilespmem:s18+$0xA8C0] =	vst v3;
	v3 =	vmul.f32 v18, v10;
	v10 =	vmul.f32 v16, v10;
	v16 =	vld [tilespmem:s18+$0x82D0]  }
0x318: {  	[tilespmem:s18+$0xA8D0] =	vst v2;
	v2 =	vmul.f32 v15, v36;
	v15 =	vmul.f32 v20, v36;
	v18 =	vld [tilespmem:s18+$0x82E0]  }
0x319: {  	[tilespmem:s18+$0xA8E0] =	vst v13;
	v13 =	vmul.f32 v27, v36;
	v27 =	vmul.f32 v29, v36;
	v20 =	vld [tilespmem:s18+$0x82F0]  }
0x31a: {  	v29 =	vbroadcast v1, $0xD;
	[tilespmem:s18+$0xA8F0] =	vst v14;
	v14 =	vbroadcast v1, $0xC;
	v34 =	vld [tilespmem:s18+$0x8300]  }
0x31b: {  	[tilespmem:s18+$0xA900] =	vst v19;
	v19 =	vbroadcast v1, $0xE;
	v36 =	vld [tilespmem:s18+$0x8310];
	v1 =	vbroadcast v1, $0xF  }
0x31c: {  	[tilespmem:s18+$0xA910] =	vst v11;
	v11 =	vmul.f32 v32, v14;
	v32 =	vmul.f32 v35, v14;
	v35 =	vld [tilespmem:s18+$0x8320]  }
0x31d: {  	[tilespmem:s18+$0xA920] =	vst v28;
	v28 =	vmul.f32 v37, v14;
	v14 =	vmul.f32 v31, v14;
	v31 =	vld [tilespmem:s18+$0x8330]  }
0x31e: {  	v37 =	vmul.f32 v23, v29;
	[tilespmem:s18+$0xA930] =	vst v12;
	v12 =	vmul.f32 v24, v29;
	v23 =	vld [tilespmem:s18+$0x8340]  }
0x31f: {  	[tilespmem:s18+$0xA940] =	vst v30;
	v30 =	vmul.f32 v26, v29;
	v29 =	vmul.f32 v33, v29  }
0x320: {  	v33 =	vmul.f32 v18, v19;
	[tilespmem:s18+$0xA950] =	vst v8;
	v8 =	vmul.f32 v16, v19  }
0x321: {  	v38 =	vmul.f32 v20, v19;
	v34 =	vmul.f32 v34, v19;
	[tilespmem:s18+$0xA960] =	vst v25  }
0x322: {  	v36 =	vmul.f32 v36, v1;
	v35 =	vmul.f32 v35, v1;
	[tilespmem:s18+$0xA970] =	vst v7  }
0x323: {  	v31 =	vmul.f32 v31, v1;
	[tilespmem:s18+$0xA980] =	vst v9;
	v1 =	vmul.f32 v23, v1  }
0x324: {  	[tilespmem:s18+$0xA990] =	vst v5  }
0x325: {  	[tilespmem:s18+$0xA9A0] =	vst v21  }
0x326: {  	s7 =	sshra.s32 s19, $0x2;
	[tilespmem:s18+$0xA9B0] =	vst v6  }
0x327: {  	v25 =	vld [tilespmem:s7+$0x7F50];
	[tilespmem:s18+$0xA9C0] =	vst v22  }
0x328: {  	v26 =	vld [tilespmem:s7+$0x7F60];
	[tilespmem:s18+$0xA9D0] =	vst v4  }
0x329: {  	v24 =	vld [tilespmem:s7+$0x7F70];
	[tilespmem:s18+$0xA9E0] =	vst v17  }
0x32a: {  	v23 =	vld [tilespmem:s7+$0x7F80];
	[tilespmem:s18+$0xA9F0] =	vst v3  }
0x32b: {  	v21 =	vld [tilespmem:s7+$0x7F90];
	[tilespmem:s18+$0xAA00] =	vst v10  }
0x32c: {  	v22 =	vld [tilespmem:s7+$0x7FA0];
	[tilespmem:s18+$0xAA10] =	vst v2  }
0x32d: {  	v20 =	vld [tilespmem:s7+$0x7FB0];
	[tilespmem:s18+$0xAA20] =	vst v15  }
0x32e: {  	v19 =	vld [tilespmem:s7+$0x7FC0];
	[tilespmem:s18+$0xAA30] =	vst v13  }
0x32f: {  	v17 =	vld [tilespmem:s7+$0x7FD0];
	[tilespmem:s18+$0xAA40] =	vst v27  }
0x330: {  	v18 =	vld [tilespmem:s7+$0x7FE0];
	[tilespmem:s18+$0xAA50] =	vst v11  }
0x331: {  	v16 =	vld [tilespmem:s7+$0x7FF0];
	[tilespmem:s18+$0xAA60] =	vst v32  }
0x332: {  	v15 =	vld [tilespmem:s7+$0x8000];
	[tilespmem:s18+$0xAA70] =	vst v28  }
0x333: {  	v13 =	vld [tilespmem:s7+$0x8010];
	[tilespmem:s18+$0xAA80] =	vst v14  }
0x334: {  	v14 =	vld [tilespmem:s7+$0x8020];
	[tilespmem:s18+$0xAA90] =	vst v12  }
0x335: {  	v11 =	vld [tilespmem:s7+$0x8030];
	[tilespmem:s18+$0xAAA0] =	vst v37  }
0x336: {  	v12 =	vld [tilespmem:s7+$0x8040];
	[tilespmem:s18+$0xAAB0] =	vst v30  }
0x337: {  	v9 =	vld [tilespmem:s7+$0x8050];
	[tilespmem:s18+$0xAAC0] =	vst v29  }
0x338: {  	v10 =	vld [tilespmem:s7+$0x8060];
	[tilespmem:s18+$0xAAD0] =	vst v8  }
0x339: {  	v8 =	vld [tilespmem:s7+$0x8070];
	[tilespmem:s18+$0xAAE0] =	vst v33  }
0x33a: {  	v7 =	vld [tilespmem:s7+$0x8080];
	[tilespmem:s18+$0xAAF0] =	vst v38  }
0x33b: {  	v5 =	vld [tilespmem:s7+$0x8090];
	[tilespmem:s18+$0xAB00] =	vst v34  }
.Ltmp23:
0x33c: {  	v6 =	vld [tilespmem:s7+$0x80A0];
	[tilespmem:s18+$0xAB10] =	vst v36;
	(pc) =	sbr.rel @p1 .LBB2_29-.Ltmp23, $4  }
0x33d: {  	v4 =	vld [tilespmem:s7+$0x80B0];
	[tilespmem:s18+$0xAB20] =	vst v35  }
0x33e: {  	v3 =	vld [tilespmem:s7+$0x80C0];
	[tilespmem:s18+$0xAB30] =	vst v31  }
0x33f: {  	s5 =	sadd.s32 $0x10, s5;
	v2 =	vld [tilespmem:s7+$0x80D0];
	[tilespmem:s18+$0xAB40] =	vst v1;
	s18 =	smov.u32 s7  }
0x340: {  	s19 =	sadd.s32 $0x1000, s19;
	v1 =	vld [tilespmem:s5+$0x0]  }
0x341: {  	_ =	sdelay $0x3  }
0x342: {  	v31 =	vbroadcast v1, $0x0;
	_ =	sdelay $0x1  }
0x343: {  	v25 =	vmul.f32 v31, v25  }
0x344: {  	v26 =	vmul.f32 v26, v31  }
0x345: {  	v36 =	vbroadcast v1, $0x1;
	v24 =	vmul.f32 v24, v31;
	[tilespmem:s18+$0xA750] =	vst v25  }
0x346: {  	v23 =	vmul.f32 v23, v31;
	[tilespmem:s18+$0xA760] =	vst v26  }
0x347: {  	v21 =	vmul.f32 v21, v36;
	[tilespmem:s18+$0xA770] =	vst v24  }
0x348: {  	v22 =	vmul.f32 v22, v36;
	[tilespmem:s18+$0xA780] =	vst v23  }
0x349: {  	v57 =	vbroadcast v1, $0x2;
	v20 =	vmul.f32 v20, v36;
	[tilespmem:s18+$0xA790] =	vst v21  }
0x34a: {  	v19 =	vmul.f32 v19, v36;
	[tilespmem:s18+$0xA7A0] =	vst v22  }
0x34b: {  	v17 =	vmul.f32 v17, v57;
	[tilespmem:s18+$0xA7B0] =	vst v20  }
0x34c: {  	v18 =	vmul.f32 v18, v57;
	[tilespmem:s18+$0xA7C0] =	vst v19  }
0x34d: {  	v58 =	vbroadcast v1, $0x3;
	v16 =	vmul.f32 v16, v57;
	[tilespmem:s18+$0xA7D0] =	vst v17  }
0x34e: {  	v15 =	vmul.f32 v15, v57;
	[tilespmem:s18+$0xA7E0] =	vst v18  }
0x34f: {  	v13 =	vmul.f32 v13, v58;
	[tilespmem:s18+$0xA7F0] =	vst v16  }
0x350: {  	v14 =	vmul.f32 v14, v58;
	[tilespmem:s18+$0xA800] =	vst v15  }
0x351: {  	v59 =	vbroadcast v1, $0x4;
	v11 =	vmul.f32 v11, v58;
	[tilespmem:s18+$0xA810] =	vst v13  }
0x352: {  	v12 =	vmul.f32 v12, v58;
	[tilespmem:s18+$0xA820] =	vst v14  }
0x353: {  	v9 =	vmul.f32 v9, v59;
	[tilespmem:s18+$0xA830] =	vst v11  }
0x354: {  	v10 =	vmul.f32 v10, v59;
	[tilespmem:s18+$0xA840] =	vst v12  }
0x355: {  	v62 =	vbroadcast v1, $0x5;
	v8 =	vmul.f32 v8, v59;
	[tilespmem:s18+$0xA850] =	vst v9  }
0x356: {  	v7 =	vmul.f32 v7, v59;
	[tilespmem:s18+$0xA860] =	vst v10  }
0x357: {  	v27 =	vld [tilespmem:s18+$0x80E0];
	v5 =	vmul.f32 v5, v62;
	[tilespmem:s18+$0xA870] =	vst v8  }
0x358: {  	v28 =	vld [tilespmem:s18+$0x80F0];
	v6 =	vmul.f32 v6, v62;
	[tilespmem:s18+$0xA880] =	vst v7  }
0x359: {  	v29 =	vld [tilespmem:s18+$0x8100];
	v43 =	vbroadcast v1, $0x6;
	v4 =	vmul.f32 v4, v62;
	[tilespmem:s18+$0xA890] =	vst v5  }
0x35a: {  	v30 =	vld [tilespmem:s18+$0x8110];
	v3 =	vmul.f32 v3, v62;
	[tilespmem:s18+$0xA8A0] =	vst v6  }
0x35b: {  	v32 =	vld [tilespmem:s18+$0x8120];
	v2 =	vmul.f32 v2, v43;
	[tilespmem:s18+$0xA8B0] =	vst v4  }
0x35c: {  	v33 =	vld [tilespmem:s18+$0x8130];
	v27 =	vmul.f32 v27, v43;
	[tilespmem:s18+$0xA8C0] =	vst v3  }
0x35d: {  	v34 =	vld [tilespmem:s18+$0x8140];
	v46 =	vbroadcast v1, $0x7;
	v28 =	vmul.f32 v28, v43;
	[tilespmem:s18+$0xA8D0] =	vst v2  }
0x35e: {  	v35 =	vld [tilespmem:s18+$0x8150];
	v29 =	vmul.f32 v29, v43;
	[tilespmem:s18+$0xA8E0] =	vst v27  }
0x35f: {  	v56 =	vld [tilespmem:s18+$0x8160];
	v30 =	vmul.f32 v30, v46;
	[tilespmem:s18+$0xA8F0] =	vst v28  }
0x360: {  	v60 =	vld [tilespmem:s18+$0x8260];
	v49 =	vmul.f32 v32, v46;
	[tilespmem:s18+$0xA900] =	vst v29  }
0x361: {  	v61 =	vld [tilespmem:s18+$0x8270];
	v52 =	vbroadcast v1, $0x8;
	v51 =	vmul.f32 v33, v46;
	[tilespmem:s18+$0xA910] =	vst v30  }
0x362: {  	v63 =	vld [tilespmem:s18+$0x8280];
	v34 =	vmul.f32 v34, v46;
	[tilespmem:s18+$0xA920] =	vst v49  }
0x363: {  	v40 =	vld [tilespmem:s18+$0x8290];
	v54 =	vmul.f32 v35, v52;
	v59 =	vbroadcast v1, $0xC;
	[tilespmem:s18+$0xA930] =	vst v51  }
0x364: {  	v41 =	vld [tilespmem:s18+$0x82A0];
	v25 =	vmul.f32 v56, v52;
	[tilespmem:s18+$0xA940] =	vst v34  }
0x365: {  	v42 =	vld [tilespmem:s18+$0x82B0];
	[tilespmem:s18+$0xA950] =	vst v54;
	v9 =	vmul.f32 v60, v59  }
0x366: {  	v44 =	vld [tilespmem:s18+$0x82C0];
	v60 =	vbroadcast v1, $0xD;
	v10 =	vmul.f32 v61, v59;
	[tilespmem:s18+$0xA960] =	vst v25  }
0x367: {  	v45 =	vld [tilespmem:s18+$0x82F0];
	v57 =	vbroadcast v1, $0xA;
	v8 =	vmul.f32 v63, v59;
	[tilespmem:s18+$0xAA60] =	vst v9  }
0x368: {  	v50 =	vld [tilespmem:s18+$0x8320];
	v58 =	vbroadcast v1, $0xB;
	v7 =	vmul.f32 v40, v60;
	[tilespmem:s18+$0xAA70] =	vst v10  }
0x369: {  	v26 =	vld [tilespmem:s18+$0x8170];
	v56 =	vbroadcast v1, $0x9;
	v5 =	vmul.f32 v41, v60;
	[tilespmem:s18+$0xAA80] =	vst v8  }
0x36a: {  	v24 =	vld [tilespmem:s18+$0x8180];
	v61 =	vbroadcast v1, $0xE;
	v6 =	vmul.f32 v42, v60;
	[tilespmem:s18+$0xAA90] =	vst v7  }
0x36b: {  	v23 =	vld [tilespmem:s18+$0x8190];
	v1 =	vbroadcast v1, $0xF;
	v4 =	vmul.f32 v44, v60;
	[tilespmem:s18+$0xAAA0] =	vst v5  }
0x36c: {  	v21 =	vld [tilespmem:s18+$0x81A0];
	v62 =	vmul.f32 v45, v61;
	[tilespmem:s18+$0xAAB0] =	vst v6  }
0x36d: {  	v22 =	vld [tilespmem:s18+$0x81B0];
	v63 =	vmul.f32 v50, v1;
	[tilespmem:s18+$0xAAC0] =	vst v4  }
0x36e: {  	v20 =	vld [tilespmem:s18+$0x81C0];
	[tilespmem:s18+$0xAAF0] =	vst v62;
	v26 =	vmul.f32 v26, v52  }
0x36f: {  	v19 =	vld [tilespmem:s18+$0x81D0];
	[tilespmem:s18+$0xAB20] =	vst v63;
	v24 =	vmul.f32 v24, v52  }
0x370: {  	v17 =	vld [tilespmem:s18+$0x81E0];
	v23 =	vmul.f32 v23, v56;
	[tilespmem:s18+$0xA970] =	vst v26  }
0x371: {  	v18 =	vld [tilespmem:s18+$0x81F0];
	v21 =	vmul.f32 v21, v56;
	[tilespmem:s18+$0xA980] =	vst v24  }
0x372: {  	v16 =	vld [tilespmem:s18+$0x8200];
	v22 =	vmul.f32 v22, v56;
	[tilespmem:s18+$0xA990] =	vst v23  }
0x373: {  	v15 =	vld [tilespmem:s18+$0x8210];
	v20 =	vmul.f32 v20, v56;
	[tilespmem:s18+$0xA9A0] =	vst v21  }
0x374: {  	v13 =	vld [tilespmem:s18+$0x8220];
	v19 =	vmul.f32 v19, v57;
	[tilespmem:s18+$0xA9B0] =	vst v22  }
0x375: {  	v14 =	vld [tilespmem:s18+$0x8230];
	v17 =	vmul.f32 v17, v57;
	[tilespmem:s18+$0xA9C0] =	vst v20  }
0x376: {  	v11 =	vld [tilespmem:s18+$0x8240];
	v18 =	vmul.f32 v18, v57;
	[tilespmem:s18+$0xA9D0] =	vst v19  }
0x377: {  	v12 =	vld [tilespmem:s18+$0x8250];
	v16 =	vmul.f32 v16, v57;
	[tilespmem:s18+$0xA9E0] =	vst v17  }
0x378: {  	v3 =	vld [tilespmem:s18+$0x82D0];
	v15 =	vmul.f32 v15, v58;
	[tilespmem:s18+$0xA9F0] =	vst v18  }
0x379: {  	v2 =	vld [tilespmem:s18+$0x82E0];
	v13 =	vmul.f32 v13, v58;
	[tilespmem:s18+$0xAA00] =	vst v16  }
0x37a: {  	v47 =	vld [tilespmem:s18+$0x8300];
	v14 =	vmul.f32 v14, v58;
	[tilespmem:s18+$0xAA10] =	vst v15  }
0x37b: {  	v48 =	vld [tilespmem:s18+$0x8310];
	v11 =	vmul.f32 v11, v58;
	[tilespmem:s18+$0xAA20] =	vst v13  }
0x37c: {  	v53 =	vld [tilespmem:s18+$0x8330];
	v12 =	vmul.f32 v12, v59;
	[tilespmem:s18+$0xAA30] =	vst v14  }
0x37d: {  	v55 =	vld [tilespmem:s18+$0x8340];
	v3 =	vmul.f32 v3, v61;
	[tilespmem:s18+$0xAA40] =	vst v11  }
0x37e: {  	v2 =	vmul.f32 v2, v61;
	[tilespmem:s18+$0xAA50] =	vst v12  }
0x37f: {  	[tilespmem:s18+$0xAAD0] =	vst v3;
	v3 =	vmul.f32 v47, v61  }
.Ltmp24:
0x380: {  	[tilespmem:s18+$0xAAE0] =	vst v2;
	v2 =	vmul.f32 v48, v1;
	(pc) =	sbr.rel @p0 .LBB2_34-.Ltmp24, $4  }
0x381: {  	[tilespmem:s18+$0xAB00] =	vst v3;
	v3 =	vmul.f32 v53, v1  }
0x382: {  	[tilespmem:s18+$0xAB10] =	vst v2;
	v1 =	vmul.f32 v55, v1  }
0x383: {  	[tilespmem:s18+$0xAB30] =	vst v3  }
0x384: {  	[tilespmem:s18+$0xAB40] =	vst v1  }
0x385: {  	s5 =	simm.s32 $0x0  }
0x386: {  	s18 =	simm.s32 $0xD390;
	v2 =	vld [tilespmem:s5+$0xC440]  }
0x387: {  	s19 =	simm.s32 $0x400;
	v1 =	vld [tilespmem:s18+$0x0]  }
.LBB2_32:
0x388: {  	p1 =	sne.s32 s19, $0x1000;
	v3 =	vld [tilespmem:s5+$0xC450]  }
0x389: {  	v4 =	vld [tilespmem:s5+$0xC460]  }
0x38a: {  	v5 =	vld [tilespmem:s5+$0xC470]  }
0x38b: {  	v6 =	vld [tilespmem:s5+$0xC480]  }
0x38c: {  	v7 =	vbroadcast v1, $0x0;
	v8 =	vbroadcast v1, $0x1;
	v9 =	vld [tilespmem:s5+$0xC490]  }
0x38d: {  	v10 =	vbroadcast v1, $0x2;
	v11 =	vbroadcast v1, $0x3;
	v12 =	vld [tilespmem:s5+$0xC4A0]  }
0x38e: {  	v2 =	vmul.f32 v7, v2;
	v3 =	vmul.f32 v3, v8;
	v7 =	vld [tilespmem:s5+$0xC4B0]  }
0x38f: {  	v4 =	vmul.f32 v4, v10;
	v5 =	vmul.f32 v5, v11;
	v8 =	vld [tilespmem:s5+$0xC4C0]  }
0x390: {  	v10 =	vbroadcast v1, $0x5;
	[tilespmem:s5+$0xCE40] =	vst v2;
	v2 =	vbroadcast v1, $0x4;
	v11 =	vld [tilespmem:s5+$0xC4D0]  }
0x391: {  	v13 =	vbroadcast v1, $0x7;
	[tilespmem:s5+$0xCE50] =	vst v3;
	v3 =	vbroadcast v1, $0x6;
	v14 =	vld [tilespmem:s5+$0xC4E0]  }
0x392: {  	[tilespmem:s5+$0xCE60] =	vst v4;
	v2 =	vmul.f32 v6, v2;
	v4 =	vmul.f32 v9, v10;
	v6 =	vld [tilespmem:s5+$0xC4F0]  }
0x393: {  	[tilespmem:s5+$0xCE70] =	vst v5;
	v3 =	vmul.f32 v12, v3;
	v5 =	vmul.f32 v7, v13;
	v7 =	vld [tilespmem:s5+$0xC500]  }
0x394: {  	v9 =	vbroadcast v1, $0x9;
	[tilespmem:s5+$0xCE80] =	vst v2;
	v2 =	vbroadcast v1, $0x8;
	v10 =	vld [tilespmem:s5+$0xC510]  }
0x395: {  	v12 =	vbroadcast v1, $0xB;
	[tilespmem:s5+$0xCE90] =	vst v4;
	v4 =	vbroadcast v1, $0xA;
	v13 =	vld [tilespmem:s5+$0xC520]  }
0x396: {  	[tilespmem:s5+$0xCEA0] =	vst v3;
	v2 =	vmul.f32 v8, v2;
	v3 =	vmul.f32 v11, v9;
	v8 =	vld [tilespmem:s5+$0xC530]  }
0x397: {  	[tilespmem:s5+$0xCEB0] =	vst v5;
	v4 =	vmul.f32 v14, v4;
	v5 =	vmul.f32 v6, v12  }
0x398: {  	v6 =	vbroadcast v1, $0xD;
	[tilespmem:s5+$0xCEC0] =	vst v2;
	v2 =	vbroadcast v1, $0xC  }
0x399: {  	[tilespmem:s5+$0xCED0] =	vst v3;
	v3 =	vbroadcast v1, $0xE;
	v1 =	vbroadcast v1, $0xF  }
0x39a: {  	[tilespmem:s5+$0xCEE0] =	vst v4;
	v2 =	vmul.f32 v7, v2;
	v4 =	vmul.f32 v10, v6  }
0x39b: {  	[tilespmem:s5+$0xCEF0] =	vst v5;
	v3 =	vmul.f32 v13, v3;
	v1 =	vmul.f32 v8, v1  }
.Ltmp25:
0x39c: {  	[tilespmem:s5+$0xCF00] =	vst v2;
	(pc) =	sbr.rel @p1 .LBB2_32-.Ltmp25, $4  }
0x39d: {  	[tilespmem:s5+$0xCF10] =	vst v4  }
0x39e: {  	s7 =	sshra.s32 s19, $0x2;
	[tilespmem:s5+$0xCF20] =	vst v3  }
0x39f: {  	s18 =	sadd.s32 $0x10, s18;
	v2 =	vld [tilespmem:s7+$0xC440];
	[tilespmem:s5+$0xCF30] =	vst v1;
	s5 =	smov.u32 s7  }
0x3a0: {  	s19 =	sadd.s32 $0x400, s19;
	v1 =	vld [tilespmem:s18+$0x0]  }
0x3a1: {  	_ =	sdelay $0x1  }
0x3a2: {  	v3 =	vld [tilespmem:s5+$0xC450]  }
0x3a3: {  	v4 =	vld [tilespmem:s5+$0xC460]  }
0x3a4: {  	v5 =	vld [tilespmem:s5+$0xC470];
	v7 =	vbroadcast v1, $0x0  }
0x3a5: {  	v6 =	vld [tilespmem:s5+$0xC480];
	v10 =	vbroadcast v1, $0x1  }
0x3a6: {  	v8 =	vld [tilespmem:s5+$0xC490];
	v12 =	vbroadcast v1, $0x2;
	v2 =	vmul.f32 v7, v2  }
0x3a7: {  	v9 =	vld [tilespmem:s5+$0xC4A0];
	v48 =	vbroadcast v1, $0x3;
	v3 =	vmul.f32 v3, v10  }
0x3a8: {  	v47 =	vld [tilespmem:s5+$0xC4B0];
	v49 =	vbroadcast v1, $0x4;
	v4 =	vmul.f32 v4, v12;
	[tilespmem:s5+$0xCE40] =	vst v2  }
0x3a9: {  	v54 =	vld [tilespmem:s5+$0xC510];
	v51 =	vbroadcast v1, $0x5;
	v5 =	vmul.f32 v5, v48;
	[tilespmem:s5+$0xCE50] =	vst v3  }
0x3aa: {  	v11 =	vld [tilespmem:s5+$0xC4C0];
	v53 =	vbroadcast v1, $0x6;
	v6 =	vmul.f32 v6, v49;
	[tilespmem:s5+$0xCE60] =	vst v4  }
0x3ab: {  	v55 =	vbroadcast v1, $0x7;
	v8 =	vmul.f32 v8, v51;
	v2 =	vld [tilespmem:s5+$0xC4D0];
	[tilespmem:s5+$0xCE70] =	vst v5  }
0x3ac: {  	v62 =	vbroadcast v1, $0xD;
	v9 =	vmul.f32 v9, v53;
	v3 =	vld [tilespmem:s5+$0xC4E0];
	[tilespmem:s5+$0xCE80] =	vst v6  }
0x3ad: {  	v50 =	vld [tilespmem:s5+$0xC4F0];
	v56 =	vbroadcast v1, $0x8;
	v7 =	vmul.f32 v47, v55;
	[tilespmem:s5+$0xCE90] =	vst v8  }
0x3ae: {  	v52 =	vld [tilespmem:s5+$0xC500];
	v58 =	vbroadcast v1, $0x9;
	v63 =	vmul.f32 v54, v62;
	[tilespmem:s5+$0xCEA0] =	vst v9  }
0x3af: {  	v57 =	vld [tilespmem:s5+$0xC520];
	v59 =	vbroadcast v1, $0xA;
	v8 =	vmul.f32 v11, v56;
	[tilespmem:s5+$0xCEB0] =	vst v7  }
0x3b0: {  	v60 =	vld [tilespmem:s5+$0xC530];
	v13 =	vbroadcast v1, $0xB;
	[tilespmem:s5+$0xCF10] =	vst v63;
	v2 =	vmul.f32 v2, v58  }
0x3b1: {  	v61 =	vbroadcast v1, $0xC;
	[tilespmem:s5+$0xCEC0] =	vst v8;
	v3 =	vmul.f32 v3, v59  }
0x3b2: {  	v4 =	vmul.f32 v50, v13;
	[tilespmem:s5+$0xCED0] =	vst v2;
	v2 =	vbroadcast v1, $0xE  }
0x3b3: {  	[tilespmem:s5+$0xCEE0] =	vst v3;
	v3 =	vmul.f32 v52, v61;
	v1 =	vbroadcast v1, $0xF  }
0x3b4: {  	s7 =	sadd.s32 @!p2 $0x3, s9;
	[tilespmem:s5+$0xCEF0] =	vst v4;
	v2 =	vmul.f32 v57, v2  }
0x3b5: {  	s9 =	smul.u32 @!p2 $0x140, s7;
	[tilespmem:s5+$0xCF00] =	vst v3;
	v1 =	vmul.f32 v60, v1  }
0x3b6: {  	s18 =	simm.s32 @!p2 $0x8340;
	s7 =	sadd.s32 @!p2 s14, s7;
	[tilespmem:s5+$0xCF20] =	vst v2  }
0x3b7: {  	s7 =	smul.u32 @!p2 $0x50, s7;
	s9 =	sshra.s32 @!p2 s9, $0x2;
	[tilespmem:s5+$0xCF30] =	vst v1;
	s5 =	simm.s32 @!p2 $0x50  }
0x3b8: {  	[tilespmem:s18], [sflag:$0x2] =	stream.indirect.gather @!p2 [hbm4b:s1+s5], $0x40, s9, s5, $0xb8;
	[tilespmem:$0x1C8E0] =	vst v63  }
0x3b9: {  	s5 =	sadd.s32 @!p2 s31, s7  }
0x3ba: {  	s5 =	sshll.u32 @!p2 s5, $0x1  }
0x3bb: {  	s7 =	simm.s32 @!p2 $0x0;
	s9 =	simm.s32 @!p2 $0xC440;
	s5 =	sadd.s32 @!p2 s21, s5  }
0x3bc: {  	[tilespmem:s9], [sflag:$0x2] =	stream.linear.gather @!p2 [hbm4b:s5+s7], $0x500, $0x38;
	[tilespmem:$0x1C8E0] =	vst v63  }
.Ltmp26:
0x3bd: {  	_ = 	snop;
	(pc) =	sbr.rel .LBB2_35-.Ltmp26, $4  }
0x3be: {  	_ = 	snop  }
0x3bf: {  	[spmem:s11] =	stream.indirect.scatter.add.f32 [tilespmem:s26], [sflag:$0x4], $0x40, s17, s20, $0xb8;
	[tilespmem:$0x1C8E0] =	vst v63  }
0x3c0: {  	_ = 	snop  }
0x3c1: {  	[spmem:s12] =	stream.indirect.scatter.add.f32 [tilespmem:s28], [sflag:$0x4], $0x10, s17, s20, $0xb8;
	[tilespmem:$0x1C8E0] =	vst v63  }
.LBB2_38:
0x3c2: {  	_ =	sfence.sel $0x180000  }
0x3c3: {  	[bflag:$0x0] =	sbarrier.arrive $0xFFFF  }
0x3c4: {  	_ =	strace $0x90000047  }
0x3c5: {  	s0 =	stileid.u32;
	[bflag:$0x2] =	sbarrier.arrive $0xFFFF  }
0x3c6: {  	p0 =	sne.s32 s0, $0x0;
	s0 =	rddreg [dreg:$0x5]  }
0x3c7: {  	s0 =	sadd.s32 @!p0 $0x100000, s0  }
0x3c8: {  	[sflag:s0] =	ssyncadd.tile.s32 @!p0 $0x1;
	_ =	shalt  }
.Lfunc_end2:
_tile_overlayer_lowered:
.L_overlay_start_2:
0x3c9: {  	(tag) =	ssettag $0x2  }
0x3ca: {  	s0 =	rddreg [dreg:$0x0];
	s2 =	stileid.u32  }
0x3cb: {  	s1 =	rddreg [dreg:$0x1];
	p0 =	sne.s32 s2, $0x0  }
0x3cc: {  	s3 =	rddreg [dreg:$0x2];
	[bflag:$0x3] =	sbarrier.arrive $0xFFFF;
	s2 =	simm.s32 @!p0 $0x1C05  }
0x3cd: {  	[timem:s3], [sflag:s2] =	dma.local @!p0 [hbm:s0], s1  }
0x3ce: {  	s0 =	simm.s32 @!p0 $0x5  }
0x3cf: {  	_ =	swait.ge @!p0 [sflag:s0], s1  }
0x3d0: {  	s1 =	ssub.s32 @!p0 $0x0, s1;
	[sflag:s0] =	ssyncset.done @!p0 $0x0  }
0x3d1: {  	[sflag:s0] =	ssyncadd.s32 @!p0 s1  }
0x3d2: {  	[bflag:$0x3] =	sbarrier.arrive $0xFFFF  }
0x3d3: {  	_ =	shalt  }

</sc_bundles>
